<compile_context>
chip_gen: v7x
topology: tpu7x:2x2x1
jax: 0.10.2.dev20260603
libtpu: 0.0.44.dev20260713+nightly
codegen_flags: <defaults>
</compile_context>

<pallas_src>
import functools

import jax
import jax.numpy as jnp
from jax import lax
from jax.experimental import pallas as pl
from jax.experimental.pallas import tpu as pltpu
from jax.experimental.pallas import tpu_sc as plsc

N = 10000
NP = 10240
E = 320000
D = 128
H = 128
C = 40
CP = 48

NCORES = 2
NSUB = 16
NW = NCORES * NSUB
CHUNK = 64
NCHUNK = 160
NBUF = 4
EPW = E // NW
PADW = NCHUNK * CHUNK - EPW

RPT = NP // NSUB


@functools.cache
def _mesh():
  return plsc.VectorSubcoreMesh(
      core_axis_name="c", subcore_axis_name="s",
      num_cores=NCORES, num_subcores=NSUB)


def _zero_vmem_2d(buf, rows, width):
  per_row = width // 16

  @pl.loop(0, rows * per_row)
  def _(i):
    r = i // per_row
    col = (i % per_row) * 16
    buf[r, pl.ds(col, 16)] = jnp.zeros((16,), jnp.float32)


@functools.cache
def _make_sc_deg():
  @functools.partial(
      pl.kernel,
      out_type=(
          jax.ShapeDtypeStruct((NP,), jnp.float32),
          jax.ShapeDtypeStruct((NP,), jnp.float32),
          jax.ShapeDtypeStruct((NW, NCHUNK, CHUNK), jnp.int32),
      ),
      mesh=_mesh(),
      scratch_types=[
          pltpu.VMEM_SHARED((NP,), jnp.float32),
          pltpu.VMEM((EPW,), jnp.int32),
          pltpu.VMEM((EPW,), jnp.int32),
          pltpu.VMEM((NCHUNK, CHUNK), jnp.int32),
          pltpu.VMEM((NCHUNK, CHUNK), jnp.int32),
          pltpu.VMEM((CHUNK,), jnp.float32),
          pltpu.VMEM((NP,), jnp.float32),
          pltpu.VMEM((RPT,), jnp.float32),
          pltpu.SemaphoreType.DMA,
      ],
      compiler_params=pltpu.CompilerParams(use_tc_tiling_on_sc=False),
  )
  def _sc_deg(ei_hbm, deg0_hbm, deg1_hbm, pk_hbm, acc, sv, dv, pk2, dd2,
              ones_v, stage_v, zbuf_v, sem):
    cid = lax.axis_index("c")
    sid = lax.axis_index("s")
    w = cid * NSUB + sid

    @pl.loop(0, RPT // 16)
    def _(i):
      zbuf_v[pl.ds(i * 16, 16)] = jnp.zeros((16,), jnp.float32)

    @pl.loop(0, CHUNK // 16)
    def _(i):
      ones_v[pl.ds(i * 16, 16)] = jnp.ones((16,), jnp.float32)

    pltpu.sync_copy(ei_hbm.at[0, pl.ds(w * EPW, EPW)], sv)
    pltpu.sync_copy(ei_hbm.at[1, pl.ds(w * EPW, EPW)], dv)
    pltpu.sync_copy(zbuf_v, acc.at[pl.ds(sid * RPT, RPT)])

    @pl.loop(0, EPW // 16)
    def _(i):
      c = i // (CHUNK // 16)
      col = (i % (CHUNK // 16)) * 16
      s = sv[pl.ds(i * 16, 16)]
      d = dv[pl.ds(i * 16, 16)]
      pk2[c, pl.ds(col, 16)] = (s << 14) | d
      dd2[c, pl.ds(col, 16)] = d

    @pl.loop(EPW // 16, NCHUNK * CHUNK // 16)
    def _(i):
      c = i // (CHUNK // 16)
      col = (i % (CHUNK // 16)) * 16
      loc = (i * 16 - EPW) + lax.iota(jnp.int32, 16)
      spad = w * PADW + loc
      dpad = N + loc
      pk2[c, pl.ds(col, 16)] = (spad << 14) | dpad
      dd2[c, pl.ds(col, 16)] = dpad

    pltpu.sync_copy(pk2, pk_hbm.at[w])
    plsc.subcore_barrier()

    @pl.loop(0, NCHUNK)
    def _(c):
      pltpu.async_copy(ones_v, acc.at[dd2.at[c]], sem, add=True)

    @pl.loop(0, NCHUNK)
    def _(c):
      pltpu.make_async_copy(ones_v, acc.at[dd2.at[c]], sem).wait()

    plsc.subcore_barrier()

    @pl.when(sid == 0)
    def _():
      pltpu.sync_copy(acc, stage_v)

      @pl.when(cid == 0)
      def _():
        pltpu.sync_copy(stage_v, deg0_hbm)

      @pl.when(cid == 1)
      def _():
        pltpu.sync_copy(stage_v, deg1_hbm)

  return _sc_deg


@functools.cache
def _make_sc_agg(width):
  @functools.partial(
      pl.kernel,
      out_type=(
          jax.ShapeDtypeStruct((NP, width), jnp.float32),
          jax.ShapeDtypeStruct((NP, width), jnp.float32),
      ),
      mesh=_mesh(),
      scratch_types=[
          pltpu.VMEM_SHARED((NP, width), jnp.float32),
          pltpu.VMEM((NCHUNK, CHUNK), jnp.int32),
          pltpu.VMEM((NBUF, CHUNK), jnp.int32),
          pltpu.VMEM((NBUF, CHUNK), jnp.int32),
          [pltpu.VMEM((CHUNK, width), jnp.float32)] * NBUF,
          [pltpu.SemaphoreType.DMA] * NBUF,
          [pltpu.SemaphoreType.DMA] * NBUF,
      ],
      compiler_params=pltpu.CompilerParams(use_tc_tiling_on_sc=False),
  )
  def _sc_agg(g_hbm, pk_hbm, out0_hbm, out1_hbm, acc, pk_v, sidx_v, didx_v,
              rb, gs, ss):
    cid = lax.axis_index("c")
    sid = lax.axis_index("s")
    w = cid * NSUB + sid

    def unpack(c, slot):
      @pl.loop(0, CHUNK // 16)
      def _(k):
        v = pk_v[c, pl.ds(k * 16, 16)]
        sidx_v[slot, pl.ds(k * 16, 16)] = lax.shift_right_logical(v, 14)
        didx_v[slot, pl.ds(k * 16, 16)] = lax.bitwise_and(v, 16383)

    def fire_gather(c, j):
      unpack(c, j)
      pltpu.async_copy(g_hbm.at[sidx_v.at[j]], rb[j], gs[j])

    def wait_gather(j):
      pltpu.make_async_copy(g_hbm.at[sidx_v.at[j]], rb[j], gs[j]).wait()

    def fire_scatter(j):
      pltpu.async_copy(rb[j], acc.at[didx_v.at[j]], ss[j], add=True)

    def wait_scatter(j):
      pltpu.make_async_copy(rb[j], acc.at[didx_v.at[j]], ss[j]).wait()

    _zero_vmem_2d(rb[0], CHUNK, width)
    for j in range(RPT // CHUNK):
      pltpu.async_copy(rb[0], acc.at[pl.ds(sid * RPT + j * CHUNK, CHUNK)],
                       gs[1])
    pltpu.sync_copy(pk_hbm.at[w], pk_v)
    for j in range(RPT // CHUNK):
      pltpu.make_async_copy(rb[0], acc.at[pl.ds(sid * RPT + j * CHUNK, CHUNK)],
                            gs[1]).wait()

    plsc.subcore_barrier()

    fire_gather(0, 0)
    fire_gather(1, 1)

    @pl.loop(0, NCHUNK // NBUF)
    def _(q):
      for j in range(NBUF):
        c = q * NBUF + j
        jf = (j + 2) % NBUF

        @pl.when(c + 2 < NCHUNK)
        def _():
          @pl.when(c >= 2)
          def _():
            wait_scatter(jf)

          fire_gather(c + 2, jf)

        wait_gather(j)
        fire_scatter(j)

    for j in range(NBUF):
      wait_scatter(j)
    plsc.subcore_barrier()

    nslab = RPT // CHUNK

    def acc_slab(j):
      return acc.at[pl.ds(sid * RPT + j * CHUNK, CHUNK)]

    def out_slab(j, b):
      start = sid * RPT + j * CHUNK

      @pl.when(cid == 0)
      def _():
        pltpu.async_copy(rb[b], out0_hbm.at[pl.ds(start, CHUNK)], ss[b])

      @pl.when(cid == 1)
      def _():
        pltpu.async_copy(rb[b], out1_hbm.at[pl.ds(start, CHUNK)], ss[b])

    pltpu.async_copy(acc_slab(0), rb[0], gs[0])
    for j in range(nslab):
      b = j % 2
      pltpu.make_async_copy(acc_slab(j), rb[b], gs[b]).wait()
      if j + 1 < nslab:
        bn = (j + 1) % 2
        if j >= 1:
          pltpu.make_async_copy(rb[bn], out0_hbm.at[pl.ds(0, CHUNK)],
                                ss[bn]).wait()
        pltpu.async_copy(acc_slab(j + 1), rb[bn], gs[bn])
      out_slab(j, b)
    pltpu.make_async_copy(rb[0], out0_hbm.at[pl.ds(0, CHUNK)], ss[0]).wait()
    pltpu.make_async_copy(rb[1], out0_hbm.at[pl.ds(0, CHUNK)], ss[1]).wait()

  return _sc_agg


BR = 2000
_GRID = (N // BR,)


def _tc_g1_body(deg0_ref, deg1_ref, x_ref, w1_ref, g1_ref, dis_ref):
  dis = lax.rsqrt(deg0_ref[...] + deg1_ref[...] + 1.0)
  dis_ref[...] = dis
  h = jnp.dot(x_ref[...], w1_ref[...], preferred_element_type=jnp.float32)
  g1_ref[...] = h * dis


def _tc_mid_body(dis_ref, a0_ref, a1_ref, g1_ref, b1_ref, w2_ref, g2_ref):
  dis = dis_ref[...]
  pre = dis * (a0_ref[...] + a1_ref[...] + g1_ref[...]) + b1_ref[...]
  h2 = jnp.maximum(pre, 0.0)
  g2_ref[...] = (
      jnp.dot(h2, w2_ref[...], preferred_element_type=jnp.float32) * dis)


def _tc_out_body(dis_ref, a0_ref, a1_ref, g2_ref, b2_ref, logp_ref, feat_ref):
  pre = dis_ref[...] * (a0_ref[...] + a1_ref[...] + g2_ref[...]) + b2_ref[...]
  feat_ref[...] = pre[:, :C]
  col = lax.broadcasted_iota(jnp.int32, pre.shape, 1)
  z = jnp.where(col < C, pre, -jnp.inf)
  m = jnp.max(z, axis=1, keepdims=True)
  s = jnp.sum(jnp.exp(z - m), axis=1, keepdims=True)
  logp_ref[...] = (z - (jnp.log(s) + m))[:, :C]


def _row_spec(width):
  return pl.BlockSpec((BR, width), lambda i: (i, 0))


def _full_spec(shape):
  return pl.BlockSpec(shape, lambda i: (0,) * len(shape))


_tc_g1 = pl.pallas_call(
    _tc_g1_body,
    grid=_GRID,
    in_specs=[_row_spec(1), _row_spec(1), _row_spec(D), _full_spec((D, H))],
    out_specs=[_row_spec(H), _row_spec(1)],
    out_shape=[
        jax.ShapeDtypeStruct((N, H), jnp.float32),
        jax.ShapeDtypeStruct((N, 1), jnp.float32),
    ],
)

_tc_mid = pl.pallas_call(
    _tc_mid_body,
    grid=_GRID,
    in_specs=[
        _row_spec(1), _row_spec(H), _row_spec(H), _row_spec(H),
        _full_spec((1, H)), _full_spec((H, CP)),
    ],
    out_specs=_row_spec(CP),
    out_shape=jax.ShapeDtypeStruct((N, CP), jnp.float32),
)

_tc_out = pl.pallas_call(
    _tc_out_body,
    grid=_GRID,
    in_specs=[
        _row_spec(1), _row_spec(CP), _row_spec(CP), _row_spec(CP),
        _full_spec((1, CP)),
    ],
    out_specs=[_row_spec(C), _row_spec(C)],
    out_shape=[
        jax.ShapeDtypeStruct((N, C), jnp.float32),
        jax.ShapeDtypeStruct((N, C), jnp.float32),
    ],
)


@jax.jit
def kernel(x, edge_index, W1, b1, W2, b2):
  w2_p = jnp.pad(W2, ((0, 0), (0, CP - C)))
  b1_r = b1.reshape(1, H)
  b2_r = jnp.pad(b2, (0, CP - C)).reshape(1, CP)

  deg0, deg1, pk = _make_sc_deg()(edge_index)
  deg0 = deg0.reshape(NP, 1)
  deg1 = deg1.reshape(NP, 1)

  g1, dis = _tc_g1(deg0, deg1, x, W1)
  a10, a11 = _make_sc_agg(H)(g1, pk)
  g2 = _tc_mid(dis, a10, a11, g1, b1_r, w2_p)
  a20, a21 = _make_sc_agg(CP)(g2, pk)
  logp, feat = _tc_out(dis, a20, a21, g2, b2_r)
  return (logp, feat)

# --- scband reference (transcript-rebuilt; emitter-appended) ---
"""Pipeline reference for scband-gnn-18159121727555 (READ-ONLY COPY).

The authoritative reference and input builder live on the scoring server;
editing this copy changes nothing except your own understanding.
"""

import jax, jax.numpy as jnp
import numpy as np

N = 10000
E = 320000
D = 128
H = 128
C = 40


def gcn_conv(x, edge_index, W, b):
    # PyG GCNConv: add self-loops, symmetric normalization, linear, scatter-add aggregate to dst, add bias
    n = x.shape[0]
    src = edge_index[0]
    dst = edge_index[1]
    loop = jnp.arange(n, dtype=src.dtype)
    src = jnp.concatenate([src, loop])
    dst = jnp.concatenate([dst, loop])
    w = jnp.ones(src.shape[0], dtype=x.dtype)
    deg = jnp.zeros(n, dtype=x.dtype).at[dst].add(w)
    deg_inv_sqrt = jnp.where(deg > 0, deg ** -0.5, 0.0)
    norm = deg_inv_sqrt[src] * deg_inv_sqrt[dst]
    h = x @ W
    out = jnp.zeros((n, W.shape[1]), dtype=x.dtype).at[dst].add(h[src] * norm[:, None])
    return out + b


def setup_inputs(seed: int = 0) -> dict:
    key = jax.random.key(seed)
    k1, k2, k3, k4, k5, k6 = jax.random.split(key, 6)
    x = jax.random.normal(k1, (N, D), dtype=jnp.float32)
    edge_index = jax.random.randint(k2, (2, E), 0, N, dtype=jnp.int32)
    W1 = jax.random.normal(k3, (D, H), dtype=jnp.float32) * 0.05
    b1 = jnp.zeros((H,), dtype=jnp.float32)
    W2 = jax.random.normal(k4, (H, C), dtype=jnp.float32) * 0.05
    b2 = jnp.zeros((C,), dtype=jnp.float32)
    return {"x": x, "edge_index": edge_index, "W1": W1, "b1": b1, "W2": W2, "b2": b2}


def reference(x, edge_index, W1, b1, W2, b2):
    # layer 0: conv -> relu -> dropout(p=0, eval => identity)
    h = gcn_conv(x, edge_index, W1, b1)
    h = jax.nn.relu(h)
    # layer 1 (last): no activation, no dropout
    out = gcn_conv(h, edge_index, W2, b2)
    features_before_lin = out
    logp = jax.nn.log_softmax(out, axis=1)
    return (logp, features_before_lin)

if __name__ == "__main__":
    import jax
    _d = setup_inputs()
    print(jax.jit(kernel)(*tuple(_d.values())))

</pallas_src>

<mosaic_0001>
#map = affine_map<(d0, d1) -> (0, 0)>
#map1 = affine_map<(d0, d1) -> (0, 0, 0)>
module attributes {stable_mosaic.version = 14 : i64} {
  func.func @_sc_agg(%arg0: i32, %arg1: i32, %arg2: memref<10000x48xf32, #tpu.memory_space<hbm>>, %arg3: memref<32x160x64xi32, #tpu.memory_space<hbm>>, %arg4: memref<10240x48xf32, #tpu.memory_space<hbm>>, %arg5: memref<10240x48xf32, #tpu.memory_space<hbm>>, %arg6: memref<10240x48xf32, #tpu.memory_space<vmem_shared>>, %arg7: memref<160x64xi32, #tpu.memory_space<vmem>>, %arg8: memref<4x64xi32, #tpu.memory_space<vmem>>, %arg9: memref<4x64xi32, #tpu.memory_space<vmem>>, %arg10: memref<64x48xf32, #tpu.memory_space<vmem>>, %arg11: memref<64x48xf32, #tpu.memory_space<vmem>>, %arg12: memref<64x48xf32, #tpu.memory_space<vmem>>, %arg13: memref<64x48xf32, #tpu.memory_space<vmem>>, %arg14: memref<!tpu.dma_semaphore, #tpu.memory_space<semaphore_mem>>, %arg15: memref<!tpu.dma_semaphore, #tpu.memory_space<semaphore_mem>>, %arg16: memref<!tpu.dma_semaphore, #tpu.memory_space<semaphore_mem>>, %arg17: memref<!tpu.dma_semaphore, #tpu.memory_space<semaphore_mem>>, %arg18: memref<!tpu.dma_semaphore, #tpu.memory_space<semaphore_mem>>, %arg19: memref<!tpu.dma_semaphore, #tpu.memory_space<semaphore_mem>>, %arg20: memref<!tpu.dma_semaphore, #tpu.memory_space<semaphore_mem>>, %arg21: memref<!tpu.dma_semaphore, #tpu.memory_space<semaphore_mem>>) attributes {dimension_semantics = [#tpu.dimension_semantics<core_parallel>, #tpu.dimension_semantics<subcore_parallel>], iteration_bounds = array<i64: 2, 16>, scalar_prefetch = 0 : i64, scratch_operands = 16 : i64, tpu.core_type = #tpu.core_type<sc_vector_subcore>, window_params = [{transform_indices = #map}, {transform_indices = #map1}, {transform_indices = #map}, {transform_indices = #map}]} {
    %mul3A = arith.constant 16 : i32
    %mul3A_0 = arith.muli %arg0, %mul3A : i32
    %add3A = arith.addi %mul3A_0, %arg1 : i32
    %scan3A = arith.constant 0 : i32
    %scan3A_1 = arith.constant 192 : i32
    %scan3A_2 = arith.addi %scan3A, %scan3A_1 : i32
    %scan3A_3 = arith.constant 1 : i32
    scf.for %scan3A_578 = %scan3A to %scan3A_2 step %scan3A_3  : i32 {
      %mul3A_579 = arith.constant 1 : i32
      %mul3A_580 = arith.muli %scan3A_578, %mul3A_579 : i32
      %add3A_581 = arith.constant 0 : i32
      %add3A_582 = arith.addi %add3A_581, %mul3A_580 : i32
      %jit3A = arith.constant 3 : i32
      %div3A = arith.divsi %add3A_582, %jit3A : i32
      %sign3A = arith.constant 0 : i32
      %sign3A_583 = arith.cmpi sgt, %add3A_582, %sign3A : i32
      %sign3A_584 = arith.extui %sign3A_583 : i1 to i32
      %sign3A_585 = arith.constant 0 : i32
      %sign3A_586 = arith.cmpi slt, %add3A_582, %sign3A_585 : i32
      %sign3A_587 = arith.extui %sign3A_586 : i1 to i32
      %sign3A_588 = arith.subi %sign3A_584, %sign3A_587 : i32
      %sign3A_589 = arith.constant 0 : i32
      %sign3A_590 = arith.cmpi sgt, %jit3A, %sign3A_589 : i32
      %sign3A_591 = arith.extui %sign3A_590 : i1 to i32
      %sign3A_592 = arith.constant 0 : i32
      %sign3A_593 = arith.cmpi slt, %jit3A, %sign3A_592 : i32
      %sign3A_594 = arith.extui %sign3A_593 : i1 to i32
      %sign3A_595 = arith.subi %sign3A_591, %sign3A_594 : i32
      %ne3A = arith.cmpi ne, %sign3A_588, %sign3A_595 : i32
      %rem3A = arith.remsi %add3A_582, %jit3A : i32
      %ne3A_596 = arith.constant 0 : i32
      %ne3A_597 = arith.cmpi ne, %rem3A, %ne3A_596 : i32
      %and3A = arith.andi %ne3A, %ne3A_597 : i1
      %sub3A = arith.constant 1 : i32
      %sub3A_598 = arith.subi %div3A, %sub3A : i32
      %select_n3A = arith.select %and3A, %sub3A_598, %div3A : i32
      %jit3A_599 = arith.constant 3 : i32
      %eq3A_600 = arith.constant 0 : i32
      %eq3A_601 = arith.cmpi eq, %jit3A_599, %eq3A_600 : i32
      %jit3A_602 = arith.constant 1 : i32
      %select_n3A_603 = arith.select %eq3A_601, %jit3A_602, %jit3A_599 : i32
      %rem3A_604 = arith.remsi %add3A_582, %select_n3A_603 : i32
      %ne3A_605 = arith.constant 0 : i32
      %ne3A_606 = arith.cmpi ne, %rem3A_604, %ne3A_605 : i32
      %lt3A = arith.constant 0 : i32
      %lt3A_607 = arith.cmpi slt, %rem3A_604, %lt3A : i32
      %lt3A_608 = arith.constant 0 : i32
      %lt3A_609 = arith.cmpi slt, %select_n3A_603, %lt3A_608 : i32
      %ne3A_610 = arith.xori %lt3A_607, %lt3A_609 : i1
      %and3A_611 = arith.andi %ne3A_610, %ne3A_606 : i1
      %add3A_612 = arith.addi %rem3A_604, %select_n3A_603 : i32
      %select_n3A_613 = arith.select %and3A_611, %add3A_612, %rem3A_604 : i32
      %mul3A_614 = arith.constant 16 : i32
      %mul3A_615 = arith.muli %select_n3A_613, %mul3A_614 : i32
      %broadcast_in_dim3A = arith.constant 0.000000e+00 : f32
      %broadcast_in_dim3A_616 = vector.broadcast %broadcast_in_dim3A : f32 to vector<16xf32>
      %swap3A = arith.index_cast %select_n3A : i32 to index
      %swap3A_617 = arith.index_cast %mul3A_615 : i32 to index
      %swap3A_618 = tpu.vector_load %arg10[%swap3A, %swap3A_617] {strides = array<i32>} : memref<64x48xf32, #tpu.memory_space<vmem>>, vector<1x16xf32>,
      %swap3A_619 = vector.shape_cast %swap3A_618 : vector<1x16xf32> to vector<16xf32>
      %swap3A_620 = vector.shape_cast %broadcast_in_dim3A_616 : vector<16xf32> to vector<1x16xf32>
      tpu.vector_store %arg10[%swap3A, %swap3A_617], %swap3A_620 {strides = array<i32>} : memref<64x48xf32, #tpu.memory_space<vmem>>, vector<1x16xf32>,
    }
    %scan3A_4 = arith.constant 192 : i32
    %mul3A_5 = arith.constant 640 : i32
    %mul3A_6 = arith.muli %arg1, %mul3A_5 : i32
    %add3A_7 = arith.constant 0 : i32
    %add3A_8 = arith.addi %mul3A_6, %add3A_7 : i32
    %dma_start3A = arith.constant 0 : i32
    %dma_start3A_9 = tpu.memref_slice %arg6[%add3A_8, %dma_start3A] : memref<10240x48xf32, #tpu.memory_space<vmem_shared>> -> memref<64x48xf32, #tpu.memory_space<vmem_shared>>
    %dma_start3A_10 = arith.constant 0 : i32
    %dma_start3A_11 = tpu.memref_slice %arg6[%add3A_8, %dma_start3A_10] : memref<10240x48xf32, #tpu.memory_space<vmem_shared>> -> memref<64x48xf32, #tpu.memory_space<vmem_shared>>
    tpu.enqueue_dma source(%arg10 : memref<64x48xf32, #tpu.memory_space<vmem>>) target(%dma_start3A_11 : memref<64x48xf32, #tpu.memory_space<vmem_shared>>) target_semaphore(%arg15 : memref<!tpu.dma_semaphore, #tpu.memory_space<semaphore_mem>>)
    %mul3A_12 = arith.constant 640 : i32
    %mul3A_13 = arith.muli %arg1, %mul3A_12 : i32
    %add3A_14 = arith.constant 64 : i32
    %add3A_15 = arith.addi %mul3A_13, %add3A_14 : i32
    %dma_start3A_16 = arith.constant 0 : i32
    %dma_start3A_17 = tpu.memref_slice %arg6[%add3A_15, %dma_start3A_16] : memref<10240x48xf32, #tpu.memory_space<vmem_shared>> -> memref<64x48xf32, #tpu.memory_space<vmem_shared>>
    %dma_start3A_18 = arith.constant 0 : i32
    %dma_start3A_19 = tpu.memref_slice %arg6[%add3A_15, %dma_start3A_18] : memref<10240x48xf32, #tpu.memory_space<vmem_shared>> -> memref<64x48xf32, #tpu.memory_space<vmem_shared>>
    tpu.enqueue_dma source(%arg10 : memref<64x48xf32, #tpu.memory_space<vmem>>) target(%dma_start3A_19 : memref<64x48xf32, #tpu.memory_space<vmem_shared>>) target_semaphore(%arg15 : memref<!tpu.dma_semaphore, #tpu.memory_space<semaphore_mem>>)
    %mul3A_20 = arith.constant 640 : i32
    %mul3A_21 = arith.muli %arg1, %mul3A_20 : i32
    %add3A_22 = arith.constant 128 : i32
    %add3A_23 = arith.addi %mul3A_21, %add3A_22 : i32
    %dma_start3A_24 = arith.constant 0 : i32
    %dma_start3A_25 = tpu.memref_slice %arg6[%add3A_23, %dma_start3A_24] : memref<10240x48xf32, #tpu.memory_space<vmem_shared>> -> memref<64x48xf32, #tpu.memory_space<vmem_shared>>
    %dma_start3A_26 = arith.constant 0 : i32
    %dma_start3A_27 = tpu.memref_slice %arg6[%add3A_23, %dma_start3A_26] : memref<10240x48xf32, #tpu.memory_space<vmem_shared>> -> memref<64x48xf32, #tpu.memory_space<vmem_shared>>
    tpu.enqueue_dma source(%arg10 : memref<64x48xf32, #tpu.memory_space<vmem>>) target(%dma_start3A_27 : memref<64x48xf32, #tpu.memory_space<vmem_shared>>) target_semaphore(%arg15 : memref<!tpu.dma_semaphore, #tpu.memory_space<semaphore_mem>>)
    %mul3A_28 = arith.constant 640 : i32
    %mul3A_29 = arith.muli %arg1, %mul3A_28 : i32
    %add3A_30 = arith.constant 192 : i32
    %add3A_31 = arith.addi %mul3A_29, %add3A_30 : i32
    %dma_start3A_32 = arith.constant 0 : i32
    %dma_start3A_33 = tpu.memref_slice %arg6[%add3A_31, %dma_start3A_32] : memref<10240x48xf32, #tpu.memory_space<vmem_shared>> -> memref<64x48xf32, #tpu.memory_space<vmem_shared>>
    %dma_start3A_34 = arith.constant 0 : i32
    %dma_start3A_35 = tpu.memref_slice %arg6[%add3A_31, %dma_start3A_34] : memref<10240x48xf32, #tpu.memory_space<vmem_shared>> -> memref<64x48xf32, #tpu.memory_space<vmem_shared>>
    tpu.enqueue_dma source(%arg10 : memref<64x48xf32, #tpu.memory_space<vmem>>) target(%dma_start3A_35 : memref<64x48xf32, #tpu.memory_space<vmem_shared>>) target_semaphore(%arg15 : memref<!tpu.dma_semaphore, #tpu.memory_space<semaphore_mem>>)
    %mul3A_36 = arith.constant 640 : i32
    %mul3A_37 = arith.muli %arg1, %mul3A_36 : i32
    %add3A_38 = arith.constant 256 : i32
    %add3A_39 = arith.addi %mul3A_37, %add3A_38 : i32
    %dma_start3A_40 = arith.constant 0 : i32
    %dma_start3A_41 = tpu.memref_slice %arg6[%add3A_39, %dma_start3A_40] : memref<10240x48xf32, #tpu.memory_space<vmem_shared>> -> memref<64x48xf32, #tpu.memory_space<vmem_shared>>
    %dma_start3A_42 = arith.constant 0 : i32
    %dma_start3A_43 = tpu.memref_slice %arg6[%add3A_39, %dma_start3A_42] : memref<10240x48xf32, #tpu.memory_space<vmem_shared>> -> memref<64x48xf32, #tpu.memory_space<vmem_shared>>
    tpu.enqueue_dma source(%arg10 : memref<64x48xf32, #tpu.memory_space<vmem>>) target(%dma_start3A_43 : memref<64x48xf32, #tpu.memory_space<vmem_shared>>) target_semaphore(%arg15 : memref<!tpu.dma_semaphore, #tpu.memory_space<semaphore_mem>>)
    %mul3A_44 = arith.constant 640 : i32
    %mul3A_45 = arith.muli %arg1, %mul3A_44 : i32
    %add3A_46 = arith.constant 320 : i32
    %add3A_47 = arith.addi %mul3A_45, %add3A_46 : i32
    %dma_start3A_48 = arith.constant 0 : i32
    %dma_start3A_49 = tpu.memref_slice %arg6[%add3A_47, %dma_start3A_48] : memref<10240x48xf32, #tpu.memory_space<vmem_shared>> -> memref<64x48xf32, #tpu.memory_space<vmem_shared>>
    %dma_start3A_50 = arith.constant 0 : i32
    %dma_start3A_51 = tpu.memref_slice %arg6[%add3A_47, %dma_start3A_50] : memref<10240x48xf32, #tpu.memory_space<vmem_shared>> -> memref<64x48xf32, #tpu.memory_space<vmem_shared>>
    tpu.enqueue_dma source(%arg10 : memref<64x48xf32, #tpu.memory_space<vmem>>) target(%dma_start3A_51 : memref<64x48xf32, #tpu.memory_space<vmem_shared>>) target_semaphore(%arg15 : memref<!tpu.dma_semaphore, #tpu.memory_space<semaphore_mem>>)
    %mul3A_52 = arith.constant 640 : i32
    %mul3A_53 = arith.muli %arg1, %mul3A_52 : i32
    %add3A_54 = arith.constant 384 : i32
    %add3A_55 = arith.addi %mul3A_53, %add3A_54 : i32
    %dma_start3A_56 = arith.constant 0 : i32
    %dma_start3A_57 = tpu.memref_slice %arg6[%add3A_55, %dma_start3A_56] : memref<10240x48xf32, #tpu.memory_space<vmem_shared>> -> memref<64x48xf32, #tpu.memory_space<vmem_shared>>
    %dma_start3A_58 = arith.constant 0 : i32
    %dma_start3A_59 = tpu.memref_slice %arg6[%add3A_55, %dma_start3A_58] : memref<10240x48xf32, #tpu.memory_space<vmem_shared>> -> memref<64x48xf32, #tpu.memory_space<vmem_shared>>
    tpu.enqueue_dma source(%arg10 : memref<64x48xf32, #tpu.memory_space<vmem>>) target(%dma_start3A_59 : memref<64x48xf32, #tpu.memory_space<vmem_shared>>) target_semaphore(%arg15 : memref<!tpu.dma_semaphore, #tpu.memory_space<semaphore_mem>>)
    %mul3A_60 = arith.constant 640 : i32
    %mul3A_61 = arith.muli %arg1, %mul3A_60 : i32
    %add3A_62 = arith.constant 448 : i32
    %add3A_63 = arith.addi %mul3A_61, %add3A_62 : i32
    %dma_start3A_64 = arith.constant 0 : i32
    %dma_start3A_65 = tpu.memref_slice %arg6[%add3A_63, %dma_start3A_64] : memref<10240x48xf32, #tpu.memory_space<vmem_shared>> -> memref<64x48xf32, #tpu.memory_space<vmem_shared>>
    %dma_start3A_66 = arith.constant 0 : i32
    %dma_start3A_67 = tpu.memref_slice %arg6[%add3A_63, %dma_start3A_66] : memref<10240x48xf32, #tpu.memory_space<vmem_shared>> -> memref<64x48xf32, #tpu.memory_space<vmem_shared>>
    tpu.enqueue_dma source(%arg10 : memref<64x48xf32, #tpu.memory_space<vmem>>) target(%dma_start3A_67 : memref<64x48xf32, #tpu.memory_space<vmem_shared>>) target_semaphore(%arg15 : memref<!tpu.dma_semaphore, #tpu.memory_space<semaphore_mem>>)
    %mul3A_68 = arith.constant 640 : i32
    %mul3A_69 = arith.muli %arg1, %mul3A_68 : i32
    %add3A_70 = arith.constant 512 : i32
    %add3A_71 = arith.addi %mul3A_69, %add3A_70 : i32
    %dma_start3A_72 = arith.constant 0 : i32
    %dma_start3A_73 = tpu.memref_slice %arg6[%add3A_71, %dma_start3A_72] : memref<10240x48xf32, #tpu.memory_space<vmem_shared>> -> memref<64x48xf32, #tpu.memory_space<vmem_shared>>
    %dma_start3A_74 = arith.constant 0 : i32
    %dma_start3A_75 = tpu.memref_slice %arg6[%add3A_71, %dma_start3A_74] : memref<10240x48xf32, #tpu.memory_space<vmem_shared>> -> memref<64x48xf32, #tpu.memory_space<vmem_shared>>
    tpu.enqueue_dma source(%arg10 : memref<64x48xf32, #tpu.memory_space<vmem>>) target(%dma_start3A_75 : memref<64x48xf32, #tpu.memory_space<vmem_shared>>) target_semaphore(%arg15 : memref<!tpu.dma_semaphore, #tpu.memory_space<semaphore_mem>>)
    %mul3A_76 = arith.constant 640 : i32
    %mul3A_77 = arith.muli %arg1, %mul3A_76 : i32
    %add3A_78 = arith.constant 576 : i32
    %add3A_79 = arith.addi %mul3A_77, %add3A_78 : i32
    %dma_start3A_80 = arith.constant 0 : i32
    %dma_start3A_81 = tpu.memref_slice %arg6[%add3A_79, %dma_start3A_80] : memref<10240x48xf32, #tpu.memory_space<vmem_shared>> -> memref<64x48xf32, #tpu.memory_space<vmem_shared>>
    %dma_start3A_82 = arith.constant 0 : i32
    %dma_start3A_83 = tpu.memref_slice %arg6[%add3A_79, %dma_start3A_82] : memref<10240x48xf32, #tpu.memory_space<vmem_shared>> -> memref<64x48xf32, #tpu.memory_space<vmem_shared>>
    tpu.enqueue_dma source(%arg10 : memref<64x48xf32, #tpu.memory_space<vmem>>) target(%dma_start3A_83 : memref<64x48xf32, #tpu.memory_space<vmem_shared>>) target_semaphore(%arg15 : memref<!tpu.dma_semaphore, #tpu.memory_space<semaphore_mem>>)
    "tpu.region"() ({
      %run_scoped3A = tpu.sem_alloc : memref<!tpu.dma_semaphore, #tpu.memory_space<semaphore_mem>>
      %dma_start3A_578 = arith.constant 0 : i32
      %dma_start3A_579 = arith.constant 0 : i32
      %dma_start3A_580 = tpu.memref_slice %arg3[%add3A, %dma_start3A_578, %dma_start3A_579] : memref<32x160x64xi32, #tpu.memory_space<hbm>> -> memref<1x160x64xi32, #tpu.memory_space<hbm>>
      %dma_start3A_581 = tpu.memref_squeeze %dma_start3A_580 : memref<1x160x64xi32, #tpu.memory_space<hbm>> -> memref<160x64xi32, #tpu.memory_space<hbm>>
      %dma_start3A_582 = arith.constant 0 : i32
      %dma_start3A_583 = arith.constant 0 : i32
      %dma_start3A_584 = tpu.memref_slice %arg3[%add3A, %dma_start3A_582, %dma_start3A_583] : memref<32x160x64xi32, #tpu.memory_space<hbm>> -> memref<1x160x64xi32, #tpu.memory_space<hbm>>
      %dma_start3A_585 = tpu.memref_squeeze %dma_start3A_584 : memref<1x160x64xi32, #tpu.memory_space<hbm>> -> memref<160x64xi32, #tpu.memory_space<hbm>>
      tpu.enqueue_dma source(%dma_start3A_585 : memref<160x64xi32, #tpu.memory_space<hbm>>) target(%arg7 : memref<160x64xi32, #tpu.memory_space<vmem>>) target_semaphore(%run_scoped3A : memref<!tpu.dma_semaphore, #tpu.memory_space<semaphore_mem>>)
      %dma_wait3A_586 = arith.constant 0 : i32
      %dma_wait3A_587 = arith.constant 0 : i32
      %dma_wait3A_588 = tpu.memref_slice %arg3[%add3A, %dma_wait3A_586, %dma_wait3A_587] : memref<32x160x64xi32, #tpu.memory_space<hbm>> -> memref<1x160x64xi32, #tpu.memory_space<hbm>>
      %dma_wait3A_589 = tpu.memref_squeeze %dma_wait3A_588 : memref<1x160x64xi32, #tpu.memory_space<hbm>> -> memref<160x64xi32, #tpu.memory_space<hbm>>
      %dma_wait3A_590 = arith.constant 0 : i32
      %dma_wait3A_591 = arith.constant 0 : i32
      %dma_wait3A_592 = tpu.memref_slice %arg3[%add3A, %dma_wait3A_590, %dma_wait3A_591] : memref<32x160x64xi32, #tpu.memory_space<hbm>> -> memref<1x160x64xi32, #tpu.memory_space<hbm>>
      %dma_wait3A_593 = tpu.memref_squeeze %dma_wait3A_592 : memref<1x160x64xi32, #tpu.memory_space<hbm>> -> memref<160x64xi32, #tpu.memory_space<hbm>>
      tpu.wait_dma2 semaphore(%run_scoped3A : memref<!tpu.dma_semaphore, #tpu.memory_space<semaphore_mem>>) src(%dma_wait3A_593 : memref<160x64xi32, #tpu.memory_space<hbm>>) dst(%arg7 : memref<160x64xi32, #tpu.memory_space<vmem>>)
      tpu.yield
    }) : () -> ()
    %mul3A_84 = arith.constant 640 : i32
    %mul3A_85 = arith.muli %arg1, %mul3A_84 : i32
    %add3A_86 = arith.constant 0 : i32
    %add3A_87 = arith.addi %mul3A_85, %add3A_86 : i32
    %dma_wait3A = arith.constant 0 : i32
    %dma_wait3A_88 = tpu.memref_slice %arg6[%add3A_87, %dma_wait3A] : memref<10240x48xf32, #tpu.memory_space<vmem_shared>> -> memref<64x48xf32, #tpu.memory_space<vmem_shared>>
    %dma_wait3A_89 = arith.constant 0 : i32
    %dma_wait3A_90 = tpu.memref_slice %arg6[%add3A_87, %dma_wait3A_89] : memref<10240x48xf32, #tpu.memory_space<vmem_shared>> -> memref<64x48xf32, #tpu.memory_space<vmem_shared>>
    tpu.wait_dma2 semaphore(%arg15 : memref<!tpu.dma_semaphore, #tpu.memory_space<semaphore_mem>>) src(%arg10 : memref<64x48xf32, #tpu.memory_space<vmem>>) dst(%dma_wait3A_90 : memref<64x48xf32, #tpu.memory_space<vmem_shared>>)
    %mul3A_91 = arith.constant 640 : i32
    %mul3A_92 = arith.muli %arg1, %mul3A_91 : i32
    %add3A_93 = arith.constant 64 : i32
    %add3A_94 = arith.addi %mul3A_92, %add3A_93 : i32
    %dma_wait3A_95 = arith.constant 0 : i32
    %dma_wait3A_96 = tpu.memref_slice %arg6[%add3A_94, %dma_wait3A_95] : memref<10240x48xf32, #tpu.memory_space<vmem_shared>> -> memref<64x48xf32, #tpu.memory_space<vmem_shared>>
    %dma_wait3A_97 = arith.constant 0 : i32
    %dma_wait3A_98 = tpu.memref_slice %arg6[%add3A_94, %dma_wait3A_97] : memref<10240x48xf32, #tpu.memory_space<vmem_shared>> -> memref<64x48xf32, #tpu.memory_space<vmem_shared>>
    tpu.wait_dma2 semaphore(%arg15 : memref<!tpu.dma_semaphore, #tpu.memory_space<semaphore_mem>>) src(%arg10 : memref<64x48xf32, #tpu.memory_space<vmem>>) dst(%dma_wait3A_98 : memref<64x48xf32, #tpu.memory_space<vmem_shared>>)
    %mul3A_99 = arith.constant 640 : i32
    %mul3A_100 = arith.muli %arg1, %mul3A_99 : i32
    %add3A_101 = arith.constant 128 : i32
    %add3A_102 = arith.addi %mul3A_100, %add3A_101 : i32
    %dma_wait3A_103 = arith.constant 0 : i32
    %dma_wait3A_104 = tpu.memref_slice %arg6[%add3A_102, %dma_wait3A_103] : memref<10240x48xf32, #tpu.memory_space<vmem_shared>> -> memref<64x48xf32, #tpu.memory_space<vmem_shared>>
    %dma_wait3A_105 = arith.constant 0 : i32
    %dma_wait3A_106 = tpu.memref_slice %arg6[%add3A_102, %dma_wait3A_105] : memref<10240x48xf32, #tpu.memory_space<vmem_shared>> -> memref<64x48xf32, #tpu.memory_space<vmem_shared>>
    tpu.wait_dma2 semaphore(%arg15 : memref<!tpu.dma_semaphore, #tpu.memory_space<semaphore_mem>>) src(%arg10 : memref<64x48xf32, #tpu.memory_space<vmem>>) dst(%dma_wait3A_106 : memref<64x48xf32, #tpu.memory_space<vmem_shared>>)
    %mul3A_107 = arith.constant 640 : i32
    %mul3A_108 = arith.muli %arg1, %mul3A_107 : i32
    %add3A_109 = arith.constant 192 : i32
    %add3A_110 = arith.addi %mul3A_108, %add3A_109 : i32
    %dma_wait3A_111 = arith.constant 0 : i32
    %dma_wait3A_112 = tpu.memref_slice %arg6[%add3A_110, %dma_wait3A_111] : memref<10240x48xf32, #tpu.memory_space<vmem_shared>> -> memref<64x48xf32, #tpu.memory_space<vmem_shared>>
    %dma_wait3A_113 = arith.constant 0 : i32
    %dma_wait3A_114 = tpu.memref_slice %arg6[%add3A_110, %dma_wait3A_113] : memref<10240x48xf32, #tpu.memory_space<vmem_shared>> -> memref<64x48xf32, #tpu.memory_space<vmem_shared>>
    tpu.wait_dma2 semaphore(%arg15 : memref<!tpu.dma_semaphore, #tpu.memory_space<semaphore_mem>>) src(%arg10 : memref<64x48xf32, #tpu.memory_space<vmem>>) dst(%dma_wait3A_114 : memref<64x48xf32, #tpu.memory_space<vmem_shared>>)
    %mul3A_115 = arith.constant 640 : i32
    %mul3A_116 = arith.muli %arg1, %mul3A_115 : i32
    %add3A_117 = arith.constant 256 : i32
    %add3A_118 = arith.addi %mul3A_116, %add3A_117 : i32
    %dma_wait3A_119 = arith.constant 0 : i32
    %dma_wait3A_120 = tpu.memref_slice %arg6[%add3A_118, %dma_wait3A_119] : memref<10240x48xf32, #tpu.memory_space<vmem_shared>> -> memref<64x48xf32, #tpu.memory_space<vmem_shared>>
    %dma_wait3A_121 = arith.constant 0 : i32
    %dma_wait3A_122 = tpu.memref_slice %arg6[%add3A_118, %dma_wait3A_121] : memref<10240x48xf32, #tpu.memory_space<vmem_shared>> -> memref<64x48xf32, #tpu.memory_space<vmem_shared>>
    tpu.wait_dma2 semaphore(%arg15 : memref<!tpu.dma_semaphore, #tpu.memory_space<semaphore_mem>>) src(%arg10 : memref<64x48xf32, #tpu.memory_space<vmem>>) dst(%dma_wait3A_122 : memref<64x48xf32, #tpu.memory_space<vmem_shared>>)
    %mul3A_123 = arith.constant 640 : i32
    %mul3A_124 = arith.muli %arg1, %mul3A_123 : i32
    %add3A_125 = arith.constant 320 : i32
    %add3A_126 = arith.addi %mul3A_124, %add3A_125 : i32
    %dma_wait3A_127 = arith.constant 0 : i32
    %dma_wait3A_128 = tpu.memref_slice %arg6[%add3A_126, %dma_wait3A_127] : memref<10240x48xf32, #tpu.memory_space<vmem_shared>> -> memref<64x48xf32, #tpu.memory_space<vmem_shared>>
    %dma_wait3A_129 = arith.constant 0 : i32
    %dma_wait3A_130 = tpu.memref_slice %arg6[%add3A_126, %dma_wait3A_129] : memref<10240x48xf32, #tpu.memory_space<vmem_shared>> -> memref<64x48xf32, #tpu.memory_space<vmem_shared>>
    tpu.wait_dma2 semaphore(%arg15 : memref<!tpu.dma_semaphore, #tpu.memory_space<semaphore_mem>>) src(%arg10 : memref<64x48xf32, #tpu.memory_space<vmem>>) dst(%dma_wait3A_130 : memref<64x48xf32, #tpu.memory_space<vmem_shared>>)
    %mul3A_131 = arith.constant 640 : i32
    %mul3A_132 = arith.muli %arg1, %mul3A_131 : i32
    %add3A_133 = arith.constant 384 : i32
    %add3A_134 = arith.addi %mul3A_132, %add3A_133 : i32
    %dma_wait3A_135 = arith.constant 0 : i32
    %dma_wait3A_136 = tpu.memref_slice %arg6[%add3A_134, %dma_wait3A_135] : memref<10240x48xf32, #tpu.memory_space<vmem_shared>> -> memref<64x48xf32, #tpu.memory_space<vmem_shared>>
    %dma_wait3A_137 = arith.constant 0 : i32
    %dma_wait3A_138 = tpu.memref_slice %arg6[%add3A_134, %dma_wait3A_137] : memref<10240x48xf32, #tpu.memory_space<vmem_shared>> -> memref<64x48xf32, #tpu.memory_space<vmem_shared>>
    tpu.wait_dma2 semaphore(%arg15 : memref<!tpu.dma_semaphore, #tpu.memory_space<semaphore_mem>>) src(%arg10 : memref<64x48xf32, #tpu.memory_space<vmem>>) dst(%dma_wait3A_138 : memref<64x48xf32, #tpu.memory_space<vmem_shared>>)
    %mul3A_139 = arith.constant 640 : i32
    %mul3A_140 = arith.muli %arg1, %mul3A_139 : i32
    %add3A_141 = arith.constant 448 : i32
    %add3A_142 = arith.addi %mul3A_140, %add3A_141 : i32
    %dma_wait3A_143 = arith.constant 0 : i32
    %dma_wait3A_144 = tpu.memref_slice %arg6[%add3A_142, %dma_wait3A_143] : memref<10240x48xf32, #tpu.memory_space<vmem_shared>> -> memref<64x48xf32, #tpu.memory_space<vmem_shared>>
    %dma_wait3A_145 = arith.constant 0 : i32
    %dma_wait3A_146 = tpu.memref_slice %arg6[%add3A_142, %dma_wait3A_145] : memref<10240x48xf32, #tpu.memory_space<vmem_shared>> -> memref<64x48xf32, #tpu.memory_space<vmem_shared>>
    tpu.wait_dma2 semaphore(%arg15 : memref<!tpu.dma_semaphore, #tpu.memory_space<semaphore_mem>>) src(%arg10 : memref<64x48xf32, #tpu.memory_space<vmem>>) dst(%dma_wait3A_146 : memref<64x48xf32, #tpu.memory_space<vmem_shared>>)
    %mul3A_147 = arith.constant 640 : i32
    %mul3A_148 = arith.muli %arg1, %mul3A_147 : i32
    %add3A_149 = arith.constant 512 : i32
    %add3A_150 = arith.addi %mul3A_148, %add3A_149 : i32
    %dma_wait3A_151 = arith.constant 0 : i32
    %dma_wait3A_152 = tpu.memref_slice %arg6[%add3A_150, %dma_wait3A_151] : memref<10240x48xf32, #tpu.memory_space<vmem_shared>> -> memref<64x48xf32, #tpu.memory_space<vmem_shared>>
    %dma_wait3A_153 = arith.constant 0 : i32
    %dma_wait3A_154 = tpu.memref_slice %arg6[%add3A_150, %dma_wait3A_153] : memref<10240x48xf32, #tpu.memory_space<vmem_shared>> -> memref<64x48xf32, #tpu.memory_space<vmem_shared>>
    tpu.wait_dma2 semaphore(%arg15 : memref<!tpu.dma_semaphore, #tpu.memory_space<semaphore_mem>>) src(%arg10 : memref<64x48xf32, #tpu.memory_space<vmem>>) dst(%dma_wait3A_154 : memref<64x48xf32, #tpu.memory_space<vmem_shared>>)
    %mul3A_155 = arith.constant 640 : i32
    %mul3A_156 = arith.muli %arg1, %mul3A_155 : i32
    %add3A_157 = arith.constant 576 : i32
    %add3A_158 = arith.addi %mul3A_156, %add3A_157 : i32
    %dma_wait3A_159 = arith.constant 0 : i32
    %dma_wait3A_160 = tpu.memref_slice %arg6[%add3A_158, %dma_wait3A_159] : memref<10240x48xf32, #tpu.memory_space<vmem_shared>> -> memref<64x48xf32, #tpu.memory_space<vmem_shared>>
    %dma_wait3A_161 = arith.constant 0 : i32
    %dma_wait3A_162 = tpu.memref_slice %arg6[%add3A_158, %dma_wait3A_161] : memref<10240x48xf32, #tpu.memory_space<vmem_shared>> -> memref<64x48xf32, #tpu.memory_space<vmem_shared>>
    tpu.wait_dma2 semaphore(%arg15 : memref<!tpu.dma_semaphore, #tpu.memory_space<semaphore_mem>>) src(%arg10 : memref<64x48xf32, #tpu.memory_space<vmem>>) dst(%dma_wait3A_162 : memref<64x48xf32, #tpu.memory_space<vmem_shared>>)
    %barrier3A = arith.constant 0 : index
    tpu.barrier barrier_id(%barrier3A)
    %scan3A_163 = arith.constant 0 : i32
    %scan3A_164 = arith.constant 4 : i32
    %scan3A_165 = arith.addi %scan3A_163, %scan3A_164 : i32
    %scan3A_166 = arith.constant 1 : i32
    scf.for %scan3A_578 = %scan3A_163 to %scan3A_165 step %scan3A_166  : i32 {
      %mul3A_579 = arith.constant 1 : i32
      %mul3A_580 = arith.muli %scan3A_578, %mul3A_579 : i32
      %add3A_581 = arith.constant 0 : i32
      %add3A_582 = arith.addi %add3A_581, %mul3A_580 : i32
      %mul3A_583 = arith.constant 16 : i32
      %mul3A_584 = arith.muli %add3A_582, %mul3A_583 : i32
      %get3A = arith.constant 0 : i32
      %get3A_585 = arith.index_cast %get3A : i32 to index
      %get3A_586 = arith.index_cast %mul3A_584 : i32 to index
      %get3A_587 = tpu.vector_load %arg7[%get3A_585, %get3A_586] {strides = array<i32>} : memref<160x64xi32, #tpu.memory_space<vmem>>, vector<1x16xi32>,
      %get3A_588 = vector.shape_cast %get3A_587 : vector<1x16xi32> to vector<16xi32>
      %shift_right_logical3A = arith.constant 14 : i32
      %shift_right_logical3A_589 = vector.broadcast %shift_right_logical3A : i32 to vector<16xi32>
      %shift_right_logical3A_590 = arith.shrui %get3A_588, %shift_right_logical3A_589 : vector<16xi32>
      %mul3A_591 = arith.constant 16 : i32
      %mul3A_592 = arith.muli %add3A_582, %mul3A_591 : i32
      %swap3A = arith.constant 0 : i32
      %swap3A_593 = arith.index_cast %swap3A : i32 to index
      %swap3A_594 = arith.index_cast %mul3A_592 : i32 to index
      %swap3A_595 = tpu.vector_load %arg8[%swap3A_593, %swap3A_594] {strides = array<i32>} : memref<4x64xi32, #tpu.memory_space<vmem>>, vector<1x16xi32>,
      %swap3A_596 = vector.shape_cast %swap3A_595 : vector<1x16xi32> to vector<16xi32>
      %swap3A_597 = vector.shape_cast %shift_right_logical3A_590 : vector<16xi32> to vector<1x16xi32>
      tpu.vector_store %arg8[%swap3A_593, %swap3A_594], %swap3A_597 {strides = array<i32>} : memref<4x64xi32, #tpu.memory_space<vmem>>, vector<1x16xi32>,
      %and3A = arith.constant 16383 : i32
      %and3A_598 = vector.broadcast %and3A : i32 to vector<16xi32>
      %and3A_599 = arith.andi %get3A_588, %and3A_598 : vector<16xi32>
      %mul3A_600 = arith.constant 16 : i32
      %mul3A_601 = arith.muli %add3A_582, %mul3A_600 : i32
      %swap3A_602 = arith.constant 0 : i32
      %swap3A_603 = arith.index_cast %swap3A_602 : i32 to index
      %swap3A_604 = arith.index_cast %mul3A_601 : i32 to index
      %swap3A_605 = tpu.vector_load %arg9[%swap3A_603, %swap3A_604] {strides = array<i32>} : memref<4x64xi32, #tpu.memory_space<vmem>>, vector<1x16xi32>,
      %swap3A_606 = vector.shape_cast %swap3A_605 : vector<1x16xi32> to vector<16xi32>
      %swap3A_607 = vector.shape_cast %and3A_599 : vector<16xi32> to vector<1x16xi32>
      tpu.vector_store %arg9[%swap3A_603, %swap3A_604], %swap3A_607 {strides = array<i32>} : memref<4x64xi32, #tpu.memory_space<vmem>>, vector<1x16xi32>,
    }
    %scan3A_167 = arith.constant 4 : i32
    %dma_start3A_168 = arith.constant 0 : i32
    %dma_start3A_169 = arith.constant 0 : i32
    %dma_start3A_170 = tpu.memref_slice %arg8[%dma_start3A_168, %dma_start3A_169] : memref<4x64xi32, #tpu.memory_space<vmem>> -> memref<1x64xi32, #tpu.memory_space<vmem>>
    %dma_start3A_171 = tpu.memref_squeeze %dma_start3A_170 : memref<1x64xi32, #tpu.memory_space<vmem>> -> memref<64xi32, #tpu.memory_space<vmem>>
    %dma_start3A_172 = arith.constant 0 : i32
    %dma_start3A_173 = arith.constant 0 : i32
    %dma_start3A_174 = tpu.memref_slice %arg2[%dma_start3A_172, %dma_start3A_173] : memref<10000x48xf32, #tpu.memory_space<hbm>> -> memref<10000x48xf32, #tpu.memory_space<hbm>>
    tpu.enqueue_indirect_dma source(%dma_start3A_174 : memref<10000x48xf32, #tpu.memory_space<hbm>>) target(%arg10 : memref<64x48xf32, #tpu.memory_space<vmem>>) offsets(%dma_start3A_171 : memref<64xi32, #tpu.memory_space<vmem>>) semaphore(%arg14 : memref<!tpu.dma_semaphore, #tpu.memory_space<semaphore_mem>>)
    %scan3A_175 = arith.constant 0 : i32
    %scan3A_176 = arith.constant 4 : i32
    %scan3A_177 = arith.addi %scan3A_175, %scan3A_176 : i32
    %scan3A_178 = arith.constant 1 : i32
    scf.for %scan3A_578 = %scan3A_175 to %scan3A_177 step %scan3A_178  : i32 {
      %mul3A_579 = arith.constant 1 : i32
      %mul3A_580 = arith.muli %scan3A_578, %mul3A_579 : i32
      %add3A_581 = arith.constant 0 : i32
      %add3A_582 = arith.addi %add3A_581, %mul3A_580 : i32
      %mul3A_583 = arith.constant 16 : i32
      %mul3A_584 = arith.muli %add3A_582, %mul3A_583 : i32
      %get3A = arith.constant 1 : i32
      %get3A_585 = arith.index_cast %get3A : i32 to index
      %get3A_586 = arith.index_cast %mul3A_584 : i32 to index
      %get3A_587 = tpu.vector_load %arg7[%get3A_585, %get3A_586] {strides = array<i32>} : memref<160x64xi32, #tpu.memory_space<vmem>>, vector<1x16xi32>,
      %get3A_588 = vector.shape_cast %get3A_587 : vector<1x16xi32> to vector<16xi32>
      %shift_right_logical3A = arith.constant 14 : i32
      %shift_right_logical3A_589 = vector.broadcast %shift_right_logical3A : i32 to vector<16xi32>
      %shift_right_logical3A_590 = arith.shrui %get3A_588, %shift_right_logical3A_589 : vector<16xi32>
      %mul3A_591 = arith.constant 16 : i32
      %mul3A_592 = arith.muli %add3A_582, %mul3A_591 : i32
      %swap3A = arith.constant 1 : i32
      %swap3A_593 = arith.index_cast %swap3A : i32 to index
      %swap3A_594 = arith.index_cast %mul3A_592 : i32 to index
      %swap3A_595 = tpu.vector_load %arg8[%swap3A_593, %swap3A_594] {strides = array<i32>} : memref<4x64xi32, #tpu.memory_space<vmem>>, vector<1x16xi32>,
      %swap3A_596 = vector.shape_cast %swap3A_595 : vector<1x16xi32> to vector<16xi32>
      %swap3A_597 = vector.shape_cast %shift_right_logical3A_590 : vector<16xi32> to vector<1x16xi32>
      tpu.vector_store %arg8[%swap3A_593, %swap3A_594], %swap3A_597 {strides = array<i32>} : memref<4x64xi32, #tpu.memory_space<vmem>>, vector<1x16xi32>,
      %and3A = arith.constant 16383 : i32
      %and3A_598 = vector.broadcast %and3A : i32 to vector<16xi32>
      %and3A_599 = arith.andi %get3A_588, %and3A_598 : vector<16xi32>
      %mul3A_600 = arith.constant 16 : i32
      %mul3A_601 = arith.muli %add3A_582, %mul3A_600 : i32
      %swap3A_602 = arith.constant 1 : i32
      %swap3A_603 = arith.index_cast %swap3A_602 : i32 to index
      %swap3A_604 = arith.index_cast %mul3A_601 : i32 to index
      %swap3A_605 = tpu.vector_load %arg9[%swap3A_603, %swap3A_604] {strides = array<i32>} : memref<4x64xi32, #tpu.memory_space<vmem>>, vector<1x16xi32>,
      %swap3A_606 = vector.shape_cast %swap3A_605 : vector<1x16xi32> to vector<16xi32>
      %swap3A_607 = vector.shape_cast %and3A_599 : vector<16xi32> to vector<1x16xi32>
      tpu.vector_store %arg9[%swap3A_603, %swap3A_604], %swap3A_607 {strides = array<i32>} : memref<4x64xi32, #tpu.memory_space<vmem>>, vector<1x16xi32>,
    }
    %scan3A_179 = arith.constant 4 : i32
    %dma_start3A_180 = arith.constant 1 : i32
    %dma_start3A_181 = arith.constant 0 : i32
    %dma_start3A_182 = tpu.memref_slice %arg8[%dma_start3A_180, %dma_start3A_181] : memref<4x64xi32, #tpu.memory_space<vmem>> -> memref<1x64xi32, #tpu.memory_space<vmem>>
    %dma_start3A_183 = tpu.memref_squeeze %dma_start3A_182 : memref<1x64xi32, #tpu.memory_space<vmem>> -> memref<64xi32, #tpu.memory_space<vmem>>
    %dma_start3A_184 = arith.constant 0 : i32
    %dma_start3A_185 = arith.constant 0 : i32
    %dma_start3A_186 = tpu.memref_slice %arg2[%dma_start3A_184, %dma_start3A_185] : memref<10000x48xf32, #tpu.memory_space<hbm>> -> memref<10000x48xf32, #tpu.memory_space<hbm>>
    tpu.enqueue_indirect_dma source(%dma_start3A_186 : memref<10000x48xf32, #tpu.memory_space<hbm>>) target(%arg11 : memref<64x48xf32, #tpu.memory_space<vmem>>) offsets(%dma_start3A_183 : memref<64xi32, #tpu.memory_space<vmem>>) semaphore(%arg15 : memref<!tpu.dma_semaphore, #tpu.memory_space<semaphore_mem>>)
    %scan3A_187 = arith.constant 0 : i32
    %scan3A_188 = arith.constant 40 : i32
    %scan3A_189 = arith.addi %scan3A_187, %scan3A_188 : i32
    %scan3A_190 = arith.constant 1 : i32
    scf.for %scan3A_578 = %scan3A_187 to %scan3A_189 step %scan3A_190  : i32 {
      %mul3A_579 = arith.constant 1 : i32
      %mul3A_580 = arith.muli %scan3A_578, %mul3A_579 : i32
      %add3A_581 = arith.constant 0 : i32
      %add3A_582 = arith.addi %add3A_581, %mul3A_580 : i32
      %mul3A_583 = arith.constant 4 : i32
      %mul3A_584 = arith.muli %add3A_582, %mul3A_583 : i32
      %add3A_585 = arith.constant 0 : i32
      %add3A_586 = arith.addi %mul3A_584, %add3A_585 : i32
      %add3A_587 = arith.constant 2 : i32
      %add3A_588 = arith.addi %add3A_586, %add3A_587 : i32
      %lt3A = arith.constant 160 : i32
      %lt3A_589 = arith.cmpi slt, %add3A_588, %lt3A : i32
      %convert_element_type3A_590 = arith.extui %lt3A_589 : i1 to i32
      %cond3A_591 = arith.constant 0 : i32
      %cond3A_592 = arith.cmpi ne, %convert_element_type3A_590, %cond3A_591 : i32
      scf.if %cond3A_592 {
        %ge3A = arith.constant 2 : i32
        %ge3A_682 = arith.cmpi sge, %add3A_586, %ge3A : i32
        %convert_element_type3A_683 = arith.extui %ge3A_682 : i1 to i32
        %cond3A_684 = arith.constant 0 : i32
        %cond3A_685 = arith.cmpi ne, %convert_element_type3A_683, %cond3A_684 : i32
        scf.if %cond3A_685 {
          %dma_wait3A_700 = arith.constant 2 : i32
          %dma_wait3A_701 = arith.constant 0 : i32
          %dma_wait3A_702 = tpu.memref_slice %arg9[%dma_wait3A_700, %dma_wait3A_701] : memref<4x64xi32, #tpu.memory_space<vmem>> -> memref<1x64xi32, #tpu.memory_space<vmem>>
          %dma_wait3A_703 = tpu.memref_squeeze %dma_wait3A_702 : memref<1x64xi32, #tpu.memory_space<vmem>> -> memref<64xi32, #tpu.memory_space<vmem>>
          %dma_wait3A_704 = arith.constant 0 : i32
          %dma_wait3A_705 = arith.constant 0 : i32
          %dma_wait3A_706 = tpu.memref_slice %arg6[%dma_wait3A_704, %dma_wait3A_705] : memref<10240x48xf32, #tpu.memory_space<vmem_shared>> -> memref<10240x48xf32, #tpu.memory_space<vmem_shared>>
          tpu.wait_indirect_dma semaphore(%arg20 : memref<!tpu.dma_semaphore, #tpu.memory_space<semaphore_mem>>) src(%arg12 : memref<64x48xf32, #tpu.memory_space<vmem>>) dst(%dma_wait3A_706 : memref<10240x48xf32, #tpu.memory_space<vmem_shared>>)
        } else {
        }
        %add3A_686 = arith.constant 2 : i32
        %add3A_687 = arith.addi %add3A_586, %add3A_686 : i32
        %scan3A_688 = arith.constant 0 : i32
        %scan3A_689 = arith.constant 4 : i32
        %scan3A_690 = arith.addi %scan3A_688, %scan3A_689 : i32
        %scan3A_691 = arith.constant 1 : i32
        scf.for %scan3A_700 = %scan3A_688 to %scan3A_690 step %scan3A_691  : i32 {
          %mul3A_701 = arith.constant 1 : i32
          %mul3A_702 = arith.muli %scan3A_700, %mul3A_701 : i32
          %add3A_703 = arith.constant 0 : i32
          %add3A_704 = arith.addi %add3A_703, %mul3A_702 : i32
          %mul3A_705 = arith.constant 16 : i32
          %mul3A_706 = arith.muli %add3A_704, %mul3A_705 : i32
          %get3A = arith.index_cast %add3A_687 : i32 to index
          %get3A_707 = arith.index_cast %mul3A_706 : i32 to index
          %get3A_708 = tpu.vector_load %arg7[%get3A, %get3A_707] {strides = array<i32>} : memref<160x64xi32, #tpu.memory_space<vmem>>, vector<1x16xi32>,
          %get3A_709 = vector.shape_cast %get3A_708 : vector<1x16xi32> to vector<16xi32>
          %shift_right_logical3A = arith.constant 14 : i32
          %shift_right_logical3A_710 = vector.broadcast %shift_right_logical3A : i32 to vector<16xi32>
          %shift_right_logical3A_711 = arith.shrui %get3A_709, %shift_right_logical3A_710 : vector<16xi32>
          %mul3A_712 = arith.constant 16 : i32
          %mul3A_713 = arith.muli %add3A_704, %mul3A_712 : i32
          %swap3A = arith.constant 2 : i32
          %swap3A_714 = arith.index_cast %swap3A : i32 to index
          %swap3A_715 = arith.index_cast %mul3A_713 : i32 to index
          %swap3A_716 = tpu.vector_load %arg8[%swap3A_714, %swap3A_715] {strides = array<i32>} : memref<4x64xi32, #tpu.memory_space<vmem>>, vector<1x16xi32>,
          %swap3A_717 = vector.shape_cast %swap3A_716 : vector<1x16xi32> to vector<16xi32>
          %swap3A_718 = vector.shape_cast %shift_right_logical3A_711 : vector<16xi32> to vector<1x16xi32>
          tpu.vector_store %arg8[%swap3A_714, %swap3A_715], %swap3A_718 {strides = array<i32>} : memref<4x64xi32, #tpu.memory_space<vmem>>, vector<1x16xi32>,
          %and3A = arith.constant 16383 : i32
          %and3A_719 = vector.broadcast %and3A : i32 to vector<16xi32>
          %and3A_720 = arith.andi %get3A_709, %and3A_719 : vector<16xi32>
          %mul3A_721 = arith.constant 16 : i32
          %mul3A_722 = arith.muli %add3A_704, %mul3A_721 : i32
          %swap3A_723 = arith.constant 2 : i32
          %swap3A_724 = arith.index_cast %swap3A_723 : i32 to index
          %swap3A_725 = arith.index_cast %mul3A_722 : i32 to index
          %swap3A_726 = tpu.vector_load %arg9[%swap3A_724, %swap3A_725] {strides = array<i32>} : memref<4x64xi32, #tpu.memory_space<vmem>>, vector<1x16xi32>,
          %swap3A_727 = vector.shape_cast %swap3A_726 : vector<1x16xi32> to vector<16xi32>
          %swap3A_728 = vector.shape_cast %and3A_720 : vector<16xi32> to vector<1x16xi32>
          tpu.vector_store %arg9[%swap3A_724, %swap3A_725], %swap3A_728 {strides = array<i32>} : memref<4x64xi32, #tpu.memory_space<vmem>>, vector<1x16xi32>,
        }
        %scan3A_692 = arith.constant 4 : i32
        %dma_start3A_693 = arith.constant 2 : i32
        %dma_start3A_694 = arith.constant 0 : i32
        %dma_start3A_695 = tpu.memref_slice %arg8[%dma_start3A_693, %dma_start3A_694] : memref<4x64xi32, #tpu.memory_space<vmem>> -> memref<1x64xi32, #tpu.memory_space<vmem>>
        %dma_start3A_696 = tpu.memref_squeeze %dma_start3A_695 : memref<1x64xi32, #tpu.memory_space<vmem>> -> memref<64xi32, #tpu.memory_space<vmem>>
        %dma_start3A_697 = arith.constant 0 : i32
        %dma_start3A_698 = arith.constant 0 : i32
        %dma_start3A_699 = tpu.memref_slice %arg2[%dma_start3A_697, %dma_start3A_698] : memref<10000x48xf32, #tpu.memory_space<hbm>> -> memref<10000x48xf32, #tpu.memory_space<hbm>>
        tpu.enqueue_indirect_dma source(%dma_start3A_699 : memref<10000x48xf32, #tpu.memory_space<hbm>>) target(%arg12 : memref<64x48xf32, #tpu.memory_space<vmem>>) offsets(%dma_start3A_696 : memref<64xi32, #tpu.memory_space<vmem>>) semaphore(%arg16 : memref<!tpu.dma_semaphore, #tpu.memory_space<semaphore_mem>>)
      } else {
      }
      %dma_wait3A_593 = arith.constant 0 : i32
      %dma_wait3A_594 = arith.constant 0 : i32
      %dma_wait3A_595 = tpu.memref_slice %arg8[%dma_wait3A_593, %dma_wait3A_594] : memref<4x64xi32, #tpu.memory_space<vmem>> -> memref<1x64xi32, #tpu.memory_space<vmem>>
      %dma_wait3A_596 = tpu.memref_squeeze %dma_wait3A_595 : memref<1x64xi32, #tpu.memory_space<vmem>> -> memref<64xi32, #tpu.memory_space<vmem>>
      %dma_wait3A_597 = arith.constant 0 : i32
      %dma_wait3A_598 = arith.constant 0 : i32
      %dma_wait3A_599 = tpu.memref_slice %arg2[%dma_wait3A_597, %dma_wait3A_598] : memref<10000x48xf32, #tpu.memory_space<hbm>> -> memref<10000x48xf32, #tpu.memory_space<hbm>>
      tpu.wait_indirect_dma semaphore(%arg14 : memref<!tpu.dma_semaphore, #tpu.memory_space<semaphore_mem>>) src(%dma_wait3A_599 : memref<10000x48xf32, #tpu.memory_space<hbm>>) dst(%arg10 : memref<64x48xf32, #tpu.memory_space<vmem>>)
      %dma_start3A_600 = arith.constant 0 : i32
      %dma_start3A_601 = arith.constant 0 : i32
      %dma_start3A_602 = tpu.memref_slice %arg9[%dma_start3A_600, %dma_start3A_601] : memref<4x64xi32, #tpu.memory_space<vmem>> -> memref<1x64xi32, #tpu.memory_space<vmem>>
      %dma_start3A_603 = tpu.memref_squeeze %dma_start3A_602 : memref<1x64xi32, #tpu.memory_space<vmem>> -> memref<64xi32, #tpu.memory_space<vmem>>
      %dma_start3A_604 = arith.constant 0 : i32
      %dma_start3A_605 = arith.constant 0 : i32
      %dma_start3A_606 = tpu.memref_slice %arg6[%dma_start3A_604, %dma_start3A_605] : memref<10240x48xf32, #tpu.memory_space<vmem_shared>> -> memref<10240x48xf32, #tpu.memory_space<vmem_shared>>
      tpu.enqueue_indirect_dma source(%arg10 : memref<64x48xf32, #tpu.memory_space<vmem>>) target(%dma_start3A_606 : memref<10240x48xf32, #tpu.memory_space<vmem_shared>>) offsets(%dma_start3A_603 : memref<64xi32, #tpu.memory_space<vmem>>) semaphore(%arg18 : memref<!tpu.dma_semaphore, #tpu.memory_space<semaphore_mem>>) {add = true}
      %mul3A_607 = arith.constant 4 : i32
      %mul3A_608 = arith.muli %add3A_582, %mul3A_607 : i32
      %add3A_609 = arith.constant 1 : i32
      %add3A_610 = arith.addi %mul3A_608, %add3A_609 : i32
      %add3A_611 = arith.constant 2 : i32
      %add3A_612 = arith.addi %add3A_610, %add3A_611 : i32
      %lt3A_613 = arith.constant 160 : i32
      %lt3A_614 = arith.cmpi slt, %add3A_612, %lt3A_613 : i32
      %convert_element_type3A_615 = arith.extui %lt3A_614 : i1 to i32
      %cond3A_616 = arith.constant 0 : i32
      %cond3A_617 = arith.cmpi ne, %convert_element_type3A_615, %cond3A_616 : i32
      scf.if %cond3A_617 {
        %ge3A = arith.constant 2 : i32
        %ge3A_682 = arith.cmpi sge, %add3A_610, %ge3A : i32
        %convert_element_type3A_683 = arith.extui %ge3A_682 : i1 to i32
        %cond3A_684 = arith.constant 0 : i32
        %cond3A_685 = arith.cmpi ne, %convert_element_type3A_683, %cond3A_684 : i32
        scf.if %cond3A_685 {
          %dma_wait3A_700 = arith.constant 3 : i32
          %dma_wait3A_701 = arith.constant 0 : i32
          %dma_wait3A_702 = tpu.memref_slice %arg9[%dma_wait3A_700, %dma_wait3A_701] : memref<4x64xi32, #tpu.memory_space<vmem>> -> memref<1x64xi32, #tpu.memory_space<vmem>>
          %dma_wait3A_703 = tpu.memref_squeeze %dma_wait3A_702 : memref<1x64xi32, #tpu.memory_space<vmem>> -> memref<64xi32, #tpu.memory_space<vmem>>
          %dma_wait3A_704 = arith.constant 0 : i32
          %dma_wait3A_705 = arith.constant 0 : i32
          %dma_wait3A_706 = tpu.memref_slice %arg6[%dma_wait3A_704, %dma_wait3A_705] : memref<10240x48xf32, #tpu.memory_space<vmem_shared>> -> memref<10240x48xf32, #tpu.memory_space<vmem_shared>>
          tpu.wait_indirect_dma semaphore(%arg21 : memref<!tpu.dma_semaphore, #tpu.memory_space<semaphore_mem>>) src(%arg13 : memref<64x48xf32, #tpu.memory_space<vmem>>) dst(%dma_wait3A_706 : memref<10240x48xf32, #tpu.memory_space<vmem_shared>>)
        } else {
        }
        %add3A_686 = arith.constant 2 : i32
        %add3A_687 = arith.addi %add3A_610, %add3A_686 : i32
        %scan3A_688 = arith.constant 0 : i32
        %scan3A_689 = arith.constant 4 : i32
        %scan3A_690 = arith.addi %scan3A_688, %scan3A_689 : i32
        %scan3A_691 = arith.constant 1 : i32
        scf.for %scan3A_700 = %scan3A_688 to %scan3A_690 step %scan3A_691  : i32 {
          %mul3A_701 = arith.constant 1 : i32
          %mul3A_702 = arith.muli %scan3A_700, %mul3A_701 : i32
          %add3A_703 = arith.constant 0 : i32
          %add3A_704 = arith.addi %add3A_703, %mul3A_702 : i32
          %mul3A_705 = arith.constant 16 : i32
          %mul3A_706 = arith.muli %add3A_704, %mul3A_705 : i32
          %get3A = arith.index_cast %add3A_687 : i32 to index
          %get3A_707 = arith.index_cast %mul3A_706 : i32 to index
          %get3A_708 = tpu.vector_load %arg7[%get3A, %get3A_707] {strides = array<i32>} : memref<160x64xi32, #tpu.memory_space<vmem>>, vector<1x16xi32>,
          %get3A_709 = vector.shape_cast %get3A_708 : vector<1x16xi32> to vector<16xi32>
          %shift_right_logical3A = arith.constant 14 : i32
          %shift_right_logical3A_710 = vector.broadcast %shift_right_logical3A : i32 to vector<16xi32>
          %shift_right_logical3A_711 = arith.shrui %get3A_709, %shift_right_logical3A_710 : vector<16xi32>
          %mul3A_712 = arith.constant 16 : i32
          %mul3A_713 = arith.muli %add3A_704, %mul3A_712 : i32
          %swap3A = arith.constant 3 : i32
          %swap3A_714 = arith.index_cast %swap3A : i32 to index
          %swap3A_715 = arith.index_cast %mul3A_713 : i32 to index
          %swap3A_716 = tpu.vector_load %arg8[%swap3A_714, %swap3A_715] {strides = array<i32>} : memref<4x64xi32, #tpu.memory_space<vmem>>, vector<1x16xi32>,
          %swap3A_717 = vector.shape_cast %swap3A_716 : vector<1x16xi32> to vector<16xi32>
          %swap3A_718 = vector.shape_cast %shift_right_logical3A_711 : vector<16xi32> to vector<1x16xi32>
          tpu.vector_store %arg8[%swap3A_714, %swap3A_715], %swap3A_718 {strides = array<i32>} : memref<4x64xi32, #tpu.memory_space<vmem>>, vector<1x16xi32>,
          %and3A = arith.constant 16383 : i32
          %and3A_719 = vector.broadcast %and3A : i32 to vector<16xi32>
          %and3A_720 = arith.andi %get3A_709, %and3A_719 : vector<16xi32>
          %mul3A_721 = arith.constant 16 : i32
          %mul3A_722 = arith.muli %add3A_704, %mul3A_721 : i32
          %swap3A_723 = arith.constant 3 : i32
          %swap3A_724 = arith.index_cast %swap3A_723 : i32 to index
          %swap3A_725 = arith.index_cast %mul3A_722 : i32 to index
          %swap3A_726 = tpu.vector_load %arg9[%swap3A_724, %swap3A_725] {strides = array<i32>} : memref<4x64xi32, #tpu.memory_space<vmem>>, vector<1x16xi32>,
          %swap3A_727 = vector.shape_cast %swap3A_726 : vector<1x16xi32> to vector<16xi32>
          %swap3A_728 = vector.shape_cast %and3A_720 : vector<16xi32> to vector<1x16xi32>
          tpu.vector_store %arg9[%swap3A_724, %swap3A_725], %swap3A_728 {strides = array<i32>} : memref<4x64xi32, #tpu.memory_space<vmem>>, vector<1x16xi32>,
        }
        %scan3A_692 = arith.constant 4 : i32
        %dma_start3A_693 = arith.constant 3 : i32
        %dma_start3A_694 = arith.constant 0 : i32
        %dma_start3A_695 = tpu.memref_slice %arg8[%dma_start3A_693, %dma_start3A_694] : memref<4x64xi32, #tpu.memory_space<vmem>> -> memref<1x64xi32, #tpu.memory_space<vmem>>
        %dma_start3A_696 = tpu.memref_squeeze %dma_start3A_695 : memref<1x64xi32, #tpu.memory_space<vmem>> -> memref<64xi32, #tpu.memory_space<vmem>>
        %dma_start3A_697 = arith.constant 0 : i32
        %dma_start3A_698 = arith.constant 0 : i32
        %dma_start3A_699 = tpu.memref_slice %arg2[%dma_start3A_697, %dma_start3A_698] : memref<10000x48xf32, #tpu.memory_space<hbm>> -> memref<10000x48xf32, #tpu.memory_space<hbm>>
        tpu.enqueue_indirect_dma source(%dma_start3A_699 : memref<10000x48xf32, #tpu.memory_space<hbm>>) target(%arg13 : memref<64x48xf32, #tpu.memory_space<vmem>>) offsets(%dma_start3A_696 : memref<64xi32, #tpu.memory_space<vmem>>) semaphore(%arg17 : memref<!tpu.dma_semaphore, #tpu.memory_space<semaphore_mem>>)
      } else {
      }
      %dma_wait3A_618 = arith.constant 1 : i32
      %dma_wait3A_619 = arith.constant 0 : i32
      %dma_wait3A_620 = tpu.memref_slice %arg8[%dma_wait3A_618, %dma_wait3A_619] : memref<4x64xi32, #tpu.memory_space<vmem>> -> memref<1x64xi32, #tpu.memory_space<vmem>>
      %dma_wait3A_621 = tpu.memref_squeeze %dma_wait3A_620 : memref<1x64xi32, #tpu.memory_space<vmem>> -> memref<64xi32, #tpu.memory_space<vmem>>
      %dma_wait3A_622 = arith.constant 0 : i32
      %dma_wait3A_623 = arith.constant 0 : i32
      %dma_wait3A_624 = tpu.memref_slice %arg2[%dma_wait3A_622, %dma_wait3A_623] : memref<10000x48xf32, #tpu.memory_space<hbm>> -> memref<10000x48xf32, #tpu.memory_space<hbm>>
      tpu.wait_indirect_dma semaphore(%arg15 : memref<!tpu.dma_semaphore, #tpu.memory_space<semaphore_mem>>) src(%dma_wait3A_624 : memref<10000x48xf32, #tpu.memory_space<hbm>>) dst(%arg11 : memref<64x48xf32, #tpu.memory_space<vmem>>)
      %dma_start3A_625 = arith.constant 1 : i32
      %dma_start3A_626 = arith.constant 0 : i32
      %dma_start3A_627 = tpu.memref_slice %arg9[%dma_start3A_625, %dma_start3A_626] : memref<4x64xi32, #tpu.memory_space<vmem>> -> memref<1x64xi32, #tpu.memory_space<vmem>>
      %dma_start3A_628 = tpu.memref_squeeze %dma_start3A_627 : memref<1x64xi32, #tpu.memory_space<vmem>> -> memref<64xi32, #tpu.memory_space<vmem>>
      %dma_start3A_629 = arith.constant 0 : i32
      %dma_start3A_630 = arith.constant 0 : i32
      %dma_start3A_631 = tpu.memref_slice %arg6[%dma_start3A_629, %dma_start3A_630] : memref<10240x48xf32, #tpu.memory_space<vmem_shared>> -> memref<10240x48xf32, #tpu.memory_space<vmem_shared>>
      tpu.enqueue_indirect_dma source(%arg11 : memref<64x48xf32, #tpu.memory_space<vmem>>) target(%dma_start3A_631 : memref<10240x48xf32, #tpu.memory_space<vmem_shared>>) offsets(%dma_start3A_628 : memref<64xi32, #tpu.memory_space<vmem>>) semaphore(%arg19 : memref<!tpu.dma_semaphore, #tpu.memory_space<semaphore_mem>>) {add = true}
      %mul3A_632 = arith.constant 4 : i32
      %mul3A_633 = arith.muli %add3A_582, %mul3A_632 : i32
      %add3A_634 = arith.constant 2 : i32
      %add3A_635 = arith.addi %mul3A_633, %add3A_634 : i32
      %add3A_636 = arith.constant 2 : i32
      %add3A_637 = arith.addi %add3A_635, %add3A_636 : i32
      %lt3A_638 = arith.constant 160 : i32
      %lt3A_639 = arith.cmpi slt, %add3A_637, %lt3A_638 : i32
      %convert_element_type3A_640 = arith.extui %lt3A_639 : i1 to i32
      %cond3A_641 = arith.constant 0 : i32
      %cond3A_642 = arith.cmpi ne, %convert_element_type3A_640, %cond3A_641 : i32
      scf.if %cond3A_642 {
        %ge3A = arith.constant 2 : i32
        %ge3A_682 = arith.cmpi sge, %add3A_635, %ge3A : i32
        %convert_element_type3A_683 = arith.extui %ge3A_682 : i1 to i32
        %cond3A_684 = arith.constant 0 : i32
        %cond3A_685 = arith.cmpi ne, %convert_element_type3A_683, %cond3A_684 : i32
        scf.if %cond3A_685 {
          %dma_wait3A_700 = arith.constant 0 : i32
          %dma_wait3A_701 = arith.constant 0 : i32
          %dma_wait3A_702 = tpu.memref_slice %arg9[%dma_wait3A_700, %dma_wait3A_701] : memref<4x64xi32, #tpu.memory_space<vmem>> -> memref<1x64xi32, #tpu.memory_space<vmem>>
          %dma_wait3A_703 = tpu.memref_squeeze %dma_wait3A_702 : memref<1x64xi32, #tpu.memory_space<vmem>> -> memref<64xi32, #tpu.memory_space<vmem>>
          %dma_wait3A_704 = arith.constant 0 : i32
          %dma_wait3A_705 = arith.constant 0 : i32
          %dma_wait3A_706 = tpu.memref_slice %arg6[%dma_wait3A_704, %dma_wait3A_705] : memref<10240x48xf32, #tpu.memory_space<vmem_shared>> -> memref<10240x48xf32, #tpu.memory_space<vmem_shared>>
          tpu.wait_indirect_dma semaphore(%arg18 : memref<!tpu.dma_semaphore, #tpu.memory_space<semaphore_mem>>) src(%arg10 : memref<64x48xf32, #tpu.memory_space<vmem>>) dst(%dma_wait3A_706 : memref<10240x48xf32, #tpu.memory_space<vmem_shared>>)
        } else {
        }
        %add3A_686 = arith.constant 2 : i32
        %add3A_687 = arith.addi %add3A_635, %add3A_686 : i32
        %scan3A_688 = arith.constant 0 : i32
        %scan3A_689 = arith.constant 4 : i32
        %scan3A_690 = arith.addi %scan3A_688, %scan3A_689 : i32
        %scan3A_691 = arith.constant 1 : i32
        scf.for %scan3A_700 = %scan3A_688 to %scan3A_690 step %scan3A_691  : i32 {
          %mul3A_701 = arith.constant 1 : i32
          %mul3A_702 = arith.muli %scan3A_700, %mul3A_701 : i32
          %add3A_703 = arith.constant 0 : i32
          %add3A_704 = arith.addi %add3A_703, %mul3A_702 : i32
          %mul3A_705 = arith.constant 16 : i32
          %mul3A_706 = arith.muli %add3A_704, %mul3A_705 : i32
          %get3A = arith.index_cast %add3A_687 : i32 to index
          %get3A_707 = arith.index_cast %mul3A_706 : i32 to index
          %get3A_708 = tpu.vector_load %arg7[%get3A, %get3A_707] {strides = array<i32>} : memref<160x64xi32, #tpu.memory_space<vmem>>, vector<1x16xi32>,
          %get3A_709 = vector.shape_cast %get3A_708 : vector<1x16xi32> to vector<16xi32>
          %shift_right_logical3A = arith.constant 14 : i32
          %shift_right_logical3A_710 = vector.broadcast %shift_right_logical3A : i32 to vector<16xi32>
          %shift_right_logical3A_711 = arith.shrui %get3A_709, %shift_right_logical3A_710 : vector<16xi32>
          %mul3A_712 = arith.constant 16 : i32
          %mul3A_713 = arith.muli %add3A_704, %mul3A_712 : i32
          %swap3A = arith.constant 0 : i32
          %swap3A_714 = arith.index_cast %swap3A : i32 to index
          %swap3A_715 = arith.index_cast %mul3A_713 : i32 to index
          %swap3A_716 = tpu.vector_load %arg8[%swap3A_714, %swap3A_715] {strides = array<i32>} : memref<4x64xi32, #tpu.memory_space<vmem>>, vector<1x16xi32>,
          %swap3A_717 = vector.shape_cast %swap3A_716 : vector<1x16xi32> to vector<16xi32>
          %swap3A_718 = vector.shape_cast %shift_right_logical3A_711 : vector<16xi32> to vector<1x16xi32>
          tpu.vector_store %arg8[%swap3A_714, %swap3A_715], %swap3A_718 {strides = array<i32>} : memref<4x64xi32, #tpu.memory_space<vmem>>, vector<1x16xi32>,
          %and3A = arith.constant 16383 : i32
          %and3A_719 = vector.broadcast %and3A : i32 to vector<16xi32>
          %and3A_720 = arith.andi %get3A_709, %and3A_719 : vector<16xi32>
          %mul3A_721 = arith.constant 16 : i32
          %mul3A_722 = arith.muli %add3A_704, %mul3A_721 : i32
          %swap3A_723 = arith.constant 0 : i32
          %swap3A_724 = arith.index_cast %swap3A_723 : i32 to index
          %swap3A_725 = arith.index_cast %mul3A_722 : i32 to index
          %swap3A_726 = tpu.vector_load %arg9[%swap3A_724, %swap3A_725] {strides = array<i32>} : memref<4x64xi32, #tpu.memory_space<vmem>>, vector<1x16xi32>,
          %swap3A_727 = vector.shape_cast %swap3A_726 : vector<1x16xi32> to vector<16xi32>
          %swap3A_728 = vector.shape_cast %and3A_720 : vector<16xi32> to vector<1x16xi32>
          tpu.vector_store %arg9[%swap3A_724, %swap3A_725], %swap3A_728 {strides = array<i32>} : memref<4x64xi32, #tpu.memory_space<vmem>>, vector<1x16xi32>,
        }
        %scan3A_692 = arith.constant 4 : i32
        %dma_start3A_693 = arith.constant 0 : i32
        %dma_start3A_694 = arith.constant 0 : i32
        %dma_start3A_695 = tpu.memref_slice %arg8[%dma_start3A_693, %dma_start3A_694] : memref<4x64xi32, #tpu.memory_space<vmem>> -> memref<1x64xi32, #tpu.memory_space<vmem>>
        %dma_start3A_696 = tpu.memref_squeeze %dma_start3A_695 : memref<1x64xi32, #tpu.memory_space<vmem>> -> memref<64xi32, #tpu.memory_space<vmem>>
        %dma_start3A_697 = arith.constant 0 : i32
        %dma_start3A_698 = arith.constant 0 : i32
        %dma_start3A_699 = tpu.memref_slice %arg2[%dma_start3A_697, %dma_start3A_698] : memref<10000x48xf32, #tpu.memory_space<hbm>> -> memref<10000x48xf32, #tpu.memory_space<hbm>>
        tpu.enqueue_indirect_dma source(%dma_start3A_699 : memref<10000x48xf32, #tpu.memory_space<hbm>>) target(%arg10 : memref<64x48xf32, #tpu.memory_space<vmem>>) offsets(%dma_start3A_696 : memref<64xi32, #tpu.memory_space<vmem>>) semaphore(%arg14 : memref<!tpu.dma_semaphore, #tpu.memory_space<semaphore_mem>>)
      } else {
      }
      %dma_wait3A_643 = arith.constant 2 : i32
      %dma_wait3A_644 = arith.constant 0 : i32
      %dma_wait3A_645 = tpu.memref_slice %arg8[%dma_wait3A_643, %dma_wait3A_644] : memref<4x64xi32, #tpu.memory_space<vmem>> -> memref<1x64xi32, #tpu.memory_space<vmem>>
      %dma_wait3A_646 = tpu.memref_squeeze %dma_wait3A_645 : memref<1x64xi32, #tpu.memory_space<vmem>> -> memref<64xi32, #tpu.memory_space<vmem>>
      %dma_wait3A_647 = arith.constant 0 : i32
      %dma_wait3A_648 = arith.constant 0 : i32
      %dma_wait3A_649 = tpu.memref_slice %arg2[%dma_wait3A_647, %dma_wait3A_648] : memref<10000x48xf32, #tpu.memory_space<hbm>> -> memref<10000x48xf32, #tpu.memory_space<hbm>>
      tpu.wait_indirect_dma semaphore(%arg16 : memref<!tpu.dma_semaphore, #tpu.memory_space<semaphore_mem>>) src(%dma_wait3A_649 : memref<10000x48xf32, #tpu.memory_space<hbm>>) dst(%arg12 : memref<64x48xf32, #tpu.memory_space<vmem>>)
      %dma_start3A_650 = arith.constant 2 : i32
      %dma_start3A_651 = arith.constant 0 : i32
      %dma_start3A_652 = tpu.memref_slice %arg9[%dma_start3A_650, %dma_start3A_651] : memref<4x64xi32, #tpu.memory_space<vmem>> -> memref<1x64xi32, #tpu.memory_space<vmem>>
      %dma_start3A_653 = tpu.memref_squeeze %dma_start3A_652 : memref<1x64xi32, #tpu.memory_space<vmem>> -> memref<64xi32, #tpu.memory_space<vmem>>
      %dma_start3A_654 = arith.constant 0 : i32
      %dma_start3A_655 = arith.constant 0 : i32
      %dma_start3A_656 = tpu.memref_slice %arg6[%dma_start3A_654, %dma_start3A_655] : memref<10240x48xf32, #tpu.memory_space<vmem_shared>> -> memref<10240x48xf32, #tpu.memory_space<vmem_shared>>
      tpu.enqueue_indirect_dma source(%arg12 : memref<64x48xf32, #tpu.memory_space<vmem>>) target(%dma_start3A_656 : memref<10240x48xf32, #tpu.memory_space<vmem_shared>>) offsets(%dma_start3A_653 : memref<64xi32, #tpu.memory_space<vmem>>) semaphore(%arg20 : memref<!tpu.dma_semaphore, #tpu.memory_space<semaphore_mem>>) {add = true}
      %mul3A_657 = arith.constant 4 : i32
      %mul3A_658 = arith.muli %add3A_582, %mul3A_657 : i32
      %add3A_659 = arith.constant 3 : i32
      %add3A_660 = arith.addi %mul3A_658, %add3A_659 : i32
      %add3A_661 = arith.constant 2 : i32
      %add3A_662 = arith.addi %add3A_660, %add3A_661 : i32
      %lt3A_663 = arith.constant 160 : i32
      %lt3A_664 = arith.cmpi slt, %add3A_662, %lt3A_663 : i32
      %convert_element_type3A_665 = arith.extui %lt3A_664 : i1 to i32
      %cond3A_666 = arith.constant 0 : i32
      %cond3A_667 = arith.cmpi ne, %convert_element_type3A_665, %cond3A_666 : i32
      scf.if %cond3A_667 {
        %ge3A = arith.constant 2 : i32
        %ge3A_682 = arith.cmpi sge, %add3A_660, %ge3A : i32
        %convert_element_type3A_683 = arith.extui %ge3A_682 : i1 to i32
        %cond3A_684 = arith.constant 0 : i32
        %cond3A_685 = arith.cmpi ne, %convert_element_type3A_683, %cond3A_684 : i32
        scf.if %cond3A_685 {
          %dma_wait3A_700 = arith.constant 1 : i32
          %dma_wait3A_701 = arith.constant 0 : i32
          %dma_wait3A_702 = tpu.memref_slice %arg9[%dma_wait3A_700, %dma_wait3A_701] : memref<4x64xi32, #tpu.memory_space<vmem>> -> memref<1x64xi32, #tpu.memory_space<vmem>>
          %dma_wait3A_703 = tpu.memref_squeeze %dma_wait3A_702 : memref<1x64xi32, #tpu.memory_space<vmem>> -> memref<64xi32, #tpu.memory_space<vmem>>
          %dma_wait3A_704 = arith.constant 0 : i32
          %dma_wait3A_705 = arith.constant 0 : i32
          %dma_wait3A_706 = tpu.memref_slice %arg6[%dma_wait3A_704, %dma_wait3A_705] : memref<10240x48xf32, #tpu.memory_space<vmem_shared>> -> memref<10240x48xf32, #tpu.memory_space<vmem_shared>>
          tpu.wait_indirect_dma semaphore(%arg19 : memref<!tpu.dma_semaphore, #tpu.memory_space<semaphore_mem>>) src(%arg11 : memref<64x48xf32, #tpu.memory_space<vmem>>) dst(%dma_wait3A_706 : memref<10240x48xf32, #tpu.memory_space<vmem_shared>>)
        } else {
        }
        %add3A_686 = arith.constant 2 : i32
        %add3A_687 = arith.addi %add3A_660, %add3A_686 : i32
        %scan3A_688 = arith.constant 0 : i32
        %scan3A_689 = arith.constant 4 : i32
        %scan3A_690 = arith.addi %scan3A_688, %scan3A_689 : i32
        %scan3A_691 = arith.constant 1 : i32
        scf.for %scan3A_700 = %scan3A_688 to %scan3A_690 step %scan3A_691  : i32 {
          %mul3A_701 = arith.constant 1 : i32
          %mul3A_702 = arith.muli %scan3A_700, %mul3A_701 : i32
          %add3A_703 = arith.constant 0 : i32
          %add3A_704 = arith.addi %add3A_703, %mul3A_702 : i32
          %mul3A_705 = arith.constant 16 : i32
          %mul3A_706 = arith.muli %add3A_704, %mul3A_705 : i32
          %get3A = arith.index_cast %add3A_687 : i32 to index
          %get3A_707 = arith.index_cast %mul3A_706 : i32 to index
          %get3A_708 = tpu.vector_load %arg7[%get3A, %get3A_707] {strides = array<i32>} : memref<160x64xi32, #tpu.memory_space<vmem>>, vector<1x16xi32>,
          %get3A_709 = vector.shape_cast %get3A_708 : vector<1x16xi32> to vector<16xi32>
          %shift_right_logical3A = arith.constant 14 : i32
          %shift_right_logical3A_710 = vector.broadcast %shift_right_logical3A : i32 to vector<16xi32>
          %shift_right_logical3A_711 = arith.shrui %get3A_709, %shift_right_logical3A_710 : vector<16xi32>
          %mul3A_712 = arith.constant 16 : i32
          %mul3A_713 = arith.muli %add3A_704, %mul3A_712 : i32
          %swap3A = arith.constant 1 : i32
          %swap3A_714 = arith.index_cast %swap3A : i32 to index
          %swap3A_715 = arith.index_cast %mul3A_713 : i32 to index
          %swap3A_716 = tpu.vector_load %arg8[%swap3A_714, %swap3A_715] {strides = array<i32>} : memref<4x64xi32, #tpu.memory_space<vmem>>, vector<1x16xi32>,
          %swap3A_717 = vector.shape_cast %swap3A_716 : vector<1x16xi32> to vector<16xi32>
          %swap3A_718 = vector.shape_cast %shift_right_logical3A_711 : vector<16xi32> to vector<1x16xi32>
          tpu.vector_store %arg8[%swap3A_714, %swap3A_715], %swap3A_718 {strides = array<i32>} : memref<4x64xi32, #tpu.memory_space<vmem>>, vector<1x16xi32>,
          %and3A = arith.constant 16383 : i32
          %and3A_719 = vector.broadcast %and3A : i32 to vector<16xi32>
          %and3A_720 = arith.andi %get3A_709, %and3A_719 : vector<16xi32>
          %mul3A_721 = arith.constant 16 : i32
          %mul3A_722 = arith.muli %add3A_704, %mul3A_721 : i32
          %swap3A_723 = arith.constant 1 : i32
          %swap3A_724 = arith.index_cast %swap3A_723 : i32 to index
          %swap3A_725 = arith.index_cast %mul3A_722 : i32 to index
          %swap3A_726 = tpu.vector_load %arg9[%swap3A_724, %swap3A_725] {strides = array<i32>} : memref<4x64xi32, #tpu.memory_space<vmem>>, vector<1x16xi32>,
          %swap3A_727 = vector.shape_cast %swap3A_726 : vector<1x16xi32> to vector<16xi32>
          %swap3A_728 = vector.shape_cast %and3A_720 : vector<16xi32> to vector<1x16xi32>
          tpu.vector_store %arg9[%swap3A_724, %swap3A_725], %swap3A_728 {strides = array<i32>} : memref<4x64xi32, #tpu.memory_space<vmem>>, vector<1x16xi32>,
        }
        %scan3A_692 = arith.constant 4 : i32
        %dma_start3A_693 = arith.constant 1 : i32
        %dma_start3A_694 = arith.constant 0 : i32
        %dma_start3A_695 = tpu.memref_slice %arg8[%dma_start3A_693, %dma_start3A_694] : memref<4x64xi32, #tpu.memory_space<vmem>> -> memref<1x64xi32, #tpu.memory_space<vmem>>
        %dma_start3A_696 = tpu.memref_squeeze %dma_start3A_695 : memref<1x64xi32, #tpu.memory_space<vmem>> -> memref<64xi32, #tpu.memory_space<vmem>>
        %dma_start3A_697 = arith.constant 0 : i32
        %dma_start3A_698 = arith.constant 0 : i32
        %dma_start3A_699 = tpu.memref_slice %arg2[%dma_start3A_697, %dma_start3A_698] : memref<10000x48xf32, #tpu.memory_space<hbm>> -> memref<10000x48xf32, #tpu.memory_space<hbm>>
        tpu.enqueue_indirect_dma source(%dma_start3A_699 : memref<10000x48xf32, #tpu.memory_space<hbm>>) target(%arg11 : memref<64x48xf32, #tpu.memory_space<vmem>>) offsets(%dma_start3A_696 : memref<64xi32, #tpu.memory_space<vmem>>) semaphore(%arg15 : memref<!tpu.dma_semaphore, #tpu.memory_space<semaphore_mem>>)
      } else {
      }
      %dma_wait3A_668 = arith.constant 3 : i32
      %dma_wait3A_669 = arith.constant 0 : i32
      %dma_wait3A_670 = tpu.memref_slice %arg8[%dma_wait3A_668, %dma_wait3A_669] : memref<4x64xi32, #tpu.memory_space<vmem>> -> memref<1x64xi32, #tpu.memory_space<vmem>>
      %dma_wait3A_671 = tpu.memref_squeeze %dma_wait3A_670 : memref<1x64xi32, #tpu.memory_space<vmem>> -> memref<64xi32, #tpu.memory_space<vmem>>
      %dma_wait3A_672 = arith.constant 0 : i32
      %dma_wait3A_673 = arith.constant 0 : i32
      %dma_wait3A_674 = tpu.memref_slice %arg2[%dma_wait3A_672, %dma_wait3A_673] : memref<10000x48xf32, #tpu.memory_space<hbm>> -> memref<10000x48xf32, #tpu.memory_space<hbm>>
      tpu.wait_indirect_dma semaphore(%arg17 : memref<!tpu.dma_semaphore, #tpu.memory_space<semaphore_mem>>) src(%dma_wait3A_674 : memref<10000x48xf32, #tpu.memory_space<hbm>>) dst(%arg13 : memref<64x48xf32, #tpu.memory_space<vmem>>)
      %dma_start3A_675 = arith.constant 3 : i32
      %dma_start3A_676 = arith.constant 0 : i32
      %dma_start3A_677 = tpu.memref_slice %arg9[%dma_start3A_675, %dma_start3A_676] : memref<4x64xi32, #tpu.memory_space<vmem>> -> memref<1x64xi32, #tpu.memory_space<vmem>>
      %dma_start3A_678 = tpu.memref_squeeze %dma_start3A_677 : memref<1x64xi32, #tpu.memory_space<vmem>> -> memref<64xi32, #tpu.memory_space<vmem>>
      %dma_start3A_679 = arith.constant 0 : i32
      %dma_start3A_680 = arith.constant 0 : i32
      %dma_start3A_681 = tpu.memref_slice %arg6[%dma_start3A_679, %dma_start3A_680] : memref<10240x48xf32, #tpu.memory_space<vmem_shared>> -> memref<10240x48xf32, #tpu.memory_space<vmem_shared>>
      tpu.enqueue_indirect_dma source(%arg13 : memref<64x48xf32, #tpu.memory_space<vmem>>) target(%dma_start3A_681 : memref<10240x48xf32, #tpu.memory_space<vmem_shared>>) offsets(%dma_start3A_678 : memref<64xi32, #tpu.memory_space<vmem>>) semaphore(%arg21 : memref<!tpu.dma_semaphore, #tpu.memory_space<semaphore_mem>>) {add = true}
    }
    %scan3A_191 = arith.constant 40 : i32
    %dma_wait3A_192 = arith.constant 0 : i32
    %dma_wait3A_193 = arith.constant 0 : i32
    %dma_wait3A_194 = tpu.memref_slice %arg9[%dma_wait3A_192, %dma_wait3A_193] : memref<4x64xi32, #tpu.memory_space<vmem>> -> memref<1x64xi32, #tpu.memory_space<vmem>>
    %dma_wait3A_195 = tpu.memref_squeeze %dma_wait3A_194 : memref<1x64xi32, #tpu.memory_space<vmem>> -> memref<64xi32, #tpu.memory_space<vmem>>
    %dma_wait3A_196 = arith.constant 0 : i32
    %dma_wait3A_197 = arith.constant 0 : i32
    %dma_wait3A_198 = tpu.memref_slice %arg6[%dma_wait3A_196, %dma_wait3A_197] : memref<10240x48xf32, #tpu.memory_space<vmem_shared>> -> memref<10240x48xf32, #tpu.memory_space<vmem_shared>>
    tpu.wait_indirect_dma semaphore(%arg18 : memref<!tpu.dma_semaphore, #tpu.memory_space<semaphore_mem>>) src(%arg10 : memref<64x48xf32, #tpu.memory_space<vmem>>) dst(%dma_wait3A_198 : memref<10240x48xf32, #tpu.memory_space<vmem_shared>>)
    %dma_wait3A_199 = arith.constant 1 : i32
    %dma_wait3A_200 = arith.constant 0 : i32
    %dma_wait3A_201 = tpu.memref_slice %arg9[%dma_wait3A_199, %dma_wait3A_200] : memref<4x64xi32, #tpu.memory_space<vmem>> -> memref<1x64xi32, #tpu.memory_space<vmem>>
    %dma_wait3A_202 = tpu.memref_squeeze %dma_wait3A_201 : memref<1x64xi32, #tpu.memory_space<vmem>> -> memref<64xi32, #tpu.memory_space<vmem>>
    %dma_wait3A_203 = arith.constant 0 : i32
    %dma_wait3A_204 = arith.constant 0 : i32
    %dma_wait3A_205 = tpu.memref_slice %arg6[%dma_wait3A_203, %dma_wait3A_204] : memref<10240x48xf32, #tpu.memory_space<vmem_shared>> -> memref<10240x48xf32, #tpu.memory_space<vmem_shared>>
    tpu.wait_indirect_dma semaphore(%arg19 : memref<!tpu.dma_semaphore, #tpu.memory_space<semaphore_mem>>) src(%arg11 : memref<64x48xf32, #tpu.memory_space<vmem>>) dst(%dma_wait3A_205 : memref<10240x48xf32, #tpu.memory_space<vmem_shared>>)
    %dma_wait3A_206 = arith.constant 2 : i32
    %dma_wait3A_207 = arith.constant 0 : i32
    %dma_wait3A_208 = tpu.memref_slice %arg9[%dma_wait3A_206, %dma_wait3A_207] : memref<4x64xi32, #tpu.memory_space<vmem>> -> memref<1x64xi32, #tpu.memory_space<vmem>>
    %dma_wait3A_209 = tpu.memref_squeeze %dma_wait3A_208 : memref<1x64xi32, #tpu.memory_space<vmem>> -> memref<64xi32, #tpu.memory_space<vmem>>
    %dma_wait3A_210 = arith.constant 0 : i32
    %dma_wait3A_211 = arith.constant 0 : i32
    %dma_wait3A_212 = tpu.memref_slice %arg6[%dma_wait3A_210, %dma_wait3A_211] : memref<10240x48xf32, #tpu.memory_space<vmem_shared>> -> memref<10240x48xf32, #tpu.memory_space<vmem_shared>>
    tpu.wait_indirect_dma semaphore(%arg20 : memref<!tpu.dma_semaphore, #tpu.memory_space<semaphore_mem>>) src(%arg12 : memref<64x48xf32, #tpu.memory_space<vmem>>) dst(%dma_wait3A_212 : memref<10240x48xf32, #tpu.memory_space<vmem_shared>>)
    %dma_wait3A_213 = arith.constant 3 : i32
    %dma_wait3A_214 = arith.constant 0 : i32
    %dma_wait3A_215 = tpu.memref_slice %arg9[%dma_wait3A_213, %dma_wait3A_214] : memref<4x64xi32, #tpu.memory_space<vmem>> -> memref<1x64xi32, #tpu.memory_space<vmem>>
    %dma_wait3A_216 = tpu.memref_squeeze %dma_wait3A_215 : memref<1x64xi32, #tpu.memory_space<vmem>> -> memref<64xi32, #tpu.memory_space<vmem>>
    %dma_wait3A_217 = arith.constant 0 : i32
    %dma_wait3A_218 = arith.constant 0 : i32
    %dma_wait3A_219 = tpu.memref_slice %arg6[%dma_wait3A_217, %dma_wait3A_218] : memref<10240x48xf32, #tpu.memory_space<vmem_shared>> -> memref<10240x48xf32, #tpu.memory_space<vmem_shared>>
    tpu.wait_indirect_dma semaphore(%arg21 : memref<!tpu.dma_semaphore, #tpu.memory_space<semaphore_mem>>) src(%arg13 : memref<64x48xf32, #tpu.memory_space<vmem>>) dst(%dma_wait3A_219 : memref<10240x48xf32, #tpu.memory_space<vmem_shared>>)
    %barrier3A_220 = arith.constant 0 : index
    tpu.barrier barrier_id(%barrier3A_220)
    %mul3A_221 = arith.constant 640 : i32
    %mul3A_222 = arith.muli %arg1, %mul3A_221 : i32
    %add3A_223 = arith.constant 0 : i32
    %add3A_224 = arith.addi %mul3A_222, %add3A_223 : i32
    %dma_start3A_225 = arith.constant 0 : i32
    %dma_start3A_226 = tpu.memref_slice %arg6[%add3A_224, %dma_start3A_225] : memref<10240x48xf32, #tpu.memory_space<vmem_shared>> -> memref<64x48xf32, #tpu.memory_space<vmem_shared>>
    %dma_start3A_227 = arith.constant 0 : i32
    %dma_start3A_228 = tpu.memref_slice %arg6[%add3A_224, %dma_start3A_227] : memref<10240x48xf32, #tpu.memory_space<vmem_shared>> -> memref<64x48xf32, #tpu.memory_space<vmem_shared>>
    tpu.enqueue_dma source(%dma_start3A_228 : memref<64x48xf32, #tpu.memory_space<vmem_shared>>) target(%arg10 : memref<64x48xf32, #tpu.memory_space<vmem>>) target_semaphore(%arg14 : memref<!tpu.dma_semaphore, #tpu.memory_space<semaphore_mem>>)
    %mul3A_229 = arith.constant 640 : i32
    %mul3A_230 = arith.muli %arg1, %mul3A_229 : i32
    %add3A_231 = arith.constant 0 : i32
    %add3A_232 = arith.addi %mul3A_230, %add3A_231 : i32
    %dma_wait3A_233 = arith.constant 0 : i32
    %dma_wait3A_234 = tpu.memref_slice %arg6[%add3A_232, %dma_wait3A_233] : memref<10240x48xf32, #tpu.memory_space<vmem_shared>> -> memref<64x48xf32, #tpu.memory_space<vmem_shared>>
    %dma_wait3A_235 = arith.constant 0 : i32
    %dma_wait3A_236 = tpu.memref_slice %arg6[%add3A_232, %dma_wait3A_235] : memref<10240x48xf32, #tpu.memory_space<vmem_shared>> -> memref<64x48xf32, #tpu.memory_space<vmem_shared>>
    tpu.wait_dma2 semaphore(%arg14 : memref<!tpu.dma_semaphore, #tpu.memory_space<semaphore_mem>>) src(%dma_wait3A_236 : memref<64x48xf32, #tpu.memory_space<vmem_shared>>) dst(%arg10 : memref<64x48xf32, #tpu.memory_space<vmem>>)
    %mul3A_237 = arith.constant 640 : i32
    %mul3A_238 = arith.muli %arg1, %mul3A_237 : i32
    %add3A_239 = arith.constant 64 : i32
    %add3A_240 = arith.addi %mul3A_238, %add3A_239 : i32
    %dma_start3A_241 = arith.constant 0 : i32
    %dma_start3A_242 = tpu.memref_slice %arg6[%add3A_240, %dma_start3A_241] : memref<10240x48xf32, #tpu.memory_space<vmem_shared>> -> memref<64x48xf32, #tpu.memory_space<vmem_shared>>
    %dma_start3A_243 = arith.constant 0 : i32
    %dma_start3A_244 = tpu.memref_slice %arg6[%add3A_240, %dma_start3A_243] : memref<10240x48xf32, #tpu.memory_space<vmem_shared>> -> memref<64x48xf32, #tpu.memory_space<vmem_shared>>
    tpu.enqueue_dma source(%dma_start3A_244 : memref<64x48xf32, #tpu.memory_space<vmem_shared>>) target(%arg11 : memref<64x48xf32, #tpu.memory_space<vmem>>) target_semaphore(%arg15 : memref<!tpu.dma_semaphore, #tpu.memory_space<semaphore_mem>>)
    %mul3A_245 = arith.constant 640 : i32
    %mul3A_246 = arith.muli %arg1, %mul3A_245 : i32
    %add3A_247 = arith.constant 0 : i32
    %add3A_248 = arith.addi %mul3A_246, %add3A_247 : i32
    %eq3A = arith.constant 0 : i32
    %eq3A_249 = arith.cmpi eq, %arg0, %eq3A : i32
    %convert_element_type3A = arith.extui %eq3A_249 : i1 to i32
    %cond3A = arith.constant 0 : i32
    %cond3A_250 = arith.cmpi ne, %convert_element_type3A, %cond3A : i32
    scf.if %cond3A_250 {
      %dma_start3A_578 = arith.constant 0 : i32
      %dma_start3A_579 = tpu.memref_slice %arg4[%add3A_248, %dma_start3A_578] : memref<10240x48xf32, #tpu.memory_space<hbm>> -> memref<64x48xf32, #tpu.memory_space<hbm>>
      %dma_start3A_580 = arith.constant 0 : i32
      %dma_start3A_581 = tpu.memref_slice %arg4[%add3A_248, %dma_start3A_580] : memref<10240x48xf32, #tpu.memory_space<hbm>> -> memref<64x48xf32, #tpu.memory_space<hbm>>
      tpu.enqueue_dma source(%arg10 : memref<64x48xf32, #tpu.memory_space<vmem>>) target(%dma_start3A_581 : memref<64x48xf32, #tpu.memory_space<hbm>>) target_semaphore(%arg18 : memref<!tpu.dma_semaphore, #tpu.memory_space<semaphore_mem>>)
    } else {
    }
    %eq3A_251 = arith.constant 1 : i32
    %eq3A_252 = arith.cmpi eq, %arg0, %eq3A_251 : i32
    %convert_element_type3A_253 = arith.extui %eq3A_252 : i1 to i32
    %cond3A_254 = arith.constant 0 : i32
    %cond3A_255 = arith.cmpi ne, %convert_element_type3A_253, %cond3A_254 : i32
    scf.if %cond3A_255 {
      %dma_start3A_578 = arith.constant 0 : i32
      %dma_start3A_579 = tpu.memref_slice %arg5[%add3A_248, %dma_start3A_578] : memref<10240x48xf32, #tpu.memory_space<hbm>> -> memref<64x48xf32, #tpu.memory_space<hbm>>
      %dma_start3A_580 = arith.constant 0 : i32
      %dma_start3A_581 = tpu.memref_slice %arg5[%add3A_248, %dma_start3A_580] : memref<10240x48xf32, #tpu.memory_space<hbm>> -> memref<64x48xf32, #tpu.memory_space<hbm>>
      tpu.enqueue_dma source(%arg10 : memref<64x48xf32, #tpu.memory_space<vmem>>) target(%dma_start3A_581 : memref<64x48xf32, #tpu.memory_space<hbm>>) target_semaphore(%arg18 : memref<!tpu.dma_semaphore, #tpu.memory_space<semaphore_mem>>)
    } else {
    }
    %mul3A_256 = arith.constant 640 : i32
    %mul3A_257 = arith.muli %arg1, %mul3A_256 : i32
    %add3A_258 = arith.constant 64 : i32
    %add3A_259 = arith.addi %mul3A_257, %add3A_258 : i32
    %dma_wait3A_260 = arith.constant 0 : i32
    %dma_wait3A_261 = tpu.memref_slice %arg6[%add3A_259, %dma_wait3A_260] : memref<10240x48xf32, #tpu.memory_space<vmem_shared>> -> memref<64x48xf32, #tpu.memory_space<vmem_shared>>
    %dma_wait3A_262 = arith.constant 0 : i32
    %dma_wait3A_263 = tpu.memref_slice %arg6[%add3A_259, %dma_wait3A_262] : memref<10240x48xf32, #tpu.memory_space<vmem_shared>> -> memref<64x48xf32, #tpu.memory_space<vmem_shared>>
    tpu.wait_dma2 semaphore(%arg15 : memref<!tpu.dma_semaphore, #tpu.memory_space<semaphore_mem>>) src(%dma_wait3A_263 : memref<64x48xf32, #tpu.memory_space<vmem_shared>>) dst(%arg11 : memref<64x48xf32, #tpu.memory_space<vmem>>)
    %dma_wait3A_264 = arith.constant 0 : i32
    %dma_wait3A_265 = arith.constant 0 : i32
    %dma_wait3A_266 = tpu.memref_slice %arg4[%dma_wait3A_264, %dma_wait3A_265] : memref<10240x48xf32, #tpu.memory_space<hbm>> -> memref<64x48xf32, #tpu.memory_space<hbm>>
    %dma_wait3A_267 = arith.constant 0 : i32
    %dma_wait3A_268 = arith.constant 0 : i32
    %dma_wait3A_269 = tpu.memref_slice %arg4[%dma_wait3A_267, %dma_wait3A_268] : memref<10240x48xf32, #tpu.memory_space<hbm>> -> memref<64x48xf32, #tpu.memory_space<hbm>>
    tpu.wait_dma2 semaphore(%arg18 : memref<!tpu.dma_semaphore, #tpu.memory_space<semaphore_mem>>) src(%arg10 : memref<64x48xf32, #tpu.memory_space<vmem>>) dst(%dma_wait3A_269 : memref<64x48xf32, #tpu.memory_space<hbm>>)
    %mul3A_270 = arith.constant 640 : i32
    %mul3A_271 = arith.muli %arg1, %mul3A_270 : i32
    %add3A_272 = arith.constant 128 : i32
    %add3A_273 = arith.addi %mul3A_271, %add3A_272 : i32
    %dma_start3A_274 = arith.constant 0 : i32
    %dma_start3A_275 = tpu.memref_slice %arg6[%add3A_273, %dma_start3A_274] : memref<10240x48xf32, #tpu.memory_space<vmem_shared>> -> memref<64x48xf32, #tpu.memory_space<vmem_shared>>
    %dma_start3A_276 = arith.constant 0 : i32
    %dma_start3A_277 = tpu.memref_slice %arg6[%add3A_273, %dma_start3A_276] : memref<10240x48xf32, #tpu.memory_space<vmem_shared>> -> memref<64x48xf32, #tpu.memory_space<vmem_shared>>
    tpu.enqueue_dma source(%dma_start3A_277 : memref<64x48xf32, #tpu.memory_space<vmem_shared>>) target(%arg10 : memref<64x48xf32, #tpu.memory_space<vmem>>) target_semaphore(%arg14 : memref<!tpu.dma_semaphore, #tpu.memory_space<semaphore_mem>>)
    %mul3A_278 = arith.constant 640 : i32
    %mul3A_279 = arith.muli %arg1, %mul3A_278 : i32
    %add3A_280 = arith.constant 64 : i32
    %add3A_281 = arith.addi %mul3A_279, %add3A_280 : i32
    %eq3A_282 = arith.constant 0 : i32
    %eq3A_283 = arith.cmpi eq, %arg0, %eq3A_282 : i32
    %convert_element_type3A_284 = arith.extui %eq3A_283 : i1 to i32
    %cond3A_285 = arith.constant 0 : i32
    %cond3A_286 = arith.cmpi ne, %convert_element_type3A_284, %cond3A_285 : i32
    scf.if %cond3A_286 {
      %dma_start3A_578 = arith.constant 0 : i32
      %dma_start3A_579 = tpu.memref_slice %arg4[%add3A_281, %dma_start3A_578] : memref<10240x48xf32, #tpu.memory_space<hbm>> -> memref<64x48xf32, #tpu.memory_space<hbm>>
      %dma_start3A_580 = arith.constant 0 : i32
      %dma_start3A_581 = tpu.memref_slice %arg4[%add3A_281, %dma_start3A_580] : memref<10240x48xf32, #tpu.memory_space<hbm>> -> memref<64x48xf32, #tpu.memory_space<hbm>>
      tpu.enqueue_dma source(%arg11 : memref<64x48xf32, #tpu.memory_space<vmem>>) target(%dma_start3A_581 : memref<64x48xf32, #tpu.memory_space<hbm>>) target_semaphore(%arg19 : memref<!tpu.dma_semaphore, #tpu.memory_space<semaphore_mem>>)
    } else {
    }
    %eq3A_287 = arith.constant 1 : i32
    %eq3A_288 = arith.cmpi eq, %arg0, %eq3A_287 : i32
    %convert_element_type3A_289 = arith.extui %eq3A_288 : i1 to i32
    %cond3A_290 = arith.constant 0 : i32
    %cond3A_291 = arith.cmpi ne, %convert_element_type3A_289, %cond3A_290 : i32
    scf.if %cond3A_291 {
      %dma_start3A_578 = arith.constant 0 : i32
      %dma_start3A_579 = tpu.memref_slice %arg5[%add3A_281, %dma_start3A_578] : memref<10240x48xf32, #tpu.memory_space<hbm>> -> memref<64x48xf32, #tpu.memory_space<hbm>>
      %dma_start3A_580 = arith.constant 0 : i32
      %dma_start3A_581 = tpu.memref_slice %arg5[%add3A_281, %dma_start3A_580] : memref<10240x48xf32, #tpu.memory_space<hbm>> -> memref<64x48xf32, #tpu.memory_space<hbm>>
      tpu.enqueue_dma source(%arg11 : memref<64x48xf32, #tpu.memory_space<vmem>>) target(%dma_start3A_581 : memref<64x48xf32, #tpu.memory_space<hbm>>) target_semaphore(%arg19 : memref<!tpu.dma_semaphore, #tpu.memory_space<semaphore_mem>>)
    } else {
    }
    %mul3A_292 = arith.constant 640 : i32
    %mul3A_293 = arith.muli %arg1, %mul3A_292 : i32
    %add3A_294 = arith.constant 128 : i32
    %add3A_295 = arith.addi %mul3A_293, %add3A_294 : i32
    %dma_wait3A_296 = arith.constant 0 : i32
    %dma_wait3A_297 = tpu.memref_slice %arg6[%add3A_295, %dma_wait3A_296] : memref<10240x48xf32, #tpu.memory_space<vmem_shared>> -> memref<64x48xf32, #tpu.memory_space<vmem_shared>>
    %dma_wait3A_298 = arith.constant 0 : i32
    %dma_wait3A_299 = tpu.memref_slice %arg6[%add3A_295, %dma_wait3A_298] : memref<10240x48xf32, #tpu.memory_space<vmem_shared>> -> memref<64x48xf32, #tpu.memory_space<vmem_shared>>
    tpu.wait_dma2 semaphore(%arg14 : memref<!tpu.dma_semaphore, #tpu.memory_space<semaphore_mem>>) src(%dma_wait3A_299 : memref<64x48xf32, #tpu.memory_space<vmem_shared>>) dst(%arg10 : memref<64x48xf32, #tpu.memory_space<vmem>>)
    %dma_wait3A_300 = arith.constant 0 : i32
    %dma_wait3A_301 = arith.constant 0 : i32
    %dma_wait3A_302 = tpu.memref_slice %arg4[%dma_wait3A_300, %dma_wait3A_301] : memref<10240x48xf32, #tpu.memory_space<hbm>> -> memref<64x48xf32, #tpu.memory_space<hbm>>
    %dma_wait3A_303 = arith.constant 0 : i32
    %dma_wait3A_304 = arith.constant 0 : i32
    %dma_wait3A_305 = tpu.memref_slice %arg4[%dma_wait3A_303, %dma_wait3A_304] : memref<10240x48xf32, #tpu.memory_space<hbm>> -> memref<64x48xf32, #tpu.memory_space<hbm>>
    tpu.wait_dma2 semaphore(%arg19 : memref<!tpu.dma_semaphore, #tpu.memory_space<semaphore_mem>>) src(%arg11 : memref<64x48xf32, #tpu.memory_space<vmem>>) dst(%dma_wait3A_305 : memref<64x48xf32, #tpu.memory_space<hbm>>)
    %mul3A_306 = arith.constant 640 : i32
    %mul3A_307 = arith.muli %arg1, %mul3A_306 : i32
    %add3A_308 = arith.constant 192 : i32
    %add3A_309 = arith.addi %mul3A_307, %add3A_308 : i32
    %dma_start3A_310 = arith.constant 0 : i32
    %dma_start3A_311 = tpu.memref_slice %arg6[%add3A_309, %dma_start3A_310] : memref<10240x48xf32, #tpu.memory_space<vmem_shared>> -> memref<64x48xf32, #tpu.memory_space<vmem_shared>>
    %dma_start3A_312 = arith.constant 0 : i32
    %dma_start3A_313 = tpu.memref_slice %arg6[%add3A_309, %dma_start3A_312] : memref<10240x48xf32, #tpu.memory_space<vmem_shared>> -> memref<64x48xf32, #tpu.memory_space<vmem_shared>>
    tpu.enqueue_dma source(%dma_start3A_313 : memref<64x48xf32, #tpu.memory_space<vmem_shared>>) target(%arg11 : memref<64x48xf32, #tpu.memory_space<vmem>>) target_semaphore(%arg15 : memref<!tpu.dma_semaphore, #tpu.memory_space<semaphore_mem>>)
    %mul3A_314 = arith.constant 640 : i32
    %mul3A_315 = arith.muli %arg1, %mul3A_314 : i32
    %add3A_316 = arith.constant 128 : i32
    %add3A_317 = arith.addi %mul3A_315, %add3A_316 : i32
    %eq3A_318 = arith.constant 0 : i32
    %eq3A_319 = arith.cmpi eq, %arg0, %eq3A_318 : i32
    %convert_element_type3A_320 = arith.extui %eq3A_319 : i1 to i32
    %cond3A_321 = arith.constant 0 : i32
    %cond3A_322 = arith.cmpi ne, %convert_element_type3A_320, %cond3A_321 : i32
    scf.if %cond3A_322 {
      %dma_start3A_578 = arith.constant 0 : i32
      %dma_start3A_579 = tpu.memref_slice %arg4[%add3A_317, %dma_start3A_578] : memref<10240x48xf32, #tpu.memory_space<hbm>> -> memref<64x48xf32, #tpu.memory_space<hbm>>
      %dma_start3A_580 = arith.constant 0 : i32
      %dma_start3A_581 = tpu.memref_slice %arg4[%add3A_317, %dma_start3A_580] : memref<10240x48xf32, #tpu.memory_space<hbm>> -> memref<64x48xf32, #tpu.memory_space<hbm>>
      tpu.enqueue_dma source(%arg10 : memref<64x48xf32, #tpu.memory_space<vmem>>) target(%dma_start3A_581 : memref<64x48xf32, #tpu.memory_space<hbm>>) target_semaphore(%arg18 : memref<!tpu.dma_semaphore, #tpu.memory_space<semaphore_mem>>)
    } else {
    }
    %eq3A_323 = arith.constant 1 : i32
    %eq3A_324 = arith.cmpi eq, %arg0, %eq3A_323 : i32
    %convert_element_type3A_325 = arith.extui %eq3A_324 : i1 to i32
    %cond3A_326 = arith.constant 0 : i32
    %cond3A_327 = arith.cmpi ne, %convert_element_type3A_325, %cond3A_326 : i32
    scf.if %cond3A_327 {
      %dma_start3A_578 = arith.constant 0 : i32
      %dma_start3A_579 = tpu.memref_slice %arg5[%add3A_317, %dma_start3A_578] : memref<10240x48xf32, #tpu.memory_space<hbm>> -> memref<64x48xf32, #tpu.memory_space<hbm>>
      %dma_start3A_580 = arith.constant 0 : i32
      %dma_start3A_581 = tpu.memref_slice %arg5[%add3A_317, %dma_start3A_580] : memref<10240x48xf32, #tpu.memory_space<hbm>> -> memref<64x48xf32, #tpu.memory_space<hbm>>
      tpu.enqueue_dma source(%arg10 : memref<64x48xf32, #tpu.memory_space<vmem>>) target(%dma_start3A_581 : memref<64x48xf32, #tpu.memory_space<hbm>>) target_semaphore(%arg18 : memref<!tpu.dma_semaphore, #tpu.memory_space<semaphore_mem>>)
    } else {
    }
    %mul3A_328 = arith.constant 640 : i32
    %mul3A_329 = arith.muli %arg1, %mul3A_328 : i32
    %add3A_330 = arith.constant 192 : i32
    %add3A_331 = arith.addi %mul3A_329, %add3A_330 : i32
    %dma_wait3A_332 = arith.constant 0 : i32
    %dma_wait3A_333 = tpu.memref_slice %arg6[%add3A_331, %dma_wait3A_332] : memref<10240x48xf32, #tpu.memory_space<vmem_shared>> -> memref<64x48xf32, #tpu.memory_space<vmem_shared>>
    %dma_wait3A_334 = arith.constant 0 : i32
    %dma_wait3A_335 = tpu.memref_slice %arg6[%add3A_331, %dma_wait3A_334] : memref<10240x48xf32, #tpu.memory_space<vmem_shared>> -> memref<64x48xf32, #tpu.memory_space<vmem_shared>>
    tpu.wait_dma2 semaphore(%arg15 : memref<!tpu.dma_semaphore, #tpu.memory_space<semaphore_mem>>) src(%dma_wait3A_335 : memref<64x48xf32, #tpu.memory_space<vmem_shared>>) dst(%arg11 : memref<64x48xf32, #tpu.memory_space<vmem>>)
    %dma_wait3A_336 = arith.constant 0 : i32
    %dma_wait3A_337 = arith.constant 0 : i32
    %dma_wait3A_338 = tpu.memref_slice %arg4[%dma_wait3A_336, %dma_wait3A_337] : memref<10240x48xf32, #tpu.memory_space<hbm>> -> memref<64x48xf32, #tpu.memory_space<hbm>>
    %dma_wait3A_339 = arith.constant 0 : i32
    %dma_wait3A_340 = arith.constant 0 : i32
    %dma_wait3A_341 = tpu.memref_slice %arg4[%dma_wait3A_339, %dma_wait3A_340] : memref<10240x48xf32, #tpu.memory_space<hbm>> -> memref<64x48xf32, #tpu.memory_space<hbm>>
    tpu.wait_dma2 semaphore(%arg18 : memref<!tpu.dma_semaphore, #tpu.memory_space<semaphore_mem>>) src(%arg10 : memref<64x48xf32, #tpu.memory_space<vmem>>) dst(%dma_wait3A_341 : memref<64x48xf32, #tpu.memory_space<hbm>>)
    %mul3A_342 = arith.constant 640 : i32
    %mul3A_343 = arith.muli %arg1, %mul3A_342 : i32
    %add3A_344 = arith.constant 256 : i32
    %add3A_345 = arith.addi %mul3A_343, %add3A_344 : i32
    %dma_start3A_346 = arith.constant 0 : i32
    %dma_start3A_347 = tpu.memref_slice %arg6[%add3A_345, %dma_start3A_346] : memref<10240x48xf32, #tpu.memory_space<vmem_shared>> -> memref<64x48xf32, #tpu.memory_space<vmem_shared>>
    %dma_start3A_348 = arith.constant 0 : i32
    %dma_start3A_349 = tpu.memref_slice %arg6[%add3A_345, %dma_start3A_348] : memref<10240x48xf32, #tpu.memory_space<vmem_shared>> -> memref<64x48xf32, #tpu.memory_space<vmem_shared>>
    tpu.enqueue_dma source(%dma_start3A_349 : memref<64x48xf32, #tpu.memory_space<vmem_shared>>) target(%arg10 : memref<64x48xf32, #tpu.memory_space<vmem>>) target_semaphore(%arg14 : memref<!tpu.dma_semaphore, #tpu.memory_space<semaphore_mem>>)
    %mul3A_350 = arith.constant 640 : i32
    %mul3A_351 = arith.muli %arg1, %mul3A_350 : i32
    %add3A_352 = arith.constant 192 : i32
    %add3A_353 = arith.addi %mul3A_351, %add3A_352 : i32
    %eq3A_354 = arith.constant 0 : i32
    %eq3A_355 = arith.cmpi eq, %arg0, %eq3A_354 : i32
    %convert_element_type3A_356 = arith.extui %eq3A_355 : i1 to i32
    %cond3A_357 = arith.constant 0 : i32
    %cond3A_358 = arith.cmpi ne, %convert_element_type3A_356, %cond3A_357 : i32
    scf.if %cond3A_358 {
      %dma_start3A_578 = arith.constant 0 : i32
      %dma_start3A_579 = tpu.memref_slice %arg4[%add3A_353, %dma_start3A_578] : memref<10240x48xf32, #tpu.memory_space<hbm>> -> memref<64x48xf32, #tpu.memory_space<hbm>>
      %dma_start3A_580 = arith.constant 0 : i32
      %dma_start3A_581 = tpu.memref_slice %arg4[%add3A_353, %dma_start3A_580] : memref<10240x48xf32, #tpu.memory_space<hbm>> -> memref<64x48xf32, #tpu.memory_space<hbm>>
      tpu.enqueue_dma source(%arg11 : memref<64x48xf32, #tpu.memory_space<vmem>>) target(%dma_start3A_581 : memref<64x48xf32, #tpu.memory_space<hbm>>) target_semaphore(%arg19 : memref<!tpu.dma_semaphore, #tpu.memory_space<semaphore_mem>>)
    } else {
    }
    %eq3A_359 = arith.constant 1 : i32
    %eq3A_360 = arith.cmpi eq, %arg0, %eq3A_359 : i32
    %convert_element_type3A_361 = arith.extui %eq3A_360 : i1 to i32
    %cond3A_362 = arith.constant 0 : i32
    %cond3A_363 = arith.cmpi ne, %convert_element_type3A_361, %cond3A_362 : i32
    scf.if %cond3A_363 {
      %dma_start3A_578 = arith.constant 0 : i32
      %dma_start3A_579 = tpu.memref_slice %arg5[%add3A_353, %dma_start3A_578] : memref<10240x48xf32, #tpu.memory_space<hbm>> -> memref<64x48xf32, #tpu.memory_space<hbm>>
      %dma_start3A_580 = arith.constant 0 : i32
      %dma_start3A_581 = tpu.memref_slice %arg5[%add3A_353, %dma_start3A_580] : memref<10240x48xf32, #tpu.memory_space<hbm>> -> memref<64x48xf32, #tpu.memory_space<hbm>>
      tpu.enqueue_dma source(%arg11 : memref<64x48xf32, #tpu.memory_space<vmem>>) target(%dma_start3A_581 : memref<64x48xf32, #tpu.memory_space<hbm>>) target_semaphore(%arg19 : memref<!tpu.dma_semaphore, #tpu.memory_space<semaphore_mem>>)
    } else {
    }
    %mul3A_364 = arith.constant 640 : i32
    %mul3A_365 = arith.muli %arg1, %mul3A_364 : i32
    %add3A_366 = arith.constant 256 : i32
    %add3A_367 = arith.addi %mul3A_365, %add3A_366 : i32
    %dma_wait3A_368 = arith.constant 0 : i32
    %dma_wait3A_369 = tpu.memref_slice %arg6[%add3A_367, %dma_wait3A_368] : memref<10240x48xf32, #tpu.memory_space<vmem_shared>> -> memref<64x48xf32, #tpu.memory_space<vmem_shared>>
    %dma_wait3A_370 = arith.constant 0 : i32
    %dma_wait3A_371 = tpu.memref_slice %arg6[%add3A_367, %dma_wait3A_370] : memref<10240x48xf32, #tpu.memory_space<vmem_shared>> -> memref<64x48xf32, #tpu.memory_space<vmem_shared>>
    tpu.wait_dma2 semaphore(%arg14 : memref<!tpu.dma_semaphore, #tpu.memory_space<semaphore_mem>>) src(%dma_wait3A_371 : memref<64x48xf32, #tpu.memory_space<vmem_shared>>) dst(%arg10 : memref<64x48xf32, #tpu.memory_space<vmem>>)
    %dma_wait3A_372 = arith.constant 0 : i32
    %dma_wait3A_373 = arith.constant 0 : i32
    %dma_wait3A_374 = tpu.memref_slice %arg4[%dma_wait3A_372, %dma_wait3A_373] : memref<10240x48xf32, #tpu.memory_space<hbm>> -> memref<64x48xf32, #tpu.memory_space<hbm>>
    %dma_wait3A_375 = arith.constant 0 : i32
    %dma_wait3A_376 = arith.constant 0 : i32
    %dma_wait3A_377 = tpu.memref_slice %arg4[%dma_wait3A_375, %dma_wait3A_376] : memref<10240x48xf32, #tpu.memory_space<hbm>> -> memref<64x48xf32, #tpu.memory_space<hbm>>
    tpu.wait_dma2 semaphore(%arg19 : memref<!tpu.dma_semaphore, #tpu.memory_space<semaphore_mem>>) src(%arg11 : memref<64x48xf32, #tpu.memory_space<vmem>>) dst(%dma_wait3A_377 : memref<64x48xf32, #tpu.memory_space<hbm>>)
    %mul3A_378 = arith.constant 640 : i32
    %mul3A_379 = arith.muli %arg1, %mul3A_378 : i32
    %add3A_380 = arith.constant 320 : i32
    %add3A_381 = arith.addi %mul3A_379, %add3A_380 : i32
    %dma_start3A_382 = arith.constant 0 : i32
    %dma_start3A_383 = tpu.memref_slice %arg6[%add3A_381, %dma_start3A_382] : memref<10240x48xf32, #tpu.memory_space<vmem_shared>> -> memref<64x48xf32, #tpu.memory_space<vmem_shared>>
    %dma_start3A_384 = arith.constant 0 : i32
    %dma_start3A_385 = tpu.memref_slice %arg6[%add3A_381, %dma_start3A_384] : memref<10240x48xf32, #tpu.memory_space<vmem_shared>> -> memref<64x48xf32, #tpu.memory_space<vmem_shared>>
    tpu.enqueue_dma source(%dma_start3A_385 : memref<64x48xf32, #tpu.memory_space<vmem_shared>>) target(%arg11 : memref<64x48xf32, #tpu.memory_space<vmem>>) target_semaphore(%arg15 : memref<!tpu.dma_semaphore, #tpu.memory_space<semaphore_mem>>)
    %mul3A_386 = arith.constant 640 : i32
    %mul3A_387 = arith.muli %arg1, %mul3A_386 : i32
    %add3A_388 = arith.constant 256 : i32
    %add3A_389 = arith.addi %mul3A_387, %add3A_388 : i32
    %eq3A_390 = arith.constant 0 : i32
    %eq3A_391 = arith.cmpi eq, %arg0, %eq3A_390 : i32
    %convert_element_type3A_392 = arith.extui %eq3A_391 : i1 to i32
    %cond3A_393 = arith.constant 0 : i32
    %cond3A_394 = arith.cmpi ne, %convert_element_type3A_392, %cond3A_393 : i32
    scf.if %cond3A_394 {
      %dma_start3A_578 = arith.constant 0 : i32
      %dma_start3A_579 = tpu.memref_slice %arg4[%add3A_389, %dma_start3A_578] : memref<10240x48xf32, #tpu.memory_space<hbm>> -> memref<64x48xf32, #tpu.memory_space<hbm>>
      %dma_start3A_580 = arith.constant 0 : i32
      %dma_start3A_581 = tpu.memref_slice %arg4[%add3A_389, %dma_start3A_580] : memref<10240x48xf32, #tpu.memory_space<hbm>> -> memref<64x48xf32, #tpu.memory_space<hbm>>
      tpu.enqueue_dma source(%arg10 : memref<64x48xf32, #tpu.memory_space<vmem>>) target(%dma_start3A_581 : memref<64x48xf32, #tpu.memory_space<hbm>>) target_semaphore(%arg18 : memref<!tpu.dma_semaphore, #tpu.memory_space<semaphore_mem>>)
    } else {
    }
    %eq3A_395 = arith.constant 1 : i32
    %eq3A_396 = arith.cmpi eq, %arg0, %eq3A_395 : i32
    %convert_element_type3A_397 = arith.extui %eq3A_396 : i1 to i32
    %cond3A_398 = arith.constant 0 : i32
    %cond3A_399 = arith.cmpi ne, %convert_element_type3A_397, %cond3A_398 : i32
    scf.if %cond3A_399 {
      %dma_start3A_578 = arith.constant 0 : i32
      %dma_start3A_579 = tpu.memref_slice %arg5[%add3A_389, %dma_start3A_578] : memref<10240x48xf32, #tpu.memory_space<hbm>> -> memref<64x48xf32, #tpu.memory_space<hbm>>
      %dma_start3A_580 = arith.constant 0 : i32
      %dma_start3A_581 = tpu.memref_slice %arg5[%add3A_389, %dma_start3A_580] : memref<10240x48xf32, #tpu.memory_space<hbm>> -> memref<64x48xf32, #tpu.memory_space<hbm>>
      tpu.enqueue_dma source(%arg10 : memref<64x48xf32, #tpu.memory_space<vmem>>) target(%dma_start3A_581 : memref<64x48xf32, #tpu.memory_space<hbm>>) target_semaphore(%arg18 : memref<!tpu.dma_semaphore, #tpu.memory_space<semaphore_mem>>)
    } else {
    }
    %mul3A_400 = arith.constant 640 : i32
    %mul3A_401 = arith.muli %arg1, %mul3A_400 : i32
    %add3A_402 = arith.constant 320 : i32
    %add3A_403 = arith.addi %mul3A_401, %add3A_402 : i32
    %dma_wait3A_404 = arith.constant 0 : i32
    %dma_wait3A_405 = tpu.memref_slice %arg6[%add3A_403, %dma_wait3A_404] : memref<10240x48xf32, #tpu.memory_space<vmem_shared>> -> memref<64x48xf32, #tpu.memory_space<vmem_shared>>
    %dma_wait3A_406 = arith.constant 0 : i32
    %dma_wait3A_407 = tpu.memref_slice %arg6[%add3A_403, %dma_wait3A_406] : memref<10240x48xf32, #tpu.memory_space<vmem_shared>> -> memref<64x48xf32, #tpu.memory_space<vmem_shared>>
    tpu.wait_dma2 semaphore(%arg15 : memref<!tpu.dma_semaphore, #tpu.memory_space<semaphore_mem>>) src(%dma_wait3A_407 : memref<64x48xf32, #tpu.memory_space<vmem_shared>>) dst(%arg11 : memref<64x48xf32, #tpu.memory_space<vmem>>)
    %dma_wait3A_408 = arith.constant 0 : i32
    %dma_wait3A_409 = arith.constant 0 : i32
    %dma_wait3A_410 = tpu.memref_slice %arg4[%dma_wait3A_408, %dma_wait3A_409] : memref<10240x48xf32, #tpu.memory_space<hbm>> -> memref<64x48xf32, #tpu.memory_space<hbm>>
    %dma_wait3A_411 = arith.constant 0 : i32
    %dma_wait3A_412 = arith.constant 0 : i32
    %dma_wait3A_413 = tpu.memref_slice %arg4[%dma_wait3A_411, %dma_wait3A_412] : memref<10240x48xf32, #tpu.memory_space<hbm>> -> memref<64x48xf32, #tpu.memory_space<hbm>>
    tpu.wait_dma2 semaphore(%arg18 : memref<!tpu.dma_semaphore, #tpu.memory_space<semaphore_mem>>) src(%arg10 : memref<64x48xf32, #tpu.memory_space<vmem>>) dst(%dma_wait3A_413 : memref<64x48xf32, #tpu.memory_space<hbm>>)
    %mul3A_414 = arith.constant 640 : i32
    %mul3A_415 = arith.muli %arg1, %mul3A_414 : i32
    %add3A_416 = arith.constant 384 : i32
    %add3A_417 = arith.addi %mul3A_415, %add3A_416 : i32
    %dma_start3A_418 = arith.constant 0 : i32
    %dma_start3A_419 = tpu.memref_slice %arg6[%add3A_417, %dma_start3A_418] : memref<10240x48xf32, #tpu.memory_space<vmem_shared>> -> memref<64x48xf32, #tpu.memory_space<vmem_shared>>
    %dma_start3A_420 = arith.constant 0 : i32
    %dma_start3A_421 = tpu.memref_slice %arg6[%add3A_417, %dma_start3A_420] : memref<10240x48xf32, #tpu.memory_space<vmem_shared>> -> memref<64x48xf32, #tpu.memory_space<vmem_shared>>
    tpu.enqueue_dma source(%dma_start3A_421 : memref<64x48xf32, #tpu.memory_space<vmem_shared>>) target(%arg10 : memref<64x48xf32, #tpu.memory_space<vmem>>) target_semaphore(%arg14 : memref<!tpu.dma_semaphore, #tpu.memory_space<semaphore_mem>>)
    %mul3A_422 = arith.constant 640 : i32
    %mul3A_423 = arith.muli %arg1, %mul3A_422 : i32
    %add3A_424 = arith.constant 320 : i32
    %add3A_425 = arith.addi %mul3A_423, %add3A_424 : i32
    %eq3A_426 = arith.constant 0 : i32
    %eq3A_427 = arith.cmpi eq, %arg0, %eq3A_426 : i32
    %convert_element_type3A_428 = arith.extui %eq3A_427 : i1 to i32
    %cond3A_429 = arith.constant 0 : i32
    %cond3A_430 = arith.cmpi ne, %convert_element_type3A_428, %cond3A_429 : i32
    scf.if %cond3A_430 {
      %dma_start3A_578 = arith.constant 0 : i32
      %dma_start3A_579 = tpu.memref_slice %arg4[%add3A_425, %dma_start3A_578] : memref<10240x48xf32, #tpu.memory_space<hbm>> -> memref<64x48xf32, #tpu.memory_space<hbm>>
      %dma_start3A_580 = arith.constant 0 : i32
      %dma_start3A_581 = tpu.memref_slice %arg4[%add3A_425, %dma_start3A_580] : memref<10240x48xf32, #tpu.memory_space<hbm>> -> memref<64x48xf32, #tpu.memory_space<hbm>>
      tpu.enqueue_dma source(%arg11 : memref<64x48xf32, #tpu.memory_space<vmem>>) target(%dma_start3A_581 : memref<64x48xf32, #tpu.memory_space<hbm>>) target_semaphore(%arg19 : memref<!tpu.dma_semaphore, #tpu.memory_space<semaphore_mem>>)
    } else {
    }
    %eq3A_431 = arith.constant 1 : i32
    %eq3A_432 = arith.cmpi eq, %arg0, %eq3A_431 : i32
    %convert_element_type3A_433 = arith.extui %eq3A_432 : i1 to i32
    %cond3A_434 = arith.constant 0 : i32
    %cond3A_435 = arith.cmpi ne, %convert_element_type3A_433, %cond3A_434 : i32
    scf.if %cond3A_435 {
      %dma_start3A_578 = arith.constant 0 : i32
      %dma_start3A_579 = tpu.memref_slice %arg5[%add3A_425, %dma_start3A_578] : memref<10240x48xf32, #tpu.memory_space<hbm>> -> memref<64x48xf32, #tpu.memory_space<hbm>>
      %dma_start3A_580 = arith.constant 0 : i32
      %dma_start3A_581 = tpu.memref_slice %arg5[%add3A_425, %dma_start3A_580] : memref<10240x48xf32, #tpu.memory_space<hbm>> -> memref<64x48xf32, #tpu.memory_space<hbm>>
      tpu.enqueue_dma source(%arg11 : memref<64x48xf32, #tpu.memory_space<vmem>>) target(%dma_start3A_581 : memref<64x48xf32, #tpu.memory_space<hbm>>) target_semaphore(%arg19 : memref<!tpu.dma_semaphore, #tpu.memory_space<semaphore_mem>>)
    } else {
    }
    %mul3A_436 = arith.constant 640 : i32
    %mul3A_437 = arith.muli %arg1, %mul3A_436 : i32
    %add3A_438 = arith.constant 384 : i32
    %add3A_439 = arith.addi %mul3A_437, %add3A_438 : i32
    %dma_wait3A_440 = arith.constant 0 : i32
    %dma_wait3A_441 = tpu.memref_slice %arg6[%add3A_439, %dma_wait3A_440] : memref<10240x48xf32, #tpu.memory_space<vmem_shared>> -> memref<64x48xf32, #tpu.memory_space<vmem_shared>>
    %dma_wait3A_442 = arith.constant 0 : i32
    %dma_wait3A_443 = tpu.memref_slice %arg6[%add3A_439, %dma_wait3A_442] : memref<10240x48xf32, #tpu.memory_space<vmem_shared>> -> memref<64x48xf32, #tpu.memory_space<vmem_shared>>
    tpu.wait_dma2 semaphore(%arg14 : memref<!tpu.dma_semaphore, #tpu.memory_space<semaphore_mem>>) src(%dma_wait3A_443 : memref<64x48xf32, #tpu.memory_space<vmem_shared>>) dst(%arg10 : memref<64x48xf32, #tpu.memory_space<vmem>>)
    %dma_wait3A_444 = arith.constant 0 : i32
    %dma_wait3A_445 = arith.constant 0 : i32
    %dma_wait3A_446 = tpu.memref_slice %arg4[%dma_wait3A_444, %dma_wait3A_445] : memref<10240x48xf32, #tpu.memory_space<hbm>> -> memref<64x48xf32, #tpu.memory_space<hbm>>
    %dma_wait3A_447 = arith.constant 0 : i32
    %dma_wait3A_448 = arith.constant 0 : i32
    %dma_wait3A_449 = tpu.memref_slice %arg4[%dma_wait3A_447, %dma_wait3A_448] : memref<10240x48xf32, #tpu.memory_space<hbm>> -> memref<64x48xf32, #tpu.memory_space<hbm>>
    tpu.wait_dma2 semaphore(%arg19 : memref<!tpu.dma_semaphore, #tpu.memory_space<semaphore_mem>>) src(%arg11 : memref<64x48xf32, #tpu.memory_space<vmem>>) dst(%dma_wait3A_449 : memref<64x48xf32, #tpu.memory_space<hbm>>)
    %mul3A_450 = arith.constant 640 : i32
    %mul3A_451 = arith.muli %arg1, %mul3A_450 : i32
    %add3A_452 = arith.constant 448 : i32
    %add3A_453 = arith.addi %mul3A_451, %add3A_452 : i32
    %dma_start3A_454 = arith.constant 0 : i32
    %dma_start3A_455 = tpu.memref_slice %arg6[%add3A_453, %dma_start3A_454] : memref<10240x48xf32, #tpu.memory_space<vmem_shared>> -> memref<64x48xf32, #tpu.memory_space<vmem_shared>>
    %dma_start3A_456 = arith.constant 0 : i32
    %dma_start3A_457 = tpu.memref_slice %arg6[%add3A_453, %dma_start3A_456] : memref<10240x48xf32, #tpu.memory_space<vmem_shared>> -> memref<64x48xf32, #tpu.memory_space<vmem_shared>>
    tpu.enqueue_dma source(%dma_start3A_457 : memref<64x48xf32, #tpu.memory_space<vmem_shared>>) target(%arg11 : memref<64x48xf32, #tpu.memory_space<vmem>>) target_semaphore(%arg15 : memref<!tpu.dma_semaphore, #tpu.memory_space<semaphore_mem>>)
    %mul3A_458 = arith.constant 640 : i32
    %mul3A_459 = arith.muli %arg1, %mul3A_458 : i32
    %add3A_460 = arith.constant 384 : i32
    %add3A_461 = arith.addi %mul3A_459, %add3A_460 : i32
    %eq3A_462 = arith.constant 0 : i32
    %eq3A_463 = arith.cmpi eq, %arg0, %eq3A_462 : i32
    %convert_element_type3A_464 = arith.extui %eq3A_463 : i1 to i32
    %cond3A_465 = arith.constant 0 : i32
    %cond3A_466 = arith.cmpi ne, %convert_element_type3A_464, %cond3A_465 : i32
    scf.if %cond3A_466 {
      %dma_start3A_578 = arith.constant 0 : i32
      %dma_start3A_579 = tpu.memref_slice %arg4[%add3A_461, %dma_start3A_578] : memref<10240x48xf32, #tpu.memory_space<hbm>> -> memref<64x48xf32, #tpu.memory_space<hbm>>
      %dma_start3A_580 = arith.constant 0 : i32
      %dma_start3A_581 = tpu.memref_slice %arg4[%add3A_461, %dma_start3A_580] : memref<10240x48xf32, #tpu.memory_space<hbm>> -> memref<64x48xf32, #tpu.memory_space<hbm>>
      tpu.enqueue_dma source(%arg10 : memref<64x48xf32, #tpu.memory_space<vmem>>) target(%dma_start3A_581 : memref<64x48xf32, #tpu.memory_space<hbm>>) target_semaphore(%arg18 : memref<!tpu.dma_semaphore, #tpu.memory_space<semaphore_mem>>)
    } else {
    }
    %eq3A_467 = arith.constant 1 : i32
    %eq3A_468 = arith.cmpi eq, %arg0, %eq3A_467 : i32
    %convert_element_type3A_469 = arith.extui %eq3A_468 : i1 to i32
    %cond3A_470 = arith.constant 0 : i32
    %cond3A_471 = arith.cmpi ne, %convert_element_type3A_469, %cond3A_470 : i32
    scf.if %cond3A_471 {
      %dma_start3A_578 = arith.constant 0 : i32
      %dma_start3A_579 = tpu.memref_slice %arg5[%add3A_461, %dma_start3A_578] : memref<10240x48xf32, #tpu.memory_space<hbm>> -> memref<64x48xf32, #tpu.memory_space<hbm>>
      %dma_start3A_580 = arith.constant 0 : i32
      %dma_start3A_581 = tpu.memref_slice %arg5[%add3A_461, %dma_start3A_580] : memref<10240x48xf32, #tpu.memory_space<hbm>> -> memref<64x48xf32, #tpu.memory_space<hbm>>
      tpu.enqueue_dma source(%arg10 : memref<64x48xf32, #tpu.memory_space<vmem>>) target(%dma_start3A_581 : memref<64x48xf32, #tpu.memory_space<hbm>>) target_semaphore(%arg18 : memref<!tpu.dma_semaphore, #tpu.memory_space<semaphore_mem>>)
    } else {
    }
    %mul3A_472 = arith.constant 640 : i32
    %mul3A_473 = arith.muli %arg1, %mul3A_472 : i32
    %add3A_474 = arith.constant 448 : i32
    %add3A_475 = arith.addi %mul3A_473, %add3A_474 : i32
    %dma_wait3A_476 = arith.constant 0 : i32
    %dma_wait3A_477 = tpu.memref_slice %arg6[%add3A_475, %dma_wait3A_476] : memref<10240x48xf32, #tpu.memory_space<vmem_shared>> -> memref<64x48xf32, #tpu.memory_space<vmem_shared>>
    %dma_wait3A_478 = arith.constant 0 : i32
    %dma_wait3A_479 = tpu.memref_slice %arg6[%add3A_475, %dma_wait3A_478] : memref<10240x48xf32, #tpu.memory_space<vmem_shared>> -> memref<64x48xf32, #tpu.memory_space<vmem_shared>>
    tpu.wait_dma2 semaphore(%arg15 : memref<!tpu.dma_semaphore, #tpu.memory_space<semaphore_mem>>) src(%dma_wait3A_479 : memref<64x48xf32, #tpu.memory_space<vmem_shared>>) dst(%arg11 : memref<64x48xf32, #tpu.memory_space<vmem>>)
    %dma_wait3A_480 = arith.constant 0 : i32
    %dma_wait3A_481 = arith.constant 0 : i32
    %dma_wait3A_482 = tpu.memref_slice %arg4[%dma_wait3A_480, %dma_wait3A_481] : memref<10240x48xf32, #tpu.memory_space<hbm>> -> memref<64x48xf32, #tpu.memory_space<hbm>>
    %dma_wait3A_483 = arith.constant 0 : i32
    %dma_wait3A_484 = arith.constant 0 : i32
    %dma_wait3A_485 = tpu.memref_slice %arg4[%dma_wait3A_483, %dma_wait3A_484] : memref<10240x48xf32, #tpu.memory_space<hbm>> -> memref<64x48xf32, #tpu.memory_space<hbm>>
    tpu.wait_dma2 semaphore(%arg18 : memref<!tpu.dma_semaphore, #tpu.memory_space<semaphore_mem>>) src(%arg10 : memref<64x48xf32, #tpu.memory_space<vmem>>) dst(%dma_wait3A_485 : memref<64x48xf32, #tpu.memory_space<hbm>>)
    %mul3A_486 = arith.constant 640 : i32
    %mul3A_487 = arith.muli %arg1, %mul3A_486 : i32
    %add3A_488 = arith.constant 512 : i32
    %add3A_489 = arith.addi %mul3A_487, %add3A_488 : i32
    %dma_start3A_490 = arith.constant 0 : i32
    %dma_start3A_491 = tpu.memref_slice %arg6[%add3A_489, %dma_start3A_490] : memref<10240x48xf32, #tpu.memory_space<vmem_shared>> -> memref<64x48xf32, #tpu.memory_space<vmem_shared>>
    %dma_start3A_492 = arith.constant 0 : i32
    %dma_start3A_493 = tpu.memref_slice %arg6[%add3A_489, %dma_start3A_492] : memref<10240x48xf32, #tpu.memory_space<vmem_shared>> -> memref<64x48xf32, #tpu.memory_space<vmem_shared>>
    tpu.enqueue_dma source(%dma_start3A_493 : memref<64x48xf32, #tpu.memory_space<vmem_shared>>) target(%arg10 : memref<64x48xf32, #tpu.memory_space<vmem>>) target_semaphore(%arg14 : memref<!tpu.dma_semaphore, #tpu.memory_space<semaphore_mem>>)
    %mul3A_494 = arith.constant 640 : i32
    %mul3A_495 = arith.muli %arg1, %mul3A_494 : i32
    %add3A_496 = arith.constant 448 : i32
    %add3A_497 = arith.addi %mul3A_495, %add3A_496 : i32
    %eq3A_498 = arith.constant 0 : i32
    %eq3A_499 = arith.cmpi eq, %arg0, %eq3A_498 : i32
    %convert_element_type3A_500 = arith.extui %eq3A_499 : i1 to i32
    %cond3A_501 = arith.constant 0 : i32
    %cond3A_502 = arith.cmpi ne, %convert_element_type3A_500, %cond3A_501 : i32
    scf.if %cond3A_502 {
      %dma_start3A_578 = arith.constant 0 : i32
      %dma_start3A_579 = tpu.memref_slice %arg4[%add3A_497, %dma_start3A_578] : memref<10240x48xf32, #tpu.memory_space<hbm>> -> memref<64x48xf32, #tpu.memory_space<hbm>>
      %dma_start3A_580 = arith.constant 0 : i32
      %dma_start3A_581 = tpu.memref_slice %arg4[%add3A_497, %dma_start3A_580] : memref<10240x48xf32, #tpu.memory_space<hbm>> -> memref<64x48xf32, #tpu.memory_space<hbm>>
      tpu.enqueue_dma source(%arg11 : memref<64x48xf32, #tpu.memory_space<vmem>>) target(%dma_start3A_581 : memref<64x48xf32, #tpu.memory_space<hbm>>) target_semaphore(%arg19 : memref<!tpu.dma_semaphore, #tpu.memory_space<semaphore_mem>>)
    } else {
    }
    %eq3A_503 = arith.constant 1 : i32
    %eq3A_504 = arith.cmpi eq, %arg0, %eq3A_503 : i32
    %convert_element_type3A_505 = arith.extui %eq3A_504 : i1 to i32
    %cond3A_506 = arith.constant 0 : i32
    %cond3A_507 = arith.cmpi ne, %convert_element_type3A_505, %cond3A_506 : i32
    scf.if %cond3A_507 {
      %dma_start3A_578 = arith.constant 0 : i32
      %dma_start3A_579 = tpu.memref_slice %arg5[%add3A_497, %dma_start3A_578] : memref<10240x48xf32, #tpu.memory_space<hbm>> -> memref<64x48xf32, #tpu.memory_space<hbm>>
      %dma_start3A_580 = arith.constant 0 : i32
      %dma_start3A_581 = tpu.memref_slice %arg5[%add3A_497, %dma_start3A_580] : memref<10240x48xf32, #tpu.memory_space<hbm>> -> memref<64x48xf32, #tpu.memory_space<hbm>>
      tpu.enqueue_dma source(%arg11 : memref<64x48xf32, #tpu.memory_space<vmem>>) target(%dma_start3A_581 : memref<64x48xf32, #tpu.memory_space<hbm>>) target_semaphore(%arg19 : memref<!tpu.dma_semaphore, #tpu.memory_space<semaphore_mem>>)
    } else {
    }
    %mul3A_508 = arith.constant 640 : i32
    %mul3A_509 = arith.muli %arg1, %mul3A_508 : i32
    %add3A_510 = arith.constant 512 : i32
    %add3A_511 = arith.addi %mul3A_509, %add3A_510 : i32
    %dma_wait3A_512 = arith.constant 0 : i32
    %dma_wait3A_513 = tpu.memref_slice %arg6[%add3A_511, %dma_wait3A_512] : memref<10240x48xf32, #tpu.memory_space<vmem_shared>> -> memref<64x48xf32, #tpu.memory_space<vmem_shared>>
    %dma_wait3A_514 = arith.constant 0 : i32
    %dma_wait3A_515 = tpu.memref_slice %arg6[%add3A_511, %dma_wait3A_514] : memref<10240x48xf32, #tpu.memory_space<vmem_shared>> -> memref<64x48xf32, #tpu.memory_space<vmem_shared>>
    tpu.wait_dma2 semaphore(%arg14 : memref<!tpu.dma_semaphore, #tpu.memory_space<semaphore_mem>>) src(%dma_wait3A_515 : memref<64x48xf32, #tpu.memory_space<vmem_shared>>) dst(%arg10 : memref<64x48xf32, #tpu.memory_space<vmem>>)
    %dma_wait3A_516 = arith.constant 0 : i32
    %dma_wait3A_517 = arith.constant 0 : i32
    %dma_wait3A_518 = tpu.memref_slice %arg4[%dma_wait3A_516, %dma_wait3A_517] : memref<10240x48xf32, #tpu.memory_space<hbm>> -> memref<64x48xf32, #tpu.memory_space<hbm>>
    %dma_wait3A_519 = arith.constant 0 : i32
    %dma_wait3A_520 = arith.constant 0 : i32
    %dma_wait3A_521 = tpu.memref_slice %arg4[%dma_wait3A_519, %dma_wait3A_520] : memref<10240x48xf32, #tpu.memory_space<hbm>> -> memref<64x48xf32, #tpu.memory_space<hbm>>
    tpu.wait_dma2 semaphore(%arg19 : memref<!tpu.dma_semaphore, #tpu.memory_space<semaphore_mem>>) src(%arg11 : memref<64x48xf32, #tpu.memory_space<vmem>>) dst(%dma_wait3A_521 : memref<64x48xf32, #tpu.memory_space<hbm>>)
    %mul3A_522 = arith.constant 640 : i32
    %mul3A_523 = arith.muli %arg1, %mul3A_522 : i32
    %add3A_524 = arith.constant 576 : i32
    %add3A_525 = arith.addi %mul3A_523, %add3A_524 : i32
    %dma_start3A_526 = arith.constant 0 : i32
    %dma_start3A_527 = tpu.memref_slice %arg6[%add3A_525, %dma_start3A_526] : memref<10240x48xf32, #tpu.memory_space<vmem_shared>> -> memref<64x48xf32, #tpu.memory_space<vmem_shared>>
    %dma_start3A_528 = arith.constant 0 : i32
    %dma_start3A_529 = tpu.memref_slice %arg6[%add3A_525, %dma_start3A_528] : memref<10240x48xf32, #tpu.memory_space<vmem_shared>> -> memref<64x48xf32, #tpu.memory_space<vmem_shared>>
    tpu.enqueue_dma source(%dma_start3A_529 : memref<64x48xf32, #tpu.memory_space<vmem_shared>>) target(%arg11 : memref<64x48xf32, #tpu.memory_space<vmem>>) target_semaphore(%arg15 : memref<!tpu.dma_semaphore, #tpu.memory_space<semaphore_mem>>)
    %mul3A_530 = arith.constant 640 : i32
    %mul3A_531 = arith.muli %arg1, %mul3A_530 : i32
    %add3A_532 = arith.constant 512 : i32
    %add3A_533 = arith.addi %mul3A_531, %add3A_532 : i32
    %eq3A_534 = arith.constant 0 : i32
    %eq3A_535 = arith.cmpi eq, %arg0, %eq3A_534 : i32
    %convert_element_type3A_536 = arith.extui %eq3A_535 : i1 to i32
    %cond3A_537 = arith.constant 0 : i32
    %cond3A_538 = arith.cmpi ne, %convert_element_type3A_536, %cond3A_537 : i32
    scf.if %cond3A_538 {
      %dma_start3A_578 = arith.constant 0 : i32
      %dma_start3A_579 = tpu.memref_slice %arg4[%add3A_533, %dma_start3A_578] : memref<10240x48xf32, #tpu.memory_space<hbm>> -> memref<64x48xf32, #tpu.memory_space<hbm>>
      %dma_start3A_580 = arith.constant 0 : i32
      %dma_start3A_581 = tpu.memref_slice %arg4[%add3A_533, %dma_start3A_580] : memref<10240x48xf32, #tpu.memory_space<hbm>> -> memref<64x48xf32, #tpu.memory_space<hbm>>
      tpu.enqueue_dma source(%arg10 : memref<64x48xf32, #tpu.memory_space<vmem>>) target(%dma_start3A_581 : memref<64x48xf32, #tpu.memory_space<hbm>>) target_semaphore(%arg18 : memref<!tpu.dma_semaphore, #tpu.memory_space<semaphore_mem>>)
    } else {
    }
    %eq3A_539 = arith.constant 1 : i32
    %eq3A_540 = arith.cmpi eq, %arg0, %eq3A_539 : i32
    %convert_element_type3A_541 = arith.extui %eq3A_540 : i1 to i32
    %cond3A_542 = arith.constant 0 : i32
    %cond3A_543 = arith.cmpi ne, %convert_element_type3A_541, %cond3A_542 : i32
    scf.if %cond3A_543 {
      %dma_start3A_578 = arith.constant 0 : i32
      %dma_start3A_579 = tpu.memref_slice %arg5[%add3A_533, %dma_start3A_578] : memref<10240x48xf32, #tpu.memory_space<hbm>> -> memref<64x48xf32, #tpu.memory_space<hbm>>
      %dma_start3A_580 = arith.constant 0 : i32
      %dma_start3A_581 = tpu.memref_slice %arg5[%add3A_533, %dma_start3A_580] : memref<10240x48xf32, #tpu.memory_space<hbm>> -> memref<64x48xf32, #tpu.memory_space<hbm>>
      tpu.enqueue_dma source(%arg10 : memref<64x48xf32, #tpu.memory_space<vmem>>) target(%dma_start3A_581 : memref<64x48xf32, #tpu.memory_space<hbm>>) target_semaphore(%arg18 : memref<!tpu.dma_semaphore, #tpu.memory_space<semaphore_mem>>)
    } else {
    }
    %mul3A_544 = arith.constant 640 : i32
    %mul3A_545 = arith.muli %arg1, %mul3A_544 : i32
    %add3A_546 = arith.constant 576 : i32
    %add3A_547 = arith.addi %mul3A_545, %add3A_546 : i32
    %dma_wait3A_548 = arith.constant 0 : i32
    %dma_wait3A_549 = tpu.memref_slice %arg6[%add3A_547, %dma_wait3A_548] : memref<10240x48xf32, #tpu.memory_space<vmem_shared>> -> memref<64x48xf32, #tpu.memory_space<vmem_shared>>
    %dma_wait3A_550 = arith.constant 0 : i32
    %dma_wait3A_551 = tpu.memref_slice %arg6[%add3A_547, %dma_wait3A_550] : memref<10240x48xf32, #tpu.memory_space<vmem_shared>> -> memref<64x48xf32, #tpu.memory_space<vmem_shared>>
    tpu.wait_dma2 semaphore(%arg15 : memref<!tpu.dma_semaphore, #tpu.memory_space<semaphore_mem>>) src(%dma_wait3A_551 : memref<64x48xf32, #tpu.memory_space<vmem_shared>>) dst(%arg11 : memref<64x48xf32, #tpu.memory_space<vmem>>)
    %mul3A_552 = arith.constant 640 : i32
    %mul3A_553 = arith.muli %arg1, %mul3A_552 : i32
    %add3A_554 = arith.constant 576 : i32
    %add3A_555 = arith.addi %mul3A_553, %add3A_554 : i32
    %eq3A_556 = arith.constant 0 : i32
    %eq3A_557 = arith.cmpi eq, %arg0, %eq3A_556 : i32
    %convert_element_type3A_558 = arith.extui %eq3A_557 : i1 to i32
    %cond3A_559 = arith.constant 0 : i32
    %cond3A_560 = arith.cmpi ne, %convert_element_type3A_558, %cond3A_559 : i32
    scf.if %cond3A_560 {
      %dma_start3A_578 = arith.constant 0 : i32
      %dma_start3A_579 = tpu.memref_slice %arg4[%add3A_555, %dma_start3A_578] : memref<10240x48xf32, #tpu.memory_space<hbm>> -> memref<64x48xf32, #tpu.memory_space<hbm>>
      %dma_start3A_580 = arith.constant 0 : i32
      %dma_start3A_581 = tpu.memref_slice %arg4[%add3A_555, %dma_start3A_580] : memref<10240x48xf32, #tpu.memory_space<hbm>> -> memref<64x48xf32, #tpu.memory_space<hbm>>
      tpu.enqueue_dma source(%arg11 : memref<64x48xf32, #tpu.memory_space<vmem>>) target(%dma_start3A_581 : memref<64x48xf32, #tpu.memory_space<hbm>>) target_semaphore(%arg19 : memref<!tpu.dma_semaphore, #tpu.memory_space<semaphore_mem>>)
    } else {
    }
    %eq3A_561 = arith.constant 1 : i32
    %eq3A_562 = arith.cmpi eq, %arg0, %eq3A_561 : i32
    %convert_element_type3A_563 = arith.extui %eq3A_562 : i1 to i32
    %cond3A_564 = arith.constant 0 : i32
    %cond3A_565 = arith.cmpi ne, %convert_element_type3A_563, %cond3A_564 : i32
    scf.if %cond3A_565 {
      %dma_start3A_578 = arith.constant 0 : i32
      %dma_start3A_579 = tpu.memref_slice %arg5[%add3A_555, %dma_start3A_578] : memref<10240x48xf32, #tpu.memory_space<hbm>> -> memref<64x48xf32, #tpu.memory_space<hbm>>
      %dma_start3A_580 = arith.constant 0 : i32
      %dma_start3A_581 = tpu.memref_slice %arg5[%add3A_555, %dma_start3A_580] : memref<10240x48xf32, #tpu.memory_space<hbm>> -> memref<64x48xf32, #tpu.memory_space<hbm>>
      tpu.enqueue_dma source(%arg11 : memref<64x48xf32, #tpu.memory_space<vmem>>) target(%dma_start3A_581 : memref<64x48xf32, #tpu.memory_space<hbm>>) target_semaphore(%arg19 : memref<!tpu.dma_semaphore, #tpu.memory_space<semaphore_mem>>)
    } else {
    }
    %dma_wait3A_566 = arith.constant 0 : i32
    %dma_wait3A_567 = arith.constant 0 : i32
    %dma_wait3A_568 = tpu.memref_slice %arg4[%dma_wait3A_566, %dma_wait3A_567] : memref<10240x48xf32, #tpu.memory_space<hbm>> -> memref<64x48xf32, #tpu.memory_space<hbm>>
    %dma_wait3A_569 = arith.constant 0 : i32
    %dma_wait3A_570 = arith.constant 0 : i32
    %dma_wait3A_571 = tpu.memref_slice %arg4[%dma_wait3A_569, %dma_wait3A_570] : memref<10240x48xf32, #tpu.memory_space<hbm>> -> memref<64x48xf32, #tpu.memory_space<hbm>>
    tpu.wait_dma2 semaphore(%arg18 : memref<!tpu.dma_semaphore, #tpu.memory_space<semaphore_mem>>) src(%arg10 : memref<64x48xf32, #tpu.memory_space<vmem>>) dst(%dma_wait3A_571 : memref<64x48xf32, #tpu.memory_space<hbm>>)
    %dma_wait3A_572 = arith.constant 0 : i32
    %dma_wait3A_573 = arith.constant 0 : i32
    %dma_wait3A_574 = tpu.memref_slice %arg4[%dma_wait3A_572, %dma_wait3A_573] : memref<10240x48xf32, #tpu.memory_space<hbm>> -> memref<64x48xf32, #tpu.memory_space<hbm>>
    %dma_wait3A_575 = arith.constant 0 : i32
    %dma_wait3A_576 = arith.constant 0 : i32
    %dma_wait3A_577 = tpu.memref_slice %arg4[%dma_wait3A_575, %dma_wait3A_576] : memref<10240x48xf32, #tpu.memory_space<hbm>> -> memref<64x48xf32, #tpu.memory_space<hbm>>
    tpu.wait_dma2 semaphore(%arg19 : memref<!tpu.dma_semaphore, #tpu.memory_space<semaphore_mem>>) src(%arg11 : memref<64x48xf32, #tpu.memory_space<vmem>>) dst(%dma_wait3A_577 : memref<64x48xf32, #tpu.memory_space<hbm>>)
    return
  }
}

#map = affine_map<(d0, d1) -> (0, 0)>
#map1 = affine_map<(d0, d1) -> (0)>
#map2 = affine_map<(d0, d1) -> (0, 0, 0)>
module attributes {stable_mosaic.version = 14 : i64} {
  func.func @_sc_deg(%arg0: i32, %arg1: i32, %arg2: memref<2x320000xi32, #tpu.memory_space<hbm>>, %arg3: memref<10240xf32, #tpu.memory_space<hbm>>, %arg4: memref<10240xf32, #tpu.memory_space<hbm>>, %arg5: memref<32x160x64xi32, #tpu.memory_space<hbm>>, %arg6: memref<10240xf32, #tpu.memory_space<vmem_shared>>, %arg7: memref<10000xi32, #tpu.memory_space<vmem>>, %arg8: memref<10000xi32, #tpu.memory_space<vmem>>, %arg9: memref<160x64xi32, #tpu.memory_space<vmem>>, %arg10: memref<160x64xi32, #tpu.memory_space<vmem>>, %arg11: memref<64xf32, #tpu.memory_space<vmem>>, %arg12: memref<10240xf32, #tpu.memory_space<vmem>>, %arg13: memref<640xf32, #tpu.memory_space<vmem>>, %arg14: memref<!tpu.dma_semaphore, #tpu.memory_space<semaphore_mem>>) attributes {dimension_semantics = [#tpu.dimension_semantics<core_parallel>, #tpu.dimension_semantics<subcore_parallel>], iteration_bounds = array<i64: 2, 16>, scalar_prefetch = 0 : i64, scratch_operands = 9 : i64, tpu.core_type = #tpu.core_type<sc_vector_subcore>, window_params = [{transform_indices = #map}, {transform_indices = #map1}, {transform_indices = #map1}, {transform_indices = #map2}]} {
    %mul3A = arith.constant 16 : i32
    %mul3A_0 = arith.muli %arg0, %mul3A : i32
    %add3A = arith.addi %mul3A_0, %arg1 : i32
    %scan3A = arith.constant 0 : i32
    %scan3A_1 = arith.constant 40 : i32
    %scan3A_2 = arith.addi %scan3A, %scan3A_1 : i32
    %scan3A_3 = arith.constant 1 : i32
    scf.for %scan3A_40 = %scan3A to %scan3A_2 step %scan3A_3  : i32 {
      %mul3A_41 = arith.constant 1 : i32
      %mul3A_42 = arith.muli %scan3A_40, %mul3A_41 : i32
      %add3A_43 = arith.constant 0 : i32
      %add3A_44 = arith.addi %add3A_43, %mul3A_42 : i32
      %broadcast_in_dim3A = arith.constant 0.000000e+00 : f32
      %broadcast_in_dim3A_45 = vector.broadcast %broadcast_in_dim3A : f32 to vector<16xf32>
      %mul3A_46 = arith.constant 16 : i32
      %mul3A_47 = arith.muli %add3A_44, %mul3A_46 : i32
      %swap3A = arith.index_cast %mul3A_47 : i32 to index
      %swap3A_48 = tpu.vector_load %arg13[%swap3A] {strides = array<i32>} : memref<640xf32, #tpu.memory_space<vmem>>, vector<16xf32>,
      %swap3A_49 = vector.shape_cast %swap3A_48 : vector<16xf32> to vector<16xf32>
      %swap3A_50 = vector.shape_cast %broadcast_in_dim3A_45 : vector<16xf32> to vector<16xf32>
      tpu.vector_store %arg13[%swap3A], %swap3A_50 {strides = array<i32>} : memref<640xf32, #tpu.memory_space<vmem>>, vector<16xf32>,
    }
    %scan3A_4 = arith.constant 40 : i32
    %scan3A_5 = arith.constant 0 : i32
    %scan3A_6 = arith.constant 4 : i32
    %scan3A_7 = arith.addi %scan3A_5, %scan3A_6 : i32
    %scan3A_8 = arith.constant 1 : i32
    scf.for %scan3A_40 = %scan3A_5 to %scan3A_7 step %scan3A_8  : i32 {
      %mul3A_41 = arith.constant 1 : i32
      %mul3A_42 = arith.muli %scan3A_40, %mul3A_41 : i32
      %add3A_43 = arith.constant 0 : i32
      %add3A_44 = arith.addi %add3A_43, %mul3A_42 : i32
      %broadcast_in_dim3A = arith.constant 1.000000e+00 : f32
      %broadcast_in_dim3A_45 = vector.broadcast %broadcast_in_dim3A : f32 to vector<16xf32>
      %mul3A_46 = arith.constant 16 : i32
      %mul3A_47 = arith.muli %add3A_44, %mul3A_46 : i32
      %swap3A = arith.index_cast %mul3A_47 : i32 to index
      %swap3A_48 = tpu.vector_load %arg11[%swap3A] {strides = array<i32>} : memref<64xf32, #tpu.memory_space<vmem>>, vector<16xf32>,
      %swap3A_49 = vector.shape_cast %swap3A_48 : vector<16xf32> to vector<16xf32>
      %swap3A_50 = vector.shape_cast %broadcast_in_dim3A_45 : vector<16xf32> to vector<16xf32>
      tpu.vector_store %arg11[%swap3A], %swap3A_50 {strides = array<i32>} : memref<64xf32, #tpu.memory_space<vmem>>, vector<16xf32>,
    }
    %scan3A_9 = arith.constant 4 : i32
    %mul3A_10 = arith.constant 10000 : i32
    %mul3A_11 = arith.muli %add3A, %mul3A_10 : i32
    %run_scoped3A = arith.constant 0 : i32
    "tpu.region"() ({
      %run_scoped3A_40 = tpu.sem_alloc : memref<!tpu.dma_semaphore, #tpu.memory_space<semaphore_mem>>
      %dma_start3A = tpu.memref_slice %arg2[%run_scoped3A, %mul3A_11] : memref<2x320000xi32, #tpu.memory_space<hbm>> -> memref<1x10000xi32, #tpu.memory_space<hbm>>
      %dma_start3A_41 = tpu.memref_squeeze %dma_start3A : memref<1x10000xi32, #tpu.memory_space<hbm>> -> memref<10000xi32, #tpu.memory_space<hbm>>
      %dma_start3A_42 = tpu.memref_slice %arg2[%run_scoped3A, %mul3A_11] : memref<2x320000xi32, #tpu.memory_space<hbm>> -> memref<1x10000xi32, #tpu.memory_space<hbm>>
      %dma_start3A_43 = tpu.memref_squeeze %dma_start3A_42 : memref<1x10000xi32, #tpu.memory_space<hbm>> -> memref<10000xi32, #tpu.memory_space<hbm>>
      tpu.enqueue_dma source(%dma_start3A_43 : memref<10000xi32, #tpu.memory_space<hbm>>) target(%arg7 : memref<10000xi32, #tpu.memory_space<vmem>>) target_semaphore(%run_scoped3A_40 : memref<!tpu.dma_semaphore, #tpu.memory_space<semaphore_mem>>)
      %dma_wait3A = tpu.memref_slice %arg2[%run_scoped3A, %mul3A_11] : memref<2x320000xi32, #tpu.memory_space<hbm>> -> memref<1x10000xi32, #tpu.memory_space<hbm>>
      %dma_wait3A_44 = tpu.memref_squeeze %dma_wait3A : memref<1x10000xi32, #tpu.memory_space<hbm>> -> memref<10000xi32, #tpu.memory_space<hbm>>
      %dma_wait3A_45 = tpu.memref_slice %arg2[%run_scoped3A, %mul3A_11] : memref<2x320000xi32, #tpu.memory_space<hbm>> -> memref<1x10000xi32, #tpu.memory_space<hbm>>
      %dma_wait3A_46 = tpu.memref_squeeze %dma_wait3A_45 : memref<1x10000xi32, #tpu.memory_space<hbm>> -> memref<10000xi32, #tpu.memory_space<hbm>>
      tpu.wait_dma2 semaphore(%run_scoped3A_40 : memref<!tpu.dma_semaphore, #tpu.memory_space<semaphore_mem>>) src(%dma_wait3A_46 : memref<10000xi32, #tpu.memory_space<hbm>>) dst(%arg7 : memref<10000xi32, #tpu.memory_space<vmem>>)
      tpu.yield
    }) : () -> ()
    %mul3A_12 = arith.constant 10000 : i32
    %mul3A_13 = arith.muli %add3A, %mul3A_12 : i32
    %run_scoped3A_14 = arith.constant 1 : i32
    "tpu.region"() ({
      %run_scoped3A_40 = tpu.sem_alloc : memref<!tpu.dma_semaphore, #tpu.memory_space<semaphore_mem>>
      %dma_start3A = tpu.memref_slice %arg2[%run_scoped3A_14, %mul3A_13] : memref<2x320000xi32, #tpu.memory_space<hbm>> -> memref<1x10000xi32, #tpu.memory_space<hbm>>
      %dma_start3A_41 = tpu.memref_squeeze %dma_start3A : memref<1x10000xi32, #tpu.memory_space<hbm>> -> memref<10000xi32, #tpu.memory_space<hbm>>
      %dma_start3A_42 = tpu.memref_slice %arg2[%run_scoped3A_14, %mul3A_13] : memref<2x320000xi32, #tpu.memory_space<hbm>> -> memref<1x10000xi32, #tpu.memory_space<hbm>>
      %dma_start3A_43 = tpu.memref_squeeze %dma_start3A_42 : memref<1x10000xi32, #tpu.memory_space<hbm>> -> memref<10000xi32, #tpu.memory_space<hbm>>
      tpu.enqueue_dma source(%dma_start3A_43 : memref<10000xi32, #tpu.memory_space<hbm>>) target(%arg8 : memref<10000xi32, #tpu.memory_space<vmem>>) target_semaphore(%run_scoped3A_40 : memref<!tpu.dma_semaphore, #tpu.memory_space<semaphore_mem>>)
      %dma_wait3A = tpu.memref_slice %arg2[%run_scoped3A_14, %mul3A_13] : memref<2x320000xi32, #tpu.memory_space<hbm>> -> memref<1x10000xi32, #tpu.memory_space<hbm>>
      %dma_wait3A_44 = tpu.memref_squeeze %dma_wait3A : memref<1x10000xi32, #tpu.memory_space<hbm>> -> memref<10000xi32, #tpu.memory_space<hbm>>
      %dma_wait3A_45 = tpu.memref_slice %arg2[%run_scoped3A_14, %mul3A_13] : memref<2x320000xi32, #tpu.memory_space<hbm>> -> memref<1x10000xi32, #tpu.memory_space<hbm>>
      %dma_wait3A_46 = tpu.memref_squeeze %dma_wait3A_45 : memref<1x10000xi32, #tpu.memory_space<hbm>> -> memref<10000xi32, #tpu.memory_space<hbm>>
      tpu.wait_dma2 semaphore(%run_scoped3A_40 : memref<!tpu.dma_semaphore, #tpu.memory_space<semaphore_mem>>) src(%dma_wait3A_46 : memref<10000xi32, #tpu.memory_space<hbm>>) dst(%arg8 : memref<10000xi32, #tpu.memory_space<vmem>>)
      tpu.yield
    }) : () -> ()
    %mul3A_15 = arith.constant 640 : i32
    %mul3A_16 = arith.muli %arg1, %mul3A_15 : i32
    "tpu.region"() ({
      %run_scoped3A_40 = tpu.sem_alloc : memref<!tpu.dma_semaphore, #tpu.memory_space<semaphore_mem>>
      %dma_start3A = tpu.memref_slice %arg6[%mul3A_16] : memref<10240xf32, #tpu.memory_space<vmem_shared>> -> memref<640xf32, #tpu.memory_space<vmem_shared>>
      %dma_start3A_41 = tpu.memref_slice %arg6[%mul3A_16] : memref<10240xf32, #tpu.memory_space<vmem_shared>> -> memref<640xf32, #tpu.memory_space<vmem_shared>>
      tpu.enqueue_dma source(%arg13 : memref<640xf32, #tpu.memory_space<vmem>>) target(%dma_start3A_41 : memref<640xf32, #tpu.memory_space<vmem_shared>>) target_semaphore(%run_scoped3A_40 : memref<!tpu.dma_semaphore, #tpu.memory_space<semaphore_mem>>)
      %dma_wait3A = tpu.memref_slice %arg6[%mul3A_16] : memref<10240xf32, #tpu.memory_space<vmem_shared>> -> memref<640xf32, #tpu.memory_space<vmem_shared>>
      %dma_wait3A_42 = tpu.memref_slice %arg6[%mul3A_16] : memref<10240xf32, #tpu.memory_space<vmem_shared>> -> memref<640xf32, #tpu.memory_space<vmem_shared>>
      tpu.wait_dma2 semaphore(%run_scoped3A_40 : memref<!tpu.dma_semaphore, #tpu.memory_space<semaphore_mem>>) src(%arg13 : memref<640xf32, #tpu.memory_space<vmem>>) dst(%dma_wait3A_42 : memref<640xf32, #tpu.memory_space<vmem_shared>>)
      tpu.yield
    }) : () -> ()
    %scan3A_17 = arith.constant 0 : i32
    %scan3A_18 = arith.constant 625 : i32
    %scan3A_19 = arith.addi %scan3A_17, %scan3A_18 : i32
    %scan3A_20 = arith.constant 1 : i32
    scf.for %scan3A_40 = %scan3A_17 to %scan3A_19 step %scan3A_20  : i32 {
      %mul3A_41 = arith.constant 1 : i32
      %mul3A_42 = arith.muli %scan3A_40, %mul3A_41 : i32
      %add3A_43 = arith.constant 0 : i32
      %add3A_44 = arith.addi %add3A_43, %mul3A_42 : i32
      %jit3A = arith.constant 4 : i32
      %div3A = arith.divsi %add3A_44, %jit3A : i32
      %sign3A = arith.constant 0 : i32
      %sign3A_45 = arith.cmpi sgt, %add3A_44, %sign3A : i32
      %sign3A_46 = arith.extui %sign3A_45 : i1 to i32
      %sign3A_47 = arith.constant 0 : i32
      %sign3A_48 = arith.cmpi slt, %add3A_44, %sign3A_47 : i32
      %sign3A_49 = arith.extui %sign3A_48 : i1 to i32
      %sign3A_50 = arith.subi %sign3A_46, %sign3A_49 : i32
      %sign3A_51 = arith.constant 0 : i32
      %sign3A_52 = arith.cmpi sgt, %jit3A, %sign3A_51 : i32
      %sign3A_53 = arith.extui %sign3A_52 : i1 to i32
      %sign3A_54 = arith.constant 0 : i32
      %sign3A_55 = arith.cmpi slt, %jit3A, %sign3A_54 : i32
      %sign3A_56 = arith.extui %sign3A_55 : i1 to i32
      %sign3A_57 = arith.subi %sign3A_53, %sign3A_56 : i32
      %ne3A = arith.cmpi ne, %sign3A_50, %sign3A_57 : i32
      %rem3A = arith.remsi %add3A_44, %jit3A : i32
      %ne3A_58 = arith.constant 0 : i32
      %ne3A_59 = arith.cmpi ne, %rem3A, %ne3A_58 : i32
      %and3A = arith.andi %ne3A, %ne3A_59 : i1
      %sub3A = arith.constant 1 : i32
      %sub3A_60 = arith.subi %div3A, %sub3A : i32
      %select_n3A = arith.select %and3A, %sub3A_60, %div3A : i32
      %jit3A_61 = arith.constant 4 : i32
      %eq3A_62 = arith.constant 0 : i32
      %eq3A_63 = arith.cmpi eq, %jit3A_61, %eq3A_62 : i32
      %jit3A_64 = arith.constant 1 : i32
      %select_n3A_65 = arith.select %eq3A_63, %jit3A_64, %jit3A_61 : i32
      %rem3A_66 = arith.remsi %add3A_44, %select_n3A_65 : i32
      %ne3A_67 = arith.constant 0 : i32
      %ne3A_68 = arith.cmpi ne, %rem3A_66, %ne3A_67 : i32
      %lt3A = arith.constant 0 : i32
      %lt3A_69 = arith.cmpi slt, %rem3A_66, %lt3A : i32
      %lt3A_70 = arith.constant 0 : i32
      %lt3A_71 = arith.cmpi slt, %select_n3A_65, %lt3A_70 : i32
      %ne3A_72 = arith.xori %lt3A_69, %lt3A_71 : i1
      %and3A_73 = arith.andi %ne3A_72, %ne3A_68 : i1
      %add3A_74 = arith.addi %rem3A_66, %select_n3A_65 : i32
      %select_n3A_75 = arith.select %and3A_73, %add3A_74, %rem3A_66 : i32
      %mul3A_76 = arith.constant 16 : i32
      %mul3A_77 = arith.muli %select_n3A_75, %mul3A_76 : i32
      %mul3A_78 = arith.constant 16 : i32
      %mul3A_79 = arith.muli %add3A_44, %mul3A_78 : i32
      %get3A = arith.index_cast %mul3A_79 : i32 to index
      %get3A_80 = tpu.vector_load %arg7[%get3A] {strides = array<i32>} : memref<10000xi32, #tpu.memory_space<vmem>>, vector<16xi32>,
      %get3A_81 = vector.shape_cast %get3A_80 : vector<16xi32> to vector<16xi32>
      %mul3A_82 = arith.constant 16 : i32
      %mul3A_83 = arith.muli %add3A_44, %mul3A_82 : i32
      %get3A_84 = arith.index_cast %mul3A_83 : i32 to index
      %get3A_85 = tpu.vector_load %arg8[%get3A_84] {strides = array<i32>} : memref<10000xi32, #tpu.memory_space<vmem>>, vector<16xi32>,
      %get3A_86 = vector.shape_cast %get3A_85 : vector<16xi32> to vector<16xi32>
      %shift_left3A = arith.constant 14 : i32
      %shift_left3A_87 = vector.broadcast %shift_left3A : i32 to vector<16xi32>
      %shift_left3A_88 = arith.shli %get3A_81, %shift_left3A_87 : vector<16xi32>
      %or3A = arith.ori %shift_left3A_88, %get3A_86 : vector<16xi32>
      %swap3A = arith.index_cast %select_n3A : i32 to index
      %swap3A_89 = arith.index_cast %mul3A_77 : i32 to index
      %swap3A_90 = tpu.vector_load %arg9[%swap3A, %swap3A_89] {strides = array<i32>} : memref<160x64xi32, #tpu.memory_space<vmem>>, vector<1x16xi32>,
      %swap3A_91 = vector.shape_cast %swap3A_90 : vector<1x16xi32> to vector<16xi32>
      %swap3A_92 = vector.shape_cast %or3A : vector<16xi32> to vector<1x16xi32>
      tpu.vector_store %arg9[%swap3A, %swap3A_89], %swap3A_92 {strides = array<i32>} : memref<160x64xi32, #tpu.memory_space<vmem>>, vector<1x16xi32>,
      %swap3A_93 = arith.index_cast %select_n3A : i32 to index
      %swap3A_94 = arith.index_cast %mul3A_77 : i32 to index
      %swap3A_95 = tpu.vector_load %arg10[%swap3A_93, %swap3A_94] {strides = array<i32>} : memref<160x64xi32, #tpu.memory_space<vmem>>, vector<1x16xi32>,
      %swap3A_96 = vector.shape_cast %swap3A_95 : vector<1x16xi32> to vector<16xi32>
      %swap3A_97 = vector.shape_cast %get3A_86 : vector<16xi32> to vector<1x16xi32>
      tpu.vector_store %arg10[%swap3A_93, %swap3A_94], %swap3A_97 {strides = array<i32>} : memref<160x64xi32, #tpu.memory_space<vmem>>, vector<1x16xi32>,
    }
    %scan3A_21 = arith.constant 625 : i32
    %scan3A_22 = arith.constant 0 : i32
    %scan3A_23 = arith.constant 15 : i32
    %scan3A_24 = arith.addi %scan3A_22, %scan3A_23 : i32
    %scan3A_25 = arith.constant 1 : i32
    scf.for %scan3A_40 = %scan3A_22 to %scan3A_24 step %scan3A_25  : i32 {
      %mul3A_41 = arith.constant 1 : i32
      %mul3A_42 = arith.muli %scan3A_40, %mul3A_41 : i32
      %add3A_43 = arith.constant 625 : i32
      %add3A_44 = arith.addi %add3A_43, %mul3A_42 : i32
      %jit3A = arith.constant 4 : i32
      %div3A = arith.divsi %add3A_44, %jit3A : i32
      %sign3A = arith.constant 0 : i32
      %sign3A_45 = arith.cmpi sgt, %add3A_44, %sign3A : i32
      %sign3A_46 = arith.extui %sign3A_45 : i1 to i32
      %sign3A_47 = arith.constant 0 : i32
      %sign3A_48 = arith.cmpi slt, %add3A_44, %sign3A_47 : i32
      %sign3A_49 = arith.extui %sign3A_48 : i1 to i32
      %sign3A_50 = arith.subi %sign3A_46, %sign3A_49 : i32
      %sign3A_51 = arith.constant 0 : i32
      %sign3A_52 = arith.cmpi sgt, %jit3A, %sign3A_51 : i32
      %sign3A_53 = arith.extui %sign3A_52 : i1 to i32
      %sign3A_54 = arith.constant 0 : i32
      %sign3A_55 = arith.cmpi slt, %jit3A, %sign3A_54 : i32
      %sign3A_56 = arith.extui %sign3A_55 : i1 to i32
      %sign3A_57 = arith.subi %sign3A_53, %sign3A_56 : i32
      %ne3A = arith.cmpi ne, %sign3A_50, %sign3A_57 : i32
      %rem3A = arith.remsi %add3A_44, %jit3A : i32
      %ne3A_58 = arith.constant 0 : i32
      %ne3A_59 = arith.cmpi ne, %rem3A, %ne3A_58 : i32
      %and3A = arith.andi %ne3A, %ne3A_59 : i1
      %sub3A = arith.constant 1 : i32
      %sub3A_60 = arith.subi %div3A, %sub3A : i32
      %select_n3A = arith.select %and3A, %sub3A_60, %div3A : i32
      %jit3A_61 = arith.constant 4 : i32
      %eq3A_62 = arith.constant 0 : i32
      %eq3A_63 = arith.cmpi eq, %jit3A_61, %eq3A_62 : i32
      %jit3A_64 = arith.constant 1 : i32
      %select_n3A_65 = arith.select %eq3A_63, %jit3A_64, %jit3A_61 : i32
      %rem3A_66 = arith.remsi %add3A_44, %select_n3A_65 : i32
      %ne3A_67 = arith.constant 0 : i32
      %ne3A_68 = arith.cmpi ne, %rem3A_66, %ne3A_67 : i32
      %lt3A = arith.constant 0 : i32
      %lt3A_69 = arith.cmpi slt, %rem3A_66, %lt3A : i32
      %lt3A_70 = arith.constant 0 : i32
      %lt3A_71 = arith.cmpi slt, %select_n3A_65, %lt3A_70 : i32
      %ne3A_72 = arith.xori %lt3A_69, %lt3A_71 : i1
      %and3A_73 = arith.andi %ne3A_72, %ne3A_68 : i1
      %add3A_74 = arith.addi %rem3A_66, %select_n3A_65 : i32
      %select_n3A_75 = arith.select %and3A_73, %add3A_74, %rem3A_66 : i32
      %mul3A_76 = arith.constant 16 : i32
      %mul3A_77 = arith.muli %select_n3A_75, %mul3A_76 : i32
      %mul3A_78 = arith.constant 16 : i32
      %mul3A_79 = arith.muli %add3A_44, %mul3A_78 : i32
      %sub3A_80 = arith.constant 10000 : i32
      %sub3A_81 = arith.subi %mul3A_79, %sub3A_80 : i32
      %iota3A = tpu.iota {dimensions = array<i32: 0>} : vector<16xi32>
      %add3A_82 = vector.broadcast %sub3A_81 : i32 to vector<16xi32>
      %add3A_83 = arith.addi %add3A_82, %iota3A : vector<16xi32>
      %mul3A_84 = arith.constant 240 : i32
      %mul3A_85 = arith.muli %add3A, %mul3A_84 : i32
      %add3A_86 = vector.broadcast %mul3A_85 : i32 to vector<16xi32>
      %add3A_87 = arith.addi %add3A_86, %add3A_83 : vector<16xi32>
      %add3A_88 = arith.constant 10000 : i32
      %add3A_89 = vector.broadcast %add3A_88 : i32 to vector<16xi32>
      %add3A_90 = arith.addi %add3A_89, %add3A_83 : vector<16xi32>
      %shift_left3A = arith.constant 14 : i32
      %shift_left3A_91 = vector.broadcast %shift_left3A : i32 to vector<16xi32>
      %shift_left3A_92 = arith.shli %add3A_87, %shift_left3A_91 : vector<16xi32>
      %or3A = arith.ori %shift_left3A_92, %add3A_90 : vector<16xi32>
      %swap3A = arith.index_cast %select_n3A : i32 to index
      %swap3A_93 = arith.index_cast %mul3A_77 : i32 to index
      %swap3A_94 = tpu.vector_load %arg9[%swap3A, %swap3A_93] {strides = array<i32>} : memref<160x64xi32, #tpu.memory_space<vmem>>, vector<1x16xi32>,
      %swap3A_95 = vector.shape_cast %swap3A_94 : vector<1x16xi32> to vector<16xi32>
      %swap3A_96 = vector.shape_cast %or3A : vector<16xi32> to vector<1x16xi32>
      tpu.vector_store %arg9[%swap3A, %swap3A_93], %swap3A_96 {strides = array<i32>} : memref<160x64xi32, #tpu.memory_space<vmem>>, vector<1x16xi32>,
      %swap3A_97 = arith.index_cast %select_n3A : i32 to index
      %swap3A_98 = arith.index_cast %mul3A_77 : i32 to index
      %swap3A_99 = tpu.vector_load %arg10[%swap3A_97, %swap3A_98] {strides = array<i32>} : memref<160x64xi32, #tpu.memory_space<vmem>>, vector<1x16xi32>,
      %swap3A_100 = vector.shape_cast %swap3A_99 : vector<1x16xi32> to vector<16xi32>
      %swap3A_101 = vector.shape_cast %add3A_90 : vector<16xi32> to vector<1x16xi32>
      tpu.vector_store %arg10[%swap3A_97, %swap3A_98], %swap3A_101 {strides = array<i32>} : memref<160x64xi32, #tpu.memory_space<vmem>>, vector<1x16xi32>,
    }
    %scan3A_26 = arith.constant 15 : i32
    "tpu.region"() ({
      %run_scoped3A_40 = tpu.sem_alloc : memref<!tpu.dma_semaphore, #tpu.memory_space<semaphore_mem>>
      %dma_start3A = arith.constant 0 : i32
      %dma_start3A_41 = arith.constant 0 : i32
      %dma_start3A_42 = tpu.memref_slice %arg5[%add3A, %dma_start3A, %dma_start3A_41] : memref<32x160x64xi32, #tpu.memory_space<hbm>> -> memref<1x160x64xi32, #tpu.memory_space<hbm>>
      %dma_start3A_43 = tpu.memref_squeeze %dma_start3A_42 : memref<1x160x64xi32, #tpu.memory_space<hbm>> -> memref<160x64xi32, #tpu.memory_space<hbm>>
      %dma_start3A_44 = arith.constant 0 : i32
      %dma_start3A_45 = arith.constant 0 : i32
      %dma_start3A_46 = tpu.memref_slice %arg5[%add3A, %dma_start3A_44, %dma_start3A_45] : memref<32x160x64xi32, #tpu.memory_space<hbm>> -> memref<1x160x64xi32, #tpu.memory_space<hbm>>
      %dma_start3A_47 = tpu.memref_squeeze %dma_start3A_46 : memref<1x160x64xi32, #tpu.memory_space<hbm>> -> memref<160x64xi32, #tpu.memory_space<hbm>>
      tpu.enqueue_dma source(%arg9 : memref<160x64xi32, #tpu.memory_space<vmem>>) target(%dma_start3A_47 : memref<160x64xi32, #tpu.memory_space<hbm>>) target_semaphore(%run_scoped3A_40 : memref<!tpu.dma_semaphore, #tpu.memory_space<semaphore_mem>>)
      %dma_wait3A = arith.constant 0 : i32
      %dma_wait3A_48 = arith.constant 0 : i32
      %dma_wait3A_49 = tpu.memref_slice %arg5[%add3A, %dma_wait3A, %dma_wait3A_48] : memref<32x160x64xi32, #tpu.memory_space<hbm>> -> memref<1x160x64xi32, #tpu.memory_space<hbm>>
      %dma_wait3A_50 = tpu.memref_squeeze %dma_wait3A_49 : memref<1x160x64xi32, #tpu.memory_space<hbm>> -> memref<160x64xi32, #tpu.memory_space<hbm>>
      %dma_wait3A_51 = arith.constant 0 : i32
      %dma_wait3A_52 = arith.constant 0 : i32
      %dma_wait3A_53 = tpu.memref_slice %arg5[%add3A, %dma_wait3A_51, %dma_wait3A_52] : memref<32x160x64xi32, #tpu.memory_space<hbm>> -> memref<1x160x64xi32, #tpu.memory_space<hbm>>
      %dma_wait3A_54 = tpu.memref_squeeze %dma_wait3A_53 : memref<1x160x64xi32, #tpu.memory_space<hbm>> -> memref<160x64xi32, #tpu.memory_space<hbm>>
      tpu.wait_dma2 semaphore(%run_scoped3A_40 : memref<!tpu.dma_semaphore, #tpu.memory_space<semaphore_mem>>) src(%arg9 : memref<160x64xi32, #tpu.memory_space<vmem>>) dst(%dma_wait3A_54 : memref<160x64xi32, #tpu.memory_space<hbm>>)
      tpu.yield
    }) : () -> ()
    %barrier3A = arith.constant 0 : index
    tpu.barrier barrier_id(%barrier3A)
    %scan3A_27 = arith.constant 0 : i32
    %scan3A_28 = arith.constant 160 : i32
    %scan3A_29 = arith.addi %scan3A_27, %scan3A_28 : i32
    %scan3A_30 = arith.constant 1 : i32
    scf.for %scan3A_40 = %scan3A_27 to %scan3A_29 step %scan3A_30  : i32 {
      %mul3A_41 = arith.constant 1 : i32
      %mul3A_42 = arith.muli %scan3A_40, %mul3A_41 : i32
      %add3A_43 = arith.constant 0 : i32
      %add3A_44 = arith.addi %add3A_43, %mul3A_42 : i32
      %dma_start3A = arith.constant 0 : i32
      %dma_start3A_45 = tpu.memref_slice %arg10[%add3A_44, %dma_start3A] : memref<160x64xi32, #tpu.memory_space<vmem>> -> memref<1x64xi32, #tpu.memory_space<vmem>>
      %dma_start3A_46 = tpu.memref_squeeze %dma_start3A_45 : memref<1x64xi32, #tpu.memory_space<vmem>> -> memref<64xi32, #tpu.memory_space<vmem>>
      %dma_start3A_47 = arith.constant 0 : i32
      %dma_start3A_48 = tpu.memref_slice %arg6[%dma_start3A_47] : memref<10240xf32, #tpu.memory_space<vmem_shared>> -> memref<10240xf32, #tpu.memory_space<vmem_shared>>
      tpu.enqueue_indirect_dma source(%arg11 : memref<64xf32, #tpu.memory_space<vmem>>) target(%dma_start3A_48 : memref<10240xf32, #tpu.memory_space<vmem_shared>>) offsets(%dma_start3A_46 : memref<64xi32, #tpu.memory_space<vmem>>) semaphore(%arg14 : memref<!tpu.dma_semaphore, #tpu.memory_space<semaphore_mem>>) {add = true}
    }
    %scan3A_31 = arith.constant 160 : i32
    %scan3A_32 = arith.constant 0 : i32
    %scan3A_33 = arith.constant 160 : i32
    %scan3A_34 = arith.addi %scan3A_32, %scan3A_33 : i32
    %scan3A_35 = arith.constant 1 : i32
    scf.for %scan3A_40 = %scan3A_32 to %scan3A_34 step %scan3A_35  : i32 {
      %mul3A_41 = arith.constant 1 : i32
      %mul3A_42 = arith.muli %scan3A_40, %mul3A_41 : i32
      %add3A_43 = arith.constant 0 : i32
      %add3A_44 = arith.addi %add3A_43, %mul3A_42 : i32
      %dma_wait3A = arith.constant 0 : i32
      %dma_wait3A_45 = tpu.memref_slice %arg10[%add3A_44, %dma_wait3A] : memref<160x64xi32, #tpu.memory_space<vmem>> -> memref<1x64xi32, #tpu.memory_space<vmem>>
      %dma_wait3A_46 = tpu.memref_squeeze %dma_wait3A_45 : memref<1x64xi32, #tpu.memory_space<vmem>> -> memref<64xi32, #tpu.memory_space<vmem>>
      %dma_wait3A_47 = arith.constant 0 : i32
      %dma_wait3A_48 = tpu.memref_slice %arg6[%dma_wait3A_47] : memref<10240xf32, #tpu.memory_space<vmem_shared>> -> memref<10240xf32, #tpu.memory_space<vmem_shared>>
      tpu.wait_indirect_dma semaphore(%arg14 : memref<!tpu.dma_semaphore, #tpu.memory_space<semaphore_mem>>) src(%arg11 : memref<64xf32, #tpu.memory_space<vmem>>) dst(%dma_wait3A_48 : memref<10240xf32, #tpu.memory_space<vmem_shared>>)
    }
    %scan3A_36 = arith.constant 160 : i32
    %barrier3A_37 = arith.constant 0 : index
    tpu.barrier barrier_id(%barrier3A_37)
    %eq3A = arith.constant 0 : i32
    %eq3A_38 = arith.cmpi eq, %arg1, %eq3A : i32
    %convert_element_type3A = arith.extui %eq3A_38 : i1 to i32
    %cond3A = arith.constant 0 : i32
    %cond3A_39 = arith.cmpi ne, %convert_element_type3A, %cond3A : i32
    scf.if %cond3A_39 {
      "tpu.region"() ({
        %run_scoped3A_50 = tpu.sem_alloc : memref<!tpu.dma_semaphore, #tpu.memory_space<semaphore_mem>>
        tpu.enqueue_dma source(%arg6 : memref<10240xf32, #tpu.memory_space<vmem_shared>>) target(%arg12 : memref<10240xf32, #tpu.memory_space<vmem>>) target_semaphore(%run_scoped3A_50 : memref<!tpu.dma_semaphore, #tpu.memory_space<semaphore_mem>>)
        tpu.wait_dma2 semaphore(%run_scoped3A_50 : memref<!tpu.dma_semaphore, #tpu.memory_space<semaphore_mem>>) src(%arg6 : memref<10240xf32, #tpu.memory_space<vmem_shared>>) dst(%arg12 : memref<10240xf32, #tpu.memory_space<vmem>>)
        tpu.yield
      }) : () -> ()
      %eq3A_40 = arith.constant 0 : i32
      %eq3A_41 = arith.cmpi eq, %arg0, %eq3A_40 : i32
      %convert_element_type3A_42 = arith.extui %eq3A_41 : i1 to i32
      %cond3A_43 = arith.constant 0 : i32
      %cond3A_44 = arith.cmpi ne, %convert_element_type3A_42, %cond3A_43 : i32
      scf.if %cond3A_44 {
        "tpu.region"() ({
          %run_scoped3A_50 = tpu.sem_alloc : memref<!tpu.dma_semaphore, #tpu.memory_space<semaphore_mem>>
          tpu.enqueue_dma source(%arg12 : memref<10240xf32, #tpu.memory_space<vmem>>) target(%arg3 : memref<10240xf32, #tpu.memory_space<hbm>>) target_semaphore(%run_scoped3A_50 : memref<!tpu.dma_semaphore, #tpu.memory_space<semaphore_mem>>)
          tpu.wait_dma2 semaphore(%run_scoped3A_50 : memref<!tpu.dma_semaphore, #tpu.memory_space<semaphore_mem>>) src(%arg12 : memref<10240xf32, #tpu.memory_space<vmem>>) dst(%arg3 : memref<10240xf32, #tpu.memory_space<hbm>>)
          tpu.yield
        }) : () -> ()
      } else {
      }
      %eq3A_45 = arith.constant 1 : i32
      %eq3A_46 = arith.cmpi eq, %arg0, %eq3A_45 : i32
      %convert_element_type3A_47 = arith.extui %eq3A_46 : i1 to i32
      %cond3A_48 = arith.constant 0 : i32
      %cond3A_49 = arith.cmpi ne, %convert_element_type3A_47, %cond3A_48 : i32
      scf.if %cond3A_49 {
        "tpu.region"() ({
          %run_scoped3A_50 = tpu.sem_alloc : memref<!tpu.dma_semaphore, #tpu.memory_space<semaphore_mem>>
          tpu.enqueue_dma source(%arg12 : memref<10240xf32, #tpu.memory_space<vmem>>) target(%arg4 : memref<10240xf32, #tpu.memory_space<hbm>>) target_semaphore(%run_scoped3A_50 : memref<!tpu.dma_semaphore, #tpu.memory_space<semaphore_mem>>)
          tpu.wait_dma2 semaphore(%run_scoped3A_50 : memref<!tpu.dma_semaphore, #tpu.memory_space<semaphore_mem>>) src(%arg12 : memref<10240xf32, #tpu.memory_space<vmem>>) dst(%arg4 : memref<10240xf32, #tpu.memory_space<hbm>>)
          tpu.yield
        }) : () -> ()
      } else {
      }
    } else {
    }
    return
  }
}

#map = affine_map<(d0, d1) -> (0, 0)>
#map1 = affine_map<(d0, d1) -> (0, 0, 0)>
module attributes {stable_mosaic.version = 14 : i64} {
  func.func @_sc_agg(%arg0: i32, %arg1: i32, %arg2: memref<10000x128xf32, #tpu.memory_space<hbm>>, %arg3: memref<32x160x64xi32, #tpu.memory_space<hbm>>, %arg4: memref<10240x128xf32, #tpu.memory_space<hbm>>, %arg5: memref<10240x128xf32, #tpu.memory_space<hbm>>, %arg6: memref<10240x128xf32, #tpu.memory_space<vmem_shared>>, %arg7: memref<160x64xi32, #tpu.memory_space<vmem>>, %arg8: memref<4x64xi32, #tpu.memory_space<vmem>>, %arg9: memref<4x64xi32, #tpu.memory_space<vmem>>, %arg10: memref<64x128xf32, #tpu.memory_space<vmem>>, %arg11: memref<64x128xf32, #tpu.memory_space<vmem>>, %arg12: memref<64x128xf32, #tpu.memory_space<vmem>>, %arg13: memref<64x128xf32, #tpu.memory_space<vmem>>, %arg14: memref<!tpu.dma_semaphore, #tpu.memory_space<semaphore_mem>>, %arg15: memref<!tpu.dma_semaphore, #tpu.memory_space<semaphore_mem>>, %arg16: memref<!tpu.dma_semaphore, #tpu.memory_space<semaphore_mem>>, %arg17: memref<!tpu.dma_semaphore, #tpu.memory_space<semaphore_mem>>, %arg18: memref<!tpu.dma_semaphore, #tpu.memory_space<semaphore_mem>>, %arg19: memref<!tpu.dma_semaphore, #tpu.memory_space<semaphore_mem>>, %arg20: memref<!tpu.dma_semaphore, #tpu.memory_space<semaphore_mem>>, %arg21: memref<!tpu.dma_semaphore, #tpu.memory_space<semaphore_mem>>) attributes {dimension_semantics = [#tpu.dimension_semantics<core_parallel>, #tpu.dimension_semantics<subcore_parallel>], iteration_bounds = array<i64: 2, 16>, scalar_prefetch = 0 : i64, scratch_operands = 16 : i64, tpu.core_type = #tpu.core_type<sc_vector_subcore>, window_params = [{transform_indices = #map}, {transform_indices = #map1}, {transform_indices = #map}, {transform_indices = #map}]} {
    %mul3A = arith.constant 16 : i32
    %mul3A_0 = arith.muli %arg0, %mul3A : i32
    %add3A = arith.addi %mul3A_0, %arg1 : i32
    %scan3A = arith.constant 0 : i32
    %scan3A_1 = arith.constant 512 : i32
    %scan3A_2 = arith.addi %scan3A, %scan3A_1 : i32
    %scan3A_3 = arith.constant 1 : i32
    scf.for %scan3A_578 = %scan3A to %scan3A_2 step %scan3A_3  : i32 {
      %mul3A_579 = arith.constant 1 : i32
      %mul3A_580 = arith.muli %scan3A_578, %mul3A_579 : i32
      %add3A_581 = arith.constant 0 : i32
      %add3A_582 = arith.addi %add3A_581, %mul3A_580 : i32
      %jit3A = arith.constant 8 : i32
      %div3A = arith.divsi %add3A_582, %jit3A : i32
      %sign3A = arith.constant 0 : i32
      %sign3A_583 = arith.cmpi sgt, %add3A_582, %sign3A : i32
      %sign3A_584 = arith.extui %sign3A_583 : i1 to i32
      %sign3A_585 = arith.constant 0 : i32
      %sign3A_586 = arith.cmpi slt, %add3A_582, %sign3A_585 : i32
      %sign3A_587 = arith.extui %sign3A_586 : i1 to i32
      %sign3A_588 = arith.subi %sign3A_584, %sign3A_587 : i32
      %sign3A_589 = arith.constant 0 : i32
      %sign3A_590 = arith.cmpi sgt, %jit3A, %sign3A_589 : i32
      %sign3A_591 = arith.extui %sign3A_590 : i1 to i32
      %sign3A_592 = arith.constant 0 : i32
      %sign3A_593 = arith.cmpi slt, %jit3A, %sign3A_592 : i32
      %sign3A_594 = arith.extui %sign3A_593 : i1 to i32
      %sign3A_595 = arith.subi %sign3A_591, %sign3A_594 : i32
      %ne3A = arith.cmpi ne, %sign3A_588, %sign3A_595 : i32
      %rem3A = arith.remsi %add3A_582, %jit3A : i32
      %ne3A_596 = arith.constant 0 : i32
      %ne3A_597 = arith.cmpi ne, %rem3A, %ne3A_596 : i32
      %and3A = arith.andi %ne3A, %ne3A_597 : i1
      %sub3A = arith.constant 1 : i32
      %sub3A_598 = arith.subi %div3A, %sub3A : i32
      %select_n3A = arith.select %and3A, %sub3A_598, %div3A : i32
      %jit3A_599 = arith.constant 8 : i32
      %eq3A_600 = arith.constant 0 : i32
      %eq3A_601 = arith.cmpi eq, %jit3A_599, %eq3A_600 : i32
      %jit3A_602 = arith.constant 1 : i32
      %select_n3A_603 = arith.select %eq3A_601, %jit3A_602, %jit3A_599 : i32
      %rem3A_604 = arith.remsi %add3A_582, %select_n3A_603 : i32
      %ne3A_605 = arith.constant 0 : i32
      %ne3A_606 = arith.cmpi ne, %rem3A_604, %ne3A_605 : i32
      %lt3A = arith.constant 0 : i32
      %lt3A_607 = arith.cmpi slt, %rem3A_604, %lt3A : i32
      %lt3A_608 = arith.constant 0 : i32
      %lt3A_609 = arith.cmpi slt, %select_n3A_603, %lt3A_608 : i32
      %ne3A_610 = arith.xori %lt3A_607, %lt3A_609 : i1
      %and3A_611 = arith.andi %ne3A_610, %ne3A_606 : i1
      %add3A_612 = arith.addi %rem3A_604, %select_n3A_603 : i32
      %select_n3A_613 = arith.select %and3A_611, %add3A_612, %rem3A_604 : i32
      %mul3A_614 = arith.constant 16 : i32
      %mul3A_615 = arith.muli %select_n3A_613, %mul3A_614 : i32
      %broadcast_in_dim3A = arith.constant 0.000000e+00 : f32
      %broadcast_in_dim3A_616 = vector.broadcast %broadcast_in_dim3A : f32 to vector<16xf32>
      %swap3A = arith.index_cast %select_n3A : i32 to index
      %swap3A_617 = arith.index_cast %mul3A_615 : i32 to index
      %swap3A_618 = tpu.vector_load %arg10[%swap3A, %swap3A_617] {strides = array<i32>} : memref<64x128xf32, #tpu.memory_space<vmem>>, vector<1x16xf32>,
      %swap3A_619 = vector.shape_cast %swap3A_618 : vector<1x16xf32> to vector<16xf32>
      %swap3A_620 = vector.shape_cast %broadcast_in_dim3A_616 : vector<16xf32> to vector<1x16xf32>
      tpu.vector_store %arg10[%swap3A, %swap3A_617], %swap3A_620 {strides = array<i32>} : memref<64x128xf32, #tpu.memory_space<vmem>>, vector<1x16xf32>,
    }
    %scan3A_4 = arith.constant 512 : i32
    %mul3A_5 = arith.constant 640 : i32
    %mul3A_6 = arith.muli %arg1, %mul3A_5 : i32
    %add3A_7 = arith.constant 0 : i32
    %add3A_8 = arith.addi %mul3A_6, %add3A_7 : i32
    %dma_start3A = arith.constant 0 : i32
    %dma_start3A_9 = tpu.memref_slice %arg6[%add3A_8, %dma_start3A] : memref<10240x128xf32, #tpu.memory_space<vmem_shared>> -> memref<64x128xf32, #tpu.memory_space<vmem_shared>>
    %dma_start3A_10 = arith.constant 0 : i32
    %dma_start3A_11 = tpu.memref_slice %arg6[%add3A_8, %dma_start3A_10] : memref<10240x128xf32, #tpu.memory_space<vmem_shared>> -> memref<64x128xf32, #tpu.memory_space<vmem_shared>>
    tpu.enqueue_dma source(%arg10 : memref<64x128xf32, #tpu.memory_space<vmem>>) target(%dma_start3A_11 : memref<64x128xf32, #tpu.memory_space<vmem_shared>>) target_semaphore(%arg15 : memref<!tpu.dma_semaphore, #tpu.memory_space<semaphore_mem>>)
    %mul3A_12 = arith.constant 640 : i32
    %mul3A_13 = arith.muli %arg1, %mul3A_12 : i32
    %add3A_14 = arith.constant 64 : i32
    %add3A_15 = arith.addi %mul3A_13, %add3A_14 : i32
    %dma_start3A_16 = arith.constant 0 : i32
    %dma_start3A_17 = tpu.memref_slice %arg6[%add3A_15, %dma_start3A_16] : memref<10240x128xf32, #tpu.memory_space<vmem_shared>> -> memref<64x128xf32, #tpu.memory_space<vmem_shared>>
    %dma_start3A_18 = arith.constant 0 : i32
    %dma_start3A_19 = tpu.memref_slice %arg6[%add3A_15, %dma_start3A_18] : memref<10240x128xf32, #tpu.memory_space<vmem_shared>> -> memref<64x128xf32, #tpu.memory_space<vmem_shared>>
    tpu.enqueue_dma source(%arg10 : memref<64x128xf32, #tpu.memory_space<vmem>>) target(%dma_start3A_19 : memref<64x128xf32, #tpu.memory_space<vmem_shared>>) target_semaphore(%arg15 : memref<!tpu.dma_semaphore, #tpu.memory_space<semaphore_mem>>)
    %mul3A_20 = arith.constant 640 : i32
    %mul3A_21 = arith.muli %arg1, %mul3A_20 : i32
    %add3A_22 = arith.constant 128 : i32
    %add3A_23 = arith.addi %mul3A_21, %add3A_22 : i32
    %dma_start3A_24 = arith.constant 0 : i32
    %dma_start3A_25 = tpu.memref_slice %arg6[%add3A_23, %dma_start3A_24] : memref<10240x128xf32, #tpu.memory_space<vmem_shared>> -> memref<64x128xf32, #tpu.memory_space<vmem_shared>>
    %dma_start3A_26 = arith.constant 0 : i32
    %dma_start3A_27 = tpu.memref_slice %arg6[%add3A_23, %dma_start3A_26] : memref<10240x128xf32, #tpu.memory_space<vmem_shared>> -> memref<64x128xf32, #tpu.memory_space<vmem_shared>>
    tpu.enqueue_dma source(%arg10 : memref<64x128xf32, #tpu.memory_space<vmem>>) target(%dma_start3A_27 : memref<64x128xf32, #tpu.memory_space<vmem_shared>>) target_semaphore(%arg15 : memref<!tpu.dma_semaphore, #tpu.memory_space<semaphore_mem>>)
    %mul3A_28 = arith.constant 640 : i32
    %mul3A_29 = arith.muli %arg1, %mul3A_28 : i32
    %add3A_30 = arith.constant 192 : i32
    %add3A_31 = arith.addi %mul3A_29, %add3A_30 : i32
    %dma_start3A_32 = arith.constant 0 : i32
    %dma_start3A_33 = tpu.memref_slice %arg6[%add3A_31, %dma_start3A_32] : memref<10240x128xf32, #tpu.memory_space<vmem_shared>> -> memref<64x128xf32, #tpu.memory_space<vmem_shared>>
    %dma_start3A_34 = arith.constant 0 : i32
    %dma_start3A_35 = tpu.memref_slice %arg6[%add3A_31, %dma_start3A_34] : memref<10240x128xf32, #tpu.memory_space<vmem_shared>> -> memref<64x128xf32, #tpu.memory_space<vmem_shared>>
    tpu.enqueue_dma source(%arg10 : memref<64x128xf32, #tpu.memory_space<vmem>>) target(%dma_start3A_35 : memref<64x128xf32, #tpu.memory_space<vmem_shared>>) target_semaphore(%arg15 : memref<!tpu.dma_semaphore, #tpu.memory_space<semaphore_mem>>)
    %mul3A_36 = arith.constant 640 : i32
    %mul3A_37 = arith.muli %arg1, %mul3A_36 : i32
    %add3A_38 = arith.constant 256 : i32
    %add3A_39 = arith.addi %mul3A_37, %add3A_38 : i32
    %dma_start3A_40 = arith.constant 0 : i32
    %dma_start3A_41 = tpu.memref_slice %arg6[%add3A_39, %dma_start3A_40] : memref<10240x128xf32, #tpu.memory_space<vmem_shared>> -> memref<64x128xf32, #tpu.memory_space<vmem_shared>>
    %dma_start3A_42 = arith.constant 0 : i32
    %dma_start3A_43 = tpu.memref_slice %arg6[%add3A_39, %dma_start3A_42] : memref<10240x128xf32, #tpu.memory_space<vmem_shared>> -> memref<64x128xf32, #tpu.memory_space<vmem_shared>>
    tpu.enqueue_dma source(%arg10 : memref<64x128xf32, #tpu.memory_space<vmem>>) target(%dma_start3A_43 : memref<64x128xf32, #tpu.memory_space<vmem_shared>>) target_semaphore(%arg15 : memref<!tpu.dma_semaphore, #tpu.memory_space<semaphore_mem>>)
    %mul3A_44 = arith.constant 640 : i32
    %mul3A_45 = arith.muli %arg1, %mul3A_44 : i32
    %add3A_46 = arith.constant 320 : i32
    %add3A_47 = arith.addi %mul3A_45, %add3A_46 : i32
    %dma_start3A_48 = arith.constant 0 : i32
    %dma_start3A_49 = tpu.memref_slice %arg6[%add3A_47, %dma_start3A_48] : memref<10240x128xf32, #tpu.memory_space<vmem_shared>> -> memref<64x128xf32, #tpu.memory_space<vmem_shared>>
    %dma_start3A_50 = arith.constant 0 : i32
    %dma_start3A_51 = tpu.memref_slice %arg6[%add3A_47, %dma_start3A_50] : memref<10240x128xf32, #tpu.memory_space<vmem_shared>> -> memref<64x128xf32, #tpu.memory_space<vmem_shared>>
    tpu.enqueue_dma source(%arg10 : memref<64x128xf32, #tpu.memory_space<vmem>>) target(%dma_start3A_51 : memref<64x128xf32, #tpu.memory_space<vmem_shared>>) target_semaphore(%arg15 : memref<!tpu.dma_semaphore, #tpu.memory_space<semaphore_mem>>)
    %mul3A_52 = arith.constant 640 : i32
    %mul3A_53 = arith.muli %arg1, %mul3A_52 : i32
    %add3A_54 = arith.constant 384 : i32
    %add3A_55 = arith.addi %mul3A_53, %add3A_54 : i32
    %dma_start3A_56 = arith.constant 0 : i32
    %dma_start3A_57 = tpu.memref_slice %arg6[%add3A_55, %dma_start3A_56] : memref<10240x128xf32, #tpu.memory_space<vmem_shared>> -> memref<64x128xf32, #tpu.memory_space<vmem_shared>>
    %dma_start3A_58 = arith.constant 0 : i32
    %dma_start3A_59 = tpu.memref_slice %arg6[%add3A_55, %dma_start3A_58] : memref<10240x128xf32, #tpu.memory_space<vmem_shared>> -> memref<64x128xf32, #tpu.memory_space<vmem_shared>>
    tpu.enqueue_dma source(%arg10 : memref<64x128xf32, #tpu.memory_space<vmem>>) target(%dma_start3A_59 : memref<64x128xf32, #tpu.memory_space<vmem_shared>>) target_semaphore(%arg15 : memref<!tpu.dma_semaphore, #tpu.memory_space<semaphore_mem>>)
    %mul3A_60 = arith.constant 640 : i32
    %mul3A_61 = arith.muli %arg1, %mul3A_60 : i32
    %add3A_62 = arith.constant 448 : i32
    %add3A_63 = arith.addi %mul3A_61, %add3A_62 : i32
    %dma_start3A_64 = arith.constant 0 : i32
    %dma_start3A_65 = tpu.memref_slice %arg6[%add3A_63, %dma_start3A_64] : memref<10240x128xf32, #tpu.memory_space<vmem_shared>> -> memref<64x128xf32, #tpu.memory_space<vmem_shared>>
    %dma_start3A_66 = arith.constant 0 : i32
    %dma_start3A_67 = tpu.memref_slice %arg6[%add3A_63, %dma_start3A_66] : memref<10240x128xf32, #tpu.memory_space<vmem_shared>> -> memref<64x128xf32, #tpu.memory_space<vmem_shared>>
    tpu.enqueue_dma source(%arg10 : memref<64x128xf32, #tpu.memory_space<vmem>>) target(%dma_start3A_67 : memref<64x128xf32, #tpu.memory_space<vmem_shared>>) target_semaphore(%arg15 : memref<!tpu.dma_semaphore, #tpu.memory_space<semaphore_mem>>)
    %mul3A_68 = arith.constant 640 : i32
    %mul3A_69 = arith.muli %arg1, %mul3A_68 : i32
    %add3A_70 = arith.constant 512 : i32
    %add3A_71 = arith.addi %mul3A_69, %add3A_70 : i32
    %dma_start3A_72 = arith.constant 0 : i32
    %dma_start3A_73 = tpu.memref_slice %arg6[%add3A_71, %dma_start3A_72] : memref<10240x128xf32, #tpu.memory_space<vmem_shared>> -> memref<64x128xf32, #tpu.memory_space<vmem_shared>>
    %dma_start3A_74 = arith.constant 0 : i32
    %dma_start3A_75 = tpu.memref_slice %arg6[%add3A_71, %dma_start3A_74] : memref<10240x128xf32, #tpu.memory_space<vmem_shared>> -> memref<64x128xf32, #tpu.memory_space<vmem_shared>>
    tpu.enqueue_dma source(%arg10 : memref<64x128xf32, #tpu.memory_space<vmem>>) target(%dma_start3A_75 : memref<64x128xf32, #tpu.memory_space<vmem_shared>>) target_semaphore(%arg15 : memref<!tpu.dma_semaphore, #tpu.memory_space<semaphore_mem>>)
    %mul3A_76 = arith.constant 640 : i32
    %mul3A_77 = arith.muli %arg1, %mul3A_76 : i32
    %add3A_78 = arith.constant 576 : i32
    %add3A_79 = arith.addi %mul3A_77, %add3A_78 : i32
    %dma_start3A_80 = arith.constant 0 : i32
    %dma_start3A_81 = tpu.memref_slice %arg6[%add3A_79, %dma_start3A_80] : memref<10240x128xf32, #tpu.memory_space<vmem_shared>> -> memref<64x128xf32, #tpu.memory_space<vmem_shared>>
    %dma_start3A_82 = arith.constant 0 : i32
    %dma_start3A_83 = tpu.memref_slice %arg6[%add3A_79, %dma_start3A_82] : memref<10240x128xf32, #tpu.memory_space<vmem_shared>> -> memref<64x128xf32, #tpu.memory_space<vmem_shared>>
    tpu.enqueue_dma source(%arg10 : memref<64x128xf32, #tpu.memory_space<vmem>>) target(%dma_start3A_83 : memref<64x128xf32, #tpu.memory_space<vmem_shared>>) target_semaphore(%arg15 : memref<!tpu.dma_semaphore, #tpu.memory_space<semaphore_mem>>)
    "tpu.region"() ({
      %run_scoped3A = tpu.sem_alloc : memref<!tpu.dma_semaphore, #tpu.memory_space<semaphore_mem>>
      %dma_start3A_578 = arith.constant 0 : i32
      %dma_start3A_579 = arith.constant 0 : i32
      %dma_start3A_580 = tpu.memref_slice %arg3[%add3A, %dma_start3A_578, %dma_start3A_579] : memref<32x160x64xi32, #tpu.memory_space<hbm>> -> memref<1x160x64xi32, #tpu.memory_space<hbm>>
      %dma_start3A_581 = tpu.memref_squeeze %dma_start3A_580 : memref<1x160x64xi32, #tpu.memory_space<hbm>> -> memref<160x64xi32, #tpu.memory_space<hbm>>
      %dma_start3A_582 = arith.constant 0 : i32
      %dma_start3A_583 = arith.constant 0 : i32
      %dma_start3A_584 = tpu.memref_slice %arg3[%add3A, %dma_start3A_582, %dma_start3A_583] : memref<32x160x64xi32, #tpu.memory_space<hbm>> -> memref<1x160x64xi32, #tpu.memory_space<hbm>>
      %dma_start3A_585 = tpu.memref_squeeze %dma_start3A_584 : memref<1x160x64xi32, #tpu.memory_space<hbm>> -> memref<160x64xi32, #tpu.memory_space<hbm>>
      tpu.enqueue_dma source(%dma_start3A_585 : memref<160x64xi32, #tpu.memory_space<hbm>>) target(%arg7 : memref<160x64xi32, #tpu.memory_space<vmem>>) target_semaphore(%run_scoped3A : memref<!tpu.dma_semaphore, #tpu.memory_space<semaphore_mem>>)
      %dma_wait3A_586 = arith.constant 0 : i32
      %dma_wait3A_587 = arith.constant 0 : i32
      %dma_wait3A_588 = tpu.memref_slice %arg3[%add3A, %dma_wait3A_586, %dma_wait3A_587] : memref<32x160x64xi32, #tpu.memory_space<hbm>> -> memref<1x160x64xi32, #tpu.memory_space<hbm>>
      %dma_wait3A_589 = tpu.memref_squeeze %dma_wait3A_588 : memref<1x160x64xi32, #tpu.memory_space<hbm>> -> memref<160x64xi32, #tpu.memory_space<hbm>>
      %dma_wait3A_590 = arith.constant 0 : i32
      %dma_wait3A_591 = arith.constant 0 : i32
      %dma_wait3A_592 = tpu.memref_slice %arg3[%add3A, %dma_wait3A_590, %dma_wait3A_591] : memref<32x160x64xi32, #tpu.memory_space<hbm>> -> memref<1x160x64xi32, #tpu.memory_space<hbm>>
      %dma_wait3A_593 = tpu.memref_squeeze %dma_wait3A_592 : memref<1x160x64xi32, #tpu.memory_space<hbm>> -> memref<160x64xi32, #tpu.memory_space<hbm>>
      tpu.wait_dma2 semaphore(%run_scoped3A : memref<!tpu.dma_semaphore, #tpu.memory_space<semaphore_mem>>) src(%dma_wait3A_593 : memref<160x64xi32, #tpu.memory_space<hbm>>) dst(%arg7 : memref<160x64xi32, #tpu.memory_space<vmem>>)
      tpu.yield
    }) : () -> ()
    %mul3A_84 = arith.constant 640 : i32
    %mul3A_85 = arith.muli %arg1, %mul3A_84 : i32
    %add3A_86 = arith.constant 0 : i32
    %add3A_87 = arith.addi %mul3A_85, %add3A_86 : i32
    %dma_wait3A = arith.constant 0 : i32
    %dma_wait3A_88 = tpu.memref_slice %arg6[%add3A_87, %dma_wait3A] : memref<10240x128xf32, #tpu.memory_space<vmem_shared>> -> memref<64x128xf32, #tpu.memory_space<vmem_shared>>
    %dma_wait3A_89 = arith.constant 0 : i32
    %dma_wait3A_90 = tpu.memref_slice %arg6[%add3A_87, %dma_wait3A_89] : memref<10240x128xf32, #tpu.memory_space<vmem_shared>> -> memref<64x128xf32, #tpu.memory_space<vmem_shared>>
    tpu.wait_dma2 semaphore(%arg15 : memref<!tpu.dma_semaphore, #tpu.memory_space<semaphore_mem>>) src(%arg10 : memref<64x128xf32, #tpu.memory_space<vmem>>) dst(%dma_wait3A_90 : memref<64x128xf32, #tpu.memory_space<vmem_shared>>)
    %mul3A_91 = arith.constant 640 : i32
    %mul3A_92 = arith.muli %arg1, %mul3A_91 : i32
    %add3A_93 = arith.constant 64 : i32
    %add3A_94 = arith.addi %mul3A_92, %add3A_93 : i32
    %dma_wait3A_95 = arith.constant 0 : i32
    %dma_wait3A_96 = tpu.memref_slice %arg6[%add3A_94, %dma_wait3A_95] : memref<10240x128xf32, #tpu.memory_space<vmem_shared>> -> memref<64x128xf32, #tpu.memory_space<vmem_shared>>
    %dma_wait3A_97 = arith.constant 0 : i32
    %dma_wait3A_98 = tpu.memref_slice %arg6[%add3A_94, %dma_wait3A_97] : memref<10240x128xf32, #tpu.memory_space<vmem_shared>> -> memref<64x128xf32, #tpu.memory_space<vmem_shared>>
    tpu.wait_dma2 semaphore(%arg15 : memref<!tpu.dma_semaphore, #tpu.memory_space<semaphore_mem>>) src(%arg10 : memref<64x128xf32, #tpu.memory_space<vmem>>) dst(%dma_wait3A_98 : memref<64x128xf32, #tpu.memory_space<vmem_shared>>)
    %mul3A_99 = arith.constant 640 : i32
    %mul3A_100 = arith.muli %arg1, %mul3A_99 : i32
    %add3A_101 = arith.constant 128 : i32
    %add3A_102 = arith.addi %mul3A_100, %add3A_101 : i32
    %dma_wait3A_103 = arith.constant 0 : i32
    %dma_wait3A_104 = tpu.memref_slice %arg6[%add3A_102, %dma_wait3A_103] : memref<10240x128xf32, #tpu.memory_space<vmem_shared>> -> memref<64x128xf32, #tpu.memory_space<vmem_shared>>
    %dma_wait3A_105 = arith.constant 0 : i32
    %dma_wait3A_106 = tpu.memref_slice %arg6[%add3A_102, %dma_wait3A_105] : memref<10240x128xf32, #tpu.memory_space<vmem_shared>> -> memref<64x128xf32, #tpu.memory_space<vmem_shared>>
    tpu.wait_dma2 semaphore(%arg15 : memref<!tpu.dma_semaphore, #tpu.memory_space<semaphore_mem>>) src(%arg10 : memref<64x128xf32, #tpu.memory_space<vmem>>) dst(%dma_wait3A_106 : memref<64x128xf32, #tpu.memory_space<vmem_shared>>)
    %mul3A_107 = arith.constant 640 : i32
    %mul3A_108 = arith.muli %arg1, %mul3A_107 : i32
    %add3A_109 = arith.constant 192 : i32
    %add3A_110 = arith.addi %mul3A_108, %add3A_109 : i32
    %dma_wait3A_111 = arith.constant 0 : i32
    %dma_wait3A_112 = tpu.memref_slice %arg6[%add3A_110, %dma_wait3A_111] : memref<10240x128xf32, #tpu.memory_space<vmem_shared>> -> memref<64x128xf32, #tpu.memory_space<vmem_shared>>
    %dma_wait3A_113 = arith.constant 0 : i32
    %dma_wait3A_114 = tpu.memref_slice %arg6[%add3A_110, %dma_wait3A_113] : memref<10240x128xf32, #tpu.memory_space<vmem_shared>> -> memref<64x128xf32, #tpu.memory_space<vmem_shared>>
    tpu.wait_dma2 semaphore(%arg15 : memref<!tpu.dma_semaphore, #tpu.memory_space<semaphore_mem>>) src(%arg10 : memref<64x128xf32, #tpu.memory_space<vmem>>) dst(%dma_wait3A_114 : memref<64x128xf32, #tpu.memory_space<vmem_shared>>)
    %mul3A_115 = arith.constant 640 : i32
    %mul3A_116 = arith.muli %arg1, %mul3A_115 : i32
    %add3A_117 = arith.constant 256 : i32
    %add3A_118 = arith.addi %mul3A_116, %add3A_117 : i32
    %dma_wait3A_119 = arith.constant 0 : i32
    %dma_wait3A_120 = tpu.memref_slice %arg6[%add3A_118, %dma_wait3A_119] : memref<10240x128xf32, #tpu.memory_space<vmem_shared>> -> memref<64x128xf32, #tpu.memory_space<vmem_shared>>
    %dma_wait3A_121 = arith.constant 0 : i32
    %dma_wait3A_122 = tpu.memref_slice %arg6[%add3A_118, %dma_wait3A_121] : memref<10240x128xf32, #tpu.memory_space<vmem_shared>> -> memref<64x128xf32, #tpu.memory_space<vmem_shared>>
    tpu.wait_dma2 semaphore(%arg15 : memref<!tpu.dma_semaphore, #tpu.memory_space<semaphore_mem>>) src(%arg10 : memref<64x128xf32, #tpu.memory_space<vmem>>) dst(%dma_wait3A_122 : memref<64x128xf32, #tpu.memory_space<vmem_shared>>)
    %mul3A_123 = arith.constant 640 : i32
    %mul3A_124 = arith.muli %arg1, %mul3A_123 : i32
    %add3A_125 = arith.constant 320 : i32
    %add3A_126 = arith.addi %mul3A_124, %add3A_125 : i32
    %dma_wait3A_127 = arith.constant 0 : i32
    %dma_wait3A_128 = tpu.memref_slice %arg6[%add3A_126, %dma_wait3A_127] : memref<10240x128xf32, #tpu.memory_space<vmem_shared>> -> memref<64x128xf32, #tpu.memory_space<vmem_shared>>
    %dma_wait3A_129 = arith.constant 0 : i32
    %dma_wait3A_130 = tpu.memref_slice %arg6[%add3A_126, %dma_wait3A_129] : memref<10240x128xf32, #tpu.memory_space<vmem_shared>> -> memref<64x128xf32, #tpu.memory_space<vmem_shared>>
    tpu.wait_dma2 semaphore(%arg15 : memref<!tpu.dma_semaphore, #tpu.memory_space<semaphore_mem>>) src(%arg10 : memref<64x128xf32, #tpu.memory_space<vmem>>) dst(%dma_wait3A_130 : memref<64x128xf32, #tpu.memory_space<vmem_shared>>)
    %mul3A_131 = arith.constant 640 : i32
    %mul3A_132 = arith.muli %arg1, %mul3A_131 : i32
    %add3A_133 = arith.constant 384 : i32
    %add3A_134 = arith.addi %mul3A_132, %add3A_133 : i32
    %dma_wait3A_135 = arith.constant 0 : i32
    %dma_wait3A_136 = tpu.memref_slice %arg6[%add3A_134, %dma_wait3A_135] : memref<10240x128xf32, #tpu.memory_space<vmem_shared>> -> memref<64x128xf32, #tpu.memory_space<vmem_shared>>
    %dma_wait3A_137 = arith.constant 0 : i32
    %dma_wait3A_138 = tpu.memref_slice %arg6[%add3A_134, %dma_wait3A_137] : memref<10240x128xf32, #tpu.memory_space<vmem_shared>> -> memref<64x128xf32, #tpu.memory_space<vmem_shared>>
    tpu.wait_dma2 semaphore(%arg15 : memref<!tpu.dma_semaphore, #tpu.memory_space<semaphore_mem>>) src(%arg10 : memref<64x128xf32, #tpu.memory_space<vmem>>) dst(%dma_wait3A_138 : memref<64x128xf32, #tpu.memory_space<vmem_shared>>)
    %mul3A_139 = arith.constant 640 : i32
    %mul3A_140 = arith.muli %arg1, %mul3A_139 : i32
    %add3A_141 = arith.constant 448 : i32
    %add3A_142 = arith.addi %mul3A_140, %add3A_141 : i32
    %dma_wait3A_143 = arith.constant 0 : i32
    %dma_wait3A_144 = tpu.memref_slice %arg6[%add3A_142, %dma_wait3A_143] : memref<10240x128xf32, #tpu.memory_space<vmem_shared>> -> memref<64x128xf32, #tpu.memory_space<vmem_shared>>
    %dma_wait3A_145 = arith.constant 0 : i32
    %dma_wait3A_146 = tpu.memref_slice %arg6[%add3A_142, %dma_wait3A_145] : memref<10240x128xf32, #tpu.memory_space<vmem_shared>> -> memref<64x128xf32, #tpu.memory_space<vmem_shared>>
    tpu.wait_dma2 semaphore(%arg15 : memref<!tpu.dma_semaphore, #tpu.memory_space<semaphore_mem>>) src(%arg10 : memref<64x128xf32, #tpu.memory_space<vmem>>) dst(%dma_wait3A_146 : memref<64x128xf32, #tpu.memory_space<vmem_shared>>)
    %mul3A_147 = arith.constant 640 : i32
    %mul3A_148 = arith.muli %arg1, %mul3A_147 : i32
    %add3A_149 = arith.constant 512 : i32
    %add3A_150 = arith.addi %mul3A_148, %add3A_149 : i32
    %dma_wait3A_151 = arith.constant 0 : i32
    %dma_wait3A_152 = tpu.memref_slice %arg6[%add3A_150, %dma_wait3A_151] : memref<10240x128xf32, #tpu.memory_space<vmem_shared>> -> memref<64x128xf32, #tpu.memory_space<vmem_shared>>
    %dma_wait3A_153 = arith.constant 0 : i32
    %dma_wait3A_154 = tpu.memref_slice %arg6[%add3A_150, %dma_wait3A_153] : memref<10240x128xf32, #tpu.memory_space<vmem_shared>> -> memref<64x128xf32, #tpu.memory_space<vmem_shared>>
    tpu.wait_dma2 semaphore(%arg15 : memref<!tpu.dma_semaphore, #tpu.memory_space<semaphore_mem>>) src(%arg10 : memref<64x128xf32, #tpu.memory_space<vmem>>) dst(%dma_wait3A_154 : memref<64x128xf32, #tpu.memory_space<vmem_shared>>)
    %mul3A_155 = arith.constant 640 : i32
    %mul3A_156 = arith.muli %arg1, %mul3A_155 : i32
    %add3A_157 = arith.constant 576 : i32
    %add3A_158 = arith.addi %mul3A_156, %add3A_157 : i32
    %dma_wait3A_159 = arith.constant 0 : i32
    %dma_wait3A_160 = tpu.memref_slice %arg6[%add3A_158, %dma_wait3A_159] : memref<10240x128xf32, #tpu.memory_space<vmem_shared>> -> memref<64x128xf32, #tpu.memory_space<vmem_shared>>
    %dma_wait3A_161 = arith.constant 0 : i32
    %dma_wait3A_162 = tpu.memref_slice %arg6[%add3A_158, %dma_wait3A_161] : memref<10240x128xf32, #tpu.memory_space<vmem_shared>> -> memref<64x128xf32, #tpu.memory_space<vmem_shared>>
    tpu.wait_dma2 semaphore(%arg15 : memref<!tpu.dma_semaphore, #tpu.memory_space<semaphore_mem>>) src(%arg10 : memref<64x128xf32, #tpu.memory_space<vmem>>) dst(%dma_wait3A_162 : memref<64x128xf32, #tpu.memory_space<vmem_shared>>)
    %barrier3A = arith.constant 0 : index
    tpu.barrier barrier_id(%barrier3A)
    %scan3A_163 = arith.constant 0 : i32
    %scan3A_164 = arith.constant 4 : i32
    %scan3A_165 = arith.addi %scan3A_163, %scan3A_164 : i32
    %scan3A_166 = arith.constant 1 : i32
    scf.for %scan3A_578 = %scan3A_163 to %scan3A_165 step %scan3A_166  : i32 {
      %mul3A_579 = arith.constant 1 : i32
      %mul3A_580 = arith.muli %scan3A_578, %mul3A_579 : i32
      %add3A_581 = arith.constant 0 : i32
      %add3A_582 = arith.addi %add3A_581, %mul3A_580 : i32
      %mul3A_583 = arith.constant 16 : i32
      %mul3A_584 = arith.muli %add3A_582, %mul3A_583 : i32
      %get3A = arith.constant 0 : i32
      %get3A_585 = arith.index_cast %get3A : i32 to index
      %get3A_586 = arith.index_cast %mul3A_584 : i32 to index
      %get3A_587 = tpu.vector_load %arg7[%get3A_585, %get3A_586] {strides = array<i32>} : memref<160x64xi32, #tpu.memory_space<vmem>>, vector<1x16xi32>,
      %get3A_588 = vector.shape_cast %get3A_587 : vector<1x16xi32> to vector<16xi32>
      %shift_right_logical3A = arith.constant 14 : i32
      %shift_right_logical3A_589 = vector.broadcast %shift_right_logical3A : i32 to vector<16xi32>
      %shift_right_logical3A_590 = arith.shrui %get3A_588, %shift_right_logical3A_589 : vector<16xi32>
      %mul3A_591 = arith.constant 16 : i32
      %mul3A_592 = arith.muli %add3A_582, %mul3A_591 : i32
      %swap3A = arith.constant 0 : i32
      %swap3A_593 = arith.index_cast %swap3A : i32 to index
      %swap3A_594 = arith.index_cast %mul3A_592 : i32 to index
      %swap3A_595 = tpu.vector_load %arg8[%swap3A_593, %swap3A_594] {strides = array<i32>} : memref<4x64xi32, #tpu.memory_space<vmem>>, vector<1x16xi32>,
      %swap3A_596 = vector.shape_cast %swap3A_595 : vector<1x16xi32> to vector<16xi32>
      %swap3A_597 = vector.shape_cast %shift_right_logical3A_590 : vector<16xi32> to vector<1x16xi32>
      tpu.vector_store %arg8[%swap3A_593, %swap3A_594], %swap3A_597 {strides = array<i32>} : memref<4x64xi32, #tpu.memory_space<vmem>>, vector<1x16xi32>,
      %and3A = arith.constant 16383 : i32
      %and3A_598 = vector.broadcast %and3A : i32 to vector<16xi32>
      %and3A_599 = arith.andi %get3A_588, %and3A_598 : vector<16xi32>
      %mul3A_600 = arith.constant 16 : i32
      %mul3A_601 = arith.muli %add3A_582, %mul3A_600 : i32
      %swap3A_602 = arith.constant 0 : i32
      %swap3A_603 = arith.index_cast %swap3A_602 : i32 to index
      %swap3A_604 = arith.index_cast %mul3A_601 : i32 to index
      %swap3A_605 = tpu.vector_load %arg9[%swap3A_603, %swap3A_604] {strides = array<i32>} : memref<4x64xi32, #tpu.memory_space<vmem>>, vector<1x16xi32>,
      %swap3A_606 = vector.shape_cast %swap3A_605 : vector<1x16xi32> to vector<16xi32>
      %swap3A_607 = vector.shape_cast %and3A_599 : vector<16xi32> to vector<1x16xi32>
      tpu.vector_store %arg9[%swap3A_603, %swap3A_604], %swap3A_607 {strides = array<i32>} : memref<4x64xi32, #tpu.memory_space<vmem>>, vector<1x16xi32>,
    }
    %scan3A_167 = arith.constant 4 : i32
    %dma_start3A_168 = arith.constant 0 : i32
    %dma_start3A_169 = arith.constant 0 : i32
    %dma_start3A_170 = tpu.memref_slice %arg8[%dma_start3A_168, %dma_start3A_169] : memref<4x64xi32, #tpu.memory_space<vmem>> -> memref<1x64xi32, #tpu.memory_space<vmem>>
    %dma_start3A_171 = tpu.memref_squeeze %dma_start3A_170 : memref<1x64xi32, #tpu.memory_space<vmem>> -> memref<64xi32, #tpu.memory_space<vmem>>
    %dma_start3A_172 = arith.constant 0 : i32
    %dma_start3A_173 = arith.constant 0 : i32
    %dma_start3A_174 = tpu.memref_slice %arg2[%dma_start3A_172, %dma_start3A_173] : memref<10000x128xf32, #tpu.memory_space<hbm>> -> memref<10000x128xf32, #tpu.memory_space<hbm>>
    tpu.enqueue_indirect_dma source(%dma_start3A_174 : memref<10000x128xf32, #tpu.memory_space<hbm>>) target(%arg10 : memref<64x128xf32, #tpu.memory_space<vmem>>) offsets(%dma_start3A_171 : memref<64xi32, #tpu.memory_space<vmem>>) semaphore(%arg14 : memref<!tpu.dma_semaphore, #tpu.memory_space<semaphore_mem>>)
    %scan3A_175 = arith.constant 0 : i32
    %scan3A_176 = arith.constant 4 : i32
    %scan3A_177 = arith.addi %scan3A_175, %scan3A_176 : i32
    %scan3A_178 = arith.constant 1 : i32
    scf.for %scan3A_578 = %scan3A_175 to %scan3A_177 step %scan3A_178  : i32 {
      %mul3A_579 = arith.constant 1 : i32
      %mul3A_580 = arith.muli %scan3A_578, %mul3A_579 : i32
      %add3A_581 = arith.constant 0 : i32
      %add3A_582 = arith.addi %add3A_581, %mul3A_580 : i32
      %mul3A_583 = arith.constant 16 : i32
      %mul3A_584 = arith.muli %add3A_582, %mul3A_583 : i32
      %get3A = arith.constant 1 : i32
      %get3A_585 = arith.index_cast %get3A : i32 to index
      %get3A_586 = arith.index_cast %mul3A_584 : i32 to index
      %get3A_587 = tpu.vector_load %arg7[%get3A_585, %get3A_586] {strides = array<i32>} : memref<160x64xi32, #tpu.memory_space<vmem>>, vector<1x16xi32>,
      %get3A_588 = vector.shape_cast %get3A_587 : vector<1x16xi32> to vector<16xi32>
      %shift_right_logical3A = arith.constant 14 : i32
      %shift_right_logical3A_589 = vector.broadcast %shift_right_logical3A : i32 to vector<16xi32>
      %shift_right_logical3A_590 = arith.shrui %get3A_588, %shift_right_logical3A_589 : vector<16xi32>
      %mul3A_591 = arith.constant 16 : i32
      %mul3A_592 = arith.muli %add3A_582, %mul3A_591 : i32
      %swap3A = arith.constant 1 : i32
      %swap3A_593 = arith.index_cast %swap3A : i32 to index
      %swap3A_594 = arith.index_cast %mul3A_592 : i32 to index
      %swap3A_595 = tpu.vector_load %arg8[%swap3A_593, %swap3A_594] {strides = array<i32>} : memref<4x64xi32, #tpu.memory_space<vmem>>, vector<1x16xi32>,
      %swap3A_596 = vector.shape_cast %swap3A_595 : vector<1x16xi32> to vector<16xi32>
      %swap3A_597 = vector.shape_cast %shift_right_logical3A_590 : vector<16xi32> to vector<1x16xi32>
      tpu.vector_store %arg8[%swap3A_593, %swap3A_594], %swap3A_597 {strides = array<i32>} : memref<4x64xi32, #tpu.memory_space<vmem>>, vector<1x16xi32>,
      %and3A = arith.constant 16383 : i32
      %and3A_598 = vector.broadcast %and3A : i32 to vector<16xi32>
      %and3A_599 = arith.andi %get3A_588, %and3A_598 : vector<16xi32>
      %mul3A_600 = arith.constant 16 : i32
      %mul3A_601 = arith.muli %add3A_582, %mul3A_600 : i32
      %swap3A_602 = arith.constant 1 : i32
      %swap3A_603 = arith.index_cast %swap3A_602 : i32 to index
      %swap3A_604 = arith.index_cast %mul3A_601 : i32 to index
      %swap3A_605 = tpu.vector_load %arg9[%swap3A_603, %swap3A_604] {strides = array<i32>} : memref<4x64xi32, #tpu.memory_space<vmem>>, vector<1x16xi32>,
      %swap3A_606 = vector.shape_cast %swap3A_605 : vector<1x16xi32> to vector<16xi32>
      %swap3A_607 = vector.shape_cast %and3A_599 : vector<16xi32> to vector<1x16xi32>
      tpu.vector_store %arg9[%swap3A_603, %swap3A_604], %swap3A_607 {strides = array<i32>} : memref<4x64xi32, #tpu.memory_space<vmem>>, vector<1x16xi32>,
    }
    %scan3A_179 = arith.constant 4 : i32
    %dma_start3A_180 = arith.constant 1 : i32
    %dma_start3A_181 = arith.constant 0 : i32
    %dma_start3A_182 = tpu.memref_slice %arg8[%dma_start3A_180, %dma_start3A_181] : memref<4x64xi32, #tpu.memory_space<vmem>> -> memref<1x64xi32, #tpu.memory_space<vmem>>
    %dma_start3A_183 = tpu.memref_squeeze %dma_start3A_182 : memref<1x64xi32, #tpu.memory_space<vmem>> -> memref<64xi32, #tpu.memory_space<vmem>>
    %dma_start3A_184 = arith.constant 0 : i32
    %dma_start3A_185 = arith.constant 0 : i32
    %dma_start3A_186 = tpu.memref_slice %arg2[%dma_start3A_184, %dma_start3A_185] : memref<10000x128xf32, #tpu.memory_space<hbm>> -> memref<10000x128xf32, #tpu.memory_space<hbm>>
    tpu.enqueue_indirect_dma source(%dma_start3A_186 : memref<10000x128xf32, #tpu.memory_space<hbm>>) target(%arg11 : memref<64x128xf32, #tpu.memory_space<vmem>>) offsets(%dma_start3A_183 : memref<64xi32, #tpu.memory_space<vmem>>) semaphore(%arg15 : memref<!tpu.dma_semaphore, #tpu.memory_space<semaphore_mem>>)
    %scan3A_187 = arith.constant 0 : i32
    %scan3A_188 = arith.constant 40 : i32
    %scan3A_189 = arith.addi %scan3A_187, %scan3A_188 : i32
    %scan3A_190 = arith.constant 1 : i32
    scf.for %scan3A_578 = %scan3A_187 to %scan3A_189 step %scan3A_190  : i32 {
      %mul3A_579 = arith.constant 1 : i32
      %mul3A_580 = arith.muli %scan3A_578, %mul3A_579 : i32
      %add3A_581 = arith.constant 0 : i32
      %add3A_582 = arith.addi %add3A_581, %mul3A_580 : i32
      %mul3A_583 = arith.constant 4 : i32
      %mul3A_584 = arith.muli %add3A_582, %mul3A_583 : i32
      %add3A_585 = arith.constant 0 : i32
      %add3A_586 = arith.addi %mul3A_584, %add3A_585 : i32
      %add3A_587 = arith.constant 2 : i32
      %add3A_588 = arith.addi %add3A_586, %add3A_587 : i32
      %lt3A = arith.constant 160 : i32
      %lt3A_589 = arith.cmpi slt, %add3A_588, %lt3A : i32
      %convert_element_type3A_590 = arith.extui %lt3A_589 : i1 to i32
      %cond3A_591 = arith.constant 0 : i32
      %cond3A_592 = arith.cmpi ne, %convert_element_type3A_590, %cond3A_591 : i32
      scf.if %cond3A_592 {
        %ge3A = arith.constant 2 : i32
        %ge3A_682 = arith.cmpi sge, %add3A_586, %ge3A : i32
        %convert_element_type3A_683 = arith.extui %ge3A_682 : i1 to i32
        %cond3A_684 = arith.constant 0 : i32
        %cond3A_685 = arith.cmpi ne, %convert_element_type3A_683, %cond3A_684 : i32
        scf.if %cond3A_685 {
          %dma_wait3A_700 = arith.constant 2 : i32
          %dma_wait3A_701 = arith.constant 0 : i32
          %dma_wait3A_702 = tpu.memref_slice %arg9[%dma_wait3A_700, %dma_wait3A_701] : memref<4x64xi32, #tpu.memory_space<vmem>> -> memref<1x64xi32, #tpu.memory_space<vmem>>
          %dma_wait3A_703 = tpu.memref_squeeze %dma_wait3A_702 : memref<1x64xi32, #tpu.memory_space<vmem>> -> memref<64xi32, #tpu.memory_space<vmem>>
          %dma_wait3A_704 = arith.constant 0 : i32
          %dma_wait3A_705 = arith.constant 0 : i32
          %dma_wait3A_706 = tpu.memref_slice %arg6[%dma_wait3A_704, %dma_wait3A_705] : memref<10240x128xf32, #tpu.memory_space<vmem_shared>> -> memref<10240x128xf32, #tpu.memory_space<vmem_shared>>
          tpu.wait_indirect_dma semaphore(%arg20 : memref<!tpu.dma_semaphore, #tpu.memory_space<semaphore_mem>>) src(%arg12 : memref<64x128xf32, #tpu.memory_space<vmem>>) dst(%dma_wait3A_706 : memref<10240x128xf32, #tpu.memory_space<vmem_shared>>)
        } else {
        }
        %add3A_686 = arith.constant 2 : i32
        %add3A_687 = arith.addi %add3A_586, %add3A_686 : i32
        %scan3A_688 = arith.constant 0 : i32
        %scan3A_689 = arith.constant 4 : i32
        %scan3A_690 = arith.addi %scan3A_688, %scan3A_689 : i32
        %scan3A_691 = arith.constant 1 : i32
        scf.for %scan3A_700 = %scan3A_688 to %scan3A_690 step %scan3A_691  : i32 {
          %mul3A_701 = arith.constant 1 : i32
          %mul3A_702 = arith.muli %scan3A_700, %mul3A_701 : i32
          %add3A_703 = arith.constant 0 : i32
          %add3A_704 = arith.addi %add3A_703, %mul3A_702 : i32
          %mul3A_705 = arith.constant 16 : i32
          %mul3A_706 = arith.muli %add3A_704, %mul3A_705 : i32
          %get3A = arith.index_cast %add3A_687 : i32 to index
          %get3A_707 = arith.index_cast %mul3A_706 : i32 to index
          %get3A_708 = tpu.vector_load %arg7[%get3A, %get3A_707] {strides = array<i32>} : memref<160x64xi32, #tpu.memory_space<vmem>>, vector<1x16xi32>,
          %get3A_709 = vector.shape_cast %get3A_708 : vector<1x16xi32> to vector<16xi32>
          %shift_right_logical3A = arith.constant 14 : i32
          %shift_right_logical3A_710 = vector.broadcast %shift_right_logical3A : i32 to vector<16xi32>
          %shift_right_logical3A_711 = arith.shrui %get3A_709, %shift_right_logical3A_710 : vector<16xi32>
          %mul3A_712 = arith.constant 16 : i32
          %mul3A_713 = arith.muli %add3A_704, %mul3A_712 : i32
          %swap3A = arith.constant 2 : i32
          %swap3A_714 = arith.index_cast %swap3A : i32 to index
          %swap3A_715 = arith.index_cast %mul3A_713 : i32 to index
          %swap3A_716 = tpu.vector_load %arg8[%swap3A_714, %swap3A_715] {strides = array<i32>} : memref<4x64xi32, #tpu.memory_space<vmem>>, vector<1x16xi32>,
          %swap3A_717 = vector.shape_cast %swap3A_716 : vector<1x16xi32> to vector<16xi32>
          %swap3A_718 = vector.shape_cast %shift_right_logical3A_711 : vector<16xi32> to vector<1x16xi32>
          tpu.vector_store %arg8[%swap3A_714, %swap3A_715], %swap3A_718 {strides = array<i32>} : memref<4x64xi32, #tpu.memory_space<vmem>>, vector<1x16xi32>,
          %and3A = arith.constant 16383 : i32
          %and3A_719 = vector.broadcast %and3A : i32 to vector<16xi32>
          %and3A_720 = arith.andi %get3A_709, %and3A_719 : vector<16xi32>
          %mul3A_721 = arith.constant 16 : i32
          %mul3A_722 = arith.muli %add3A_704, %mul3A_721 : i32
          %swap3A_723 = arith.constant 2 : i32
          %swap3A_724 = arith.index_cast %swap3A_723 : i32 to index
          %swap3A_725 = arith.index_cast %mul3A_722 : i32 to index
          %swap3A_726 = tpu.vector_load %arg9[%swap3A_724, %swap3A_725] {strides = array<i32>} : memref<4x64xi32, #tpu.memory_space<vmem>>, vector<1x16xi32>,
          %swap3A_727 = vector.shape_cast %swap3A_726 : vector<1x16xi32> to vector<16xi32>
          %swap3A_728 = vector.shape_cast %and3A_720 : vector<16xi32> to vector<1x16xi32>
          tpu.vector_store %arg9[%swap3A_724, %swap3A_725], %swap3A_728 {strides = array<i32>} : memref<4x64xi32, #tpu.memory_space<vmem>>, vector<1x16xi32>,
        }
        %scan3A_692 = arith.constant 4 : i32
        %dma_start3A_693 = arith.constant 2 : i32
        %dma_start3A_694 = arith.constant 0 : i32
        %dma_start3A_695 = tpu.memref_slice %arg8[%dma_start3A_693, %dma_start3A_694] : memref<4x64xi32, #tpu.memory_space<vmem>> -> memref<1x64xi32, #tpu.memory_space<vmem>>
        %dma_start3A_696 = tpu.memref_squeeze %dma_start3A_695 : memref<1x64xi32, #tpu.memory_space<vmem>> -> memref<64xi32, #tpu.memory_space<vmem>>
        %dma_start3A_697 = arith.constant 0 : i32
        %dma_start3A_698 = arith.constant 0 : i32
        %dma_start3A_699 = tpu.memref_slice %arg2[%dma_start3A_697, %dma_start3A_698] : memref<10000x128xf32, #tpu.memory_space<hbm>> -> memref<10000x128xf32, #tpu.memory_space<hbm>>
        tpu.enqueue_indirect_dma source(%dma_start3A_699 : memref<10000x128xf32, #tpu.memory_space<hbm>>) target(%arg12 : memref<64x128xf32, #tpu.memory_space<vmem>>) offsets(%dma_start3A_696 : memref<64xi32, #tpu.memory_space<vmem>>) semaphore(%arg16 : memref<!tpu.dma_semaphore, #tpu.memory_space<semaphore_mem>>)
      } else {
      }
      %dma_wait3A_593 = arith.constant 0 : i32
      %dma_wait3A_594 = arith.constant 0 : i32
      %dma_wait3A_595 = tpu.memref_slice %arg8[%dma_wait3A_593, %dma_wait3A_594] : memref<4x64xi32, #tpu.memory_space<vmem>> -> memref<1x64xi32, #tpu.memory_space<vmem>>
      %dma_wait3A_596 = tpu.memref_squeeze %dma_wait3A_595 : memref<1x64xi32, #tpu.memory_space<vmem>> -> memref<64xi32, #tpu.memory_space<vmem>>
      %dma_wait3A_597 = arith.constant 0 : i32
      %dma_wait3A_598 = arith.constant 0 : i32
      %dma_wait3A_599 = tpu.memref_slice %arg2[%dma_wait3A_597, %dma_wait3A_598] : memref<10000x128xf32, #tpu.memory_space<hbm>> -> memref<10000x128xf32, #tpu.memory_space<hbm>>
      tpu.wait_indirect_dma semaphore(%arg14 : memref<!tpu.dma_semaphore, #tpu.memory_space<semaphore_mem>>) src(%dma_wait3A_599 : memref<10000x128xf32, #tpu.memory_space<hbm>>) dst(%arg10 : memref<64x128xf32, #tpu.memory_space<vmem>>)
      %dma_start3A_600 = arith.constant 0 : i32
      %dma_start3A_601 = arith.constant 0 : i32
      %dma_start3A_602 = tpu.memref_slice %arg9[%dma_start3A_600, %dma_start3A_601] : memref<4x64xi32, #tpu.memory_space<vmem>> -> memref<1x64xi32, #tpu.memory_space<vmem>>
      %dma_start3A_603 = tpu.memref_squeeze %dma_start3A_602 : memref<1x64xi32, #tpu.memory_space<vmem>> -> memref<64xi32, #tpu.memory_space<vmem>>
      %dma_start3A_604 = arith.constant 0 : i32
      %dma_start3A_605 = arith.constant 0 : i32
      %dma_start3A_606 = tpu.memref_slice %arg6[%dma_start3A_604, %dma_start3A_605] : memref<10240x128xf32, #tpu.memory_space<vmem_shared>> -> memref<10240x128xf32, #tpu.memory_space<vmem_shared>>
      tpu.enqueue_indirect_dma source(%arg10 : memref<64x128xf32, #tpu.memory_space<vmem>>) target(%dma_start3A_606 : memref<10240x128xf32, #tpu.memory_space<vmem_shared>>) offsets(%dma_start3A_603 : memref<64xi32, #tpu.memory_space<vmem>>) semaphore(%arg18 : memref<!tpu.dma_semaphore, #tpu.memory_space<semaphore_mem>>) {add = true}
      %mul3A_607 = arith.constant 4 : i32
      %mul3A_608 = arith.muli %add3A_582, %mul3A_607 : i32
      %add3A_609 = arith.constant 1 : i32
      %add3A_610 = arith.addi %mul3A_608, %add3A_609 : i32
      %add3A_611 = arith.constant 2 : i32
      %add3A_612 = arith.addi %add3A_610, %add3A_611 : i32
      %lt3A_613 = arith.constant 160 : i32
      %lt3A_614 = arith.cmpi slt, %add3A_612, %lt3A_613 : i32
      %convert_element_type3A_615 = arith.extui %lt3A_614 : i1 to i32
      %cond3A_616 = arith.constant 0 : i32
      %cond3A_617 = arith.cmpi ne, %convert_element_type3A_615, %cond3A_616 : i32
      scf.if %cond3A_617 {
        %ge3A = arith.constant 2 : i32
        %ge3A_682 = arith.cmpi sge, %add3A_610, %ge3A : i32
        %convert_element_type3A_683 = arith.extui %ge3A_682 : i1 to i32
        %cond3A_684 = arith.constant 0 : i32
        %cond3A_685 = arith.cmpi ne, %convert_element_type3A_683, %cond3A_684 : i32
        scf.if %cond3A_685 {
          %dma_wait3A_700 = arith.constant 3 : i32
          %dma_wait3A_701 = arith.constant 0 : i32
          %dma_wait3A_702 = tpu.memref_slice %arg9[%dma_wait3A_700, %dma_wait3A_701] : memref<4x64xi32, #tpu.memory_space<vmem>> -> memref<1x64xi32, #tpu.memory_space<vmem>>
          %dma_wait3A_703 = tpu.memref_squeeze %dma_wait3A_702 : memref<1x64xi32, #tpu.memory_space<vmem>> -> memref<64xi32, #tpu.memory_space<vmem>>
          %dma_wait3A_704 = arith.constant 0 : i32
          %dma_wait3A_705 = arith.constant 0 : i32
          %dma_wait3A_706 = tpu.memref_slice %arg6[%dma_wait3A_704, %dma_wait3A_705] : memref<10240x128xf32, #tpu.memory_space<vmem_shared>> -> memref<10240x128xf32, #tpu.memory_space<vmem_shared>>
          tpu.wait_indirect_dma semaphore(%arg21 : memref<!tpu.dma_semaphore, #tpu.memory_space<semaphore_mem>>) src(%arg13 : memref<64x128xf32, #tpu.memory_space<vmem>>) dst(%dma_wait3A_706 : memref<10240x128xf32, #tpu.memory_space<vmem_shared>>)
        } else {
        }
        %add3A_686 = arith.constant 2 : i32
        %add3A_687 = arith.addi %add3A_610, %add3A_686 : i32
        %scan3A_688 = arith.constant 0 : i32
        %scan3A_689 = arith.constant 4 : i32
        %scan3A_690 = arith.addi %scan3A_688, %scan3A_689 : i32
        %scan3A_691 = arith.constant 1 : i32
        scf.for %scan3A_700 = %scan3A_688 to %scan3A_690 step %scan3A_691  : i32 {
          %mul3A_701 = arith.constant 1 : i32
          %mul3A_702 = arith.muli %scan3A_700, %mul3A_701 : i32
          %add3A_703 = arith.constant 0 : i32
          %add3A_704 = arith.addi %add3A_703, %mul3A_702 : i32
          %mul3A_705 = arith.constant 16 : i32
          %mul3A_706 = arith.muli %add3A_704, %mul3A_705 : i32
          %get3A = arith.index_cast %add3A_687 : i32 to index
          %get3A_707 = arith.index_cast %mul3A_706 : i32 to index
          %get3A_708 = tpu.vector_load %arg7[%get3A, %get3A_707] {strides = array<i32>} : memref<160x64xi32, #tpu.memory_space<vmem>>, vector<1x16xi32>,
          %get3A_709 = vector.shape_cast %get3A_708 : vector<1x16xi32> to vector<16xi32>
          %shift_right_logical3A = arith.constant 14 : i32
          %shift_right_logical3A_710 = vector.broadcast %shift_right_logical3A : i32 to vector<16xi32>
          %shift_right_logical3A_711 = arith.shrui %get3A_709, %shift_right_logical3A_710 : vector<16xi32>
          %mul3A_712 = arith.constant 16 : i32
          %mul3A_713 = arith.muli %add3A_704, %mul3A_712 : i32
          %swap3A = arith.constant 3 : i32
          %swap3A_714 = arith.index_cast %swap3A : i32 to index
          %swap3A_715 = arith.index_cast %mul3A_713 : i32 to index
          %swap3A_716 = tpu.vector_load %arg8[%swap3A_714, %swap3A_715] {strides = array<i32>} : memref<4x64xi32, #tpu.memory_space<vmem>>, vector<1x16xi32>,
          %swap3A_717 = vector.shape_cast %swap3A_716 : vector<1x16xi32> to vector<16xi32>
          %swap3A_718 = vector.shape_cast %shift_right_logical3A_711 : vector<16xi32> to vector<1x16xi32>
          tpu.vector_store %arg8[%swap3A_714, %swap3A_715], %swap3A_718 {strides = array<i32>} : memref<4x64xi32, #tpu.memory_space<vmem>>, vector<1x16xi32>,
          %and3A = arith.constant 16383 : i32
          %and3A_719 = vector.broadcast %and3A : i32 to vector<16xi32>
          %and3A_720 = arith.andi %get3A_709, %and3A_719 : vector<16xi32>
          %mul3A_721 = arith.constant 16 : i32
          %mul3A_722 = arith.muli %add3A_704, %mul3A_721 : i32
          %swap3A_723 = arith.constant 3 : i32
          %swap3A_724 = arith.index_cast %swap3A_723 : i32 to index
          %swap3A_725 = arith.index_cast %mul3A_722 : i32 to index
          %swap3A_726 = tpu.vector_load %arg9[%swap3A_724, %swap3A_725] {strides = array<i32>} : memref<4x64xi32, #tpu.memory_space<vmem>>, vector<1x16xi32>,
          %swap3A_727 = vector.shape_cast %swap3A_726 : vector<1x16xi32> to vector<16xi32>
          %swap3A_728 = vector.shape_cast %and3A_720 : vector<16xi32> to vector<1x16xi32>
          tpu.vector_store %arg9[%swap3A_724, %swap3A_725], %swap3A_728 {strides = array<i32>} : memref<4x64xi32, #tpu.memory_space<vmem>>, vector<1x16xi32>,
        }
        %scan3A_692 = arith.constant 4 : i32
        %dma_start3A_693 = arith.constant 3 : i32
        %dma_start3A_694 = arith.constant 0 : i32
        %dma_start3A_695 = tpu.memref_slice %arg8[%dma_start3A_693, %dma_start3A_694] : memref<4x64xi32, #tpu.memory_space<vmem>> -> memref<1x64xi32, #tpu.memory_space<vmem>>
        %dma_start3A_696 = tpu.memref_squeeze %dma_start3A_695 : memref<1x64xi32, #tpu.memory_space<vmem>> -> memref<64xi32, #tpu.memory_space<vmem>>
        %dma_start3A_697 = arith.constant 0 : i32
        %dma_start3A_698 = arith.constant 0 : i32
        %dma_start3A_699 = tpu.memref_slice %arg2[%dma_start3A_697, %dma_start3A_698] : memref<10000x128xf32, #tpu.memory_space<hbm>> -> memref<10000x128xf32, #tpu.memory_space<hbm>>
        tpu.enqueue_indirect_dma source(%dma_start3A_699 : memref<10000x128xf32, #tpu.memory_space<hbm>>) target(%arg13 : memref<64x128xf32, #tpu.memory_space<vmem>>) offsets(%dma_start3A_696 : memref<64xi32, #tpu.memory_space<vmem>>) semaphore(%arg17 : memref<!tpu.dma_semaphore, #tpu.memory_space<semaphore_mem>>)
      } else {
      }
      %dma_wait3A_618 = arith.constant 1 : i32
      %dma_wait3A_619 = arith.constant 0 : i32
      %dma_wait3A_620 = tpu.memref_slice %arg8[%dma_wait3A_618, %dma_wait3A_619] : memref<4x64xi32, #tpu.memory_space<vmem>> -> memref<1x64xi32, #tpu.memory_space<vmem>>
      %dma_wait3A_621 = tpu.memref_squeeze %dma_wait3A_620 : memref<1x64xi32, #tpu.memory_space<vmem>> -> memref<64xi32, #tpu.memory_space<vmem>>
      %dma_wait3A_622 = arith.constant 0 : i32
      %dma_wait3A_623 = arith.constant 0 : i32
      %dma_wait3A_624 = tpu.memref_slice %arg2[%dma_wait3A_622, %dma_wait3A_623] : memref<10000x128xf32, #tpu.memory_space<hbm>> -> memref<10000x128xf32, #tpu.memory_space<hbm>>
      tpu.wait_indirect_dma semaphore(%arg15 : memref<!tpu.dma_semaphore, #tpu.memory_space<semaphore_mem>>) src(%dma_wait3A_624 : memref<10000x128xf32, #tpu.memory_space<hbm>>) dst(%arg11 : memref<64x128xf32, #tpu.memory_space<vmem>>)
      %dma_start3A_625 = arith.constant 1 : i32
      %dma_start3A_626 = arith.constant 0 : i32
      %dma_start3A_627 = tpu.memref_slice %arg9[%dma_start3A_625, %dma_start3A_626] : memref<4x64xi32, #tpu.memory_space<vmem>> -> memref<1x64xi32, #tpu.memory_space<vmem>>
      %dma_start3A_628 = tpu.memref_squeeze %dma_start3A_627 : memref<1x64xi32, #tpu.memory_space<vmem>> -> memref<64xi32, #tpu.memory_space<vmem>>
      %dma_start3A_629 = arith.constant 0 : i32
      %dma_start3A_630 = arith.constant 0 : i32
      %dma_start3A_631 = tpu.memref_slice %arg6[%dma_start3A_629, %dma_start3A_630] : memref<10240x128xf32, #tpu.memory_space<vmem_shared>> -> memref<10240x128xf32, #tpu.memory_space<vmem_shared>>
      tpu.enqueue_indirect_dma source(%arg11 : memref<64x128xf32, #tpu.memory_space<vmem>>) target(%dma_start3A_631 : memref<10240x128xf32, #tpu.memory_space<vmem_shared>>) offsets(%dma_start3A_628 : memref<64xi32, #tpu.memory_space<vmem>>) semaphore(%arg19 : memref<!tpu.dma_semaphore, #tpu.memory_space<semaphore_mem>>) {add = true}
      %mul3A_632 = arith.constant 4 : i32
      %mul3A_633 = arith.muli %add3A_582, %mul3A_632 : i32
      %add3A_634 = arith.constant 2 : i32
      %add3A_635 = arith.addi %mul3A_633, %add3A_634 : i32
      %add3A_636 = arith.constant 2 : i32
      %add3A_637 = arith.addi %add3A_635, %add3A_636 : i32
      %lt3A_638 = arith.constant 160 : i32
      %lt3A_639 = arith.cmpi slt, %add3A_637, %lt3A_638 : i32
      %convert_element_type3A_640 = arith.extui %lt3A_639 : i1 to i32
      %cond3A_641 = arith.constant 0 : i32
      %cond3A_642 = arith.cmpi ne, %convert_element_type3A_640, %cond3A_641 : i32
      scf.if %cond3A_642 {
        %ge3A = arith.constant 2 : i32
        %ge3A_682 = arith.cmpi sge, %add3A_635, %ge3A : i32
        %convert_element_type3A_683 = arith.extui %ge3A_682 : i1 to i32
        %cond3A_684 = arith.constant 0 : i32
        %cond3A_685 = arith.cmpi ne, %convert_element_type3A_683, %cond3A_684 : i32
        scf.if %cond3A_685 {
          %dma_wait3A_700 = arith.constant 0 : i32
          %dma_wait3A_701 = arith.constant 0 : i32
          %dma_wait3A_702 = tpu.memref_slice %arg9[%dma_wait3A_700, %dma_wait3A_701] : memref<4x64xi32, #tpu.memory_space<vmem>> -> memref<1x64xi32, #tpu.memory_space<vmem>>
          %dma_wait3A_703 = tpu.memref_squeeze %dma_wait3A_702 : memref<1x64xi32, #tpu.memory_space<vmem>> -> memref<64xi32, #tpu.memory_space<vmem>>
          %dma_wait3A_704 = arith.constant 0 : i32
          %dma_wait3A_705 = arith.constant 0 : i32
          %dma_wait3A_706 = tpu.memref_slice %arg6[%dma_wait3A_704, %dma_wait3A_705] : memref<10240x128xf32, #tpu.memory_space<vmem_shared>> -> memref<10240x128xf32, #tpu.memory_space<vmem_shared>>
          tpu.wait_indirect_dma semaphore(%arg18 : memref<!tpu.dma_semaphore, #tpu.memory_space<semaphore_mem>>) src(%arg10 : memref<64x128xf32, #tpu.memory_space<vmem>>) dst(%dma_wait3A_706 : memref<10240x128xf32, #tpu.memory_space<vmem_shared>>)
        } else {
        }
        %add3A_686 = arith.constant 2 : i32
        %add3A_687 = arith.addi %add3A_635, %add3A_686 : i32
        %scan3A_688 = arith.constant 0 : i32
        %scan3A_689 = arith.constant 4 : i32
        %scan3A_690 = arith.addi %scan3A_688, %scan3A_689 : i32
        %scan3A_691 = arith.constant 1 : i32
        scf.for %scan3A_700 = %scan3A_688 to %scan3A_690 step %scan3A_691  : i32 {
          %mul3A_701 = arith.constant 1 : i32
          %mul3A_702 = arith.muli %scan3A_700, %mul3A_701 : i32
          %add3A_703 = arith.constant 0 : i32
          %add3A_704 = arith.addi %add3A_703, %mul3A_702 : i32
          %mul3A_705 = arith.constant 16 : i32
          %mul3A_706 = arith.muli %add3A_704, %mul3A_705 : i32
          %get3A = arith.index_cast %add3A_687 : i32 to index
          %get3A_707 = arith.index_cast %mul3A_706 : i32 to index
          %get3A_708 = tpu.vector_load %arg7[%get3A, %get3A_707] {strides = array<i32>} : memref<160x64xi32, #tpu.memory_space<vmem>>, vector<1x16xi32>,
          %get3A_709 = vector.shape_cast %get3A_708 : vector<1x16xi32> to vector<16xi32>
          %shift_right_logical3A = arith.constant 14 : i32
          %shift_right_logical3A_710 = vector.broadcast %shift_right_logical3A : i32 to vector<16xi32>
          %shift_right_logical3A_711 = arith.shrui %get3A_709, %shift_right_logical3A_710 : vector<16xi32>
          %mul3A_712 = arith.constant 16 : i32
          %mul3A_713 = arith.muli %add3A_704, %mul3A_712 : i32
          %swap3A = arith.constant 0 : i32
          %swap3A_714 = arith.index_cast %swap3A : i32 to index
          %swap3A_715 = arith.index_cast %mul3A_713 : i32 to index
          %swap3A_716 = tpu.vector_load %arg8[%swap3A_714, %swap3A_715] {strides = array<i32>} : memref<4x64xi32, #tpu.memory_space<vmem>>, vector<1x16xi32>,
          %swap3A_717 = vector.shape_cast %swap3A_716 : vector<1x16xi32> to vector<16xi32>
          %swap3A_718 = vector.shape_cast %shift_right_logical3A_711 : vector<16xi32> to vector<1x16xi32>
          tpu.vector_store %arg8[%swap3A_714, %swap3A_715], %swap3A_718 {strides = array<i32>} : memref<4x64xi32, #tpu.memory_space<vmem>>, vector<1x16xi32>,
          %and3A = arith.constant 16383 : i32
          %and3A_719 = vector.broadcast %and3A : i32 to vector<16xi32>
          %and3A_720 = arith.andi %get3A_709, %and3A_719 : vector<16xi32>
          %mul3A_721 = arith.constant 16 : i32
          %mul3A_722 = arith.muli %add3A_704, %mul3A_721 : i32
          %swap3A_723 = arith.constant 0 : i32
          %swap3A_724 = arith.index_cast %swap3A_723 : i32 to index
          %swap3A_725 = arith.index_cast %mul3A_722 : i32 to index
          %swap3A_726 = tpu.vector_load %arg9[%swap3A_724, %swap3A_725] {strides = array<i32>} : memref<4x64xi32, #tpu.memory_space<vmem>>, vector<1x16xi32>,
          %swap3A_727 = vector.shape_cast %swap3A_726 : vector<1x16xi32> to vector<16xi32>
          %swap3A_728 = vector.shape_cast %and3A_720 : vector<16xi32> to vector<1x16xi32>
          tpu.vector_store %arg9[%swap3A_724, %swap3A_725], %swap3A_728 {strides = array<i32>} : memref<4x64xi32, #tpu.memory_space<vmem>>, vector<1x16xi32>,
        }
        %scan3A_692 = arith.constant 4 : i32
        %dma_start3A_693 = arith.constant 0 : i32
        %dma_start3A_694 = arith.constant 0 : i32
        %dma_start3A_695 = tpu.memref_slice %arg8[%dma_start3A_693, %dma_start3A_694] : memref<4x64xi32, #tpu.memory_space<vmem>> -> memref<1x64xi32, #tpu.memory_space<vmem>>
        %dma_start3A_696 = tpu.memref_squeeze %dma_start3A_695 : memref<1x64xi32, #tpu.memory_space<vmem>> -> memref<64xi32, #tpu.memory_space<vmem>>
        %dma_start3A_697 = arith.constant 0 : i32
        %dma_start3A_698 = arith.constant 0 : i32
        %dma_start3A_699 = tpu.memref_slice %arg2[%dma_start3A_697, %dma_start3A_698] : memref<10000x128xf32, #tpu.memory_space<hbm>> -> memref<10000x128xf32, #tpu.memory_space<hbm>>
        tpu.enqueue_indirect_dma source(%dma_start3A_699 : memref<10000x128xf32, #tpu.memory_space<hbm>>) target(%arg10 : memref<64x128xf32, #tpu.memory_space<vmem>>) offsets(%dma_start3A_696 : memref<64xi32, #tpu.memory_space<vmem>>) semaphore(%arg14 : memref<!tpu.dma_semaphore, #tpu.memory_space<semaphore_mem>>)
      } else {
      }
      %dma_wait3A_643 = arith.constant 2 : i32
      %dma_wait3A_644 = arith.constant 0 : i32
      %dma_wait3A_645 = tpu.memref_slice %arg8[%dma_wait3A_643, %dma_wait3A_644] : memref<4x64xi32, #tpu.memory_space<vmem>> -> memref<1x64xi32, #tpu.memory_space<vmem>>
      %dma_wait3A_646 = tpu.memref_squeeze %dma_wait3A_645 : memref<1x64xi32, #tpu.memory_space<vmem>> -> memref<64xi32, #tpu.memory_space<vmem>>
      %dma_wait3A_647 = arith.constant 0 : i32
      %dma_wait3A_648 = arith.constant 0 : i32
      %dma_wait3A_649 = tpu.memref_slice %arg2[%dma_wait3A_647, %dma_wait3A_648] : memref<10000x128xf32, #tpu.memory_space<hbm>> -> memref<10000x128xf32, #tpu.memory_space<hbm>>
      tpu.wait_indirect_dma semaphore(%arg16 : memref<!tpu.dma_semaphore, #tpu.memory_space<semaphore_mem>>) src(%dma_wait3A_649 : memref<10000x128xf32, #tpu.memory_space<hbm>>) dst(%arg12 : memref<64x128xf32, #tpu.memory_space<vmem>>)
      %dma_start3A_650 = arith.constant 2 : i32
      %dma_start3A_651 = arith.constant 0 : i32
      %dma_start3A_652 = tpu.memref_slice %arg9[%dma_start3A_650, %dma_start3A_651] : memref<4x64xi32, #tpu.memory_space<vmem>> -> memref<1x64xi32, #tpu.memory_space<vmem>>
      %dma_start3A_653 = tpu.memref_squeeze %dma_start3A_652 : memref<1x64xi32, #tpu.memory_space<vmem>> -> memref<64xi32, #tpu.memory_space<vmem>>
      %dma_start3A_654 = arith.constant 0 : i32
      %dma_start3A_655 = arith.constant 0 : i32
      %dma_start3A_656 = tpu.memref_slice %arg6[%dma_start3A_654, %dma_start3A_655] : memref<10240x128xf32, #tpu.memory_space<vmem_shared>> -> memref<10240x128xf32, #tpu.memory_space<vmem_shared>>
      tpu.enqueue_indirect_dma source(%arg12 : memref<64x128xf32, #tpu.memory_space<vmem>>) target(%dma_start3A_656 : memref<10240x128xf32, #tpu.memory_space<vmem_shared>>) offsets(%dma_start3A_653 : memref<64xi32, #tpu.memory_space<vmem>>) semaphore(%arg20 : memref<!tpu.dma_semaphore, #tpu.memory_space<semaphore_mem>>) {add = true}
      %mul3A_657 = arith.constant 4 : i32
      %mul3A_658 = arith.muli %add3A_582, %mul3A_657 : i32
      %add3A_659 = arith.constant 3 : i32
      %add3A_660 = arith.addi %mul3A_658, %add3A_659 : i32
      %add3A_661 = arith.constant 2 : i32
      %add3A_662 = arith.addi %add3A_660, %add3A_661 : i32
      %lt3A_663 = arith.constant 160 : i32
      %lt3A_664 = arith.cmpi slt, %add3A_662, %lt3A_663 : i32
      %convert_element_type3A_665 = arith.extui %lt3A_664 : i1 to i32
      %cond3A_666 = arith.constant 0 : i32
      %cond3A_667 = arith.cmpi ne, %convert_element_type3A_665, %cond3A_666 : i32
      scf.if %cond3A_667 {
        %ge3A = arith.constant 2 : i32
        %ge3A_682 = arith.cmpi sge, %add3A_660, %ge3A : i32
        %convert_element_type3A_683 = arith.extui %ge3A_682 : i1 to i32
        %cond3A_684 = arith.constant 0 : i32
        %cond3A_685 = arith.cmpi ne, %convert_element_type3A_683, %cond3A_684 : i32
        scf.if %cond3A_685 {
          %dma_wait3A_700 = arith.constant 1 : i32
          %dma_wait3A_701 = arith.constant 0 : i32
          %dma_wait3A_702 = tpu.memref_slice %arg9[%dma_wait3A_700, %dma_wait3A_701] : memref<4x64xi32, #tpu.memory_space<vmem>> -> memref<1x64xi32, #tpu.memory_space<vmem>>
          %dma_wait3A_703 = tpu.memref_squeeze %dma_wait3A_702 : memref<1x64xi32, #tpu.memory_space<vmem>> -> memref<64xi32, #tpu.memory_space<vmem>>
          %dma_wait3A_704 = arith.constant 0 : i32
          %dma_wait3A_705 = arith.constant 0 : i32
          %dma_wait3A_706 = tpu.memref_slice %arg6[%dma_wait3A_704, %dma_wait3A_705] : memref<10240x128xf32, #tpu.memory_space<vmem_shared>> -> memref<10240x128xf32, #tpu.memory_space<vmem_shared>>
          tpu.wait_indirect_dma semaphore(%arg19 : memref<!tpu.dma_semaphore, #tpu.memory_space<semaphore_mem>>) src(%arg11 : memref<64x128xf32, #tpu.memory_space<vmem>>) dst(%dma_wait3A_706 : memref<10240x128xf32, #tpu.memory_space<vmem_shared>>)
        } else {
        }
        %add3A_686 = arith.constant 2 : i32
        %add3A_687 = arith.addi %add3A_660, %add3A_686 : i32
        %scan3A_688 = arith.constant 0 : i32
        %scan3A_689 = arith.constant 4 : i32
        %scan3A_690 = arith.addi %scan3A_688, %scan3A_689 : i32
        %scan3A_691 = arith.constant 1 : i32
        scf.for %scan3A_700 = %scan3A_688 to %scan3A_690 step %scan3A_691  : i32 {
          %mul3A_701 = arith.constant 1 : i32
          %mul3A_702 = arith.muli %scan3A_700, %mul3A_701 : i32
          %add3A_703 = arith.constant 0 : i32
          %add3A_704 = arith.addi %add3A_703, %mul3A_702 : i32
          %mul3A_705 = arith.constant 16 : i32
          %mul3A_706 = arith.muli %add3A_704, %mul3A_705 : i32
          %get3A = arith.index_cast %add3A_687 : i32 to index
          %get3A_707 = arith.index_cast %mul3A_706 : i32 to index
          %get3A_708 = tpu.vector_load %arg7[%get3A, %get3A_707] {strides = array<i32>} : memref<160x64xi32, #tpu.memory_space<vmem>>, vector<1x16xi32>,
          %get3A_709 = vector.shape_cast %get3A_708 : vector<1x16xi32> to vector<16xi32>
          %shift_right_logical3A = arith.constant 14 : i32
          %shift_right_logical3A_710 = vector.broadcast %shift_right_logical3A : i32 to vector<16xi32>
          %shift_right_logical3A_711 = arith.shrui %get3A_709, %shift_right_logical3A_710 : vector<16xi32>
          %mul3A_712 = arith.constant 16 : i32
          %mul3A_713 = arith.muli %add3A_704, %mul3A_712 : i32
          %swap3A = arith.constant 1 : i32
          %swap3A_714 = arith.index_cast %swap3A : i32 to index
          %swap3A_715 = arith.index_cast %mul3A_713 : i32 to index
          %swap3A_716 = tpu.vector_load %arg8[%swap3A_714, %swap3A_715] {strides = array<i32>} : memref<4x64xi32, #tpu.memory_space<vmem>>, vector<1x16xi32>,
          %swap3A_717 = vector.shape_cast %swap3A_716 : vector<1x16xi32> to vector<16xi32>
          %swap3A_718 = vector.shape_cast %shift_right_logical3A_711 : vector<16xi32> to vector<1x16xi32>
          tpu.vector_store %arg8[%swap3A_714, %swap3A_715], %swap3A_718 {strides = array<i32>} : memref<4x64xi32, #tpu.memory_space<vmem>>, vector<1x16xi32>,
          %and3A = arith.constant 16383 : i32
          %and3A_719 = vector.broadcast %and3A : i32 to vector<16xi32>
          %and3A_720 = arith.andi %get3A_709, %and3A_719 : vector<16xi32>
          %mul3A_721 = arith.constant 16 : i32
          %mul3A_722 = arith.muli %add3A_704, %mul3A_721 : i32
          %swap3A_723 = arith.constant 1 : i32
          %swap3A_724 = arith.index_cast %swap3A_723 : i32 to index
          %swap3A_725 = arith.index_cast %mul3A_722 : i32 to index
          %swap3A_726 = tpu.vector_load %arg9[%swap3A_724, %swap3A_725] {strides = array<i32>} : memref<4x64xi32, #tpu.memory_space<vmem>>, vector<1x16xi32>,
          %swap3A_727 = vector.shape_cast %swap3A_726 : vector<1x16xi32> to vector<16xi32>
          %swap3A_728 = vector.shape_cast %and3A_720 : vector<16xi32> to vector<1x16xi32>
          tpu.vector_store %arg9[%swap3A_724, %swap3A_725], %swap3A_728 {strides = array<i32>} : memref<4x64xi32, #tpu.memory_space<vmem>>, vector<1x16xi32>,
        }
        %scan3A_692 = arith.constant 4 : i32
        %dma_start3A_693 = arith.constant 1 : i32
        %dma_start3A_694 = arith.constant 0 : i32
        %dma_start3A_695 = tpu.memref_slice %arg8[%dma_start3A_693, %dma_start3A_694] : memref<4x64xi32, #tpu.memory_space<vmem>> -> memref<1x64xi32, #tpu.memory_space<vmem>>
        %dma_start3A_696 = tpu.memref_squeeze %dma_start3A_695 : memref<1x64xi32, #tpu.memory_space<vmem>> -> memref<64xi32, #tpu.memory_space<vmem>>
        %dma_start3A_697 = arith.constant 0 : i32
        %dma_start3A_698 = arith.constant 0 : i32
        %dma_start3A_699 = tpu.memref_slice %arg2[%dma_start3A_697, %dma_start3A_698] : memref<10000x128xf32, #tpu.memory_space<hbm>> -> memref<10000x128xf32, #tpu.memory_space<hbm>>
        tpu.enqueue_indirect_dma source(%dma_start3A_699 : memref<10000x128xf32, #tpu.memory_space<hbm>>) target(%arg11 : memref<64x128xf32, #tpu.memory_space<vmem>>) offsets(%dma_start3A_696 : memref<64xi32, #tpu.memory_space<vmem>>) semaphore(%arg15 : memref<!tpu.dma_semaphore, #tpu.memory_space<semaphore_mem>>)
      } else {
      }
      %dma_wait3A_668 = arith.constant 3 : i32
      %dma_wait3A_669 = arith.constant 0 : i32
      %dma_wait3A_670 = tpu.memref_slice %arg8[%dma_wait3A_668, %dma_wait3A_669] : memref<4x64xi32, #tpu.memory_space<vmem>> -> memref<1x64xi32, #tpu.memory_space<vmem>>
      %dma_wait3A_671 = tpu.memref_squeeze %dma_wait3A_670 : memref<1x64xi32, #tpu.memory_space<vmem>> -> memref<64xi32, #tpu.memory_space<vmem>>
      %dma_wait3A_672 = arith.constant 0 : i32
      %dma_wait3A_673 = arith.constant 0 : i32
      %dma_wait3A_674 = tpu.memref_slice %arg2[%dma_wait3A_672, %dma_wait3A_673] : memref<10000x128xf32, #tpu.memory_space<hbm>> -> memref<10000x128xf32, #tpu.memory_space<hbm>>
      tpu.wait_indirect_dma semaphore(%arg17 : memref<!tpu.dma_semaphore, #tpu.memory_space<semaphore_mem>>) src(%dma_wait3A_674 : memref<10000x128xf32, #tpu.memory_space<hbm>>) dst(%arg13 : memref<64x128xf32, #tpu.memory_space<vmem>>)
      %dma_start3A_675 = arith.constant 3 : i32
      %dma_start3A_676 = arith.constant 0 : i32
      %dma_start3A_677 = tpu.memref_slice %arg9[%dma_start3A_675, %dma_start3A_676] : memref<4x64xi32, #tpu.memory_space<vmem>> -> memref<1x64xi32, #tpu.memory_space<vmem>>
      %dma_start3A_678 = tpu.memref_squeeze %dma_start3A_677 : memref<1x64xi32, #tpu.memory_space<vmem>> -> memref<64xi32, #tpu.memory_space<vmem>>
      %dma_start3A_679 = arith.constant 0 : i32
      %dma_start3A_680 = arith.constant 0 : i32
      %dma_start3A_681 = tpu.memref_slice %arg6[%dma_start3A_679, %dma_start3A_680] : memref<10240x128xf32, #tpu.memory_space<vmem_shared>> -> memref<10240x128xf32, #tpu.memory_space<vmem_shared>>
      tpu.enqueue_indirect_dma source(%arg13 : memref<64x128xf32, #tpu.memory_space<vmem>>) target(%dma_start3A_681 : memref<10240x128xf32, #tpu.memory_space<vmem_shared>>) offsets(%dma_start3A_678 : memref<64xi32, #tpu.memory_space<vmem>>) semaphore(%arg21 : memref<!tpu.dma_semaphore, #tpu.memory_space<semaphore_mem>>) {add = true}
    }
    %scan3A_191 = arith.constant 40 : i32
    %dma_wait3A_192 = arith.constant 0 : i32
    %dma_wait3A_193 = arith.constant 0 : i32
    %dma_wait3A_194 = tpu.memref_slice %arg9[%dma_wait3A_192, %dma_wait3A_193] : memref<4x64xi32, #tpu.memory_space<vmem>> -> memref<1x64xi32, #tpu.memory_space<vmem>>
    %dma_wait3A_195 = tpu.memref_squeeze %dma_wait3A_194 : memref<1x64xi32, #tpu.memory_space<vmem>> -> memref<64xi32, #tpu.memory_space<vmem>>
    %dma_wait3A_196 = arith.constant 0 : i32
    %dma_wait3A_197 = arith.constant 0 : i32
    %dma_wait3A_198 = tpu.memref_slice %arg6[%dma_wait3A_196, %dma_wait3A_197] : memref<10240x128xf32, #tpu.memory_space<vmem_shared>> -> memref<10240x128xf32, #tpu.memory_space<vmem_shared>>
    tpu.wait_indirect_dma semaphore(%arg18 : memref<!tpu.dma_semaphore, #tpu.memory_space<semaphore_mem>>) src(%arg10 : memref<64x128xf32, #tpu.memory_space<vmem>>) dst(%dma_wait3A_198 : memref<10240x128xf32, #tpu.memory_space<vmem_shared>>)
    %dma_wait3A_199 = arith.constant 1 : i32
    %dma_wait3A_200 = arith.constant 0 : i32
    %dma_wait3A_201 = tpu.memref_slice %arg9[%dma_wait3A_199, %dma_wait3A_200] : memref<4x64xi32, #tpu.memory_space<vmem>> -> memref<1x64xi32, #tpu.memory_space<vmem>>
    %dma_wait3A_202 = tpu.memref_squeeze %dma_wait3A_201 : memref<1x64xi32, #tpu.memory_space<vmem>> -> memref<64xi32, #tpu.memory_space<vmem>>
    %dma_wait3A_203 = arith.constant 0 : i32
    %dma_wait3A_204 = arith.constant 0 : i32
    %dma_wait3A_205 = tpu.memref_slice %arg6[%dma_wait3A_203, %dma_wait3A_204] : memref<10240x128xf32, #tpu.memory_space<vmem_shared>> -> memref<10240x128xf32, #tpu.memory_space<vmem_shared>>
    tpu.wait_indirect_dma semaphore(%arg19 : memref<!tpu.dma_semaphore, #tpu.memory_space<semaphore_mem>>) src(%arg11 : memref<64x128xf32, #tpu.memory_space<vmem>>) dst(%dma_wait3A_205 : memref<10240x128xf32, #tpu.memory_space<vmem_shared>>)
    %dma_wait3A_206 = arith.constant 2 : i32
    %dma_wait3A_207 = arith.constant 0 : i32
    %dma_wait3A_208 = tpu.memref_slice %arg9[%dma_wait3A_206, %dma_wait3A_207] : memref<4x64xi32, #tpu.memory_space<vmem>> -> memref<1x64xi32, #tpu.memory_space<vmem>>
    %dma_wait3A_209 = tpu.memref_squeeze %dma_wait3A_208 : memref<1x64xi32, #tpu.memory_space<vmem>> -> memref<64xi32, #tpu.memory_space<vmem>>
    %dma_wait3A_210 = arith.constant 0 : i32
    %dma_wait3A_211 = arith.constant 0 : i32
    %dma_wait3A_212 = tpu.memref_slice %arg6[%dma_wait3A_210, %dma_wait3A_211] : memref<10240x128xf32, #tpu.memory_space<vmem_shared>> -> memref<10240x128xf32, #tpu.memory_space<vmem_shared>>
    tpu.wait_indirect_dma semaphore(%arg20 : memref<!tpu.dma_semaphore, #tpu.memory_space<semaphore_mem>>) src(%arg12 : memref<64x128xf32, #tpu.memory_space<vmem>>) dst(%dma_wait3A_212 : memref<10240x128xf32, #tpu.memory_space<vmem_shared>>)
    %dma_wait3A_213 = arith.constant 3 : i32
    %dma_wait3A_214 = arith.constant 0 : i32
    %dma_wait3A_215 = tpu.memref_slice %arg9[%dma_wait3A_213, %dma_wait3A_214] : memref<4x64xi32, #tpu.memory_space<vmem>> -> memref<1x64xi32, #tpu.memory_space<vmem>>
    %dma_wait3A_216 = tpu.memref_squeeze %dma_wait3A_215 : memref<1x64xi32, #tpu.memory_space<vmem>> -> memref<64xi32, #tpu.memory_space<vmem>>
    %dma_wait3A_217 = arith.constant 0 : i32
    %dma_wait3A_218 = arith.constant 0 : i32
    %dma_wait3A_219 = tpu.memref_slice %arg6[%dma_wait3A_217, %dma_wait3A_218] : memref<10240x128xf32, #tpu.memory_space<vmem_shared>> -> memref<10240x128xf32, #tpu.memory_space<vmem_shared>>
    tpu.wait_indirect_dma semaphore(%arg21 : memref<!tpu.dma_semaphore, #tpu.memory_space<semaphore_mem>>) src(%arg13 : memref<64x128xf32, #tpu.memory_space<vmem>>) dst(%dma_wait3A_219 : memref<10240x128xf32, #tpu.memory_space<vmem_shared>>)
    %barrier3A_220 = arith.constant 0 : index
    tpu.barrier barrier_id(%barrier3A_220)
    %mul3A_221 = arith.constant 640 : i32
    %mul3A_222 = arith.muli %arg1, %mul3A_221 : i32
    %add3A_223 = arith.constant 0 : i32
    %add3A_224 = arith.addi %mul3A_222, %add3A_223 : i32
    %dma_start3A_225 = arith.constant 0 : i32
    %dma_start3A_226 = tpu.memref_slice %arg6[%add3A_224, %dma_start3A_225] : memref<10240x128xf32, #tpu.memory_space<vmem_shared>> -> memref<64x128xf32, #tpu.memory_space<vmem_shared>>
    %dma_start3A_227 = arith.constant 0 : i32
    %dma_start3A_228 = tpu.memref_slice %arg6[%add3A_224, %dma_start3A_227] : memref<10240x128xf32, #tpu.memory_space<vmem_shared>> -> memref<64x128xf32, #tpu.memory_space<vmem_shared>>
    tpu.enqueue_dma source(%dma_start3A_228 : memref<64x128xf32, #tpu.memory_space<vmem_shared>>) target(%arg10 : memref<64x128xf32, #tpu.memory_space<vmem>>) target_semaphore(%arg14 : memref<!tpu.dma_semaphore, #tpu.memory_space<semaphore_mem>>)
    %mul3A_229 = arith.constant 640 : i32
    %mul3A_230 = arith.muli %arg1, %mul3A_229 : i32
    %add3A_231 = arith.constant 0 : i32
    %add3A_232 = arith.addi %mul3A_230, %add3A_231 : i32
    %dma_wait3A_233 = arith.constant 0 : i32
    %dma_wait3A_234 = tpu.memref_slice %arg6[%add3A_232, %dma_wait3A_233] : memref<10240x128xf32, #tpu.memory_space<vmem_shared>> -> memref<64x128xf32, #tpu.memory_space<vmem_shared>>
    %dma_wait3A_235 = arith.constant 0 : i32
    %dma_wait3A_236 = tpu.memref_slice %arg6[%add3A_232, %dma_wait3A_235] : memref<10240x128xf32, #tpu.memory_space<vmem_shared>> -> memref<64x128xf32, #tpu.memory_space<vmem_shared>>
    tpu.wait_dma2 semaphore(%arg14 : memref<!tpu.dma_semaphore, #tpu.memory_space<semaphore_mem>>) src(%dma_wait3A_236 : memref<64x128xf32, #tpu.memory_space<vmem_shared>>) dst(%arg10 : memref<64x128xf32, #tpu.memory_space<vmem>>)
    %mul3A_237 = arith.constant 640 : i32
    %mul3A_238 = arith.muli %arg1, %mul3A_237 : i32
    %add3A_239 = arith.constant 64 : i32
    %add3A_240 = arith.addi %mul3A_238, %add3A_239 : i32
    %dma_start3A_241 = arith.constant 0 : i32
    %dma_start3A_242 = tpu.memref_slice %arg6[%add3A_240, %dma_start3A_241] : memref<10240x128xf32, #tpu.memory_space<vmem_shared>> -> memref<64x128xf32, #tpu.memory_space<vmem_shared>>
    %dma_start3A_243 = arith.constant 0 : i32
    %dma_start3A_244 = tpu.memref_slice %arg6[%add3A_240, %dma_start3A_243] : memref<10240x128xf32, #tpu.memory_space<vmem_shared>> -> memref<64x128xf32, #tpu.memory_space<vmem_shared>>
    tpu.enqueue_dma source(%dma_start3A_244 : memref<64x128xf32, #tpu.memory_space<vmem_shared>>) target(%arg11 : memref<64x128xf32, #tpu.memory_space<vmem>>) target_semaphore(%arg15 : memref<!tpu.dma_semaphore, #tpu.memory_space<semaphore_mem>>)
    %mul3A_245 = arith.constant 640 : i32
    %mul3A_246 = arith.muli %arg1, %mul3A_245 : i32
    %add3A_247 = arith.constant 0 : i32
    %add3A_248 = arith.addi %mul3A_246, %add3A_247 : i32
    %eq3A = arith.constant 0 : i32
    %eq3A_249 = arith.cmpi eq, %arg0, %eq3A : i32
    %convert_element_type3A = arith.extui %eq3A_249 : i1 to i32
    %cond3A = arith.constant 0 : i32
    %cond3A_250 = arith.cmpi ne, %convert_element_type3A, %cond3A : i32
    scf.if %cond3A_250 {
      %dma_start3A_578 = arith.constant 0 : i32
      %dma_start3A_579 = tpu.memref_slice %arg4[%add3A_248, %dma_start3A_578] : memref<10240x128xf32, #tpu.memory_space<hbm>> -> memref<64x128xf32, #tpu.memory_space<hbm>>
      %dma_start3A_580 = arith.constant 0 : i32
      %dma_start3A_581 = tpu.memref_slice %arg4[%add3A_248, %dma_start3A_580] : memref<10240x128xf32, #tpu.memory_space<hbm>> -> memref<64x128xf32, #tpu.memory_space<hbm>>
      tpu.enqueue_dma source(%arg10 : memref<64x128xf32, #tpu.memory_space<vmem>>) target(%dma_start3A_581 : memref<64x128xf32, #tpu.memory_space<hbm>>) target_semaphore(%arg18 : memref<!tpu.dma_semaphore, #tpu.memory_space<semaphore_mem>>)
    } else {
    }
    %eq3A_251 = arith.constant 1 : i32
    %eq3A_252 = arith.cmpi eq, %arg0, %eq3A_251 : i32
    %convert_element_type3A_253 = arith.extui %eq3A_252 : i1 to i32
    %cond3A_254 = arith.constant 0 : i32
    %cond3A_255 = arith.cmpi ne, %convert_element_type3A_253, %cond3A_254 : i32
    scf.if %cond3A_255 {
      %dma_start3A_578 = arith.constant 0 : i32
      %dma_start3A_579 = tpu.memref_slice %arg5[%add3A_248, %dma_start3A_578] : memref<10240x128xf32, #tpu.memory_space<hbm>> -> memref<64x128xf32, #tpu.memory_space<hbm>>
      %dma_start3A_580 = arith.constant 0 : i32
      %dma_start3A_581 = tpu.memref_slice %arg5[%add3A_248, %dma_start3A_580] : memref<10240x128xf32, #tpu.memory_space<hbm>> -> memref<64x128xf32, #tpu.memory_space<hbm>>
      tpu.enqueue_dma source(%arg10 : memref<64x128xf32, #tpu.memory_space<vmem>>) target(%dma_start3A_581 : memref<64x128xf32, #tpu.memory_space<hbm>>) target_semaphore(%arg18 : memref<!tpu.dma_semaphore, #tpu.memory_space<semaphore_mem>>)
    } else {
    }
    %mul3A_256 = arith.constant 640 : i32
    %mul3A_257 = arith.muli %arg1, %mul3A_256 : i32
    %add3A_258 = arith.constant 64 : i32
    %add3A_259 = arith.addi %mul3A_257, %add3A_258 : i32
    %dma_wait3A_260 = arith.constant 0 : i32
    %dma_wait3A_261 = tpu.memref_slice %arg6[%add3A_259, %dma_wait3A_260] : memref<10240x128xf32, #tpu.memory_space<vmem_shared>> -> memref<64x128xf32, #tpu.memory_space<vmem_shared>>
    %dma_wait3A_262 = arith.constant 0 : i32
    %dma_wait3A_263 = tpu.memref_slice %arg6[%add3A_259, %dma_wait3A_262] : memref<10240x128xf32, #tpu.memory_space<vmem_shared>> -> memref<64x128xf32, #tpu.memory_space<vmem_shared>>
    tpu.wait_dma2 semaphore(%arg15 : memref<!tpu.dma_semaphore, #tpu.memory_space<semaphore_mem>>) src(%dma_wait3A_263 : memref<64x128xf32, #tpu.memory_space<vmem_shared>>) dst(%arg11 : memref<64x128xf32, #tpu.memory_space<vmem>>)
    %dma_wait3A_264 = arith.constant 0 : i32
    %dma_wait3A_265 = arith.constant 0 : i32
    %dma_wait3A_266 = tpu.memref_slice %arg4[%dma_wait3A_264, %dma_wait3A_265] : memref<10240x128xf32, #tpu.memory_space<hbm>> -> memref<64x128xf32, #tpu.memory_space<hbm>>
    %dma_wait3A_267 = arith.constant 0 : i32
    %dma_wait3A_268 = arith.constant 0 : i32
    %dma_wait3A_269 = tpu.memref_slice %arg4[%dma_wait3A_267, %dma_wait3A_268] : memref<10240x128xf32, #tpu.memory_space<hbm>> -> memref<64x128xf32, #tpu.memory_space<hbm>>
    tpu.wait_dma2 semaphore(%arg18 : memref<!tpu.dma_semaphore, #tpu.memory_space<semaphore_mem>>) src(%arg10 : memref<64x128xf32, #tpu.memory_space<vmem>>) dst(%dma_wait3A_269 : memref<64x128xf32, #tpu.memory_space<hbm>>)
    %mul3A_270 = arith.constant 640 : i32
    %mul3A_271 = arith.muli %arg1, %mul3A_270 : i32
    %add3A_272 = arith.constant 128 : i32
    %add3A_273 = arith.addi %mul3A_271, %add3A_272 : i32
    %dma_start3A_274 = arith.constant 0 : i32
    %dma_start3A_275 = tpu.memref_slice %arg6[%add3A_273, %dma_start3A_274] : memref<10240x128xf32, #tpu.memory_space<vmem_shared>> -> memref<64x128xf32, #tpu.memory_space<vmem_shared>>
    %dma_start3A_276 = arith.constant 0 : i32
    %dma_start3A_277 = tpu.memref_slice %arg6[%add3A_273, %dma_start3A_276] : memref<10240x128xf32, #tpu.memory_space<vmem_shared>> -> memref<64x128xf32, #tpu.memory_space<vmem_shared>>
    tpu.enqueue_dma source(%dma_start3A_277 : memref<64x128xf32, #tpu.memory_space<vmem_shared>>) target(%arg10 : memref<64x128xf32, #tpu.memory_space<vmem>>) target_semaphore(%arg14 : memref<!tpu.dma_semaphore, #tpu.memory_space<semaphore_mem>>)
    %mul3A_278 = arith.constant 640 : i32
    %mul3A_279 = arith.muli %arg1, %mul3A_278 : i32
    %add3A_280 = arith.constant 64 : i32
    %add3A_281 = arith.addi %mul3A_279, %add3A_280 : i32
    %eq3A_282 = arith.constant 0 : i32
    %eq3A_283 = arith.cmpi eq, %arg0, %eq3A_282 : i32
    %convert_element_type3A_284 = arith.extui %eq3A_283 : i1 to i32
    %cond3A_285 = arith.constant 0 : i32
    %cond3A_286 = arith.cmpi ne, %convert_element_type3A_284, %cond3A_285 : i32
    scf.if %cond3A_286 {
      %dma_start3A_578 = arith.constant 0 : i32
      %dma_start3A_579 = tpu.memref_slice %arg4[%add3A_281, %dma_start3A_578] : memref<10240x128xf32, #tpu.memory_space<hbm>> -> memref<64x128xf32, #tpu.memory_space<hbm>>
      %dma_start3A_580 = arith.constant 0 : i32
      %dma_start3A_581 = tpu.memref_slice %arg4[%add3A_281, %dma_start3A_580] : memref<10240x128xf32, #tpu.memory_space<hbm>> -> memref<64x128xf32, #tpu.memory_space<hbm>>
      tpu.enqueue_dma source(%arg11 : memref<64x128xf32, #tpu.memory_space<vmem>>) target(%dma_start3A_581 : memref<64x128xf32, #tpu.memory_space<hbm>>) target_semaphore(%arg19 : memref<!tpu.dma_semaphore, #tpu.memory_space<semaphore_mem>>)
    } else {
    }
    %eq3A_287 = arith.constant 1 : i32
    %eq3A_288 = arith.cmpi eq, %arg0, %eq3A_287 : i32
    %convert_element_type3A_289 = arith.extui %eq3A_288 : i1 to i32
    %cond3A_290 = arith.constant 0 : i32
    %cond3A_291 = arith.cmpi ne, %convert_element_type3A_289, %cond3A_290 : i32
    scf.if %cond3A_291 {
      %dma_start3A_578 = arith.constant 0 : i32
      %dma_start3A_579 = tpu.memref_slice %arg5[%add3A_281, %dma_start3A_578] : memref<10240x128xf32, #tpu.memory_space<hbm>> -> memref<64x128xf32, #tpu.memory_space<hbm>>
      %dma_start3A_580 = arith.constant 0 : i32
      %dma_start3A_581 = tpu.memref_slice %arg5[%add3A_281, %dma_start3A_580] : memref<10240x128xf32, #tpu.memory_space<hbm>> -> memref<64x128xf32, #tpu.memory_space<hbm>>
      tpu.enqueue_dma source(%arg11 : memref<64x128xf32, #tpu.memory_space<vmem>>) target(%dma_start3A_581 : memref<64x128xf32, #tpu.memory_space<hbm>>) target_semaphore(%arg19 : memref<!tpu.dma_semaphore, #tpu.memory_space<semaphore_mem>>)
    } else {
    }
    %mul3A_292 = arith.constant 640 : i32
    %mul3A_293 = arith.muli %arg1, %mul3A_292 : i32
    %add3A_294 = arith.constant 128 : i32
    %add3A_295 = arith.addi %mul3A_293, %add3A_294 : i32
    %dma_wait3A_296 = arith.constant 0 : i32
    %dma_wait3A_297 = tpu.memref_slice %arg6[%add3A_295, %dma_wait3A_296] : memref<10240x128xf32, #tpu.memory_space<vmem_shared>> -> memref<64x128xf32, #tpu.memory_space<vmem_shared>>
    %dma_wait3A_298 = arith.constant 0 : i32
    %dma_wait3A_299 = tpu.memref_slice %arg6[%add3A_295, %dma_wait3A_298] : memref<10240x128xf32, #tpu.memory_space<vmem_shared>> -> memref<64x128xf32, #tpu.memory_space<vmem_shared>>
    tpu.wait_dma2 semaphore(%arg14 : memref<!tpu.dma_semaphore, #tpu.memory_space<semaphore_mem>>) src(%dma_wait3A_299 : memref<64x128xf32, #tpu.memory_space<vmem_shared>>) dst(%arg10 : memref<64x128xf32, #tpu.memory_space<vmem>>)
    %dma_wait3A_300 = arith.constant 0 : i32
    %dma_wait3A_301 = arith.constant 0 : i32
    %dma_wait3A_302 = tpu.memref_slice %arg4[%dma_wait3A_300, %dma_wait3A_301] : memref<10240x128xf32, #tpu.memory_space<hbm>> -> memref<64x128xf32, #tpu.memory_space<hbm>>
    %dma_wait3A_303 = arith.constant 0 : i32
    %dma_wait3A_304 = arith.constant 0 : i32
    %dma_wait3A_305 = tpu.memref_slice %arg4[%dma_wait3A_303, %dma_wait3A_304] : memref<10240x128xf32, #tpu.memory_space<hbm>> -> memref<64x128xf32, #tpu.memory_space<hbm>>
    tpu.wait_dma2 semaphore(%arg19 : memref<!tpu.dma_semaphore, #tpu.memory_space<semaphore_mem>>) src(%arg11 : memref<64x128xf32, #tpu.memory_space<vmem>>) dst(%dma_wait3A_305 : memref<64x128xf32, #tpu.memory_space<hbm>>)
    %mul3A_306 = arith.constant 640 : i32
    %mul3A_307 = arith.muli %arg1, %mul3A_306 : i32
    %add3A_308 = arith.constant 192 : i32
    %add3A_309 = arith.addi %mul3A_307, %add3A_308 : i32
    %dma_start3A_310 = arith.constant 0 : i32
    %dma_start3A_311 = tpu.memref_slice %arg6[%add3A_309, %dma_start3A_310] : memref<10240x128xf32, #tpu.memory_space<vmem_shared>> -> memref<64x128xf32, #tpu.memory_space<vmem_shared>>
    %dma_start3A_312 = arith.constant 0 : i32
    %dma_start3A_313 = tpu.memref_slice %arg6[%add3A_309, %dma_start3A_312] : memref<10240x128xf32, #tpu.memory_space<vmem_shared>> -> memref<64x128xf32, #tpu.memory_space<vmem_shared>>
    tpu.enqueue_dma source(%dma_start3A_313 : memref<64x128xf32, #tpu.memory_space<vmem_shared>>) target(%arg11 : memref<64x128xf32, #tpu.memory_space<vmem>>) target_semaphore(%arg15 : memref<!tpu.dma_semaphore, #tpu.memory_space<semaphore_mem>>)
    %mul3A_314 = arith.constant 640 : i32
    %mul3A_315 = arith.muli %arg1, %mul3A_314 : i32
    %add3A_316 = arith.constant 128 : i32
    %add3A_317 = arith.addi %mul3A_315, %add3A_316 : i32
    %eq3A_318 = arith.constant 0 : i32
    %eq3A_319 = arith.cmpi eq, %arg0, %eq3A_318 : i32
    %convert_element_type3A_320 = arith.extui %eq3A_319 : i1 to i32
    %cond3A_321 = arith.constant 0 : i32
    %cond3A_322 = arith.cmpi ne, %convert_element_type3A_320, %cond3A_321 : i32
    scf.if %cond3A_322 {
      %dma_start3A_578 = arith.constant 0 : i32
      %dma_start3A_579 = tpu.memref_slice %arg4[%add3A_317, %dma_start3A_578] : memref<10240x128xf32, #tpu.memory_space<hbm>> -> memref<64x128xf32, #tpu.memory_space<hbm>>
      %dma_start3A_580 = arith.constant 0 : i32
      %dma_start3A_581 = tpu.memref_slice %arg4[%add3A_317, %dma_start3A_580] : memref<10240x128xf32, #tpu.memory_space<hbm>> -> memref<64x128xf32, #tpu.memory_space<hbm>>
      tpu.enqueue_dma source(%arg10 : memref<64x128xf32, #tpu.memory_space<vmem>>) target(%dma_start3A_581 : memref<64x128xf32, #tpu.memory_space<hbm>>) target_semaphore(%arg18 : memref<!tpu.dma_semaphore, #tpu.memory_space<semaphore_mem>>)
    } else {
    }
    %eq3A_323 = arith.constant 1 : i32
    %eq3A_324 = arith.cmpi eq, %arg0, %eq3A_323 : i32
    %convert_element_type3A_325 = arith.extui %eq3A_324 : i1 to i32
    %cond3A_326 = arith.constant 0 : i32
    %cond3A_327 = arith.cmpi ne, %convert_element_type3A_325, %cond3A_326 : i32
    scf.if %cond3A_327 {
      %dma_start3A_578 = arith.constant 0 : i32
      %dma_start3A_579 = tpu.memref_slice %arg5[%add3A_317, %dma_start3A_578] : memref<10240x128xf32, #tpu.memory_space<hbm>> -> memref<64x128xf32, #tpu.memory_space<hbm>>
      %dma_start3A_580 = arith.constant 0 : i32
      %dma_start3A_581 = tpu.memref_slice %arg5[%add3A_317, %dma_start3A_580] : memref<10240x128xf32, #tpu.memory_space<hbm>> -> memref<64x128xf32, #tpu.memory_space<hbm>>
      tpu.enqueue_dma source(%arg10 : memref<64x128xf32, #tpu.memory_space<vmem>>) target(%dma_start3A_581 : memref<64x128xf32, #tpu.memory_space<hbm>>) target_semaphore(%arg18 : memref<!tpu.dma_semaphore, #tpu.memory_space<semaphore_mem>>)
    } else {
    }
    %mul3A_328 = arith.constant 640 : i32
    %mul3A_329 = arith.muli %arg1, %mul3A_328 : i32
    %add3A_330 = arith.constant 192 : i32
    %add3A_331 = arith.addi %mul3A_329, %add3A_330 : i32
    %dma_wait3A_332 = arith.constant 0 : i32
    %dma_wait3A_333 = tpu.memref_slice %arg6[%add3A_331, %dma_wait3A_332] : memref<10240x128xf32, #tpu.memory_space<vmem_shared>> -> memref<64x128xf32, #tpu.memory_space<vmem_shared>>
    %dma_wait3A_334 = arith.constant 0 : i32
    %dma_wait3A_335 = tpu.memref_slice %arg6[%add3A_331, %dma_wait3A_334] : memref<10240x128xf32, #tpu.memory_space<vmem_shared>> -> memref<64x128xf32, #tpu.memory_space<vmem_shared>>
    tpu.wait_dma2 semaphore(%arg15 : memref<!tpu.dma_semaphore, #tpu.memory_space<semaphore_mem>>) src(%dma_wait3A_335 : memref<64x128xf32, #tpu.memory_space<vmem_shared>>) dst(%arg11 : memref<64x128xf32, #tpu.memory_space<vmem>>)
    %dma_wait3A_336 = arith.constant 0 : i32
    %dma_wait3A_337 = arith.constant 0 : i32
    %dma_wait3A_338 = tpu.memref_slice %arg4[%dma_wait3A_336, %dma_wait3A_337] : memref<10240x128xf32, #tpu.memory_space<hbm>> -> memref<64x128xf32, #tpu.memory_space<hbm>>
    %dma_wait3A_339 = arith.constant 0 : i32
    %dma_wait3A_340 = arith.constant 0 : i32
    %dma_wait3A_341 = tpu.memref_slice %arg4[%dma_wait3A_339, %dma_wait3A_340] : memref<10240x128xf32, #tpu.memory_space<hbm>> -> memref<64x128xf32, #tpu.memory_space<hbm>>
    tpu.wait_dma2 semaphore(%arg18 : memref<!tpu.dma_semaphore, #tpu.memory_space<semaphore_mem>>) src(%arg10 : memref<64x128xf32, #tpu.memory_space<vmem>>) dst(%dma_wait3A_341 : memref<64x128xf32, #tpu.memory_space<hbm>>)
    %mul3A_342 = arith.constant 640 : i32
    %mul3A_343 = arith.muli %arg1, %mul3A_342 : i32
    %add3A_344 = arith.constant 256 : i32
    %add3A_345 = arith.addi %mul3A_343, %add3A_344 : i32
    %dma_start3A_346 = arith.constant 0 : i32
    %dma_start3A_347 = tpu.memref_slice %arg6[%add3A_345, %dma_start3A_346] : memref<10240x128xf32, #tpu.memory_space<vmem_shared>> -> memref<64x128xf32, #tpu.memory_space<vmem_shared>>
    %dma_start3A_348 = arith.constant 0 : i32
    %dma_start3A_349 = tpu.memref_slice %arg6[%add3A_345, %dma_start3A_348] : memref<10240x128xf32, #tpu.memory_space<vmem_shared>> -> memref<64x128xf32, #tpu.memory_space<vmem_shared>>
    tpu.enqueue_dma source(%dma_start3A_349 : memref<64x128xf32, #tpu.memory_space<vmem_shared>>) target(%arg10 : memref<64x128xf32, #tpu.memory_space<vmem>>) target_semaphore(%arg14 : memref<!tpu.dma_semaphore, #tpu.memory_space<semaphore_mem>>)
    %mul3A_350 = arith.constant 640 : i32
    %mul3A_351 = arith.muli %arg1, %mul3A_350 : i32
    %add3A_352 = arith.constant 192 : i32
    %add3A_353 = arith.addi %mul3A_351, %add3A_352 : i32
    %eq3A_354 = arith.constant 0 : i32
    %eq3A_355 = arith.cmpi eq, %arg0, %eq3A_354 : i32
    %convert_element_type3A_356 = arith.extui %eq3A_355 : i1 to i32
    %cond3A_357 = arith.constant 0 : i32
    %cond3A_358 = arith.cmpi ne, %convert_element_type3A_356, %cond3A_357 : i32
    scf.if %cond3A_358 {
      %dma_start3A_578 = arith.constant 0 : i32
      %dma_start3A_579 = tpu.memref_slice %arg4[%add3A_353, %dma_start3A_578] : memref<10240x128xf32, #tpu.memory_space<hbm>> -> memref<64x128xf32, #tpu.memory_space<hbm>>
      %dma_start3A_580 = arith.constant 0 : i32
      %dma_start3A_581 = tpu.memref_slice %arg4[%add3A_353, %dma_start3A_580] : memref<10240x128xf32, #tpu.memory_space<hbm>> -> memref<64x128xf32, #tpu.memory_space<hbm>>
      tpu.enqueue_dma source(%arg11 : memref<64x128xf32, #tpu.memory_space<vmem>>) target(%dma_start3A_581 : memref<64x128xf32, #tpu.memory_space<hbm>>) target_semaphore(%arg19 : memref<!tpu.dma_semaphore, #tpu.memory_space<semaphore_mem>>)
    } else {
    }
    %eq3A_359 = arith.constant 1 : i32
    %eq3A_360 = arith.cmpi eq, %arg0, %eq3A_359 : i32
    %convert_element_type3A_361 = arith.extui %eq3A_360 : i1 to i32
    %cond3A_362 = arith.constant 0 : i32
    %cond3A_363 = arith.cmpi ne, %convert_element_type3A_361, %cond3A_362 : i32
    scf.if %cond3A_363 {
      %dma_start3A_578 = arith.constant 0 : i32
      %dma_start3A_579 = tpu.memref_slice %arg5[%add3A_353, %dma_start3A_578] : memref<10240x128xf32, #tpu.memory_space<hbm>> -> memref<64x128xf32, #tpu.memory_space<hbm>>
      %dma_start3A_580 = arith.constant 0 : i32
      %dma_start3A_581 = tpu.memref_slice %arg5[%add3A_353, %dma_start3A_580] : memref<10240x128xf32, #tpu.memory_space<hbm>> -> memref<64x128xf32, #tpu.memory_space<hbm>>
      tpu.enqueue_dma source(%arg11 : memref<64x128xf32, #tpu.memory_space<vmem>>) target(%dma_start3A_581 : memref<64x128xf32, #tpu.memory_space<hbm>>) target_semaphore(%arg19 : memref<!tpu.dma_semaphore, #tpu.memory_space<semaphore_mem>>)
    } else {
    }
    %mul3A_364 = arith.constant 640 : i32
    %mul3A_365 = arith.muli %arg1, %mul3A_364 : i32
    %add3A_366 = arith.constant 256 : i32
    %add3A_367 = arith.addi %mul3A_365, %add3A_366 : i32
    %dma_wait3A_368 = arith.constant 0 : i32
    %dma_wait3A_369 = tpu.memref_slice %arg6[%add3A_367, %dma_wait3A_368] : memref<10240x128xf32, #tpu.memory_space<vmem_shared>> -> memref<64x128xf32, #tpu.memory_space<vmem_shared>>
    %dma_wait3A_370 = arith.constant 0 : i32
    %dma_wait3A_371 = tpu.memref_slice %arg6[%add3A_367, %dma_wait3A_370] : memref<10240x128xf32, #tpu.memory_space<vmem_shared>> -> memref<64x128xf32, #tpu.memory_space<vmem_shared>>
    tpu.wait_dma2 semaphore(%arg14 : memref<!tpu.dma_semaphore, #tpu.memory_space<semaphore_mem>>) src(%dma_wait3A_371 : memref<64x128xf32, #tpu.memory_space<vmem_shared>>) dst(%arg10 : memref<64x128xf32, #tpu.memory_space<vmem>>)
    %dma_wait3A_372 = arith.constant 0 : i32
    %dma_wait3A_373 = arith.constant 0 : i32
    %dma_wait3A_374 = tpu.memref_slice %arg4[%dma_wait3A_372, %dma_wait3A_373] : memref<10240x128xf32, #tpu.memory_space<hbm>> -> memref<64x128xf32, #tpu.memory_space<hbm>>
    %dma_wait3A_375 = arith.constant 0 : i32
    %dma_wait3A_376 = arith.constant 0 : i32
    %dma_wait3A_377 = tpu.memref_slice %arg4[%dma_wait3A_375, %dma_wait3A_376] : memref<10240x128xf32, #tpu.memory_space<hbm>> -> memref<64x128xf32, #tpu.memory_space<hbm>>
    tpu.wait_dma2 semaphore(%arg19 : memref<!tpu.dma_semaphore, #tpu.memory_space<semaphore_mem>>) src(%arg11 : memref<64x128xf32, #tpu.memory_space<vmem>>) dst(%dma_wait3A_377 : memref<64x128xf32, #tpu.memory_space<hbm>>)
    %mul3A_378 = arith.constant 640 : i32
    %mul3A_379 = arith.muli %arg1, %mul3A_378 : i32
    %add3A_380 = arith.constant 320 : i32
    %add3A_381 = arith.addi %mul3A_379, %add3A_380 : i32
    %dma_start3A_382 = arith.constant 0 : i32
    %dma_start3A_383 = tpu.memref_slice %arg6[%add3A_381, %dma_start3A_382] : memref<10240x128xf32, #tpu.memory_space<vmem_shared>> -> memref<64x128xf32, #tpu.memory_space<vmem_shared>>
    %dma_start3A_384 = arith.constant 0 : i32
    %dma_start3A_385 = tpu.memref_slice %arg6[%add3A_381, %dma_start3A_384] : memref<10240x128xf32, #tpu.memory_space<vmem_shared>> -> memref<64x128xf32, #tpu.memory_space<vmem_shared>>
    tpu.enqueue_dma source(%dma_start3A_385 : memref<64x128xf32, #tpu.memory_space<vmem_shared>>) target(%arg11 : memref<64x128xf32, #tpu.memory_space<vmem>>) target_semaphore(%arg15 : memref<!tpu.dma_semaphore, #tpu.memory_space<semaphore_mem>>)
    %mul3A_386 = arith.constant 640 : i32
    %mul3A_387 = arith.muli %arg1, %mul3A_386 : i32
    %add3A_388 = arith.constant 256 : i32
    %add3A_389 = arith.addi %mul3A_387, %add3A_388 : i32
    %eq3A_390 = arith.constant 0 : i32
    %eq3A_391 = arith.cmpi eq, %arg0, %eq3A_390 : i32
    %convert_element_type3A_392 = arith.extui %eq3A_391 : i1 to i32
    %cond3A_393 = arith.constant 0 : i32
    %cond3A_394 = arith.cmpi ne, %convert_element_type3A_392, %cond3A_393 : i32
    scf.if %cond3A_394 {
      %dma_start3A_578 = arith.constant 0 : i32
      %dma_start3A_579 = tpu.memref_slice %arg4[%add3A_389, %dma_start3A_578] : memref<10240x128xf32, #tpu.memory_space<hbm>> -> memref<64x128xf32, #tpu.memory_space<hbm>>
      %dma_start3A_580 = arith.constant 0 : i32
      %dma_start3A_581 = tpu.memref_slice %arg4[%add3A_389, %dma_start3A_580] : memref<10240x128xf32, #tpu.memory_space<hbm>> -> memref<64x128xf32, #tpu.memory_space<hbm>>
      tpu.enqueue_dma source(%arg10 : memref<64x128xf32, #tpu.memory_space<vmem>>) target(%dma_start3A_581 : memref<64x128xf32, #tpu.memory_space<hbm>>) target_semaphore(%arg18 : memref<!tpu.dma_semaphore, #tpu.memory_space<semaphore_mem>>)
    } else {
    }
    %eq3A_395 = arith.constant 1 : i32
    %eq3A_396 = arith.cmpi eq, %arg0, %eq3A_395 : i32
    %convert_element_type3A_397 = arith.extui %eq3A_396 : i1 to i32
    %cond3A_398 = arith.constant 0 : i32
    %cond3A_399 = arith.cmpi ne, %convert_element_type3A_397, %cond3A_398 : i32
    scf.if %cond3A_399 {
      %dma_start3A_578 = arith.constant 0 : i32
      %dma_start3A_579 = tpu.memref_slice %arg5[%add3A_389, %dma_start3A_578] : memref<10240x128xf32, #tpu.memory_space<hbm>> -> memref<64x128xf32, #tpu.memory_space<hbm>>
      %dma_start3A_580 = arith.constant 0 : i32
      %dma_start3A_581 = tpu.memref_slice %arg5[%add3A_389, %dma_start3A_580] : memref<10240x128xf32, #tpu.memory_space<hbm>> -> memref<64x128xf32, #tpu.memory_space<hbm>>
      tpu.enqueue_dma source(%arg10 : memref<64x128xf32, #tpu.memory_space<vmem>>) target(%dma_start3A_581 : memref<64x128xf32, #tpu.memory_space<hbm>>) target_semaphore(%arg18 : memref<!tpu.dma_semaphore, #tpu.memory_space<semaphore_mem>>)
    } else {
    }
    %mul3A_400 = arith.constant 640 : i32
    %mul3A_401 = arith.muli %arg1, %mul3A_400 : i32
    %add3A_402 = arith.constant 320 : i32
    %add3A_403 = arith.addi %mul3A_401, %add3A_402 : i32
    %dma_wait3A_404 = arith.constant 0 : i32
    %dma_wait3A_405 = tpu.memref_slice %arg6[%add3A_403, %dma_wait3A_404] : memref<10240x128xf32, #tpu.memory_space<vmem_shared>> -> memref<64x128xf32, #tpu.memory_space<vmem_shared>>
    %dma_wait3A_406 = arith.constant 0 : i32
    %dma_wait3A_407 = tpu.memref_slice %arg6[%add3A_403, %dma_wait3A_406] : memref<10240x128xf32, #tpu.memory_space<vmem_shared>> -> memref<64x128xf32, #tpu.memory_space<vmem_shared>>
    tpu.wait_dma2 semaphore(%arg15 : memref<!tpu.dma_semaphore, #tpu.memory_space<semaphore_mem>>) src(%dma_wait3A_407 : memref<64x128xf32, #tpu.memory_space<vmem_shared>>) dst(%arg11 : memref<64x128xf32, #tpu.memory_space<vmem>>)
    %dma_wait3A_408 = arith.constant 0 : i32
    %dma_wait3A_409 = arith.constant 0 : i32
    %dma_wait3A_410 = tpu.memref_slice %arg4[%dma_wait3A_408, %dma_wait3A_409] : memref<10240x128xf32, #tpu.memory_space<hbm>> -> memref<64x128xf32, #tpu.memory_space<hbm>>
    %dma_wait3A_411 = arith.constant 0 : i32
    %dma_wait3A_412 = arith.constant 0 : i32
    %dma_wait3A_413 = tpu.memref_slice %arg4[%dma_wait3A_411, %dma_wait3A_412] : memref<10240x128xf32, #tpu.memory_space<hbm>> -> memref<64x128xf32, #tpu.memory_space<hbm>>
    tpu.wait_dma2 semaphore(%arg18 : memref<!tpu.dma_semaphore, #tpu.memory_space<semaphore_mem>>) src(%arg10 : memref<64x128xf32, #tpu.memory_space<vmem>>) dst(%dma_wait3A_413 : memref<64x128xf32, #tpu.memory_space<hbm>>)
    %mul3A_414 = arith.constant 640 : i32
    %mul3A_415 = arith.muli %arg1, %mul3A_414 : i32
    %add3A_416 = arith.constant 384 : i32
    %add3A_417 = arith.addi %mul3A_415, %add3A_416 : i32
    %dma_start3A_418 = arith.constant 0 : i32
    %dma_start3A_419 = tpu.memref_slice %arg6[%add3A_417, %dma_start3A_418] : memref<10240x128xf32, #tpu.memory_space<vmem_shared>> -> memref<64x128xf32, #tpu.memory_space<vmem_shared>>
    %dma_start3A_420 = arith.constant 0 : i32
    %dma_start3A_421 = tpu.memref_slice %arg6[%add3A_417, %dma_start3A_420] : memref<10240x128xf32, #tpu.memory_space<vmem_shared>> -> memref<64x128xf32, #tpu.memory_space<vmem_shared>>
    tpu.enqueue_dma source(%dma_start3A_421 : memref<64x128xf32, #tpu.memory_space<vmem_shared>>) target(%arg10 : memref<64x128xf32, #tpu.memory_space<vmem>>) target_semaphore(%arg14 : memref<!tpu.dma_semaphore, #tpu.memory_space<semaphore_mem>>)
    %mul3A_422 = arith.constant 640 : i32
    %mul3A_423 = arith.muli %arg1, %mul3A_422 : i32
    %add3A_424 = arith.constant 320 : i32
    %add3A_425 = arith.addi %mul3A_423, %add3A_424 : i32
    %eq3A_426 = arith.constant 0 : i32
    %eq3A_427 = arith.cmpi eq, %arg0, %eq3A_426 : i32
    %convert_element_type3A_428 = arith.extui %eq3A_427 : i1 to i32
    %cond3A_429 = arith.constant 0 : i32
    %cond3A_430 = arith.cmpi ne, %convert_element_type3A_428, %cond3A_429 : i32
    scf.if %cond3A_430 {
      %dma_start3A_578 = arith.constant 0 : i32
      %dma_start3A_579 = tpu.memref_slice %arg4[%add3A_425, %dma_start3A_578] : memref<10240x128xf32, #tpu.memory_space<hbm>> -> memref<64x128xf32, #tpu.memory_space<hbm>>
      %dma_start3A_580 = arith.constant 0 : i32
      %dma_start3A_581 = tpu.memref_slice %arg4[%add3A_425, %dma_start3A_580] : memref<10240x128xf32, #tpu.memory_space<hbm>> -> memref<64x128xf32, #tpu.memory_space<hbm>>
      tpu.enqueue_dma source(%arg11 : memref<64x128xf32, #tpu.memory_space<vmem>>) target(%dma_start3A_581 : memref<64x128xf32, #tpu.memory_space<hbm>>) target_semaphore(%arg19 : memref<!tpu.dma_semaphore, #tpu.memory_space<semaphore_mem>>)
    } else {
    }
    %eq3A_431 = arith.constant 1 : i32
    %eq3A_432 = arith.cmpi eq, %arg0, %eq3A_431 : i32
    %convert_element_type3A_433 = arith.extui %eq3A_432 : i1 to i32
    %cond3A_434 = arith.constant 0 : i32
    %cond3A_435 = arith.cmpi ne, %convert_element_type3A_433, %cond3A_434 : i32
    scf.if %cond3A_435 {
      %dma_start3A_578 = arith.constant 0 : i32
      %dma_start3A_579 = tpu.memref_slice %arg5[%add3A_425, %dma_start3A_578] : memref<10240x128xf32, #tpu.memory_space<hbm>> -> memref<64x128xf32, #tpu.memory_space<hbm>>
      %dma_start3A_580 = arith.constant 0 : i32
      %dma_start3A_581 = tpu.memref_slice %arg5[%add3A_425, %dma_start3A_580] : memref<10240x128xf32, #tpu.memory_space<hbm>> -> memref<64x128xf32, #tpu.memory_space<hbm>>
      tpu.enqueue_dma source(%arg11 : memref<64x128xf32, #tpu.memory_space<vmem>>) target(%dma_start3A_581 : memref<64x128xf32, #tpu.memory_space<hbm>>) target_semaphore(%arg19 : memref<!tpu.dma_semaphore, #tpu.memory_space<semaphore_mem>>)
    } else {
    }
    %mul3A_436 = arith.constant 640 : i32
    %mul3A_437 = arith.muli %arg1, %mul3A_436 : i32
    %add3A_438 = arith.constant 384 : i32
    %add3A_439 = arith.addi %mul3A_437, %add3A_438 : i32
    %dma_wait3A_440 = arith.constant 0 : i32
    %dma_wait3A_441 = tpu.memref_slice %arg6[%add3A_439, %dma_wait3A_440] : memref<10240x128xf32, #tpu.memory_space<vmem_shared>> -> memref<64x128xf32, #tpu.memory_space<vmem_shared>>
    %dma_wait3A_442 = arith.constant 0 : i32
    %dma_wait3A_443 = tpu.memref_slice %arg6[%add3A_439, %dma_wait3A_442] : memref<10240x128xf32, #tpu.memory_space<vmem_shared>> -> memref<64x128xf32, #tpu.memory_space<vmem_shared>>
    tpu.wait_dma2 semaphore(%arg14 : memref<!tpu.dma_semaphore, #tpu.memory_space<semaphore_mem>>) src(%dma_wait3A_443 : memref<64x128xf32, #tpu.memory_space<vmem_shared>>) dst(%arg10 : memref<64x128xf32, #tpu.memory_space<vmem>>)
    %dma_wait3A_444 = arith.constant 0 : i32
    %dma_wait3A_445 = arith.constant 0 : i32
    %dma_wait3A_446 = tpu.memref_slice %arg4[%dma_wait3A_444, %dma_wait3A_445] : memref<10240x128xf32, #tpu.memory_space<hbm>> -> memref<64x128xf32, #tpu.memory_space<hbm>>
    %dma_wait3A_447 = arith.constant 0 : i32
    %dma_wait3A_448 = arith.constant 0 : i32
    %dma_wait3A_449 = tpu.memref_slice %arg4[%dma_wait3A_447, %dma_wait3A_448] : memref<10240x128xf32, #tpu.memory_space<hbm>> -> memref<64x128xf32, #tpu.memory_space<hbm>>
    tpu.wait_dma2 semaphore(%arg19 : memref<!tpu.dma_semaphore, #tpu.memory_space<semaphore_mem>>) src(%arg11 : memref<64x128xf32, #tpu.memory_space<vmem>>) dst(%dma_wait3A_449 : memref<64x128xf32, #tpu.memory_space<hbm>>)
    %mul3A_450 = arith.constant 640 : i32
    %mul3A_451 = arith.muli %arg1, %mul3A_450 : i32
    %add3A_452 = arith.constant 448 : i32
    %add3A_453 = arith.addi %mul3A_451, %add3A_452 : i32
    %dma_start3A_454 = arith.constant 0 : i32
    %dma_start3A_455 = tpu.memref_slice %arg6[%add3A_453, %dma_start3A_454] : memref<10240x128xf32, #tpu.memory_space<vmem_shared>> -> memref<64x128xf32, #tpu.memory_space<vmem_shared>>
    %dma_start3A_456 = arith.constant 0 : i32
    %dma_start3A_457 = tpu.memref_slice %arg6[%add3A_453, %dma_start3A_456] : memref<10240x128xf32, #tpu.memory_space<vmem_shared>> -> memref<64x128xf32, #tpu.memory_space<vmem_shared>>
    tpu.enqueue_dma source(%dma_start3A_457 : memref<64x128xf32, #tpu.memory_space<vmem_shared>>) target(%arg11 : memref<64x128xf32, #tpu.memory_space<vmem>>) target_semaphore(%arg15 : memref<!tpu.dma_semaphore, #tpu.memory_space<semaphore_mem>>)
    %mul3A_458 = arith.constant 640 : i32
    %mul3A_459 = arith.muli %arg1, %mul3A_458 : i32
    %add3A_460 = arith.constant 384 : i32
    %add3A_461 = arith.addi %mul3A_459, %add3A_460 : i32
    %eq3A_462 = arith.constant 0 : i32
    %eq3A_463 = arith.cmpi eq, %arg0, %eq3A_462 : i32
    %convert_element_type3A_464 = arith.extui %eq3A_463 : i1 to i32
    %cond3A_465 = arith.constant 0 : i32
    %cond3A_466 = arith.cmpi ne, %convert_element_type3A_464, %cond3A_465 : i32
    scf.if %cond3A_466 {
      %dma_start3A_578 = arith.constant 0 : i32
      %dma_start3A_579 = tpu.memref_slice %arg4[%add3A_461, %dma_start3A_578] : memref<10240x128xf32, #tpu.memory_space<hbm>> -> memref<64x128xf32, #tpu.memory_space<hbm>>
      %dma_start3A_580 = arith.constant 0 : i32
      %dma_start3A_581 = tpu.memref_slice %arg4[%add3A_461, %dma_start3A_580] : memref<10240x128xf32, #tpu.memory_space<hbm>> -> memref<64x128xf32, #tpu.memory_space<hbm>>
      tpu.enqueue_dma source(%arg10 : memref<64x128xf32, #tpu.memory_space<vmem>>) target(%dma_start3A_581 : memref<64x128xf32, #tpu.memory_space<hbm>>) target_semaphore(%arg18 : memref<!tpu.dma_semaphore, #tpu.memory_space<semaphore_mem>>)
    } else {
    }
    %eq3A_467 = arith.constant 1 : i32
    %eq3A_468 = arith.cmpi eq, %arg0, %eq3A_467 : i32
    %convert_element_type3A_469 = arith.extui %eq3A_468 : i1 to i32
    %cond3A_470 = arith.constant 0 : i32
    %cond3A_471 = arith.cmpi ne, %convert_element_type3A_469, %cond3A_470 : i32
    scf.if %cond3A_471 {
      %dma_start3A_578 = arith.constant 0 : i32
      %dma_start3A_579 = tpu.memref_slice %arg5[%add3A_461, %dma_start3A_578] : memref<10240x128xf32, #tpu.memory_space<hbm>> -> memref<64x128xf32, #tpu.memory_space<hbm>>
      %dma_start3A_580 = arith.constant 0 : i32
      %dma_start3A_581 = tpu.memref_slice %arg5[%add3A_461, %dma_start3A_580] : memref<10240x128xf32, #tpu.memory_space<hbm>> -> memref<64x128xf32, #tpu.memory_space<hbm>>
      tpu.enqueue_dma source(%arg10 : memref<64x128xf32, #tpu.memory_space<vmem>>) target(%dma_start3A_581 : memref<64x128xf32, #tpu.memory_space<hbm>>) target_semaphore(%arg18 : memref<!tpu.dma_semaphore, #tpu.memory_space<semaphore_mem>>)
    } else {
    }
    %mul3A_472 = arith.constant 640 : i32
    %mul3A_473 = arith.muli %arg1, %mul3A_472 : i32
    %add3A_474 = arith.constant 448 : i32
    %add3A_475 = arith.addi %mul3A_473, %add3A_474 : i32
    %dma_wait3A_476 = arith.constant 0 : i32
    %dma_wait3A_477 = tpu.memref_slice %arg6[%add3A_475, %dma_wait3A_476] : memref<10240x128xf32, #tpu.memory_space<vmem_shared>> -> memref<64x128xf32, #tpu.memory_space<vmem_shared>>
    %dma_wait3A_478 = arith.constant 0 : i32
    %dma_wait3A_479 = tpu.memref_slice %arg6[%add3A_475, %dma_wait3A_478] : memref<10240x128xf32, #tpu.memory_space<vmem_shared>> -> memref<64x128xf32, #tpu.memory_space<vmem_shared>>
    tpu.wait_dma2 semaphore(%arg15 : memref<!tpu.dma_semaphore, #tpu.memory_space<semaphore_mem>>) src(%dma_wait3A_479 : memref<64x128xf32, #tpu.memory_space<vmem_shared>>) dst(%arg11 : memref<64x128xf32, #tpu.memory_space<vmem>>)
    %dma_wait3A_480 = arith.constant 0 : i32
    %dma_wait3A_481 = arith.constant 0 : i32
    %dma_wait3A_482 = tpu.memref_slice %arg4[%dma_wait3A_480, %dma_wait3A_481] : memref<10240x128xf32, #tpu.memory_space<hbm>> -> memref<64x128xf32, #tpu.memory_space<hbm>>
    %dma_wait3A_483 = arith.constant 0 : i32
    %dma_wait3A_484 = arith.constant 0 : i32
    %dma_wait3A_485 = tpu.memref_slice %arg4[%dma_wait3A_483, %dma_wait3A_484] : memref<10240x128xf32, #tpu.memory_space<hbm>> -> memref<64x128xf32, #tpu.memory_space<hbm>>
    tpu.wait_dma2 semaphore(%arg18 : memref<!tpu.dma_semaphore, #tpu.memory_space<semaphore_mem>>) src(%arg10 : memref<64x128xf32, #tpu.memory_space<vmem>>) dst(%dma_wait3A_485 : memref<64x128xf32, #tpu.memory_space<hbm>>)
    %mul3A_486 = arith.constant 640 : i32
    %mul3A_487 = arith.muli %arg1, %mul3A_486 : i32
    %add3A_488 = arith.constant 512 : i32
    %add3A_489 = arith.addi %mul3A_487, %add3A_488 : i32
    %dma_start3A_490 = arith.constant 0 : i32
    %dma_start3A_491 = tpu.memref_slice %arg6[%add3A_489, %dma_start3A_490] : memref<10240x128xf32, #tpu.memory_space<vmem_shared>> -> memref<64x128xf32, #tpu.memory_space<vmem_shared>>
    %dma_start3A_492 = arith.constant 0 : i32
    %dma_start3A_493 = tpu.memref_slice %arg6[%add3A_489, %dma_start3A_492] : memref<10240x128xf32, #tpu.memory_space<vmem_shared>> -> memref<64x128xf32, #tpu.memory_space<vmem_shared>>
    tpu.enqueue_dma source(%dma_start3A_493 : memref<64x128xf32, #tpu.memory_space<vmem_shared>>) target(%arg10 : memref<64x128xf32, #tpu.memory_space<vmem>>) target_semaphore(%arg14 : memref<!tpu.dma_semaphore, #tpu.memory_space<semaphore_mem>>)
    %mul3A_494 = arith.constant 640 : i32
    %mul3A_495 = arith.muli %arg1, %mul3A_494 : i32
    %add3A_496 = arith.constant 448 : i32
    %add3A_497 = arith.addi %mul3A_495, %add3A_496 : i32
    %eq3A_498 = arith.constant 0 : i32
    %eq3A_499 = arith.cmpi eq, %arg0, %eq3A_498 : i32
    %convert_element_type3A_500 = arith.extui %eq3A_499 : i1 to i32
    %cond3A_501 = arith.constant 0 : i32
    %cond3A_502 = arith.cmpi ne, %convert_element_type3A_500, %cond3A_501 : i32
    scf.if %cond3A_502 {
      %dma_start3A_578 = arith.constant 0 : i32
      %dma_start3A_579 = tpu.memref_slice %arg4[%add3A_497, %dma_start3A_578] : memref<10240x128xf32, #tpu.memory_space<hbm>> -> memref<64x128xf32, #tpu.memory_space<hbm>>
      %dma_start3A_580 = arith.constant 0 : i32
      %dma_start3A_581 = tpu.memref_slice %arg4[%add3A_497, %dma_start3A_580] : memref<10240x128xf32, #tpu.memory_space<hbm>> -> memref<64x128xf32, #tpu.memory_space<hbm>>
      tpu.enqueue_dma source(%arg11 : memref<64x128xf32, #tpu.memory_space<vmem>>) target(%dma_start3A_581 : memref<64x128xf32, #tpu.memory_space<hbm>>) target_semaphore(%arg19 : memref<!tpu.dma_semaphore, #tpu.memory_space<semaphore_mem>>)
    } else {
    }
    %eq3A_503 = arith.constant 1 : i32
    %eq3A_504 = arith.cmpi eq, %arg0, %eq3A_503 : i32
    %convert_element_type3A_505 = arith.extui %eq3A_504 : i1 to i32
    %cond3A_506 = arith.constant 0 : i32
    %cond3A_507 = arith.cmpi ne, %convert_element_type3A_505, %cond3A_506 : i32
    scf.if %cond3A_507 {
      %dma_start3A_578 = arith.constant 0 : i32
      %dma_start3A_579 = tpu.memref_slice %arg5[%add3A_497, %dma_start3A_578] : memref<10240x128xf32, #tpu.memory_space<hbm>> -> memref<64x128xf32, #tpu.memory_space<hbm>>
      %dma_start3A_580 = arith.constant 0 : i32
      %dma_start3A_581 = tpu.memref_slice %arg5[%add3A_497, %dma_start3A_580] : memref<10240x128xf32, #tpu.memory_space<hbm>> -> memref<64x128xf32, #tpu.memory_space<hbm>>
      tpu.enqueue_dma source(%arg11 : memref<64x128xf32, #tpu.memory_space<vmem>>) target(%dma_start3A_581 : memref<64x128xf32, #tpu.memory_space<hbm>>) target_semaphore(%arg19 : memref<!tpu.dma_semaphore, #tpu.memory_space<semaphore_mem>>)
    } else {
    }
    %mul3A_508 = arith.constant 640 : i32
    %mul3A_509 = arith.muli %arg1, %mul3A_508 : i32
    %add3A_510 = arith.constant 512 : i32
    %add3A_511 = arith.addi %mul3A_509, %add3A_510 : i32
    %dma_wait3A_512 = arith.constant 0 : i32
    %dma_wait3A_513 = tpu.memref_slice %arg6[%add3A_511, %dma_wait3A_512] : memref<10240x128xf32, #tpu.memory_space<vmem_shared>> -> memref<64x128xf32, #tpu.memory_space<vmem_shared>>
    %dma_wait3A_514 = arith.constant 0 : i32
    %dma_wait3A_515 = tpu.memref_slice %arg6[%add3A_511, %dma_wait3A_514] : memref<10240x128xf32, #tpu.memory_space<vmem_shared>> -> memref<64x128xf32, #tpu.memory_space<vmem_shared>>
    tpu.wait_dma2 semaphore(%arg14 : memref<!tpu.dma_semaphore, #tpu.memory_space<semaphore_mem>>) src(%dma_wait3A_515 : memref<64x128xf32, #tpu.memory_space<vmem_shared>>) dst(%arg10 : memref<64x128xf32, #tpu.memory_space<vmem>>)
    %dma_wait3A_516 = arith.constant 0 : i32
    %dma_wait3A_517 = arith.constant 0 : i32
    %dma_wait3A_518 = tpu.memref_slice %arg4[%dma_wait3A_516, %dma_wait3A_517] : memref<10240x128xf32, #tpu.memory_space<hbm>> -> memref<64x128xf32, #tpu.memory_space<hbm>>
    %dma_wait3A_519 = arith.constant 0 : i32
    %dma_wait3A_520 = arith.constant 0 : i32
    %dma_wait3A_521 = tpu.memref_slice %arg4[%dma_wait3A_519, %dma_wait3A_520] : memref<10240x128xf32, #tpu.memory_space<hbm>> -> memref<64x128xf32, #tpu.memory_space<hbm>>
    tpu.wait_dma2 semaphore(%arg19 : memref<!tpu.dma_semaphore, #tpu.memory_space<semaphore_mem>>) src(%arg11 : memref<64x128xf32, #tpu.memory_space<vmem>>) dst(%dma_wait3A_521 : memref<64x128xf32, #tpu.memory_space<hbm>>)
    %mul3A_522 = arith.constant 640 : i32
    %mul3A_523 = arith.muli %arg1, %mul3A_522 : i32
    %add3A_524 = arith.constant 576 : i32
    %add3A_525 = arith.addi %mul3A_523, %add3A_524 : i32
    %dma_start3A_526 = arith.constant 0 : i32
    %dma_start3A_527 = tpu.memref_slice %arg6[%add3A_525, %dma_start3A_526] : memref<10240x128xf32, #tpu.memory_space<vmem_shared>> -> memref<64x128xf32, #tpu.memory_space<vmem_shared>>
    %dma_start3A_528 = arith.constant 0 : i32
    %dma_start3A_529 = tpu.memref_slice %arg6[%add3A_525, %dma_start3A_528] : memref<10240x128xf32, #tpu.memory_space<vmem_shared>> -> memref<64x128xf32, #tpu.memory_space<vmem_shared>>
    tpu.enqueue_dma source(%dma_start3A_529 : memref<64x128xf32, #tpu.memory_space<vmem_shared>>) target(%arg11 : memref<64x128xf32, #tpu.memory_space<vmem>>) target_semaphore(%arg15 : memref<!tpu.dma_semaphore, #tpu.memory_space<semaphore_mem>>)
    %mul3A_530 = arith.constant 640 : i32
    %mul3A_531 = arith.muli %arg1, %mul3A_530 : i32
    %add3A_532 = arith.constant 512 : i32
    %add3A_533 = arith.addi %mul3A_531, %add3A_532 : i32
    %eq3A_534 = arith.constant 0 : i32
    %eq3A_535 = arith.cmpi eq, %arg0, %eq3A_534 : i32
    %convert_element_type3A_536 = arith.extui %eq3A_535 : i1 to i32
    %cond3A_537 = arith.constant 0 : i32
    %cond3A_538 = arith.cmpi ne, %convert_element_type3A_536, %cond3A_537 : i32
    scf.if %cond3A_538 {
      %dma_start3A_578 = arith.constant 0 : i32
      %dma_start3A_579 = tpu.memref_slice %arg4[%add3A_533, %dma_start3A_578] : memref<10240x128xf32, #tpu.memory_space<hbm>> -> memref<64x128xf32, #tpu.memory_space<hbm>>
      %dma_start3A_580 = arith.constant 0 : i32
      %dma_start3A_581 = tpu.memref_slice %arg4[%add3A_533, %dma_start3A_580] : memref<10240x128xf32, #tpu.memory_space<hbm>> -> memref<64x128xf32, #tpu.memory_space<hbm>>
      tpu.enqueue_dma source(%arg10 : memref<64x128xf32, #tpu.memory_space<vmem>>) target(%dma_start3A_581 : memref<64x128xf32, #tpu.memory_space<hbm>>) target_semaphore(%arg18 : memref<!tpu.dma_semaphore, #tpu.memory_space<semaphore_mem>>)
    } else {
    }
    %eq3A_539 = arith.constant 1 : i32
    %eq3A_540 = arith.cmpi eq, %arg0, %eq3A_539 : i32
    %convert_element_type3A_541 = arith.extui %eq3A_540 : i1 to i32
    %cond3A_542 = arith.constant 0 : i32
    %cond3A_543 = arith.cmpi ne, %convert_element_type3A_541, %cond3A_542 : i32
    scf.if %cond3A_543 {
      %dma_start3A_578 = arith.constant 0 : i32
      %dma_start3A_579 = tpu.memref_slice %arg5[%add3A_533, %dma_start3A_578] : memref<10240x128xf32, #tpu.memory_space<hbm>> -> memref<64x128xf32, #tpu.memory_space<hbm>>
      %dma_start3A_580 = arith.constant 0 : i32
      %dma_start3A_581 = tpu.memref_slice %arg5[%add3A_533, %dma_start3A_580] : memref<10240x128xf32, #tpu.memory_space<hbm>> -> memref<64x128xf32, #tpu.memory_space<hbm>>
      tpu.enqueue_dma source(%arg10 : memref<64x128xf32, #tpu.memory_space<vmem>>) target(%dma_start3A_581 : memref<64x128xf32, #tpu.memory_space<hbm>>) target_semaphore(%arg18 : memref<!tpu.dma_semaphore, #tpu.memory_space<semaphore_mem>>)
    } else {
    }
    %mul3A_544 = arith.constant 640 : i32
    %mul3A_545 = arith.muli %arg1, %mul3A_544 : i32
    %add3A_546 = arith.constant 576 : i32
    %add3A_547 = arith.addi %mul3A_545, %add3A_546 : i32
    %dma_wait3A_548 = arith.constant 0 : i32
    %dma_wait3A_549 = tpu.memref_slice %arg6[%add3A_547, %dma_wait3A_548] : memref<10240x128xf32, #tpu.memory_space<vmem_shared>> -> memref<64x128xf32, #tpu.memory_space<vmem_shared>>
    %dma_wait3A_550 = arith.constant 0 : i32
    %dma_wait3A_551 = tpu.memref_slice %arg6[%add3A_547, %dma_wait3A_550] : memref<10240x128xf32, #tpu.memory_space<vmem_shared>> -> memref<64x128xf32, #tpu.memory_space<vmem_shared>>
    tpu.wait_dma2 semaphore(%arg15 : memref<!tpu.dma_semaphore, #tpu.memory_space<semaphore_mem>>) src(%dma_wait3A_551 : memref<64x128xf32, #tpu.memory_space<vmem_shared>>) dst(%arg11 : memref<64x128xf32, #tpu.memory_space<vmem>>)
    %mul3A_552 = arith.constant 640 : i32
    %mul3A_553 = arith.muli %arg1, %mul3A_552 : i32
    %add3A_554 = arith.constant 576 : i32
    %add3A_555 = arith.addi %mul3A_553, %add3A_554 : i32
    %eq3A_556 = arith.constant 0 : i32
    %eq3A_557 = arith.cmpi eq, %arg0, %eq3A_556 : i32
    %convert_element_type3A_558 = arith.extui %eq3A_557 : i1 to i32
    %cond3A_559 = arith.constant 0 : i32
    %cond3A_560 = arith.cmpi ne, %convert_element_type3A_558, %cond3A_559 : i32
    scf.if %cond3A_560 {
      %dma_start3A_578 = arith.constant 0 : i32
      %dma_start3A_579 = tpu.memref_slice %arg4[%add3A_555, %dma_start3A_578] : memref<10240x128xf32, #tpu.memory_space<hbm>> -> memref<64x128xf32, #tpu.memory_space<hbm>>
      %dma_start3A_580 = arith.constant 0 : i32
      %dma_start3A_581 = tpu.memref_slice %arg4[%add3A_555, %dma_start3A_580] : memref<10240x128xf32, #tpu.memory_space<hbm>> -> memref<64x128xf32, #tpu.memory_space<hbm>>
      tpu.enqueue_dma source(%arg11 : memref<64x128xf32, #tpu.memory_space<vmem>>) target(%dma_start3A_581 : memref<64x128xf32, #tpu.memory_space<hbm>>) target_semaphore(%arg19 : memref<!tpu.dma_semaphore, #tpu.memory_space<semaphore_mem>>)
    } else {
    }
    %eq3A_561 = arith.constant 1 : i32
    %eq3A_562 = arith.cmpi eq, %arg0, %eq3A_561 : i32
    %convert_element_type3A_563 = arith.extui %eq3A_562 : i1 to i32
    %cond3A_564 = arith.constant 0 : i32
    %cond3A_565 = arith.cmpi ne, %convert_element_type3A_563, %cond3A_564 : i32
    scf.if %cond3A_565 {
      %dma_start3A_578 = arith.constant 0 : i32
      %dma_start3A_579 = tpu.memref_slice %arg5[%add3A_555, %dma_start3A_578] : memref<10240x128xf32, #tpu.memory_space<hbm>> -> memref<64x128xf32, #tpu.memory_space<hbm>>
      %dma_start3A_580 = arith.constant 0 : i32
      %dma_start3A_581 = tpu.memref_slice %arg5[%add3A_555, %dma_start3A_580] : memref<10240x128xf32, #tpu.memory_space<hbm>> -> memref<64x128xf32, #tpu.memory_space<hbm>>
      tpu.enqueue_dma source(%arg11 : memref<64x128xf32, #tpu.memory_space<vmem>>) target(%dma_start3A_581 : memref<64x128xf32, #tpu.memory_space<hbm>>) target_semaphore(%arg19 : memref<!tpu.dma_semaphore, #tpu.memory_space<semaphore_mem>>)
    } else {
    }
    %dma_wait3A_566 = arith.constant 0 : i32
    %dma_wait3A_567 = arith.constant 0 : i32
    %dma_wait3A_568 = tpu.memref_slice %arg4[%dma_wait3A_566, %dma_wait3A_567] : memref<10240x128xf32, #tpu.memory_space<hbm>> -> memref<64x128xf32, #tpu.memory_space<hbm>>
    %dma_wait3A_569 = arith.constant 0 : i32
    %dma_wait3A_570 = arith.constant 0 : i32
    %dma_wait3A_571 = tpu.memref_slice %arg4[%dma_wait3A_569, %dma_wait3A_570] : memref<10240x128xf32, #tpu.memory_space<hbm>> -> memref<64x128xf32, #tpu.memory_space<hbm>>
    tpu.wait_dma2 semaphore(%arg18 : memref<!tpu.dma_semaphore, #tpu.memory_space<semaphore_mem>>) src(%arg10 : memref<64x128xf32, #tpu.memory_space<vmem>>) dst(%dma_wait3A_571 : memref<64x128xf32, #tpu.memory_space<hbm>>)
    %dma_wait3A_572 = arith.constant 0 : i32
    %dma_wait3A_573 = arith.constant 0 : i32
    %dma_wait3A_574 = tpu.memref_slice %arg4[%dma_wait3A_572, %dma_wait3A_573] : memref<10240x128xf32, #tpu.memory_space<hbm>> -> memref<64x128xf32, #tpu.memory_space<hbm>>
    %dma_wait3A_575 = arith.constant 0 : i32
    %dma_wait3A_576 = arith.constant 0 : i32
    %dma_wait3A_577 = tpu.memref_slice %arg4[%dma_wait3A_575, %dma_wait3A_576] : memref<10240x128xf32, #tpu.memory_space<hbm>> -> memref<64x128xf32, #tpu.memory_space<hbm>>
    tpu.wait_dma2 semaphore(%arg19 : memref<!tpu.dma_semaphore, #tpu.memory_space<semaphore_mem>>) src(%arg11 : memref<64x128xf32, #tpu.memory_space<vmem>>) dst(%dma_wait3A_577 : memref<64x128xf32, #tpu.memory_space<hbm>>)
    return
  }
}

module attributes {stable_mosaic.version = 14 : i64} {
  func.func @_tc_g1_body(%arg0: i32, %arg1: memref<2000x1xf32, #tpu.memory_space<vmem>>, %arg2: memref<2000x1xf32, #tpu.memory_space<vmem>>, %arg3: memref<2000x128xf32, #tpu.memory_space<vmem>>, %arg4: memref<128x128xf32, #tpu.memory_space<vmem>>, %arg5: memref<2000x128xf32, #tpu.memory_space<vmem>>, %arg6: memref<2000x1xf32, #tpu.memory_space<vmem>>) attributes {dimension_semantics = [#tpu.dimension_semantics<arbitrary>], iteration_bounds = array<i64: 5>, scalar_prefetch = 0 : i64, scratch_operands = 0 : i64, tpu.core_type = #tpu.core_type<tc>, window_params = [{transform_indices = @transform_0, window_bounds = array<i64: 2000, 1>}, {transform_indices = @transform_1, window_bounds = array<i64: 2000, 1>}, {transform_indices = @transform_2, window_bounds = array<i64: 2000, 128>}, {pipeline_mode = #tpu.pipeline_mode<synchronous>, transform_indices = @transform_3, window_bounds = array<i64: 128, 128>}, {transform_indices = @transform_4, window_bounds = array<i64: 2000, 128>}, {transform_indices = @transform_5, window_bounds = array<i64: 2000, 1>}]} {
    %get3A = arith.constant 0 : index
    %get3A_0 = arith.constant 0 : index
    %get3A_1 = vector.load %arg1[%get3A, %get3A_0] : memref<2000x1xf32, #tpu.memory_space<vmem>>, vector<2000x1xf32>
    %get3A_2 = arith.constant 0 : index
    %get3A_3 = arith.constant 0 : index
    %get3A_4 = vector.load %arg2[%get3A_2, %get3A_3] : memref<2000x1xf32, #tpu.memory_space<vmem>>, vector<2000x1xf32>
    %add3A = arith.addf %get3A_1, %get3A_4 : vector<2000x1xf32>
    %add3A_5 = arith.constant 1.000000e+00 : f32
    %add3A_6 = vector.broadcast %add3A_5 : f32 to vector<2000x1xf32>
    %add3A_7 = arith.addf %add3A, %add3A_6 : vector<2000x1xf32>
    %rsqrt3A = math.rsqrt %add3A_7 : vector<2000x1xf32>
    %swap3A = arith.constant 0 : index
    %swap3A_8 = arith.constant 0 : index
    %swap3A_9 = vector.load %arg6[%swap3A, %swap3A_8] : memref<2000x1xf32, #tpu.memory_space<vmem>>, vector<2000x1xf32>
    tpu.vector_store %arg6[%swap3A, %swap3A_8], %rsqrt3A {strides = array<i32>} : memref<2000x1xf32, #tpu.memory_space<vmem>>, vector<2000x1xf32>,
    %get3A_10 = arith.constant 0 : index
    %get3A_11 = arith.constant 0 : index
    %get3A_12 = vector.load %arg3[%get3A_10, %get3A_11] : memref<2000x128xf32, #tpu.memory_space<vmem>>, vector<2000x128xf32>
    %get3A_13 = arith.constant 0 : index
    %get3A_14 = arith.constant 0 : index
    %get3A_15 = vector.load %arg4[%get3A_13, %get3A_14] : memref<128x128xf32, #tpu.memory_space<vmem>>, vector<128x128xf32>
    %dot_general3A = arith.constant dense<0.000000e+00> : vector<2000x128xf32>
    %dot_general3A_16 = tpu.matmul %get3A_12, %get3A_15, %dot_general3A {dimension_numbers = #tpu.dot_dimension_numbers<[1], [0], [0], [1], [0, 0, 1, 1], [], []>, transpose_lhs_hint = false} : vector<2000x128xf32>, vector<128x128xf32>, vector<2000x128xf32> -> vector<2000x128xf32>
    %mul3A = vector.broadcast %rsqrt3A : vector<2000x1xf32> to vector<2000x128xf32>
    %mul3A_17 = arith.mulf %dot_general3A_16, %mul3A : vector<2000x128xf32>
    %swap3A_18 = arith.constant 0 : index
    %swap3A_19 = arith.constant 0 : index
    %swap3A_20 = vector.load %arg5[%swap3A_18, %swap3A_19] : memref<2000x128xf32, #tpu.memory_space<vmem>>, vector<2000x128xf32>
    tpu.vector_store %arg5[%swap3A_18, %swap3A_19], %mul3A_17 {strides = array<i32>} : memref<2000x128xf32, #tpu.memory_space<vmem>>, vector<2000x128xf32>,
    return
  }
  func.func @transform_0(%arg0: i32) -> (i32, i32) {
    %c0_i32 = arith.constant 0 : i32
    %c0_i32_0 = arith.constant 0 : i32
    return %arg0, %c0_i32 : i32, i32
  }
  func.func @transform_1(%arg0: i32) -> (i32, i32) {
    %c0_i32 = arith.constant 0 : i32
    %c0_i32_0 = arith.constant 0 : i32
    return %arg0, %c0_i32 : i32, i32
  }
  func.func @transform_2(%arg0: i32) -> (i32, i32) {
    %c0_i32 = arith.constant 0 : i32
    %c0_i32_0 = arith.constant 0 : i32
    return %arg0, %c0_i32 : i32, i32
  }
  func.func @transform_3(%arg0: i32) -> (i32, i32) {
    %c0_i32 = arith.constant 0 : i32
    %c0_i32_0 = arith.constant 0 : i32
    %c0_i32_1 = arith.constant 0 : i32
    return %c0_i32, %c0_i32_0 : i32, i32
  }
  func.func @transform_4(%arg0: i32) -> (i32, i32) {
    %c0_i32 = arith.constant 0 : i32
    %c0_i32_0 = arith.constant 0 : i32
    return %arg0, %c0_i32 : i32, i32
  }
  func.func @transform_5(%arg0: i32) -> (i32, i32) {
    %c0_i32 = arith.constant 0 : i32
    %c0_i32_0 = arith.constant 0 : i32
    return %arg0, %c0_i32 : i32, i32
  }
}

module attributes {stable_mosaic.version = 14 : i64} {
  func.func @_tc_mid_body(%arg0: i32, %arg1: memref<2000x1xf32, #tpu.memory_space<vmem>>, %arg2: memref<2000x128xf32, #tpu.memory_space<vmem>>, %arg3: memref<2000x128xf32, #tpu.memory_space<vmem>>, %arg4: memref<2000x128xf32, #tpu.memory_space<vmem>>, %arg5: memref<1x128xf32, #tpu.memory_space<vmem>>, %arg6: memref<128x48xf32, #tpu.memory_space<vmem>>, %arg7: memref<2000x48xf32, #tpu.memory_space<vmem>>) attributes {dimension_semantics = [#tpu.dimension_semantics<arbitrary>], iteration_bounds = array<i64: 5>, scalar_prefetch = 0 : i64, scratch_operands = 0 : i64, tpu.core_type = #tpu.core_type<tc>, window_params = [{transform_indices = @transform_0, window_bounds = array<i64: 2000, 1>}, {transform_indices = @transform_1, window_bounds = array<i64: 2000, 128>}, {transform_indices = @transform_2, window_bounds = array<i64: 2000, 128>}, {transform_indices = @transform_3, window_bounds = array<i64: 2000, 128>}, {pipeline_mode = #tpu.pipeline_mode<synchronous>, transform_indices = @transform_4, window_bounds = array<i64: 1, 128>}, {pipeline_mode = #tpu.pipeline_mode<synchronous>, transform_indices = @transform_5, window_bounds = array<i64: 128, 48>}, {transform_indices = @transform_6, window_bounds = array<i64: 2000, 48>}]} {
    %get3A = arith.constant 0 : index
    %get3A_0 = arith.constant 0 : index
    %get3A_1 = vector.load %arg1[%get3A, %get3A_0] : memref<2000x1xf32, #tpu.memory_space<vmem>>, vector<2000x1xf32>
    %get3A_2 = arith.constant 0 : index
    %get3A_3 = arith.constant 0 : index
    %get3A_4 = vector.load %arg2[%get3A_2, %get3A_3] : memref<2000x128xf32, #tpu.memory_space<vmem>>, vector<2000x128xf32>
    %get3A_5 = arith.constant 0 : index
    %get3A_6 = arith.constant 0 : index
    %get3A_7 = vector.load %arg3[%get3A_5, %get3A_6] : memref<2000x128xf32, #tpu.memory_space<vmem>>, vector<2000x128xf32>
    %add3A = arith.addf %get3A_4, %get3A_7 : vector<2000x128xf32>
    %get3A_8 = arith.constant 0 : index
    %get3A_9 = arith.constant 0 : index
    %get3A_10 = vector.load %arg4[%get3A_8, %get3A_9] : memref<2000x128xf32, #tpu.memory_space<vmem>>, vector<2000x128xf32>
    %add3A_11 = arith.addf %add3A, %get3A_10 : vector<2000x128xf32>
    %mul3A = vector.broadcast %get3A_1 : vector<2000x1xf32> to vector<2000x128xf32>
    %mul3A_12 = arith.mulf %mul3A, %add3A_11 : vector<2000x128xf32>
    %get3A_13 = arith.constant 0 : index
    %get3A_14 = arith.constant 0 : index
    %get3A_15 = vector.load %arg5[%get3A_13, %get3A_14] : memref<1x128xf32, #tpu.memory_space<vmem>>, vector<1x128xf32>
    %add3A_16 = vector.broadcast %get3A_15 : vector<1x128xf32> to vector<2000x128xf32>
    %add3A_17 = arith.addf %mul3A_12, %add3A_16 : vector<2000x128xf32>
    %max3A = arith.constant 0.000000e+00 : f32
    %max3A_18 = vector.broadcast %max3A : f32 to vector<2000x128xf32>
    %max3A_19 = arith.maximumf %add3A_17, %max3A_18 : vector<2000x128xf32>
    %get3A_20 = arith.constant 0 : index
    %get3A_21 = arith.constant 0 : index
    %get3A_22 = vector.load %arg6[%get3A_20, %get3A_21] : memref<128x48xf32, #tpu.memory_space<vmem>>, vector<128x48xf32>
    %dot_general3A = arith.constant dense<0.000000e+00> : vector<2000x48xf32>
    %dot_general3A_23 = tpu.matmul %max3A_19, %get3A_22, %dot_general3A {dimension_numbers = #tpu.dot_dimension_numbers<[1], [0], [0], [1], [0, 0, 1, 1], [], []>, transpose_lhs_hint = false} : vector<2000x128xf32>, vector<128x48xf32>, vector<2000x48xf32> -> vector<2000x48xf32>
    %mul3A_24 = vector.broadcast %get3A_1 : vector<2000x1xf32> to vector<2000x48xf32>
    %mul3A_25 = arith.mulf %dot_general3A_23, %mul3A_24 : vector<2000x48xf32>
    %swap3A = arith.constant 0 : index
    %swap3A_26 = arith.constant 0 : index
    %swap3A_27 = vector.load %arg7[%swap3A, %swap3A_26] : memref<2000x48xf32, #tpu.memory_space<vmem>>, vector<2000x48xf32>
    tpu.vector_store %arg7[%swap3A, %swap3A_26], %mul3A_25 {strides = array<i32>} : memref<2000x48xf32, #tpu.memory_space<vmem>>, vector<2000x48xf32>,
    return
  }
  func.func @transform_0(%arg0: i32) -> (i32, i32) {
    %c0_i32 = arith.constant 0 : i32
    %c0_i32_0 = arith.constant 0 : i32
    return %arg0, %c0_i32 : i32, i32
  }
  func.func @transform_1(%arg0: i32) -> (i32, i32) {
    %c0_i32 = arith.constant 0 : i32
    %c0_i32_0 = arith.constant 0 : i32
    return %arg0, %c0_i32 : i32, i32
  }
  func.func @transform_2(%arg0: i32) -> (i32, i32) {
    %c0_i32 = arith.constant 0 : i32
    %c0_i32_0 = arith.constant 0 : i32
    return %arg0, %c0_i32 : i32, i32
  }
  func.func @transform_3(%arg0: i32) -> (i32, i32) {
    %c0_i32 = arith.constant 0 : i32
    %c0_i32_0 = arith.constant 0 : i32
    return %arg0, %c0_i32 : i32, i32
  }
  func.func @transform_4(%arg0: i32) -> (i32, i32) {
    %c0_i32 = arith.constant 0 : i32
    %c0_i32_0 = arith.constant 0 : i32
    %c0_i32_1 = arith.constant 0 : i32
    return %c0_i32, %c0_i32_0 : i32, i32
  }
  func.func @transform_5(%arg0: i32) -> (i32, i32) {
    %c0_i32 = arith.constant 0 : i32
    %c0_i32_0 = arith.constant 0 : i32
    %c0_i32_1 = arith.constant 0 : i32
    return %c0_i32, %c0_i32_0 : i32, i32
  }
  func.func @transform_6(%arg0: i32) -> (i32, i32) {
    %c0_i32 = arith.constant 0 : i32
    %c0_i32_0 = arith.constant 0 : i32
    return %arg0, %c0_i32 : i32, i32
  }
}

module attributes {stable_mosaic.version = 14 : i64} {
  func.func @_tc_out_body(%arg0: i32, %arg1: memref<2000x1xf32, #tpu.memory_space<vmem>>, %arg2: memref<2000x48xf32, #tpu.memory_space<vmem>>, %arg3: memref<2000x48xf32, #tpu.memory_space<vmem>>, %arg4: memref<2000x48xf32, #tpu.memory_space<vmem>>, %arg5: memref<1x48xf32, #tpu.memory_space<vmem>>, %arg6: memref<2000x40xf32, #tpu.memory_space<vmem>>, %arg7: memref<2000x40xf32, #tpu.memory_space<vmem>>) attributes {dimension_semantics = [#tpu.dimension_semantics<arbitrary>], iteration_bounds = array<i64: 5>, scalar_prefetch = 0 : i64, scratch_operands = 0 : i64, tpu.core_type = #tpu.core_type<tc>, window_params = [{transform_indices = @transform_0, window_bounds = array<i64: 2000, 1>}, {transform_indices = @transform_1, window_bounds = array<i64: 2000, 48>}, {transform_indices = @transform_2, window_bounds = array<i64: 2000, 48>}, {transform_indices = @transform_3, window_bounds = array<i64: 2000, 48>}, {pipeline_mode = #tpu.pipeline_mode<synchronous>, transform_indices = @transform_4, window_bounds = array<i64: 1, 48>}, {transform_indices = @transform_5, window_bounds = array<i64: 2000, 40>}, {transform_indices = @transform_6, window_bounds = array<i64: 2000, 40>}]} {
    %get3A = arith.constant 0 : index
    %get3A_0 = arith.constant 0 : index
    %get3A_1 = vector.load %arg1[%get3A, %get3A_0] : memref<2000x1xf32, #tpu.memory_space<vmem>>, vector<2000x1xf32>
    %get3A_2 = arith.constant 0 : index
    %get3A_3 = arith.constant 0 : index
    %get3A_4 = vector.load %arg2[%get3A_2, %get3A_3] : memref<2000x48xf32, #tpu.memory_space<vmem>>, vector<2000x48xf32>
    %get3A_5 = arith.constant 0 : index
    %get3A_6 = arith.constant 0 : index
    %get3A_7 = vector.load %arg3[%get3A_5, %get3A_6] : memref<2000x48xf32, #tpu.memory_space<vmem>>, vector<2000x48xf32>
    %add3A = arith.addf %get3A_4, %get3A_7 : vector<2000x48xf32>
    %get3A_8 = arith.constant 0 : index
    %get3A_9 = arith.constant 0 : index
    %get3A_10 = vector.load %arg4[%get3A_8, %get3A_9] : memref<2000x48xf32, #tpu.memory_space<vmem>>, vector<2000x48xf32>
    %add3A_11 = arith.addf %add3A, %get3A_10 : vector<2000x48xf32>
    %mul3A = vector.broadcast %get3A_1 : vector<2000x1xf32> to vector<2000x48xf32>
    %mul3A_12 = arith.mulf %mul3A, %add3A_11 : vector<2000x48xf32>
    %get3A_13 = arith.constant 0 : index
    %get3A_14 = arith.constant 0 : index
    %get3A_15 = vector.load %arg5[%get3A_13, %get3A_14] : memref<1x48xf32, #tpu.memory_space<vmem>>, vector<1x48xf32>
    %add3A_16 = vector.broadcast %get3A_15 : vector<1x48xf32> to vector<2000x48xf32>
    %add3A_17 = arith.addf %mul3A_12, %add3A_16 : vector<2000x48xf32>
    %slice3A = vector.extract_strided_slice %add3A_17 {offsets = [0, 0], sizes = [2000, 40], strides = [1, 1]} : vector<2000x48xf32> to vector<2000x40xf32>
    %swap3A = arith.constant 0 : index
    %swap3A_18 = arith.constant 0 : index
    %swap3A_19 = vector.load %arg7[%swap3A, %swap3A_18] : memref<2000x40xf32, #tpu.memory_space<vmem>>, vector<2000x40xf32>
    tpu.vector_store %arg7[%swap3A, %swap3A_18], %slice3A {strides = array<i32>} : memref<2000x40xf32, #tpu.memory_space<vmem>>, vector<2000x40xf32>,
    %iota3A = tpu.iota {dimensions = array<i32: 1>} : vector<2000x48xi32>
    %lt3A = arith.constant 40 : i32
    %lt3A_20 = vector.broadcast %lt3A : i32 to vector<2000x48xi32>
    %lt3A_21 = arith.cmpi slt, %iota3A, %lt3A_20 : vector<2000x48xi32>
    %jit3A = arith.constant 0xFF800000 : f32
    %broadcast_in_dim3A = vector.broadcast %jit3A : f32 to vector<2000x48xf32>
    %select_n3A = arith.select %lt3A_21, %add3A_17, %broadcast_in_dim3A : vector<2000x48xi1>, vector<2000x48xf32>
    %reduce_max3A = arith.constant dense<0xFF800000> : vector<2000xf32>
    %reduce_max3A_22 = vector.multi_reduction <maximumf>, %select_n3A, %reduce_max3A [1] : vector<2000x48xf32> to vector<2000xf32>
    %broadcast_in_dim3A_23 = vector.shape_cast %reduce_max3A_22 : vector<2000xf32> to vector<2000x1xf32>
    %sub3A = vector.broadcast %broadcast_in_dim3A_23 : vector<2000x1xf32> to vector<2000x48xf32>
    %sub3A_24 = arith.subf %select_n3A, %sub3A : vector<2000x48xf32>
    %exp3A = math.exp %sub3A_24 : vector<2000x48xf32>
    %reduce_sum3A = arith.constant dense<0.000000e+00> : vector<2000xf32>
    %reduce_sum3A_25 = vector.multi_reduction <add>, %exp3A, %reduce_sum3A [1] : vector<2000x48xf32> to vector<2000xf32>
    %broadcast_in_dim3A_26 = vector.shape_cast %reduce_sum3A_25 : vector<2000xf32> to vector<2000x1xf32>
    %log3A = math.log %broadcast_in_dim3A_26 : vector<2000x1xf32>
    %add3A_27 = arith.addf %log3A, %broadcast_in_dim3A_23 : vector<2000x1xf32>
    %sub3A_28 = vector.broadcast %add3A_27 : vector<2000x1xf32> to vector<2000x48xf32>
    %sub3A_29 = arith.subf %select_n3A, %sub3A_28 : vector<2000x48xf32>
    %slice3A_30 = vector.extract_strided_slice %sub3A_29 {offsets = [0, 0], sizes = [2000, 40], strides = [1, 1]} : vector<2000x48xf32> to vector<2000x40xf32>
    %swap3A_31 = arith.constant 0 : index
    %swap3A_32 = arith.constant 0 : index
    %swap3A_33 = vector.load %arg6[%swap3A_31, %swap3A_32] : memref<2000x40xf32, #tpu.memory_space<vmem>>, vector<2000x40xf32>
    tpu.vector_store %arg6[%swap3A_31, %swap3A_32], %slice3A_30 {strides = array<i32>} : memref<2000x40xf32, #tpu.memory_space<vmem>>, vector<2000x40xf32>,
    return
  }
  func.func @transform_0(%arg0: i32) -> (i32, i32) {
    %c0_i32 = arith.constant 0 : i32
    %c0_i32_0 = arith.constant 0 : i32
    return %arg0, %c0_i32 : i32, i32
  }
  func.func @transform_1(%arg0: i32) -> (i32, i32) {
    %c0_i32 = arith.constant 0 : i32
    %c0_i32_0 = arith.constant 0 : i32
    return %arg0, %c0_i32 : i32, i32
  }
  func.func @transform_2(%arg0: i32) -> (i32, i32) {
    %c0_i32 = arith.constant 0 : i32
    %c0_i32_0 = arith.constant 0 : i32
    return %arg0, %c0_i32 : i32, i32
  }
  func.func @transform_3(%arg0: i32) -> (i32, i32) {
    %c0_i32 = arith.constant 0 : i32
    %c0_i32_0 = arith.constant 0 : i32
    return %arg0, %c0_i32 : i32, i32
  }
  func.func @transform_4(%arg0: i32) -> (i32, i32) {
    %c0_i32 = arith.constant 0 : i32
    %c0_i32_0 = arith.constant 0 : i32
    %c0_i32_1 = arith.constant 0 : i32
    return %c0_i32, %c0_i32_0 : i32, i32
  }
  func.func @transform_5(%arg0: i32) -> (i32, i32) {
    %c0_i32 = arith.constant 0 : i32
    %c0_i32_0 = arith.constant 0 : i32
    return %arg0, %c0_i32 : i32, i32
  }
  func.func @transform_6(%arg0: i32) -> (i32, i32) {
    %c0_i32 = arith.constant 0 : i32
    %c0_i32_0 = arith.constant 0 : i32
    return %arg0, %c0_i32 : i32, i32
  }
}

</mosaic_0001>

<sc_bundles>
// kernel: kernel.11.cloned.1.call-start
scs
__scs_entry_jumppad:
0x0: {  	(pc) =	sbr.rel $0x88, $3  }
0x1: {  	(tag) =	ssettag $0x0;
	lr =	simm.s32 $0x1  }
0x2: {  	[smem:$0x3F9B] =	sst lr;
	_ =	strace $0xD0000000  }
0x3: {  	_ = 	snop  }
0x4: {  	_ = 	snop  }
0x5: {  	_ = 	snop  }
0x6: {  	_ = 	snop  }
0x7: {  	_ = 	snop  }
__scs_overlays_trampoline_lowered:
0x8: {  	[smem:$0x3FAA] =	sst s0  }
0x9: {  	[smem:$0x3FAB] =	sst s1  }
0xa: {  	[smem:$0x3FAC] =	sst s2  }
0xb: {  	[smem:$0x3FAD] =	sst s3  }
0xc: {  	[smem:$0x3FAE] =	sst s4  }
0xd: {  	[smem:$0x3FAF] =	sst s5  }
0xe: {  	[smem:$0x3FB0] =	sst s6  }
0xf: {  	[smem:$0x3FB1] =	sst s7  }
0x10: {  	[smem:$0x3FB2] =	sst s8  }
0x11: {  	[smem:$0x3FB3] =	sst s9;
	s0 =	simm.s32 @!p0 $0x0  }
0x12: {  	s1 =	sld [smem:$0x3F99];
	s0 =	simm.s32 @p0 $0x1  }
0x13: {  	[smem:$0x3FB4] =	sst s0;
	s0 =	simm.s32 @!p1 $0x0  }
0x14: {  	s2 =	sld [smem:$0x3F98];
	s0 =	simm.s32 @p1 $0x1  }
0x15: {  	[smem:$0x3FB5] =	sst s0;
	s0 =	simm.s32 @!p2 $0x0  }
0x16: {  	s3 =	sld [smem:$0x3FDB];
	s0 =	simm.s32 @p2 $0x1  }
0x17: {  	s4 =	simm.s32 $0x1BF5;
	[smem:$0x3FB7] =	sst s0  }
0x18: {  	s0 =	sld [smem:$0x3F9A];
	_ =	swait.ge [sflag:s4], $0x0  }
0x19: {  	s7 =	sld [smem:$0x3F9B]  }
0x1a: {  	s8 =	sadd.s32 $0xFFFFE003, lr  }
0x1b: {  	s9 =	sadd.s32 $0xFFFFFEF7, lr;
	s5 =	simm.s32 $0xFFFFFFFF;
	p2 =	slt.u32 s8, $0xFFFFF086  }
0x1c: {  	p1 =	slt.u32 s9, $0xF7A;
	s5 =	simm.s32 @!p2 $0x0  }
0x1d: {  	s5 =	simm.s32 @p1 $0x1;
	p0 =	seq.s32 s7, s2  }
0x1e: {  	s7 =	smul.u32 @!p0 $0xF7A, s2;
	p2 =	seq.s32 @!p0 s5, $0x0  }
0x1f: {  	s9 =	smul.u32 $0xF7A, s1;
	s8 =	simm.s32 @!p0 $0x1BF5;
	p2 =	por !p2, p0  }
0x20: {  	[sflag:s8] =	ssyncset.s32 @!p0 $0xFFFFF086;
	s6 =	sadd.s32 @!p0 s3, s7;
	s7 =	simm.s32 @!p0 $0x108  }
0x21: {  	s3 =	sadd.s32 s3, s9;
	s6 =	sadd.s32 @!p0 $0x88, s6;
	s7 =	simm.s32 @p2 $0x1082  }
0x22: {  	[simem:s7], [sflag:s8] =	dma.local @!p0 [hbm:s6], $0xF7A  }
0x23: {  	s9 =	sor.u32 $0xD0000000, s2;
	s6 =	simm.s32 $0x108;
	_ =	swait.ge @!p0 [sflag:s8], $0x0  }
0x24: {  	s3 =	sadd.s32 $0x88, s3;
	s6 =	simm.s32 @!p1 $0x1082;
	[sflag:s4] =	ssyncset.s32 $0xFFFFF086  }
0x25: {  	[simem:s6], [sflag:s4] =	dma.local [hbm:s3], $0xF7A  }
0x26: {  	[smem:$0x3F9B] =	sst s1;
	(tag) =	ssettag s2;
	_ =	strace s9  }
0x27: {  	s1 =	sld [smem:$0x3FAB]  }
0x28: {  	s2 =	sld [smem:$0x3FAC]  }
0x29: {  	s4 =	sld [smem:$0x3FAE]  }
0x2a: {  	p0 =	seq.s32 s5, $0x0;
	s5 =	sld [smem:$0x3FAF]  }
0x2b: {  	s6 =	sld [smem:$0x3FB0]  }
0x2c: {  	s7 =	sld [smem:$0x3FB1]  }
0x2d: {  	s3 =	simm.s32 $0x108;
	s8 =	sld [smem:$0x3FB2]  }
0x2e: {  	s3 =	simm.s32 @!p0 $0x1082;
	s9 =	sld [smem:$0x3FB3]  }
0x2f: {  	lr =	sadd.s32 s0, s3;
	s0 =	sld [smem:$0x3FAA]  }
0x30: {  	s3 =	sld [smem:$0x3FAD]  }
0x31: {  	[smem:$0x3FB6] =	sst s10  }
0x32: {  	s10 =	sld [smem:$0x3FB4];
	_ =	sdelay $0x3  }
0x33: {  	p0 =	seq.s32 s10, $0x1;
	s10 =	sld [smem:$0x3FB6];
	_ =	sdelay $0x3  }
0x34: {  	[smem:$0x3FB6] =	sst s10  }
0x35: {  	s10 =	sld [smem:$0x3FB5];
	_ =	sdelay $0x3  }
0x36: {  	p1 =	seq.s32 s10, $0x1;
	s10 =	sld [smem:$0x3FB6];
	_ =	sdelay $0x3  }
0x37: {  	[smem:$0x3FB6] =	sst s10  }
0x38: {  	s10 =	sld [smem:$0x3FB7]  }
0x39: {  	_ = 	snop;
	(pc) =	sbr.ind lr, $3  }
0x3a: {  	_ = 	snop  }
0x3b: {  	_ = 	snop  }
0x3c: {  	p2 =	seq.s32 s10, $0x1;
	s10 =	sld [smem:$0x3FB6]  }
0x3d: {  	_ =	shalt  }
0x3e: {  	_ =	shalt  }
0x3f: {  	_ =	shalt  }
0x40: {  	_ =	shalt  }
0x41: {  	_ =	shalt  }
0x42: {  	_ =	shalt  }
0x43: {  	_ =	shalt  }
0x44: {  	_ =	shalt  }
0x45: {  	_ =	shalt  }
0x46: {  	_ =	shalt  }
0x47: {  	_ =	shalt  }
0x48: {  	_ =	shalt  }
0x49: {  	_ =	shalt  }
0x4a: {  	_ =	shalt  }
0x4b: {  	_ =	shalt  }
0x4c: {  	_ =	shalt  }
0x4d: {  	_ =	shalt  }
0x4e: {  	_ =	shalt  }
0x4f: {  	_ =	shalt  }
0x50: {  	_ =	shalt  }
0x51: {  	_ =	shalt  }
0x52: {  	_ =	shalt  }
0x53: {  	_ =	shalt  }
0x54: {  	_ =	shalt  }
0x55: {  	_ =	shalt  }
0x56: {  	_ =	shalt  }
0x57: {  	_ =	shalt  }
0x58: {  	_ =	shalt  }
0x59: {  	_ =	shalt  }
0x5a: {  	_ =	shalt  }
0x5b: {  	_ =	shalt  }
0x5c: {  	_ =	shalt  }
0x5d: {  	_ =	shalt  }
0x5e: {  	_ =	shalt  }
0x5f: {  	_ =	shalt  }
0x60: {  	_ =	shalt  }
0x61: {  	_ =	shalt  }
0x62: {  	_ =	shalt  }
0x63: {  	_ =	shalt  }
0x64: {  	_ =	shalt  }
0x65: {  	_ =	shalt  }
0x66: {  	_ =	shalt  }
0x67: {  	_ =	shalt  }
0x68: {  	_ =	shalt  }
0x69: {  	_ =	shalt  }
0x6a: {  	_ =	shalt  }
0x6b: {  	_ =	shalt  }
0x6c: {  	_ =	shalt  }
0x6d: {  	_ =	shalt  }
0x6e: {  	_ =	shalt  }
0x6f: {  	_ =	shalt  }
0x70: {  	_ =	shalt  }
0x71: {  	_ =	shalt  }
0x72: {  	_ =	shalt  }
0x73: {  	_ =	shalt  }
0x74: {  	_ =	shalt  }
0x75: {  	_ =	shalt  }
0x76: {  	_ =	shalt  }
0x77: {  	_ =	shalt  }
0x78: {  	_ =	shalt  }
0x79: {  	_ =	shalt  }
0x7a: {  	_ =	shalt  }
0x7b: {  	_ =	shalt  }
0x7c: {  	_ =	shalt  }
0x7d: {  	_ =	shalt  }
0x7e: {  	_ =	shalt  }
0x7f: {  	_ =	shalt  }
0x80: {  	_ =	shalt  }
0x81: {  	_ =	shalt  }
0x82: {  	_ =	shalt  }
0x83: {  	_ =	shalt  }
0x84: {  	_ =	shalt  }
0x85: {  	_ =	shalt  }
0x86: {  	_ =	shalt  }
0x87: {  	_ =	shalt  }
.Lfunc_end0:
.L_simem_size_0:
called_computation.1_lowered:
.L_overlay_start_0:
0x88: {  	s2 =	sld [smem:$0x3FD9]  }
0x89: {  	s3 =	sld [smem:$0x3FFE];
	_ =	sdelay $0x1  }
0x8a: {  	s1 =	srdreg.scid  }
0x8b: {  	s0 =	sand.u32 $0x1, s1  }
0x8c: {  	s14 =	sshll.u32 s0, $0xA;
	s2 =	sadd.s32 s3, s2  }
0x8d: {  	s2 =	sadd.s32 s2, s14  }
0x8e: {  	[smem:$0x3FC2] =	sst s2  }
0x8f: {  	_ = 	snop  }
0x90: {  	s2 =	sld [smem:$0x3FD0];
	_ =	sdelay $0x2  }
0x91: {  	s15 =	simm.s32 $0xA;
	s4 =	simm.s32 $0x10  }
0x92: {  	[smem:s4], [sflag:s15] =	dma.local [hbm:s2], $0x1  }
0x93: {  	_ =	swait.eq [sflag:s15], $0x1  }
0x94: {  	[sflag:s15] =	ssyncset.done $0x0  }
0x95: {  	[sflag:s15] =	ssyncadd.s32 $0xFFFFFFFF  }
0x96: {  	s16 =	sld [smem:$0x11];
	(tm) =	ssettm $0x1  }
0x97: {  	s17 =	sld [smem:$0x3FFB];
	_ =	sdelay $0x3  }
0x98: {  	_ =	strace s17  }
0x99: {  	s3 =	sld [smem:$0x3FFC];
	_ =	sdelay $0x3  }
0x9a: {  	_ =	strace s3  }
0x9b: {  	s3 =	sld [smem:$0x3FFD];
	_ =	sdelay $0x3  }
0x9c: {  	_ =	strace s3  }
0x9d: {  	_ =	strace $0x8FFFFFFF  }
0x9e: {  	s18 =	sld [smem:$0x3FDB];
	_ =	sdelay $0x1  }
0x9f: {  	s19 =	simm.s32 $_scs_section_size  }
0xa0: {  	s5 =	simm.s32 $_size__tile_overlayer_lowered;
	s6 =	simm.s32 $_tile_overlayer_lowered  }
0xa1: {  	s22 =	simm.s32 $0x1BFF;
	s21 =	sshll.u32 s6, $0x1;
	s3 =	sadd.s32 s19, s18  }
0xa2: {  	s7 =	simm.s32 $0x0;
	s20 =	sshll.u32 s5, $0x1;
	s5 =	sadd.s32 s21, s3  }
0xa3: {  	[timem:s7], [sflag:s22] =	dma.local [hbm:s5], s20  }
0xa4: {  	_ =	swait.ge [sflag:s22], s20  }
0xa5: {  	s4 =	ssub.s32 $0x0, s20;
	[sflag:s22] =	ssyncset.done $0x0  }
0xa6: {  	[sflag:s22] =	ssyncadd.s32 s4;
	_ =	sdelay $0x1  }
0xa7: {  	s23 =	simm.s32 $0x1B8B  }
0xa8: {  	_ =	swait.ge [sflag:s23], $0x1  }
0xa9: {  	[sflag:s23] =	ssyncset.done $0x0  }
0xaa: {  	s25 =	simm.s32 $0x1B8E;
	s24 =	sld [smem:$0x3FFE];
	[sflag:s23] =	ssyncadd.s32 $0xFFFFFFFF  }
0xab: {  	s26 =	simm.s32 $execute0_lowered;
	[smem:$0x3FD2] =	sst s25  }
0xac: {  	s5 =	sshll.u32 s26, $0x1;
	_ =	strace $0x80000049;
	[dreg:$0x1] =	wrdreg $0xFFFFFFFF  }
0xad: {  	s28 =	simm.s32 $_size_execute0_lowered;
	s3 =	sadd.s32 s3, s5;
	[dreg:$0x0] =	wrdreg $0x0  }
0xae: {  	s5 =	sshll.u32 s28, $0x1;
	[dreg:$0x2] =	wrdreg s3  }
0xaf: {  	[dreg:$0x3] =	wrdreg s5  }
0xb0: {  	[dreg:$0x4] =	wrdreg $0xC0  }
0xb1: {  	_ =	task [dreg:s7], $0x5FFFF  }
0xb2: {  	[dreg:$0x1] =	wrdreg $0xFFFFFFFF  }
0xb3: {  	[dreg:$0x0] =	wrdreg $0x60  }
0xb4: {  	[dreg:$0x2] =	wrdreg s24  }
0xb5: {  	[dreg:$0x3] =	wrdreg s16  }
0xb6: {  	[dreg:$0x4] =	wrdreg $0x0  }
0xb7: {  	[dreg:$0x5] =	wrdreg $0x9  }
0xb8: {  	_ =	task.clear_ibuf [dreg:s7], $0x6FFFF;
	_ =	strace $0x90000049  }
0xb9: {  	s29 =	simm.s32 $0x9;
	_ =	strace $0x8000004B  }
0xba: {  	_ =	swait.ge [sflag:s29], $0x1  }
0xbb: {  	[sflag:s29] =	ssyncadd.s32 $0xFFFFFFFF  }
0xbc: {  	_ =	strace $0x9000004B  }
0xbd: {  	_ =	sfence  }
0xbe: {  	s30 =	sld [smem:$0x0];
	_ =	sdelay $0x2  }
0xbf: {  	s31 =	sshll.u32 s1, $0xD;
	s1 =	sshrl.u32 s1, $0x2  }
0xc0: {  	s3 =	sand.u32 $0x4000, s31;
	s1 =	sadd.s32 s1, s30  }
0xc1: {  	s0 =	sor.u32 s3, s0;
	s1 =	sshll.u32 s1, $0x11  }
0xc2: {  	s0 =	sor.u32 s1, s0  }
0xc3: {  	s0 =	sadd.s32 $0x8F2B, s0  }
0xc4: {  	[sflag:s0] =	ssyncadd.remote.s32 $0x1  }
0xc5: {  	_ =	sfence.sel $0xFFFF  }
0xc6: {  	[dreg:$0x0] =	wrdreg $0xFFFFFFFF;
	(pc) =	sbr.abs _section_cstart, $3  }
0xc7: {  	[dreg:$0x1] =	wrdreg $0xFFFFFFFF  }
0xc8: {  	_ =	task.clear_ibuf [dreg:s7], $0x2FFFF;
	_ =	strace $0x9FFFFFFF  }
0xc9: {  	(tm) =	ssettm $0x7FFFFFFF  }
tec
execute0_lowered:
.L_overlay_start_1:
0x0: {  	(tag) =	ssettag $0x1  }
0x1: {  	s0 =	rddreg [dreg:$0x0]  }
0x2: {  	s1 =	rddreg [dreg:$0x1]  }
0x3: {  	s2 =	rddreg [dreg:$0x2]  }
0x4: {  	s4 =	srdreg.scid;
	s3 =	simm.s32 $0x0;
	s9 =	stileid.u32  }
0x5: {  	s15 =	simm.s32 $0x2A800;
	s28 =	simm.s32 $0x16A00;
	s31 =	simm.s32 $0x2  }
0x6: {  	s29 =	simm.s32 $0x16880;
	s4 =	sand.u32 $0x1, s4;
	[smem:$0x7FF] =	sst s3  }
0x7: {  	s6 =	smul.u32 $0x14000, s9;
	s5 =	ssub.s32 $0x2, s4;
	_ =	strace $0x8000004A  }
0x8: {  	s8 =	sshll.u32 s4, $0x4;
	p0 =	seq.s32 s4, $0x0;
	s7 =	sshrl.u32 s5, $0x1  }
0x9: {  	s23 =	sor.u32 s9, s8;
	s8 =	sor.u32 $0x2000, s6;
	s9 =	sadd.s32 $0x4000, s6  }
0xa: {  	s10 =	sadd.s32 $0x6000, s6;
	s11 =	sadd.s32 $0x8000, s6;
	s12 =	sadd.s32 $0xA000, s6  }
0xb: {  	s13 =	sadd.s32 $0xC000, s6;
	s14 =	sadd.s32 $0xE000, s6;
	s16 =	sadd.s32 $0x10000, s6  }
0xc: {  	s25 =	sadd.s32 $0x12000, s6;
	s24 =	sshrl.u32 s6, $0x3;
	s15 =	simm.s32 @!p0 $0x52800  }
0xd: {  	s5 =	ssub.s32 s5, s7;
	s7 =	smul.u32 $0x500, s23;
	s26 =	sshrl.u32 s8, $0x3  }
0xe: {  	s30 =	sshrl.u32 s9, $0x3;
	s17 =	sshrl.u32 s10, $0x3;
	s15 =	sadd.s32 s15, s0  }
0xf: {  	s18 =	sshrl.u32 s11, $0x3;
	s19 =	sshrl.u32 s12, $0x3;
	s22 =	sadd.s32 s15, s26  }
0x10: {  	s20 =	sshrl.u32 s13, $0x3;
	s23 =	sadd.s32 s15, s30;
	[dreg:$0x7] =	wrdreg s22  }
0x11: {  	s21 =	sshrl.u32 s14, $0x3;
	s26 =	sadd.s32 s15, s18;
	[dreg:$0x8] =	wrdreg s23  }
0x12: {  	s30 =	sadd.s32 s15, s19;
	s4 =	sadd.s32 s15, s20;
	[dreg:$0xa] =	wrdreg s26  }
0x13: {  	s18 =	sshrl.u32 s25, $0x3;
	s19 =	simm.s32 $0x1AA00;
	[dreg:$0xb] =	wrdreg s30  }
0x14: {  	s25 =	sadd.s32 s25, s2;
	s1 =	sadd.s32 s1, s7;
	[dreg:$0xc] =	wrdreg s4  }
0x15: {  	s7 =	sadd.s32 s15, s21;
	s20 =	sadd.s32 s15, s18;
	[dreg:$0x4] =	wrdreg s19  }
0x16: {  	s18 =	sadd.s32 s8, s2;
	s19 =	sadd.s32 s9, s2;
	[dreg:$0x5] =	wrdreg s1  }
0x17: {  	s21 =	sadd.s32 s11, s2;
	s22 =	sadd.s32 s12, s2;
	[dreg:$0xd] =	wrdreg s7  }
0x18: {  	s23 =	sadd.s32 s13, s2;
	s26 =	sadd.s32 s16, s2;
	[dreg:$0xf] =	wrdreg s20  }
0x19: {  	s30 =	smax.u32 s5, $0x1;
	s4 =	simm.s32 $0x1;
	[dreg:$0x10] =	wrdreg s21  }
0x1a: {  	s5 =	simm.s32 $0x16900;
	s8 =	simm.s32 $0x16940;
	[dreg:$0x11] =	wrdreg s22  }
0x1b: {  	s9 =	simm.s32 $0x4;
	s11 =	simm.s32 $0x5;
	[dreg:$0x12] =	wrdreg s23  }
0x1c: {  	s12 =	simm.s32 $0x6;
	s1 =	sadd.s32 s15, s24;
	[dreg:$0x14] =	wrdreg s26  }
0x1d: {  	s24 =	sadd.s32 s15, s17;
	s17 =	sshrl.u32 s16, $0x3;
	[dreg:$0x15] =	wrdreg s30  }
0x1e: {  	s20 =	sadd.s32 s10, s2;
	s7 =	simm.s32 $0x1CA00;
	[dreg:$0x6] =	wrdreg s1  }
0x1f: {  	s10 =	simm.s32 $0x169C0;
	s26 =	simm.s32 $0x0;
	[dreg:$0x9] =	wrdreg s24  }
0x20: {  	s1 =	sadd.s32 s15, s17;
	s15 =	sadd.s32 $0x3600, s0;
	s17 =	sadd.s32 s6, s2  }
0x21: {  	s24 =	sadd.s32 s14, s2;
	s0 =	simm.s32 $0x40;
	[dreg:$0xe] =	wrdreg s1  }
0x22: {  	v0 =	vimm.f32 $0.0e+00;
	s6 =	simm.s32 $0x168C0;
	[dreg:$0x13] =	wrdreg s24;
	s1 =	simm.s32 $0x18A00  }
.LBB2_1:
0x23: {  	s13 =	sand.u32 $0x7E00, s3  }
0x24: {  	s14 =	sand.u32 $0x70, s3;
	s16 =	sshrl.u32 s13, $0x2  }
0x25: {  	s13 =	simm.s32 $0x40;
	s16 =	sor.u32 s14, s16;
	s14 =	simm.s32 $0x0  }
.LBB2_2:
0x26: {  	p0 =	sne.s32 s13, $0x7FC0  }
0x27: {  	[tilespmem:s16+$0x16A00] =	vst v0;
	s14 =	sadd.s32 $0x10, s14;
	s16 =	smov.u32 s13;
	s13 =	sadd.s32 $0x40, s13  }
.Ltmp0:
0x28: {  	(pc) =	sbr.rel @p0 .LBB2_2-.Ltmp0, $4  }
0x29: {  	_ = 	snop  }
0x2a: {  	s16 =	sand.u32 $0x7E00, s16  }
0x2b: {  	s30 =	sand.u32 $0x70, s14;
	s16 =	sshrl.u32 s16, $0x2  }
0x2c: {  	s16 =	sor.u32 s30, s16  }
0x2d: {  	[tilespmem:s16+$0x16A00] =	vst v0  }
0x2e: {  	[spmem:s17] =	stream.linear.scatter [tilespmem:s28], [sflag:$0x2], $0x2000, $0x38;
	[tilespmem:$0x1EA00] =	vst v63  }
0x2f: {  	_ = 	snop  }
0x30: {  	[spmem:s18] =	stream.linear.scatter [tilespmem:s28], [sflag:$0x2], $0x2000, $0x38;
	[tilespmem:$0x1EA00] =	vst v63  }
0x31: {  	_ = 	snop  }
0x32: {  	[spmem:s19] =	stream.linear.scatter [tilespmem:s28], [sflag:$0x2], $0x2000, $0x38;
	[tilespmem:$0x1EA00] =	vst v63  }
0x33: {  	_ = 	snop  }
0x34: {  	[spmem:s20] =	stream.linear.scatter [tilespmem:s28], [sflag:$0x2], $0x2000, $0x38;
	[tilespmem:$0x1EA00] =	vst v63  }
0x35: {  	s13 =	rddreg [dreg:$0x10]  }
0x36: {  	[spmem:s13] =	stream.linear.scatter [tilespmem:s28], [sflag:$0x2], $0x2000, $0x38;
	[tilespmem:$0x1EA00] =	vst v63  }
0x37: {  	s14 =	rddreg [dreg:$0x11]  }
0x38: {  	[spmem:s14] =	stream.linear.scatter [tilespmem:s28], [sflag:$0x2], $0x2000, $0x38;
	[tilespmem:$0x1EA00] =	vst v63  }
0x39: {  	s16 =	rddreg [dreg:$0x12]  }
0x3a: {  	[spmem:s16] =	stream.linear.scatter [tilespmem:s28], [sflag:$0x2], $0x2000, $0x38;
	[tilespmem:$0x1EA00] =	vst v63  }
0x3b: {  	s21 =	smov.u32 s17;
	s17 =	rddreg [dreg:$0x13]  }
0x3c: {  	[spmem:s17] =	stream.linear.scatter [tilespmem:s28], [sflag:$0x2], $0x2000, $0x38;
	[tilespmem:$0x1EA00] =	vst v63  }
0x3d: {  	s22 =	smov.u32 s18;
	s18 =	rddreg [dreg:$0x14]  }
0x3e: {  	[spmem:s18] =	stream.linear.scatter [tilespmem:s28], [sflag:$0x2], $0x2000, $0x38;
	[tilespmem:$0x1EA00] =	vst v63  }
0x3f: {  	s23 =	smov.u32 s19;
	s24 =	smov.u32 s20;
	s19 =	simm.s32 $0x0  }
0x40: {  	[spmem:s25] =	stream.linear.scatter [tilespmem:s28], [sflag:$0x2], $0x2000, $0x38;
	[tilespmem:$0x1EA00] =	vst v63  }
0x41: {  	s20 =	simm.s32 $0x14000;
	s14 =	rddreg [dreg:$0x5];
	s16 =	simm.s32 $0x9  }
0x42: {  	[tilespmem:s20], [sflag:$0x9] =	stream.linear.gather [hbm4b:s14+s19], $0x2800, $0x38;
	[tilespmem:$0x1EA00] =	vst v63  }
0x43: {  	_ =	swait.ge [sflag:s16], $0x2800  }
0x44: {  	[sflag:s16] =	ssyncset.done $0x0  }
0x45: {  	[sflag:s16] =	ssyncadd.s32 $0xFFFFD800  }
0x46: {  	_ =	swait.ge [sflag:s31], $0x2000  }
0x47: {  	[sflag:s31] =	ssyncset.done $0x0  }
0x48: {  	[sflag:s31] =	ssyncadd.s32 $0xFFFFE000  }
0x49: {  	_ =	swait.ge [sflag:s31], $0x2000  }
0x4a: {  	[sflag:s31] =	ssyncset.done $0x0  }
0x4b: {  	[sflag:s31] =	ssyncadd.s32 $0xFFFFE000  }
0x4c: {  	_ =	swait.ge [sflag:s31], $0x2000  }
0x4d: {  	[sflag:s31] =	ssyncset.done $0x0  }
0x4e: {  	[sflag:s31] =	ssyncadd.s32 $0xFFFFE000  }
0x4f: {  	_ =	swait.ge [sflag:s31], $0x2000  }
0x50: {  	[sflag:s31] =	ssyncset.done $0x0  }
0x51: {  	[sflag:s31] =	ssyncadd.s32 $0xFFFFE000  }
0x52: {  	_ =	swait.ge [sflag:s31], $0x2000  }
0x53: {  	[sflag:s31] =	ssyncset.done $0x0  }
0x54: {  	[sflag:s31] =	ssyncadd.s32 $0xFFFFE000  }
0x55: {  	_ =	swait.ge [sflag:s31], $0x2000  }
0x56: {  	[sflag:s31] =	ssyncset.done $0x0  }
0x57: {  	[sflag:s31] =	ssyncadd.s32 $0xFFFFE000  }
0x58: {  	_ =	swait.ge [sflag:s31], $0x2000  }
0x59: {  	[sflag:s31] =	ssyncset.done $0x0  }
0x5a: {  	[sflag:s31] =	ssyncadd.s32 $0xFFFFE000  }
0x5b: {  	_ =	swait.ge [sflag:s31], $0x2000  }
0x5c: {  	[sflag:s31] =	ssyncset.done $0x0  }
0x5d: {  	[sflag:s31] =	ssyncadd.s32 $0xFFFFE000  }
0x5e: {  	_ =	swait.ge [sflag:s31], $0x2000  }
0x5f: {  	[sflag:s31] =	ssyncset.done $0x0  }
0x60: {  	[sflag:s31] =	ssyncadd.s32 $0xFFFFE000  }
0x61: {  	_ =	swait.ge [sflag:s31], $0x2000  }
0x62: {  	[sflag:s31] =	ssyncset.done $0x0  }
0x63: {  	[sflag:s31] =	ssyncadd.s32 $0xFFFFE000  }
0x64: {  	[bflag:$0x0] =	sbarrier.arrive $0xFFFF  }
0x65: {  	v1 =	vld [tilespmem:$0x14000];
	_ =	sdelay $0x1  }
0x66: {  	v2 =	vld [tilespmem:$0x14010];
	_ =	sdelay $0x1  }
0x67: {  	v3 =	vld [tilespmem:$0x14020]  }
0x68: {  	v4 =	vshrl.u32 v1, $0xE  }
0x69: {  	v61 =	vld [tilespmem:$0x14030];
	v1 =	vand.u32 $0x3FFF, v1;
	[tilespmem:$0x16800] =	vst v4  }
0x6a: {  	[tilespmem:$0x16900] =	vst v1;
	v1 =	vshrl.u32 v2, $0xE  }
0x6b: {  	[tilespmem:$0x16810] =	vst v1;
	v1 =	vand.u32 $0x3FFF, v2  }
0x6c: {  	[tilespmem:$0x16910] =	vst v1;
	v1 =	vshrl.u32 v3, $0xE  }
0x6d: {  	[tilespmem:$0x16820] =	vst v1;
	v1 =	vand.u32 $0x3FFF, v3  }
0x6e: {  	[tilespmem:$0x16920] =	vst v1;
	v1 =	vshrl.u32 v61, $0xE  }
0x6f: {  	[tilespmem:$0x16830] =	vst v1;
	v1 =	vand.u32 $0x3FFF, v61  }
0x70: {  	s17 =	simm.s32 $0x16800;
	[tilespmem:$0x16930] =	vst v1  }
0x71: {  	[tilespmem:s28], [sflag:$0x1] =	stream.indirect.gather [hbm4b:s15+s0], $0x80, s17, s0, $0xb8;
	[tilespmem:$0x1EA00] =	vst v63  }
0x72: {  	v1 =	vld [tilespmem:$0x14040];
	_ =	sdelay $0x1  }
0x73: {  	v2 =	vld [tilespmem:$0x14050];
	_ =	sdelay $0x1  }
0x74: {  	v3 =	vld [tilespmem:$0x14060]  }
0x75: {  	v62 =	vshrl.u32 v1, $0xE  }
0x76: {  	v63 =	vld [tilespmem:$0x14070];
	v1 =	vand.u32 $0x3FFF, v1;
	[tilespmem:$0x16840] =	vst v62  }
0x77: {  	[tilespmem:$0x16940] =	vst v1;
	v1 =	vshrl.u32 v2, $0xE  }
0x78: {  	[tilespmem:$0x16850] =	vst v1;
	v1 =	vand.u32 $0x3FFF, v2  }
0x79: {  	[tilespmem:$0x16950] =	vst v1;
	v1 =	vshrl.u32 v3, $0xE  }
0x7a: {  	[tilespmem:$0x16860] =	vst v1;
	v1 =	vand.u32 $0x3FFF, v3  }
0x7b: {  	[tilespmem:$0x16960] =	vst v1;
	v1 =	vshrl.u32 v63, $0xE  }
0x7c: {  	p0 =	por $0x1, $0x1;
	[tilespmem:$0x16870] =	vst v1;
	v1 =	vand.u32 $0x3FFF, v63  }
0x7d: {  	s13 =	simm.s32 @!p0 $0x7;
	s18 =	simm.s32 $0x16840;
	[tilespmem:$0x16970] =	vst v1  }
0x7e: {  	[tilespmem:s1], [sflag:$0x2] =	stream.indirect.gather [hbm4b:s15+s0], $0x80, s18, s0, $0xb8;
	[tilespmem:$0x1EA00] =	vst v63  }
0x7f: {  	_ =	swait.ge @!p0 [sflag:s13], $0x2000  }
0x80: {  	[sflag:s13] =	ssyncset.done @!p0 $0x0  }
0x81: {  	s19 =	simm.s32 $0x0;
	[sflag:s13] =	ssyncadd.s32 @!p0 $0xFFFFE000  }
0x82: {  	v1 =	vld [tilespmem:s19+$0x14080];
	_ =	sdelay $0x4  }
0x83: {  	v2 =	vshrl.u32 v1, $0xE  }
0x84: {  	v1 =	vand.u32 $0x3FFF, v1;
	[tilespmem:$0x16880] =	vst v2  }
0x85: {  	[tilespmem:$0x16980] =	vst v1  }
0x86: {  	v1 =	vld [tilespmem:s19+$0x14090];
	_ =	sdelay $0x4  }
0x87: {  	v2 =	vshrl.u32 v1, $0xE  }
0x88: {  	v1 =	vand.u32 $0x3FFF, v1;
	[tilespmem:$0x16890] =	vst v2  }
0x89: {  	[tilespmem:$0x16990] =	vst v1  }
0x8a: {  	v1 =	vld [tilespmem:s19+$0x140A0];
	_ =	sdelay $0x4  }
0x8b: {  	v2 =	vshrl.u32 v1, $0xE  }
0x8c: {  	v1 =	vand.u32 $0x3FFF, v1;
	[tilespmem:$0x168A0] =	vst v2  }
0x8d: {  	[tilespmem:$0x169A0] =	vst v1  }
0x8e: {  	v1 =	vld [tilespmem:s19+$0x140B0];
	_ =	sdelay $0x4  }
0x8f: {  	v2 =	vshrl.u32 v1, $0xE  }
0x90: {  	v1 =	vand.u32 $0x3FFF, v1;
	[tilespmem:$0x168B0] =	vst v2  }
0x91: {  	s20 =	rddreg [dreg:$0x4];
	[tilespmem:$0x169B0] =	vst v1  }
0x92: {  	[tilespmem:s20], [sflag:$0x3] =	stream.indirect.gather [hbm4b:s15+s0], $0x80, s29, s0, $0xb8;
	[tilespmem:$0x1EA00] =	vst v63  }
0x93: {  	_ =	swait.ge [sflag:s4], $0x2000  }
0x94: {  	[sflag:s4] =	ssyncset.done $0x0  }
0x95: {  	s13 =	simm.s32 @!p0 $0x8;
	[sflag:s4] =	ssyncadd.s32 $0xFFFFE000  }
0x96: {  	[spmem:s2] =	stream.indirect.scatter.add.f32 [tilespmem:s28], [sflag:$0x5], $0x80, s5, s0, $0xb8;
	[tilespmem:$0x1EA00] =	vst v63  }
0x97: {  	_ =	swait.ge @!p0 [sflag:s13], $0x2000  }
0x98: {  	[sflag:s13] =	ssyncset.done @!p0 $0x0  }
0x99: {  	[sflag:s13] =	ssyncadd.s32 @!p0 $0xFFFFE000  }
0x9a: {  	v1 =	vld [tilespmem:s19+$0x140C0];
	_ =	sdelay $0x4  }
0x9b: {  	v2 =	vshrl.u32 v1, $0xE  }
0x9c: {  	v1 =	vand.u32 $0x3FFF, v1;
	[tilespmem:$0x168C0] =	vst v2  }
0x9d: {  	[tilespmem:$0x169C0] =	vst v1  }
0x9e: {  	v1 =	vld [tilespmem:s19+$0x140D0];
	_ =	sdelay $0x4  }
0x9f: {  	v2 =	vshrl.u32 v1, $0xE  }
0xa0: {  	v1 =	vand.u32 $0x3FFF, v1;
	[tilespmem:$0x168D0] =	vst v2  }
0xa1: {  	[tilespmem:$0x169D0] =	vst v1  }
0xa2: {  	v1 =	vld [tilespmem:s19+$0x140E0];
	_ =	sdelay $0x4  }
0xa3: {  	v2 =	vshrl.u32 v1, $0xE  }
0xa4: {  	v1 =	vand.u32 $0x3FFF, v1;
	[tilespmem:$0x168E0] =	vst v2  }
0xa5: {  	[tilespmem:$0x169E0] =	vst v1  }
0xa6: {  	v1 =	vld [tilespmem:s19+$0x140F0];
	_ =	sdelay $0x4  }
0xa7: {  	v2 =	vshrl.u32 v1, $0xE  }
0xa8: {  	v1 =	vand.u32 $0x3FFF, v1;
	[tilespmem:$0x168F0] =	vst v2  }
0xa9: {  	[tilespmem:$0x169F0] =	vst v1  }
0xaa: {  	[tilespmem:s7], [sflag:$0x4] =	stream.indirect.gather [hbm4b:s15+s0], $0x80, s6, s0, $0xb8;
	[tilespmem:$0x1EA00] =	vst v63  }
0xab: {  	_ =	swait.ge [sflag:s31], $0x2000  }
0xac: {  	p1 =	por $0x0, $0x0;
	[sflag:s31] =	ssyncset.done $0x0  }
0xad: {  	s13 =	simm.s32 @p1 $0x3;
	[sflag:s31] =	ssyncadd.s32 $0xFFFFE000  }
0xae: {  	[spmem:s2] =	stream.indirect.scatter.add.f32 [tilespmem:s1], [sflag:$0x6], $0x80, s8, s0, $0xb8;
	[tilespmem:$0x1EA00] =	vst v63  }
0xaf: {  	_ =	swait.ge @p1 [sflag:s13], $0x2000  }
0xb0: {  	s30 =	simm.s32 @p1 $0x40;
	s14 =	simm.s32 @p1 $0x1AA00;
	[sflag:s13] =	ssyncset.done @p1 $0x0  }
0xb1: {  	s16 =	simm.s32 @!p1 $0x5;
	[sflag:s13] =	ssyncadd.s32 @p1 $0xFFFFE000;
	s13 =	simm.s32 @p1 $0x16980  }
0xb2: {  	[spmem:s2] =	stream.indirect.scatter.add.f32 @p1 [tilespmem:s14], [sflag:$0x7], $0x80, s13, s30, $0xb8;
	[tilespmem:$0x1EA00] =	vst v63  }
0xb3: {  	_ =	swait.ge @!p1 [sflag:s16], $0x2000  }
0xb4: {  	[sflag:s16] =	ssyncset.done @!p1 $0x0  }
0xb5: {  	s14 =	simm.s32 @!p1 $0x0;
	[sflag:s16] =	ssyncadd.s32 @!p1 $0xFFFFE000  }
0xb6: {  	v1 =	vld @!p1 [tilespmem:s14+$0x14100];
	_ =	sdelay $0x4  }
0xb7: {  	v2 =	vshrl.u32 @!p1 v1, $0xE  }
0xb8: {  	v1 =	vand.u32 @!p1 $0x3FFF, v1;
	[tilespmem:$0x16800] =	vst @!p1 v2  }
0xb9: {  	[tilespmem:$0x16900] =	vst @!p1 v1  }
0xba: {  	v1 =	vld @!p1 [tilespmem:s14+$0x14110];
	_ =	sdelay $0x4  }
0xbb: {  	v2 =	vshrl.u32 @!p1 v1, $0xE  }
0xbc: {  	v1 =	vand.u32 @!p1 $0x3FFF, v1;
	[tilespmem:$0x16810] =	vst @!p1 v2  }
0xbd: {  	[tilespmem:$0x16910] =	vst @!p1 v1  }
0xbe: {  	v1 =	vld @!p1 [tilespmem:s14+$0x14120];
	_ =	sdelay $0x4  }
0xbf: {  	v2 =	vshrl.u32 @!p1 v1, $0xE  }
0xc0: {  	v1 =	vand.u32 @!p1 $0x3FFF, v1;
	[tilespmem:$0x16820] =	vst @!p1 v2  }
0xc1: {  	[tilespmem:$0x16920] =	vst @!p1 v1  }
0xc2: {  	v1 =	vld @!p1 [tilespmem:s14+$0x14130];
	_ =	sdelay $0x4  }
0xc3: {  	v2 =	vshrl.u32 @!p1 v1, $0xE  }
0xc4: {  	v1 =	vand.u32 @!p1 $0x3FFF, v1;
	[tilespmem:$0x16830] =	vst @!p1 v2  }
0xc5: {  	s13 =	simm.s32 @!p1 $0x16800;
	s30 =	simm.s32 @!p1 $0x16A00;
	s16 =	simm.s32 @!p1 $0x40;
	[tilespmem:$0x16930] =	vst @!p1 v1  }
0xc6: {  	[tilespmem:s30], [sflag:$0x1] =	stream.indirect.gather @!p1 [hbm4b:s15+s16], $0x80, s13, s16, $0xb8;
	[tilespmem:$0x1EA00] =	vst v63  }
0xc7: {  	s13 =	simm.s32 @!p1 $0x3  }
0xc8: {  	_ =	swait.ge @!p1 [sflag:s13], $0x2000  }
0xc9: {  	[sflag:s13] =	ssyncset.done @!p1 $0x0  }
0xca: {  	s30 =	simm.s32 @!p1 $0x1AA00;
	[sflag:s13] =	ssyncadd.s32 @!p1 $0xFFFFE000;
	s13 =	simm.s32 @!p1 $0x16980  }
0xcb: {  	[spmem:s2] =	stream.indirect.scatter.add.f32 @!p1 [tilespmem:s30], [sflag:$0x7], $0x80, s13, s16, $0xb8;
	[tilespmem:$0x1EA00] =	vst v63  }
0xcc: {  	s13 =	simm.s32 @!p1 $0x6  }
0xcd: {  	_ =	swait.ge @!p1 [sflag:s13], $0x2000  }
0xce: {  	[sflag:s13] =	ssyncset.done @!p1 $0x0  }
0xcf: {  	[sflag:s13] =	ssyncadd.s32 @!p1 $0xFFFFE000  }
0xd0: {  	v1 =	vld @!p1 [tilespmem:s14+$0x14140];
	_ =	sdelay $0x4  }
0xd1: {  	v2 =	vshrl.u32 @!p1 v1, $0xE  }
0xd2: {  	v1 =	vand.u32 @!p1 $0x3FFF, v1;
	[tilespmem:$0x16840] =	vst @!p1 v2  }
0xd3: {  	[tilespmem:$0x16940] =	vst @!p1 v1  }
0xd4: {  	s30 =	simm.s32 $0x400;
	v1 =	vld @!p1 [tilespmem:s14+$0x14150]  }
.LBB2_4:
0xd5: {  	_ =	sdelay $0x3  }
0xd6: {  	v2 =	vshrl.u32 @!p1 v1, $0xE  }
0xd7: {  	v1 =	vand.u32 @!p1 $0x3FFF, v1;
	[tilespmem:$0x16850] =	vst @!p1 v2  }
0xd8: {  	[tilespmem:$0x16950] =	vst @!p1 v1  }
0xd9: {  	v1 =	vld @!p1 [tilespmem:s14+$0x14160];
	_ =	sdelay $0x4  }
0xda: {  	v2 =	vshrl.u32 @!p1 v1, $0xE  }
0xdb: {  	v1 =	vand.u32 @!p1 $0x3FFF, v1;
	[tilespmem:$0x16860] =	vst @!p1 v2  }
0xdc: {  	[tilespmem:$0x16960] =	vst @!p1 v1  }
0xdd: {  	v1 =	vld @!p1 [tilespmem:s14+$0x14170];
	_ =	sdelay $0x4  }
0xde: {  	v2 =	vshrl.u32 @!p1 v1, $0xE  }
0xdf: {  	v1 =	vand.u32 @!p1 $0x3FFF, v1;
	[tilespmem:$0x16870] =	vst @!p1 v2  }
0xe0: {  	s18 =	simm.s32 @!p1 $0x16840;
	s19 =	simm.s32 @!p1 $0x18A00;
	[tilespmem:$0x16970] =	vst @!p1 v1  }
0xe1: {  	[tilespmem:s19], [sflag:$0x2] =	stream.indirect.gather @!p1 [hbm4b:s15+s16], $0x80, s18, s16, $0xb8;
	[tilespmem:$0x1EA00] =	vst v63  }
0xe2: {  	s13 =	smov.u32 s30;
	_ =	swait.ge [sflag:s9], $0x2000  }
0xe3: {  	p2 =	seq.s32 s13, $0x0;
	[sflag:s9] =	ssyncset.done $0x0  }
0xe4: {  	s17 =	simm.s32 @!p2 $0x7;
	[sflag:s9] =	ssyncadd.s32 $0xFFFFE000  }
0xe5: {  	[spmem:s2] =	stream.indirect.scatter.add.f32 [tilespmem:s7], [sflag:$0x8], $0x80, s10, s0, $0xb8;
	[tilespmem:$0x1EA00] =	vst v63  }
0xe6: {  	_ =	swait.ge @!p2 [sflag:s17], $0x2000  }
0xe7: {  	[sflag:s17] =	ssyncset.done @!p2 $0x0  }
0xe8: {  	s14 =	sshra.s32 s13, $0x2;
	[sflag:s17] =	ssyncadd.s32 @!p2 $0xFFFFE000  }
0xe9: {  	v1 =	vld [tilespmem:s14+$0x14080];
	_ =	sdelay $0x4  }
0xea: {  	v2 =	vshrl.u32 v1, $0xE  }
0xeb: {  	v1 =	vand.u32 $0x3FFF, v1;
	[tilespmem:$0x16880] =	vst v2  }
0xec: {  	[tilespmem:$0x16980] =	vst v1  }
0xed: {  	v1 =	vld [tilespmem:s14+$0x14090];
	_ =	sdelay $0x4  }
0xee: {  	v2 =	vshrl.u32 v1, $0xE  }
0xef: {  	v1 =	vand.u32 $0x3FFF, v1;
	[tilespmem:$0x16890] =	vst v2  }
0xf0: {  	[tilespmem:$0x16990] =	vst v1  }
0xf1: {  	v1 =	vld [tilespmem:s14+$0x140A0];
	_ =	sdelay $0x4  }
0xf2: {  	v2 =	vshrl.u32 v1, $0xE  }
0xf3: {  	v1 =	vand.u32 $0x3FFF, v1;
	[tilespmem:$0x168A0] =	vst v2  }
0xf4: {  	[tilespmem:$0x169A0] =	vst v1  }
0xf5: {  	v1 =	vld [tilespmem:s14+$0x140B0];
	_ =	sdelay $0x4  }
0xf6: {  	v2 =	vshrl.u32 v1, $0xE  }
0xf7: {  	v1 =	vand.u32 $0x3FFF, v1;
	[tilespmem:$0x168B0] =	vst v2  }
0xf8: {  	s20 =	rddreg [dreg:$0x4];
	[tilespmem:$0x169B0] =	vst v1  }
0xf9: {  	[tilespmem:s20], [sflag:$0x3] =	stream.indirect.gather [hbm4b:s15+s0], $0x80, s29, s0, $0xb8;
	[tilespmem:$0x1EA00] =	vst v63  }
0xfa: {  	_ =	swait.ge [sflag:s4], $0x2000  }
0xfb: {  	[sflag:s4] =	ssyncset.done $0x0  }
0xfc: {  	s16 =	simm.s32 @!p2 $0x8;
	[sflag:s4] =	ssyncadd.s32 $0xFFFFE000  }
0xfd: {  	[spmem:s2] =	stream.indirect.scatter.add.f32 [tilespmem:s28], [sflag:$0x5], $0x80, s5, s0, $0xb8;
	[tilespmem:$0x1EA00] =	vst v63  }
0xfe: {  	_ =	swait.ge @!p2 [sflag:s16], $0x2000  }
0xff: {  	[sflag:s16] =	ssyncset.done @!p2 $0x0  }
0x100: {  	[sflag:s16] =	ssyncadd.s32 @!p2 $0xFFFFE000  }
0x101: {  	v1 =	vld [tilespmem:s14+$0x140C0];
	_ =	sdelay $0x4  }
0x102: {  	v2 =	vshrl.u32 v1, $0xE  }
0x103: {  	v1 =	vand.u32 $0x3FFF, v1;
	[tilespmem:$0x168C0] =	vst v2  }
0x104: {  	[tilespmem:$0x169C0] =	vst v1  }
0x105: {  	v1 =	vld [tilespmem:s14+$0x140D0];
	_ =	sdelay $0x4  }
0x106: {  	v2 =	vshrl.u32 v1, $0xE  }
0x107: {  	v1 =	vand.u32 $0x3FFF, v1;
	[tilespmem:$0x168D0] =	vst v2  }
0x108: {  	[tilespmem:$0x169D0] =	vst v1  }
0x109: {  	v1 =	vld [tilespmem:s14+$0x140E0];
	_ =	sdelay $0x4  }
0x10a: {  	v2 =	vshrl.u32 v1, $0xE  }
0x10b: {  	v1 =	vand.u32 $0x3FFF, v1;
	[tilespmem:$0x168E0] =	vst v2  }
0x10c: {  	[tilespmem:$0x169E0] =	vst v1  }
0x10d: {  	v1 =	vld [tilespmem:s14+$0x140F0];
	_ =	sdelay $0x4  }
0x10e: {  	v2 =	vshrl.u32 v1, $0xE  }
0x10f: {  	v1 =	vand.u32 $0x3FFF, v1;
	[tilespmem:$0x168F0] =	vst v2  }
0x110: {  	[tilespmem:$0x169F0] =	vst v1  }
0x111: {  	[tilespmem:s7], [sflag:$0x4] =	stream.indirect.gather [hbm4b:s15+s0], $0x80, s6, s0, $0xb8;
	[tilespmem:$0x1EA00] =	vst v63  }
0x112: {  	_ =	swait.ge [sflag:s31], $0x2000  }
0x113: {  	p1 =	seq.s32 s13, $0x9C00;
	[sflag:s31] =	ssyncset.done $0x0  }
0x114: {  	s16 =	simm.s32 @p1 $0x3;
	[sflag:s31] =	ssyncadd.s32 $0xFFFFE000  }
0x115: {  	[spmem:s2] =	stream.indirect.scatter.add.f32 [tilespmem:s1], [sflag:$0x6], $0x80, s8, s0, $0xb8;
	[tilespmem:$0x1EA00] =	vst v63  }
0x116: {  	_ =	swait.ge @p1 [sflag:s16], $0x2000  }
0x117: {  	s18 =	simm.s32 @!p1 $0x5;
	s19 =	simm.s32 @p1 $0x40;
	[sflag:s16] =	ssyncset.done @p1 $0x0  }
0x118: {  	s17 =	simm.s32 @p1 $0x1AA00;
	s20 =	simm.s32 @p1 $0x16980;
	[sflag:s16] =	ssyncadd.s32 @p1 $0xFFFFE000  }
0x119: {  	[spmem:s2] =	stream.indirect.scatter.add.f32 @p1 [tilespmem:s17], [sflag:$0x7], $0x80, s20, s19, $0xb8;
	[tilespmem:$0x1EA00] =	vst v63  }
0x11a: {  	_ =	swait.ge @!p1 [sflag:s18], $0x2000  }
0x11b: {  	[sflag:s18] =	ssyncset.done @!p1 $0x0  }
0x11c: {  	s14 =	sshra.s32 @!p1 s13, $0x2;
	[sflag:s18] =	ssyncadd.s32 @!p1 $0xFFFFE000  }
0x11d: {  	v1 =	vld @!p1 [tilespmem:s14+$0x14100];
	_ =	sdelay $0x4  }
0x11e: {  	v2 =	vshrl.u32 @!p1 v1, $0xE  }
0x11f: {  	v1 =	vand.u32 @!p1 $0x3FFF, v1;
	[tilespmem:$0x16800] =	vst @!p1 v2  }
0x120: {  	[tilespmem:$0x16900] =	vst @!p1 v1  }
0x121: {  	v1 =	vld @!p1 [tilespmem:s14+$0x14110];
	_ =	sdelay $0x4  }
0x122: {  	v2 =	vshrl.u32 @!p1 v1, $0xE  }
0x123: {  	v1 =	vand.u32 @!p1 $0x3FFF, v1;
	[tilespmem:$0x16810] =	vst @!p1 v2  }
0x124: {  	[tilespmem:$0x16910] =	vst @!p1 v1  }
0x125: {  	v1 =	vld @!p1 [tilespmem:s14+$0x14120];
	_ =	sdelay $0x4  }
0x126: {  	v2 =	vshrl.u32 @!p1 v1, $0xE  }
0x127: {  	v1 =	vand.u32 @!p1 $0x3FFF, v1;
	[tilespmem:$0x16820] =	vst @!p1 v2  }
0x128: {  	[tilespmem:$0x16920] =	vst @!p1 v1  }
0x129: {  	v1 =	vld @!p1 [tilespmem:s14+$0x14130];
	_ =	sdelay $0x4  }
0x12a: {  	v2 =	vshrl.u32 @!p1 v1, $0xE  }
0x12b: {  	s13 =	simm.s32 @!p1 $0x3;
	v1 =	vand.u32 @!p1 $0x3FFF, v1;
	[tilespmem:$0x16830] =	vst @!p1 v2  }
0x12c: {  	s16 =	simm.s32 @!p1 $0x40;
	s17 =	simm.s32 @!p1 $0x16800;
	s18 =	simm.s32 @!p1 $0x16A00;
	[tilespmem:$0x16930] =	vst @!p1 v1  }
0x12d: {  	[tilespmem:s18], [sflag:$0x1] =	stream.indirect.gather @!p1 [hbm4b:s15+s16], $0x80, s17, s16, $0xb8;
	[tilespmem:$0x1EA00] =	vst v63  }
0x12e: {  	_ =	swait.ge @!p1 [sflag:s13], $0x2000  }
0x12f: {  	s17 =	simm.s32 @!p1 $0x6;
	[sflag:s13] =	ssyncset.done @!p1 $0x0  }
0x130: {  	s18 =	simm.s32 @!p1 $0x1AA00;
	[sflag:s13] =	ssyncadd.s32 @!p1 $0xFFFFE000;
	s13 =	simm.s32 @!p1 $0x16980  }
0x131: {  	[spmem:s2] =	stream.indirect.scatter.add.f32 @!p1 [tilespmem:s18], [sflag:$0x7], $0x80, s13, s16, $0xb8;
	[tilespmem:$0x1EA00] =	vst v63  }
0x132: {  	_ =	swait.ge @!p1 [sflag:s17], $0x2000  }
0x133: {  	[sflag:s17] =	ssyncset.done @!p1 $0x0  }
0x134: {  	[sflag:s17] =	ssyncadd.s32 @!p1 $0xFFFFE000  }
0x135: {  	v1 =	vld @!p1 [tilespmem:s14+$0x14140];
	_ =	sdelay $0x1  }
0x136: {  	s30 =	sadd.s32 $0x400, s30  }
0x137: {  	p0 =	sne.s32 s30, $0xA000  }
.Ltmp1:
0x138: {  	_ = 	snop;
	(pc) =	sbr.rel @p0 .LBB2_4-.Ltmp1, $4  }
0x139: {  	v2 =	vshrl.u32 @!p1 v1, $0xE  }
0x13a: {  	v1 =	vand.u32 @!p1 $0x3FFF, v1;
	[tilespmem:$0x16840] =	vst @!p1 v2  }
0x13b: {  	[tilespmem:$0x16940] =	vst @!p1 v1  }
0x13c: {  	v1 =	vld @!p1 [tilespmem:s14+$0x14150]  }
0x13d: {  	_ =	sdelay $0x3  }
0x13e: {  	v2 =	vshrl.u32 @!p1 v1, $0xE  }
0x13f: {  	v1 =	vand.u32 @!p1 $0x3FFF, v1;
	[tilespmem:$0x16850] =	vst @!p1 v2  }
0x140: {  	[tilespmem:$0x16950] =	vst @!p1 v1  }
0x141: {  	v1 =	vld @!p1 [tilespmem:s14+$0x14160];
	_ =	sdelay $0x4  }
0x142: {  	v2 =	vshrl.u32 @!p1 v1, $0xE  }
0x143: {  	v1 =	vand.u32 @!p1 $0x3FFF, v1;
	[tilespmem:$0x16860] =	vst @!p1 v2  }
0x144: {  	[tilespmem:$0x16960] =	vst @!p1 v1  }
0x145: {  	v1 =	vld @!p1 [tilespmem:s14+$0x14170];
	_ =	sdelay $0x4  }
0x146: {  	v2 =	vshrl.u32 @!p1 v1, $0xE  }
0x147: {  	v1 =	vand.u32 @!p1 $0x3FFF, v1;
	[tilespmem:$0x16870] =	vst @!p1 v2  }
0x148: {  	s13 =	simm.s32 @!p1 $0x16840;
	s14 =	simm.s32 @!p1 $0x18A00;
	[tilespmem:$0x16970] =	vst @!p1 v1  }
0x149: {  	[tilespmem:s14], [sflag:$0x2] =	stream.indirect.gather @!p1 [hbm4b:s15+s16], $0x80, s13, s16, $0xb8;
	[tilespmem:$0x1EA00] =	vst v63  }
0x14a: {  	_ =	swait.ge [sflag:s9], $0x2000  }
0x14b: {  	[sflag:s9] =	ssyncset.done $0x0  }
0x14c: {  	[sflag:s9] =	ssyncadd.s32 $0xFFFFE000  }
0x14d: {  	[spmem:s2] =	stream.indirect.scatter.add.f32 [tilespmem:s7], [sflag:$0x8], $0x80, s10, s0, $0xb8;
	[tilespmem:$0x1EA00] =	vst v63  }
0x14e: {  	_ =	swait.ge [sflag:s11], $0x2000  }
0x14f: {  	[sflag:s11] =	ssyncset.done $0x0  }
0x150: {  	[sflag:s11] =	ssyncadd.s32 $0xFFFFE000  }
0x151: {  	_ =	swait.ge [sflag:s12], $0x2000  }
0x152: {  	[sflag:s12] =	ssyncset.done $0x0  }
0x153: {  	s19 =	simm.s32 $0x7;
	[sflag:s12] =	ssyncadd.s32 $0xFFFFE000  }
0x154: {  	_ =	swait.ge [sflag:s19], $0x2000  }
0x155: {  	[sflag:s19] =	ssyncset.done $0x0  }
0x156: {  	s20 =	simm.s32 $0x8;
	[sflag:s19] =	ssyncadd.s32 $0xFFFFE000  }
0x157: {  	_ =	swait.ge [sflag:s20], $0x2000  }
0x158: {  	[sflag:s20] =	ssyncset.done $0x0  }
0x159: {  	[sflag:s20] =	ssyncadd.s32 $0xFFFFE000  }
0x15a: {  	[bflag:$0x0] =	sbarrier.arrive $0xFFFF  }
0x15b: {  	[tilespmem:s28], [sflag:$0x1] =	stream.linear.gather [spmem:s21], $0x2000, $0x38;
	[tilespmem:$0x1EA00] =	vst v63  }
0x15c: {  	_ =	swait.ge [sflag:s4], $0x2000  }
0x15d: {  	[sflag:s4] =	ssyncset.done $0x0  }
0x15e: {  	[sflag:s4] =	ssyncadd.s32 $0xFFFFE000  }
0x15f: {  	[tilespmem:s1], [sflag:$0x2] =	stream.linear.gather [spmem:s22], $0x2000, $0x38;
	[tilespmem:$0x1EA00] =	vst v63  }
0x160: {  	s18 =	smov.u32 s22;
	s22 =	rddreg [dreg:$0x6]  }
0x161: {  	[hbm4b:s22+s3] =	stream.linear.scatter [tilespmem:s28], [sflag:$0x5], $0x2000, $0x38;
	[tilespmem:$0x1EA00] =	vst v63  }
0x162: {  	_ =	swait.ge [sflag:s31], $0x2000  }
0x163: {  	[sflag:s31] =	ssyncset.done $0x0  }
0x164: {  	[sflag:s31] =	ssyncadd.s32 $0xFFFFE000  }
0x165: {  	_ =	swait.ge [sflag:s11], $0x2000  }
0x166: {  	[sflag:s11] =	ssyncset.done $0x0  }
0x167: {  	[sflag:s11] =	ssyncadd.s32 $0xFFFFE000  }
0x168: {  	[tilespmem:s28], [sflag:$0x1] =	stream.linear.gather [spmem:s23], $0x2000, $0x38;
	[tilespmem:$0x1EA00] =	vst v63  }
0x169: {  	s30 =	rddreg [dreg:$0x7]  }
0x16a: {  	[hbm4b:s30+s3] =	stream.linear.scatter [tilespmem:s1], [sflag:$0x6], $0x2000, $0x38;
	[tilespmem:$0x1EA00] =	vst v63  }
0x16b: {  	_ =	swait.ge [sflag:s4], $0x2000  }
0x16c: {  	[sflag:s4] =	ssyncset.done $0x0  }
0x16d: {  	[sflag:s4] =	ssyncadd.s32 $0xFFFFE000  }
0x16e: {  	_ =	swait.ge [sflag:s12], $0x2000  }
0x16f: {  	[sflag:s12] =	ssyncset.done $0x0  }
0x170: {  	[sflag:s12] =	ssyncadd.s32 $0xFFFFE000  }
0x171: {  	[tilespmem:s1], [sflag:$0x2] =	stream.linear.gather [spmem:s24], $0x2000, $0x38;
	[tilespmem:$0x1EA00] =	vst v63  }
0x172: {  	s14 =	rddreg [dreg:$0x8]  }
0x173: {  	[hbm4b:s14+s3] =	stream.linear.scatter [tilespmem:s28], [sflag:$0x5], $0x2000, $0x38;
	[tilespmem:$0x1EA00] =	vst v63  }
0x174: {  	_ =	swait.ge [sflag:s31], $0x2000  }
0x175: {  	[sflag:s31] =	ssyncset.done $0x0  }
0x176: {  	[sflag:s31] =	ssyncadd.s32 $0xFFFFE000  }
0x177: {  	_ =	swait.ge [sflag:s11], $0x2000  }
0x178: {  	[sflag:s11] =	ssyncset.done $0x0  }
0x179: {  	s16 =	rddreg [dreg:$0x10];
	[sflag:s11] =	ssyncadd.s32 $0xFFFFE000  }
0x17a: {  	[tilespmem:s28], [sflag:$0x1] =	stream.linear.gather [spmem:s16], $0x2000, $0x38;
	[tilespmem:$0x1EA00] =	vst v63  }
0x17b: {  	s17 =	smov.u32 s21;
	s21 =	rddreg [dreg:$0x9]  }
0x17c: {  	[hbm4b:s21+s3] =	stream.linear.scatter [tilespmem:s1], [sflag:$0x6], $0x2000, $0x38;
	[tilespmem:$0x1EA00] =	vst v63  }
0x17d: {  	_ =	swait.ge [sflag:s4], $0x2000  }
0x17e: {  	[sflag:s4] =	ssyncset.done $0x0  }
0x17f: {  	[sflag:s4] =	ssyncadd.s32 $0xFFFFE000  }
0x180: {  	_ =	swait.ge [sflag:s12], $0x2000  }
0x181: {  	[sflag:s12] =	ssyncset.done $0x0  }
0x182: {  	s22 =	rddreg [dreg:$0x11];
	[sflag:s12] =	ssyncadd.s32 $0xFFFFE000  }
0x183: {  	[tilespmem:s1], [sflag:$0x2] =	stream.linear.gather [spmem:s22], $0x2000, $0x38;
	[tilespmem:$0x1EA00] =	vst v63  }
0x184: {  	s19 =	smov.u32 s23;
	s23 =	rddreg [dreg:$0xa]  }
0x185: {  	[hbm4b:s23+s3] =	stream.linear.scatter [tilespmem:s28], [sflag:$0x5], $0x2000, $0x38;
	[tilespmem:$0x1EA00] =	vst v63  }
0x186: {  	_ =	swait.ge [sflag:s31], $0x2000  }
0x187: {  	[sflag:s31] =	ssyncset.done $0x0  }
0x188: {  	[sflag:s31] =	ssyncadd.s32 $0xFFFFE000  }
0x189: {  	_ =	swait.ge [sflag:s11], $0x2000  }
0x18a: {  	[sflag:s11] =	ssyncset.done $0x0  }
0x18b: {  	s20 =	smov.u32 s24;
	s24 =	rddreg [dreg:$0x12];
	[sflag:s11] =	ssyncadd.s32 $0xFFFFE000  }
0x18c: {  	[tilespmem:s28], [sflag:$0x1] =	stream.linear.gather [spmem:s24], $0x2000, $0x38;
	[tilespmem:$0x1EA00] =	vst v63  }
0x18d: {  	s30 =	rddreg [dreg:$0xb]  }
0x18e: {  	[hbm4b:s30+s3] =	stream.linear.scatter [tilespmem:s1], [sflag:$0x6], $0x2000, $0x38;
	[tilespmem:$0x1EA00] =	vst v63  }
0x18f: {  	_ =	swait.ge [sflag:s4], $0x2000  }
0x190: {  	[sflag:s4] =	ssyncset.done $0x0  }
0x191: {  	[sflag:s4] =	ssyncadd.s32 $0xFFFFE000  }
0x192: {  	_ =	swait.ge [sflag:s12], $0x2000  }
0x193: {  	[sflag:s12] =	ssyncset.done $0x0  }
0x194: {  	s14 =	rddreg [dreg:$0x13];
	[sflag:s12] =	ssyncadd.s32 $0xFFFFE000  }
0x195: {  	[tilespmem:s1], [sflag:$0x2] =	stream.linear.gather [spmem:s14], $0x2000, $0x38;
	[tilespmem:$0x1EA00] =	vst v63  }
0x196: {  	s16 =	rddreg [dreg:$0xc]  }
0x197: {  	[hbm4b:s16+s3] =	stream.linear.scatter [tilespmem:s28], [sflag:$0x5], $0x2000, $0x38;
	[tilespmem:$0x1EA00] =	vst v63  }
0x198: {  	_ =	swait.ge [sflag:s31], $0x2000  }
0x199: {  	[sflag:s31] =	ssyncset.done $0x0  }
0x19a: {  	[sflag:s31] =	ssyncadd.s32 $0xFFFFE000  }
0x19b: {  	_ =	swait.ge [sflag:s11], $0x2000  }
0x19c: {  	[sflag:s11] =	ssyncset.done $0x0  }
0x19d: {  	s21 =	rddreg [dreg:$0x14];
	[sflag:s11] =	ssyncadd.s32 $0xFFFFE000  }
0x19e: {  	[tilespmem:s28], [sflag:$0x1] =	stream.linear.gather [spmem:s21], $0x2000, $0x38;
	[tilespmem:$0x1EA00] =	vst v63  }
0x19f: {  	s22 =	rddreg [dreg:$0xd]  }
0x1a0: {  	[hbm4b:s22+s3] =	stream.linear.scatter [tilespmem:s1], [sflag:$0x6], $0x2000, $0x38;
	[tilespmem:$0x1EA00] =	vst v63  }
0x1a1: {  	_ =	swait.ge [sflag:s4], $0x2000  }
0x1a2: {  	[sflag:s4] =	ssyncset.done $0x0  }
0x1a3: {  	[sflag:s4] =	ssyncadd.s32 $0xFFFFE000  }
0x1a4: {  	_ =	swait.ge [sflag:s12], $0x2000  }
0x1a5: {  	[sflag:s12] =	ssyncset.done $0x0  }
0x1a6: {  	[sflag:s12] =	ssyncadd.s32 $0xFFFFE000  }
0x1a7: {  	[tilespmem:s1], [sflag:$0x2] =	stream.linear.gather [spmem:s25], $0x2000, $0x38;
	[tilespmem:$0x1EA00] =	vst v63  }
0x1a8: {  	s23 =	rddreg [dreg:$0xe]  }
0x1a9: {  	[hbm4b:s23+s3] =	stream.linear.scatter [tilespmem:s28], [sflag:$0x5], $0x2000, $0x38;
	[tilespmem:$0x1EA00] =	vst v63  }
0x1aa: {  	_ =	swait.ge [sflag:s31], $0x2000  }
0x1ab: {  	[sflag:s31] =	ssyncset.done $0x0  }
0x1ac: {  	s24 =	rddreg [dreg:$0xf];
	[sflag:s31] =	ssyncadd.s32 $0xFFFFE000  }
0x1ad: {  	[hbm4b:s24+s3] =	stream.linear.scatter [tilespmem:s1], [sflag:$0x6], $0x2000, $0x38;
	[tilespmem:$0x1EA00] =	vst v63  }
0x1ae: {  	_ =	swait.ge [sflag:s11], $0x2000  }
0x1af: {  	[sflag:s11] =	ssyncset.done $0x0  }
0x1b0: {  	[sflag:s11] =	ssyncadd.s32 $0xFFFFE000  }
0x1b1: {  	_ =	swait.ge [sflag:s12], $0x2000  }
0x1b2: {  	s26 =	sadd.s32 $0x1, s26;
	s30 =	rddreg [dreg:$0x15]  }
0x1b3: {  	p0 =	sne.s32 s26, s30  }
.Ltmp2:
0x1b4: {  	_ = 	snop;
	(pc) =	sbr.rel @p0 .LBB2_1-.Ltmp2, $3  }
0x1b5: {  	_ =	sdelay $0x1  }
0x1b6: {  	[sflag:s12] =	ssyncset.done $0x0  }
0x1b7: {  	[sflag:s12] =	ssyncadd.s32 $0xFFFFE000  }
0x1b8: {  	_ =	sfence.sel $0x180000  }
0x1b9: {  	[bflag:$0x0] =	sbarrier.arrive $0xFFFF  }
0x1ba: {  	_ =	strace $0x9000004A  }
0x1bb: {  	s0 =	stileid.u32;
	[bflag:$0x2] =	sbarrier.arrive $0xFFFF  }
0x1bc: {  	p0 =	sne.s32 s0, $0x0;
	s0 =	rddreg [dreg:$0x3]  }
0x1bd: {  	s0 =	sadd.s32 @!p0 $0x100000, s0  }
0x1be: {  	[sflag:s0] =	ssyncadd.tile.s32 @!p0 $0x1;
	_ =	shalt  }
.Lfunc_end2:
_tile_overlayer_lowered:
.L_overlay_start_2:
0x1bf: {  	(tag) =	ssettag $0x2  }
0x1c0: {  	s0 =	rddreg [dreg:$0x0];
	s2 =	stileid.u32  }
0x1c1: {  	s1 =	rddreg [dreg:$0x1];
	p0 =	sne.s32 s2, $0x0  }
0x1c2: {  	s3 =	rddreg [dreg:$0x2];
	[bflag:$0x3] =	sbarrier.arrive $0xFFFF;
	s2 =	simm.s32 @!p0 $0x1C09  }
0x1c3: {  	[timem:s3], [sflag:s2] =	dma.local @!p0 [hbm:s0], s1  }
0x1c4: {  	s0 =	simm.s32 @!p0 $0x9  }
0x1c5: {  	_ =	swait.ge @!p0 [sflag:s0], s1  }
0x1c6: {  	s1 =	ssub.s32 @!p0 $0x0, s1;
	[sflag:s0] =	ssyncset.done @!p0 $0x0  }
0x1c7: {  	[sflag:s0] =	ssyncadd.s32 @!p0 s1  }
0x1c8: {  	[bflag:$0x3] =	sbarrier.arrive $0xFFFF  }
0x1c9: {  	_ =	shalt  }

// kernel: kernel.14.cloned.1.call-start
scs
__scs_entry_jumppad:
0x0: {  	(pc) =	sbr.rel $0x88, $3  }
0x1: {  	(tag) =	ssettag $0x0;
	lr =	simm.s32 $0x1  }
0x2: {  	[smem:$0x3F9B] =	sst lr;
	_ =	strace $0xD0000000  }
0x3: {  	_ = 	snop  }
0x4: {  	_ = 	snop  }
0x5: {  	_ = 	snop  }
0x6: {  	_ = 	snop  }
0x7: {  	_ = 	snop  }
__scs_overlays_trampoline_lowered:
0x8: {  	[smem:$0x3FAA] =	sst s0  }
0x9: {  	[smem:$0x3FAB] =	sst s1  }
0xa: {  	[smem:$0x3FAC] =	sst s2  }
0xb: {  	[smem:$0x3FAD] =	sst s3  }
0xc: {  	[smem:$0x3FAE] =	sst s4  }
0xd: {  	[smem:$0x3FAF] =	sst s5  }
0xe: {  	[smem:$0x3FB0] =	sst s6  }
0xf: {  	[smem:$0x3FB1] =	sst s7  }
0x10: {  	[smem:$0x3FB2] =	sst s8  }
0x11: {  	[smem:$0x3FB3] =	sst s9;
	s0 =	simm.s32 @!p0 $0x0  }
0x12: {  	s1 =	sld [smem:$0x3F99];
	s0 =	simm.s32 @p0 $0x1  }
0x13: {  	[smem:$0x3FB4] =	sst s0;
	s0 =	simm.s32 @!p1 $0x0  }
0x14: {  	s2 =	sld [smem:$0x3F98];
	s0 =	simm.s32 @p1 $0x1  }
0x15: {  	[smem:$0x3FB5] =	sst s0;
	s0 =	simm.s32 @!p2 $0x0  }
0x16: {  	s3 =	sld [smem:$0x3FDB];
	s0 =	simm.s32 @p2 $0x1  }
0x17: {  	s4 =	simm.s32 $0x1BF5;
	[smem:$0x3FB7] =	sst s0  }
0x18: {  	s0 =	sld [smem:$0x3F9A];
	_ =	swait.ge [sflag:s4], $0x0  }
0x19: {  	s7 =	sld [smem:$0x3F9B]  }
0x1a: {  	s8 =	sadd.s32 $0xFFFFE003, lr  }
0x1b: {  	s9 =	sadd.s32 $0xFFFFFEF7, lr;
	s5 =	simm.s32 $0xFFFFFFFF;
	p2 =	slt.u32 s8, $0xFFFFF086  }
0x1c: {  	p1 =	slt.u32 s9, $0xF7A;
	s5 =	simm.s32 @!p2 $0x0  }
0x1d: {  	s5 =	simm.s32 @p1 $0x1;
	p0 =	seq.s32 s7, s2  }
0x1e: {  	s7 =	smul.u32 @!p0 $0xF7A, s2;
	p2 =	seq.s32 @!p0 s5, $0x0  }
0x1f: {  	s9 =	smul.u32 $0xF7A, s1;
	s8 =	simm.s32 @!p0 $0x1BF5;
	p2 =	por !p2, p0  }
0x20: {  	[sflag:s8] =	ssyncset.s32 @!p0 $0xFFFFF086;
	s6 =	sadd.s32 @!p0 s3, s7;
	s7 =	simm.s32 @!p0 $0x108  }
0x21: {  	s3 =	sadd.s32 s3, s9;
	s6 =	sadd.s32 @!p0 $0x88, s6;
	s7 =	simm.s32 @p2 $0x1082  }
0x22: {  	[simem:s7], [sflag:s8] =	dma.local @!p0 [hbm:s6], $0xF7A  }
0x23: {  	s9 =	sor.u32 $0xD0000000, s2;
	s6 =	simm.s32 $0x108;
	_ =	swait.ge @!p0 [sflag:s8], $0x0  }
0x24: {  	s3 =	sadd.s32 $0x88, s3;
	s6 =	simm.s32 @!p1 $0x1082;
	[sflag:s4] =	ssyncset.s32 $0xFFFFF086  }
0x25: {  	[simem:s6], [sflag:s4] =	dma.local [hbm:s3], $0xF7A  }
0x26: {  	[smem:$0x3F9B] =	sst s1;
	(tag) =	ssettag s2;
	_ =	strace s9  }
0x27: {  	s1 =	sld [smem:$0x3FAB]  }
0x28: {  	s2 =	sld [smem:$0x3FAC]  }
0x29: {  	s4 =	sld [smem:$0x3FAE]  }
0x2a: {  	p0 =	seq.s32 s5, $0x0;
	s5 =	sld [smem:$0x3FAF]  }
0x2b: {  	s6 =	sld [smem:$0x3FB0]  }
0x2c: {  	s7 =	sld [smem:$0x3FB1]  }
0x2d: {  	s3 =	simm.s32 $0x108;
	s8 =	sld [smem:$0x3FB2]  }
0x2e: {  	s3 =	simm.s32 @!p0 $0x1082;
	s9 =	sld [smem:$0x3FB3]  }
0x2f: {  	lr =	sadd.s32 s0, s3;
	s0 =	sld [smem:$0x3FAA]  }
0x30: {  	s3 =	sld [smem:$0x3FAD]  }
0x31: {  	[smem:$0x3FB6] =	sst s10  }
0x32: {  	s10 =	sld [smem:$0x3FB4];
	_ =	sdelay $0x3  }
0x33: {  	p0 =	seq.s32 s10, $0x1;
	s10 =	sld [smem:$0x3FB6];
	_ =	sdelay $0x3  }
0x34: {  	[smem:$0x3FB6] =	sst s10  }
0x35: {  	s10 =	sld [smem:$0x3FB5];
	_ =	sdelay $0x3  }
0x36: {  	p1 =	seq.s32 s10, $0x1;
	s10 =	sld [smem:$0x3FB6];
	_ =	sdelay $0x3  }
0x37: {  	[smem:$0x3FB6] =	sst s10  }
0x38: {  	s10 =	sld [smem:$0x3FB7]  }
0x39: {  	_ = 	snop;
	(pc) =	sbr.ind lr, $3  }
0x3a: {  	_ = 	snop  }
0x3b: {  	_ = 	snop  }
0x3c: {  	p2 =	seq.s32 s10, $0x1;
	s10 =	sld [smem:$0x3FB6]  }
0x3d: {  	_ =	shalt  }
0x3e: {  	_ =	shalt  }
0x3f: {  	_ =	shalt  }
0x40: {  	_ =	shalt  }
0x41: {  	_ =	shalt  }
0x42: {  	_ =	shalt  }
0x43: {  	_ =	shalt  }
0x44: {  	_ =	shalt  }
0x45: {  	_ =	shalt  }
0x46: {  	_ =	shalt  }
0x47: {  	_ =	shalt  }
0x48: {  	_ =	shalt  }
0x49: {  	_ =	shalt  }
0x4a: {  	_ =	shalt  }
0x4b: {  	_ =	shalt  }
0x4c: {  	_ =	shalt  }
0x4d: {  	_ =	shalt  }
0x4e: {  	_ =	shalt  }
0x4f: {  	_ =	shalt  }
0x50: {  	_ =	shalt  }
0x51: {  	_ =	shalt  }
0x52: {  	_ =	shalt  }
0x53: {  	_ =	shalt  }
0x54: {  	_ =	shalt  }
0x55: {  	_ =	shalt  }
0x56: {  	_ =	shalt  }
0x57: {  	_ =	shalt  }
0x58: {  	_ =	shalt  }
0x59: {  	_ =	shalt  }
0x5a: {  	_ =	shalt  }
0x5b: {  	_ =	shalt  }
0x5c: {  	_ =	shalt  }
0x5d: {  	_ =	shalt  }
0x5e: {  	_ =	shalt  }
0x5f: {  	_ =	shalt  }
0x60: {  	_ =	shalt  }
0x61: {  	_ =	shalt  }
0x62: {  	_ =	shalt  }
0x63: {  	_ =	shalt  }
0x64: {  	_ =	shalt  }
0x65: {  	_ =	shalt  }
0x66: {  	_ =	shalt  }
0x67: {  	_ =	shalt  }
0x68: {  	_ =	shalt  }
0x69: {  	_ =	shalt  }
0x6a: {  	_ =	shalt  }
0x6b: {  	_ =	shalt  }
0x6c: {  	_ =	shalt  }
0x6d: {  	_ =	shalt  }
0x6e: {  	_ =	shalt  }
0x6f: {  	_ =	shalt  }
0x70: {  	_ =	shalt  }
0x71: {  	_ =	shalt  }
0x72: {  	_ =	shalt  }
0x73: {  	_ =	shalt  }
0x74: {  	_ =	shalt  }
0x75: {  	_ =	shalt  }
0x76: {  	_ =	shalt  }
0x77: {  	_ =	shalt  }
0x78: {  	_ =	shalt  }
0x79: {  	_ =	shalt  }
0x7a: {  	_ =	shalt  }
0x7b: {  	_ =	shalt  }
0x7c: {  	_ =	shalt  }
0x7d: {  	_ =	shalt  }
0x7e: {  	_ =	shalt  }
0x7f: {  	_ =	shalt  }
0x80: {  	_ =	shalt  }
0x81: {  	_ =	shalt  }
0x82: {  	_ =	shalt  }
0x83: {  	_ =	shalt  }
0x84: {  	_ =	shalt  }
0x85: {  	_ =	shalt  }
0x86: {  	_ =	shalt  }
0x87: {  	_ =	shalt  }
.Lfunc_end0:
.L_simem_size_0:
called_computation.2_lowered:
.L_overlay_start_0:
0x88: {  	s2 =	sld [smem:$0x3FD9]  }
0x89: {  	s3 =	sld [smem:$0x3FFE];
	_ =	sdelay $0x1  }
0x8a: {  	s1 =	srdreg.scid  }
0x8b: {  	s0 =	sand.u32 $0x1, s1  }
0x8c: {  	s14 =	sshll.u32 s0, $0xA;
	s2 =	sadd.s32 s3, s2  }
0x8d: {  	s2 =	sadd.s32 s2, s14  }
0x8e: {  	[smem:$0x3FC2] =	sst s2  }
0x8f: {  	_ = 	snop  }
0x90: {  	s2 =	sld [smem:$0x3FD0];
	_ =	sdelay $0x2  }
0x91: {  	s15 =	simm.s32 $0xA;
	s4 =	simm.s32 $0x10  }
0x92: {  	[smem:s4], [sflag:s15] =	dma.local [hbm:s2], $0x1  }
0x93: {  	_ =	swait.eq [sflag:s15], $0x1  }
0x94: {  	[sflag:s15] =	ssyncset.done $0x0  }
0x95: {  	[sflag:s15] =	ssyncadd.s32 $0xFFFFFFFF  }
0x96: {  	s16 =	sld [smem:$0x11];
	(tm) =	ssettm $0x1  }
0x97: {  	s17 =	sld [smem:$0x3FFB];
	_ =	sdelay $0x3  }
0x98: {  	_ =	strace s17  }
0x99: {  	s3 =	sld [smem:$0x3FFC];
	_ =	sdelay $0x3  }
0x9a: {  	_ =	strace s3  }
0x9b: {  	s3 =	sld [smem:$0x3FFD];
	_ =	sdelay $0x3  }
0x9c: {  	_ =	strace s3  }
0x9d: {  	_ =	strace $0x8FFFFFFF  }
0x9e: {  	s18 =	sld [smem:$0x3FDB];
	_ =	sdelay $0x1  }
0x9f: {  	s19 =	simm.s32 $_scs_section_size  }
0xa0: {  	s5 =	simm.s32 $_size__tile_overlayer_lowered;
	s6 =	simm.s32 $_tile_overlayer_lowered  }
0xa1: {  	s22 =	simm.s32 $0x1BFF;
	s21 =	sshll.u32 s6, $0x1;
	s3 =	sadd.s32 s19, s18  }
0xa2: {  	s7 =	simm.s32 $0x0;
	s20 =	sshll.u32 s5, $0x1;
	s5 =	sadd.s32 s21, s3  }
0xa3: {  	[timem:s7], [sflag:s22] =	dma.local [hbm:s5], s20  }
0xa4: {  	_ =	swait.ge [sflag:s22], s20  }
0xa5: {  	s4 =	ssub.s32 $0x0, s20;
	[sflag:s22] =	ssyncset.done $0x0  }
0xa6: {  	[sflag:s22] =	ssyncadd.s32 s4;
	_ =	sdelay $0x1  }
0xa7: {  	s23 =	simm.s32 $0x1B8B  }
0xa8: {  	_ =	swait.ge [sflag:s23], $0x1  }
0xa9: {  	[sflag:s23] =	ssyncset.done $0x0  }
0xaa: {  	s25 =	simm.s32 $0x1B8E;
	s24 =	sld [smem:$0x3FFE];
	[sflag:s23] =	ssyncadd.s32 $0xFFFFFFFF  }
0xab: {  	s26 =	simm.s32 $execute0_lowered;
	[smem:$0x3FD2] =	sst s25  }
0xac: {  	s5 =	sshll.u32 s26, $0x1;
	_ =	strace $0x8000004C;
	[dreg:$0x1] =	wrdreg $0xFFFFFFFF  }
0xad: {  	s28 =	simm.s32 $_size_execute0_lowered;
	s3 =	sadd.s32 s3, s5;
	[dreg:$0x0] =	wrdreg $0x0  }
0xae: {  	s5 =	sshll.u32 s28, $0x1;
	[dreg:$0x2] =	wrdreg s3  }
0xaf: {  	[dreg:$0x3] =	wrdreg s5  }
0xb0: {  	[dreg:$0x4] =	wrdreg $0xC0  }
0xb1: {  	_ =	task [dreg:s7], $0x5FFFF  }
0xb2: {  	[dreg:$0x1] =	wrdreg $0xFFFFFFFF  }
0xb3: {  	[dreg:$0x0] =	wrdreg $0x60  }
0xb4: {  	[dreg:$0x2] =	wrdreg s24  }
0xb5: {  	[dreg:$0x3] =	wrdreg s16  }
0xb6: {  	[dreg:$0x4] =	wrdreg $0x0  }
0xb7: {  	[dreg:$0x5] =	wrdreg $0x9  }
0xb8: {  	_ =	task.clear_ibuf [dreg:s7], $0x6FFFF;
	_ =	strace $0x9000004C  }
0xb9: {  	s29 =	simm.s32 $0x9;
	_ =	strace $0x8000004E  }
0xba: {  	_ =	swait.ge [sflag:s29], $0x1  }
0xbb: {  	[sflag:s29] =	ssyncadd.s32 $0xFFFFFFFF  }
0xbc: {  	_ =	strace $0x9000004E  }
0xbd: {  	_ =	sfence  }
0xbe: {  	s30 =	sld [smem:$0x0];
	_ =	sdelay $0x2  }
0xbf: {  	s31 =	sshll.u32 s1, $0xD;
	s1 =	sshrl.u32 s1, $0x2  }
0xc0: {  	s3 =	sand.u32 $0x4000, s31;
	s1 =	sadd.s32 s1, s30  }
0xc1: {  	s0 =	sor.u32 s3, s0;
	s1 =	sshll.u32 s1, $0x11  }
0xc2: {  	s0 =	sor.u32 s1, s0  }
0xc3: {  	s0 =	sadd.s32 $0x8F2B, s0  }
0xc4: {  	[sflag:s0] =	ssyncadd.remote.s32 $0x1  }
0xc5: {  	_ =	sfence.sel $0xFFFF  }
0xc6: {  	[dreg:$0x0] =	wrdreg $0xFFFFFFFF;
	(pc) =	sbr.abs _section_cstart, $3  }
0xc7: {  	[dreg:$0x1] =	wrdreg $0xFFFFFFFF  }
0xc8: {  	_ =	task.clear_ibuf [dreg:s7], $0x2FFFF;
	_ =	strace $0x9FFFFFFF  }
0xc9: {  	(tm) =	ssettm $0x7FFFFFFF  }
tec
execute0_lowered:
.L_overlay_start_1:
0x0: {  	(tag) =	ssettag $0x1  }
0x1: {  	s0 =	rddreg [dreg:$0x0]  }
0x2: {  	s1 =	rddreg [dreg:$0x1]  }
0x3: {  	s2 =	rddreg [dreg:$0x2]  }
0x4: {  	s4 =	srdreg.scid;
	s3 =	simm.s32 $0x0;
	s9 =	stileid.u32  }
0x5: {  	s15 =	simm.s32 $0x21200;
	s28 =	simm.s32 $0xA200;
	s31 =	simm.s32 $0x2  }
0x6: {  	s29 =	simm.s32 $0xA080;
	s4 =	sand.u32 $0x1, s4;
	[smem:$0x7FF] =	sst s3  }
0x7: {  	s6 =	smul.u32 $0x7800, s9;
	s5 =	ssub.s32 $0x2, s4;
	_ =	strace $0x8000004D  }
0x8: {  	s8 =	sshll.u32 s4, $0x4;
	p0 =	seq.s32 s4, $0x0;
	s7 =	sshrl.u32 s5, $0x1  }
0x9: {  	s24 =	sor.u32 s9, s8;
	s8 =	sadd.s32 $0xC00, s6;
	s9 =	sadd.s32 $0x1800, s6  }
0xa: {  	s10 =	sadd.s32 $0x2400, s6;
	s11 =	sadd.s32 $0x3000, s6;
	s12 =	sadd.s32 $0x3C00, s6  }
0xb: {  	s13 =	sadd.s32 $0x4800, s6;
	s14 =	sadd.s32 $0x5400, s6;
	s16 =	sadd.s32 $0x6000, s6  }
0xc: {  	s17 =	sadd.s32 $0x6C00, s6;
	s25 =	sshrl.u32 s6, $0x3;
	s15 =	simm.s32 @!p0 $0x12200  }
0xd: {  	s5 =	ssub.s32 s5, s7;
	s7 =	smul.u32 $0x500, s24;
	s26 =	sshrl.u32 s8, $0x3  }
0xe: {  	s30 =	sshrl.u32 s9, $0x3;
	s18 =	sshrl.u32 s10, $0x3;
	s15 =	sadd.s32 s15, s0  }
0xf: {  	s19 =	sshrl.u32 s11, $0x3;
	s20 =	sshrl.u32 s12, $0x3;
	s23 =	sadd.s32 s15, s26  }
0x10: {  	s21 =	sshrl.u32 s13, $0x3;
	s24 =	sadd.s32 s15, s30;
	[dreg:$0x7] =	wrdreg s23  }
0x11: {  	s22 =	sshrl.u32 s14, $0x3;
	s26 =	sadd.s32 s15, s19;
	[dreg:$0x8] =	wrdreg s24  }
0x12: {  	s30 =	sadd.s32 s15, s20;
	s4 =	sadd.s32 s15, s21;
	[dreg:$0xa] =	wrdreg s26  }
0x13: {  	s19 =	sshrl.u32 s17, $0x3;
	s20 =	simm.s32 $0xBA00;
	[dreg:$0xb] =	wrdreg s30  }
0x14: {  	s1 =	sadd.s32 s1, s7;
	[dreg:$0xc] =	wrdreg s4;
	s7 =	sadd.s32 s15, s22  }
0x15: {  	s21 =	sadd.s32 s15, s19;
	[dreg:$0x4] =	wrdreg s20;
	s19 =	sadd.s32 s6, s2  }
0x16: {  	s20 =	sadd.s32 s8, s2;
	s22 =	sadd.s32 s9, s2;
	[dreg:$0x5] =	wrdreg s1  }
0x17: {  	s23 =	sadd.s32 s10, s2;
	s24 =	sadd.s32 s11, s2;
	[dreg:$0xd] =	wrdreg s7  }
0x18: {  	s26 =	sadd.s32 s13, s2;
	s30 =	smax.u32 s5, $0x1;
	[dreg:$0xf] =	wrdreg s21  }
0x19: {  	s4 =	simm.s32 $0x1;
	s5 =	simm.s32 $0xA100;
	[dreg:$0x10] =	wrdreg s22  }
0x1a: {  	s6 =	simm.s32 $0xA0C0;
	s8 =	simm.s32 $0xA140;
	[dreg:$0x11] =	wrdreg s23  }
0x1b: {  	s9 =	simm.s32 $0x4;
	s10 =	simm.s32 $0xA1C0;
	[dreg:$0x12] =	wrdreg s24  }
0x1c: {  	s11 =	simm.s32 $0x5;
	s1 =	sadd.s32 s15, s25;
	[dreg:$0x14] =	wrdreg s26  }
0x1d: {  	s25 =	sadd.s32 s15, s18;
	s18 =	sshrl.u32 s16, $0x3;
	[dreg:$0x15] =	wrdreg s30  }
0x1e: {  	s23 =	sadd.s32 s14, s2;
	s24 =	sadd.s32 s16, s2;
	[dreg:$0x6] =	wrdreg s1  }
0x1f: {  	s7 =	simm.s32 $0xC600;
	s26 =	simm.s32 $0x0;
	[dreg:$0x9] =	wrdreg s25  }
0x20: {  	s1 =	sadd.s32 s15, s18;
	s15 =	sadd.s32 $0x3600, s0;
	s25 =	sadd.s32 s12, s2  }
0x21: {  	s0 =	simm.s32 $0x40;
	s12 =	simm.s32 $0x6;
	[dreg:$0xe] =	wrdreg s1  }
0x22: {  	v0 =	vimm.f32 $0.0e+00;
	[dreg:$0x13] =	wrdreg s25;
	s25 =	sadd.s32 s17, s2;
	s1 =	simm.s32 $0xAE00  }
.LBB2_1:
0x23: {  	s13 =	smul.u32 $0xAB, s3;
	_ =	sdelay $0x1  }
0x24: {  	s13 =	sshrl.u32 s13, $0x9  }
0x25: {  	s14 =	sand.u32 $0x7F, s13  }
0x26: {  	s13 =	simm.s32 $0x1;
	s16 =	smul.u32 $0x3, s14  }
0x27: {  	s17 =	smul.u32 $0xAB, s13  }
0x28: {  	s30 =	smul.u32 $0xC0, s14;
	s16 =	ssub.s32 $0x0, s16  }
0x29: {  	s14 =	simm.s32 $0x2;
	s18 =	sand.u32 $0xFF, s16  }
0x2a: {  	s17 =	sshrl.u32 s17, $0x9;
	s16 =	sshrl.u32 s30, $0x2;
	s30 =	sshll.u32 s18, $0x4  }
.LBB2_2:
0x2b: {  	s18 =	smul.u32 $0xAB, s14;
	s17 =	sand.u32 $0x7F, s17  }
0x2c: {  	s16 =	sadd.s32 s30, s16;
	p0 =	sne.s32 s14, $0xBF;
	s30 =	smul.u32 $0x3, s17  }
.Ltmp0:
0x2d: {  	[tilespmem:s16+$0xA200] =	vst v0;
	(pc) =	sbr.rel @p0 .LBB2_2-.Ltmp0, $4  }
0x2e: {  	s16 =	smul.u32 $0xC0, s17;
	s17 =	smov.u32 s14  }
0x2f: {  	s14 =	sadd.s32 $0x1, s14;
	s13 =	ssub.s32 s13, s30  }
0x30: {  	s30 =	sand.u32 $0xFF, s13;
	s13 =	smov.u32 s17  }
0x31: {  	s16 =	sshrl.u32 s16, $0x2;
	s17 =	sshrl.u32 s18, $0x9;
	s30 =	sshll.u32 s30, $0x4  }
0x32: {  	s14 =	sand.u32 $0x7F, s17  }
0x33: {  	s17 =	smul.u32 $0x3, s14;
	_ =	sdelay $0x1  }
0x34: {  	s14 =	smul.u32 $0xC0, s14;
	s13 =	ssub.s32 s13, s17  }
0x35: {  	s13 =	sand.u32 $0xFF, s13  }
0x36: {  	s16 =	sadd.s32 s30, s16;
	s14 =	sshrl.u32 s14, $0x2;
	s13 =	sshll.u32 s13, $0x4  }
0x37: {  	[tilespmem:s16+$0xA200] =	vst v0;
	s13 =	sadd.s32 s13, s14  }
0x38: {  	[tilespmem:s13+$0xA200] =	vst v0  }
0x39: {  	[spmem:s19] =	stream.linear.scatter [tilespmem:s28], [sflag:$0x2], $0xC00, $0x38;
	[tilespmem:$0xD200] =	vst v63  }
0x3a: {  	_ = 	snop  }
0x3b: {  	[spmem:s20] =	stream.linear.scatter [tilespmem:s28], [sflag:$0x2], $0xC00, $0x38;
	[tilespmem:$0xD200] =	vst v63  }
0x3c: {  	s21 =	smov.u32 s19;
	s19 =	rddreg [dreg:$0x10]  }
0x3d: {  	[spmem:s19] =	stream.linear.scatter [tilespmem:s28], [sflag:$0x2], $0xC00, $0x38;
	[tilespmem:$0xD200] =	vst v63  }
0x3e: {  	s22 =	smov.u32 s20;
	s20 =	rddreg [dreg:$0x11]  }
0x3f: {  	[spmem:s20] =	stream.linear.scatter [tilespmem:s28], [sflag:$0x2], $0xC00, $0x38;
	[tilespmem:$0xD200] =	vst v63  }
0x40: {  	s14 =	rddreg [dreg:$0x12]  }
0x41: {  	[spmem:s14] =	stream.linear.scatter [tilespmem:s28], [sflag:$0x2], $0xC00, $0x38;
	[tilespmem:$0xD200] =	vst v63  }
0x42: {  	s16 =	rddreg [dreg:$0x13]  }
0x43: {  	[spmem:s16] =	stream.linear.scatter [tilespmem:s28], [sflag:$0x2], $0xC00, $0x38;
	[tilespmem:$0xD200] =	vst v63  }
0x44: {  	s17 =	rddreg [dreg:$0x14]  }
0x45: {  	[spmem:s17] =	stream.linear.scatter [tilespmem:s28], [sflag:$0x2], $0xC00, $0x38;
	[tilespmem:$0xD200] =	vst v63  }
0x46: {  	_ = 	snop  }
0x47: {  	[spmem:s23] =	stream.linear.scatter [tilespmem:s28], [sflag:$0x2], $0xC00, $0x38;
	[tilespmem:$0xD200] =	vst v63  }
0x48: {  	_ = 	snop  }
0x49: {  	[spmem:s24] =	stream.linear.scatter [tilespmem:s28], [sflag:$0x2], $0xC00, $0x38;
	[tilespmem:$0xD200] =	vst v63  }
0x4a: {  	s18 =	simm.s32 $0x0  }
0x4b: {  	[spmem:s25] =	stream.linear.scatter [tilespmem:s28], [sflag:$0x2], $0xC00, $0x38;
	[tilespmem:$0xD200] =	vst v63  }
0x4c: {  	s19 =	rddreg [dreg:$0x5];
	s20 =	simm.s32 $0x7800;
	s16 =	simm.s32 $0x9  }
0x4d: {  	[tilespmem:s20], [sflag:$0x9] =	stream.linear.gather [hbm4b:s19+s18], $0x2800, $0x38;
	[tilespmem:$0xD200] =	vst v63  }
0x4e: {  	_ =	swait.ge [sflag:s16], $0x2800  }
0x4f: {  	[sflag:s16] =	ssyncset.done $0x0  }
0x50: {  	[sflag:s16] =	ssyncadd.s32 $0xFFFFD800  }
0x51: {  	_ =	swait.ge [sflag:s31], $0xC00  }
0x52: {  	[sflag:s31] =	ssyncset.done $0x0  }
0x53: {  	[sflag:s31] =	ssyncadd.s32 $0xFFFFF400  }
0x54: {  	_ =	swait.ge [sflag:s31], $0xC00  }
0x55: {  	[sflag:s31] =	ssyncset.done $0x0  }
0x56: {  	[sflag:s31] =	ssyncadd.s32 $0xFFFFF400  }
0x57: {  	_ =	swait.ge [sflag:s31], $0xC00  }
0x58: {  	[sflag:s31] =	ssyncset.done $0x0  }
0x59: {  	[sflag:s31] =	ssyncadd.s32 $0xFFFFF400  }
0x5a: {  	_ =	swait.ge [sflag:s31], $0xC00  }
0x5b: {  	[sflag:s31] =	ssyncset.done $0x0  }
0x5c: {  	[sflag:s31] =	ssyncadd.s32 $0xFFFFF400  }
0x5d: {  	_ =	swait.ge [sflag:s31], $0xC00  }
0x5e: {  	[sflag:s31] =	ssyncset.done $0x0  }
0x5f: {  	[sflag:s31] =	ssyncadd.s32 $0xFFFFF400  }
0x60: {  	_ =	swait.ge [sflag:s31], $0xC00  }
0x61: {  	[sflag:s31] =	ssyncset.done $0x0  }
0x62: {  	[sflag:s31] =	ssyncadd.s32 $0xFFFFF400  }
0x63: {  	_ =	swait.ge [sflag:s31], $0xC00  }
0x64: {  	[sflag:s31] =	ssyncset.done $0x0  }
0x65: {  	[sflag:s31] =	ssyncadd.s32 $0xFFFFF400  }
0x66: {  	_ =	swait.ge [sflag:s31], $0xC00  }
0x67: {  	[sflag:s31] =	ssyncset.done $0x0  }
0x68: {  	[sflag:s31] =	ssyncadd.s32 $0xFFFFF400  }
0x69: {  	_ =	swait.ge [sflag:s31], $0xC00  }
0x6a: {  	[sflag:s31] =	ssyncset.done $0x0  }
0x6b: {  	[sflag:s31] =	ssyncadd.s32 $0xFFFFF400  }
0x6c: {  	_ =	swait.ge [sflag:s31], $0xC00  }
0x6d: {  	[sflag:s31] =	ssyncset.done $0x0  }
0x6e: {  	[sflag:s31] =	ssyncadd.s32 $0xFFFFF400  }
0x6f: {  	[bflag:$0x0] =	sbarrier.arrive $0xFFFF  }
0x70: {  	v1 =	vld [tilespmem:$0x7800];
	_ =	sdelay $0x1  }
0x71: {  	v2 =	vld [tilespmem:$0x7810];
	_ =	sdelay $0x1  }
0x72: {  	v3 =	vld [tilespmem:$0x7820]  }
0x73: {  	v4 =	vshrl.u32 v1, $0xE  }
0x74: {  	v61 =	vld [tilespmem:$0x7830];
	v1 =	vand.u32 $0x3FFF, v1;
	[tilespmem:$0xA000] =	vst v4  }
0x75: {  	[tilespmem:$0xA100] =	vst v1;
	v1 =	vshrl.u32 v2, $0xE  }
0x76: {  	[tilespmem:$0xA010] =	vst v1;
	v1 =	vand.u32 $0x3FFF, v2  }
0x77: {  	[tilespmem:$0xA110] =	vst v1;
	v1 =	vshrl.u32 v3, $0xE  }
0x78: {  	[tilespmem:$0xA020] =	vst v1;
	v1 =	vand.u32 $0x3FFF, v3  }
0x79: {  	[tilespmem:$0xA120] =	vst v1;
	v1 =	vshrl.u32 v61, $0xE  }
0x7a: {  	[tilespmem:$0xA030] =	vst v1;
	v1 =	vand.u32 $0x3FFF, v61  }
0x7b: {  	s17 =	simm.s32 $0xA000;
	[tilespmem:$0xA130] =	vst v1  }
0x7c: {  	[tilespmem:s28], [sflag:$0x1] =	stream.indirect.gather [hbm4b:s15+s0], $0x30, s17, s0, $0xb8;
	[tilespmem:$0xD200] =	vst v63  }
0x7d: {  	v1 =	vld [tilespmem:$0x7840];
	_ =	sdelay $0x1  }
0x7e: {  	v2 =	vld [tilespmem:$0x7850];
	_ =	sdelay $0x1  }
0x7f: {  	v3 =	vld [tilespmem:$0x7860]  }
0x80: {  	v62 =	vshrl.u32 v1, $0xE  }
0x81: {  	v63 =	vld [tilespmem:$0x7870];
	v1 =	vand.u32 $0x3FFF, v1;
	[tilespmem:$0xA040] =	vst v62  }
0x82: {  	[tilespmem:$0xA140] =	vst v1;
	v1 =	vshrl.u32 v2, $0xE  }
0x83: {  	[tilespmem:$0xA050] =	vst v1;
	v1 =	vand.u32 $0x3FFF, v2  }
0x84: {  	[tilespmem:$0xA150] =	vst v1;
	v1 =	vshrl.u32 v3, $0xE  }
0x85: {  	[tilespmem:$0xA060] =	vst v1;
	v1 =	vand.u32 $0x3FFF, v3  }
0x86: {  	[tilespmem:$0xA160] =	vst v1;
	v1 =	vshrl.u32 v63, $0xE  }
0x87: {  	p0 =	por $0x1, $0x1;
	[tilespmem:$0xA070] =	vst v1;
	v1 =	vand.u32 $0x3FFF, v63  }
0x88: {  	s13 =	simm.s32 @!p0 $0x7;
	s18 =	simm.s32 $0xA040;
	[tilespmem:$0xA170] =	vst v1  }
0x89: {  	[tilespmem:s1], [sflag:$0x2] =	stream.indirect.gather [hbm4b:s15+s0], $0x30, s18, s0, $0xb8;
	[tilespmem:$0xD200] =	vst v63  }
0x8a: {  	_ =	swait.ge @!p0 [sflag:s13], $0xC00  }
0x8b: {  	[sflag:s13] =	ssyncset.done @!p0 $0x0  }
0x8c: {  	s19 =	simm.s32 $0x0;
	[sflag:s13] =	ssyncadd.s32 @!p0 $0xFFFFF400  }
0x8d: {  	v1 =	vld [tilespmem:s19+$0x7880];
	_ =	sdelay $0x4  }
0x8e: {  	v2 =	vshrl.u32 v1, $0xE  }
0x8f: {  	v1 =	vand.u32 $0x3FFF, v1;
	[tilespmem:$0xA080] =	vst v2  }
0x90: {  	[tilespmem:$0xA180] =	vst v1  }
0x91: {  	v1 =	vld [tilespmem:s19+$0x7890];
	_ =	sdelay $0x4  }
0x92: {  	v2 =	vshrl.u32 v1, $0xE  }
0x93: {  	v1 =	vand.u32 $0x3FFF, v1;
	[tilespmem:$0xA090] =	vst v2  }
0x94: {  	[tilespmem:$0xA190] =	vst v1  }
0x95: {  	v1 =	vld [tilespmem:s19+$0x78A0];
	_ =	sdelay $0x4  }
0x96: {  	v2 =	vshrl.u32 v1, $0xE  }
0x97: {  	v1 =	vand.u32 $0x3FFF, v1;
	[tilespmem:$0xA0A0] =	vst v2  }
0x98: {  	[tilespmem:$0xA1A0] =	vst v1  }
0x99: {  	v1 =	vld [tilespmem:s19+$0x78B0];
	_ =	sdelay $0x4  }
0x9a: {  	v2 =	vshrl.u32 v1, $0xE  }
0x9b: {  	v1 =	vand.u32 $0x3FFF, v1;
	[tilespmem:$0xA0B0] =	vst v2  }
0x9c: {  	s20 =	rddreg [dreg:$0x4];
	[tilespmem:$0xA1B0] =	vst v1  }
0x9d: {  	[tilespmem:s20], [sflag:$0x3] =	stream.indirect.gather [hbm4b:s15+s0], $0x30, s29, s0, $0xb8;
	[tilespmem:$0xD200] =	vst v63  }
0x9e: {  	_ =	swait.ge [sflag:s4], $0xC00  }
0x9f: {  	[sflag:s4] =	ssyncset.done $0x0  }
0xa0: {  	s13 =	simm.s32 @!p0 $0x8;
	[sflag:s4] =	ssyncadd.s32 $0xFFFFF400  }
0xa1: {  	[spmem:s2] =	stream.indirect.scatter.add.f32 [tilespmem:s28], [sflag:$0x5], $0x30, s5, s0, $0xb8;
	[tilespmem:$0xD200] =	vst v63  }
0xa2: {  	_ =	swait.ge @!p0 [sflag:s13], $0xC00  }
0xa3: {  	[sflag:s13] =	ssyncset.done @!p0 $0x0  }
0xa4: {  	[sflag:s13] =	ssyncadd.s32 @!p0 $0xFFFFF400  }
0xa5: {  	v1 =	vld [tilespmem:s19+$0x78C0];
	_ =	sdelay $0x4  }
0xa6: {  	v2 =	vshrl.u32 v1, $0xE  }
0xa7: {  	v1 =	vand.u32 $0x3FFF, v1;
	[tilespmem:$0xA0C0] =	vst v2  }
0xa8: {  	[tilespmem:$0xA1C0] =	vst v1  }
0xa9: {  	v1 =	vld [tilespmem:s19+$0x78D0];
	_ =	sdelay $0x4  }
0xaa: {  	v2 =	vshrl.u32 v1, $0xE  }
0xab: {  	v1 =	vand.u32 $0x3FFF, v1;
	[tilespmem:$0xA0D0] =	vst v2  }
0xac: {  	[tilespmem:$0xA1D0] =	vst v1  }
0xad: {  	v1 =	vld [tilespmem:s19+$0x78E0];
	_ =	sdelay $0x4  }
0xae: {  	v2 =	vshrl.u32 v1, $0xE  }
0xaf: {  	v1 =	vand.u32 $0x3FFF, v1;
	[tilespmem:$0xA0E0] =	vst v2  }
0xb0: {  	[tilespmem:$0xA1E0] =	vst v1  }
0xb1: {  	v1 =	vld [tilespmem:s19+$0x78F0];
	_ =	sdelay $0x4  }
0xb2: {  	v2 =	vshrl.u32 v1, $0xE  }
0xb3: {  	v1 =	vand.u32 $0x3FFF, v1;
	[tilespmem:$0xA0F0] =	vst v2  }
0xb4: {  	[tilespmem:$0xA1F0] =	vst v1  }
0xb5: {  	[tilespmem:s7], [sflag:$0x4] =	stream.indirect.gather [hbm4b:s15+s0], $0x30, s6, s0, $0xb8;
	[tilespmem:$0xD200] =	vst v63  }
0xb6: {  	_ =	swait.ge [sflag:s31], $0xC00  }
0xb7: {  	p1 =	por $0x0, $0x0;
	[sflag:s31] =	ssyncset.done $0x0  }
0xb8: {  	s13 =	simm.s32 @p1 $0x3;
	[sflag:s31] =	ssyncadd.s32 $0xFFFFF400  }
0xb9: {  	[spmem:s2] =	stream.indirect.scatter.add.f32 [tilespmem:s1], [sflag:$0x6], $0x30, s8, s0, $0xb8;
	[tilespmem:$0xD200] =	vst v63  }
0xba: {  	_ =	swait.ge @p1 [sflag:s13], $0xC00  }
0xbb: {  	s14 =	simm.s32 @p1 $0xBA00;
	s16 =	simm.s32 @!p1 $0x5;
	[sflag:s13] =	ssyncset.done @p1 $0x0  }
0xbc: {  	s17 =	simm.s32 @p1 $0x40;
	[sflag:s13] =	ssyncadd.s32 @p1 $0xFFFFF400;
	s13 =	simm.s32 @p1 $0xA180  }
0xbd: {  	[spmem:s2] =	stream.indirect.scatter.add.f32 @p1 [tilespmem:s14], [sflag:$0x7], $0x30, s13, s17, $0xb8;
	[tilespmem:$0xD200] =	vst v63  }
0xbe: {  	_ =	swait.ge @!p1 [sflag:s16], $0xC00  }
0xbf: {  	[sflag:s16] =	ssyncset.done @!p1 $0x0  }
0xc0: {  	s14 =	simm.s32 @!p1 $0x0;
	[sflag:s16] =	ssyncadd.s32 @!p1 $0xFFFFF400  }
0xc1: {  	v1 =	vld @!p1 [tilespmem:s14+$0x7900];
	_ =	sdelay $0x4  }
0xc2: {  	v2 =	vshrl.u32 @!p1 v1, $0xE  }
0xc3: {  	v1 =	vand.u32 @!p1 $0x3FFF, v1;
	[tilespmem:$0xA000] =	vst @!p1 v2  }
0xc4: {  	[tilespmem:$0xA100] =	vst @!p1 v1  }
0xc5: {  	v1 =	vld @!p1 [tilespmem:s14+$0x7910];
	_ =	sdelay $0x4  }
0xc6: {  	v2 =	vshrl.u32 @!p1 v1, $0xE  }
0xc7: {  	v1 =	vand.u32 @!p1 $0x3FFF, v1;
	[tilespmem:$0xA010] =	vst @!p1 v2  }
0xc8: {  	[tilespmem:$0xA110] =	vst @!p1 v1  }
0xc9: {  	v1 =	vld @!p1 [tilespmem:s14+$0x7920];
	_ =	sdelay $0x4  }
0xca: {  	v2 =	vshrl.u32 @!p1 v1, $0xE  }
0xcb: {  	v1 =	vand.u32 @!p1 $0x3FFF, v1;
	[tilespmem:$0xA020] =	vst @!p1 v2  }
0xcc: {  	[tilespmem:$0xA120] =	vst @!p1 v1  }
0xcd: {  	v1 =	vld @!p1 [tilespmem:s14+$0x7930];
	_ =	sdelay $0x4  }
0xce: {  	v2 =	vshrl.u32 @!p1 v1, $0xE  }
0xcf: {  	v1 =	vand.u32 @!p1 $0x3FFF, v1;
	[tilespmem:$0xA030] =	vst @!p1 v2  }
0xd0: {  	s13 =	simm.s32 @!p1 $0xA000;
	s17 =	simm.s32 @!p1 $0xA200;
	s16 =	simm.s32 @!p1 $0x40;
	[tilespmem:$0xA130] =	vst @!p1 v1  }
0xd1: {  	[tilespmem:s17], [sflag:$0x1] =	stream.indirect.gather @!p1 [hbm4b:s15+s16], $0x30, s13, s16, $0xb8;
	[tilespmem:$0xD200] =	vst v63  }
0xd2: {  	s13 =	simm.s32 @!p1 $0x3  }
0xd3: {  	_ =	swait.ge @!p1 [sflag:s13], $0xC00  }
0xd4: {  	[sflag:s13] =	ssyncset.done @!p1 $0x0  }
0xd5: {  	s17 =	simm.s32 @!p1 $0xBA00;
	[sflag:s13] =	ssyncadd.s32 @!p1 $0xFFFFF400;
	s13 =	simm.s32 @!p1 $0xA180  }
0xd6: {  	[spmem:s2] =	stream.indirect.scatter.add.f32 @!p1 [tilespmem:s17], [sflag:$0x7], $0x30, s13, s16, $0xb8;
	[tilespmem:$0xD200] =	vst v63  }
0xd7: {  	s13 =	simm.s32 @!p1 $0x6  }
0xd8: {  	_ =	swait.ge @!p1 [sflag:s13], $0xC00  }
0xd9: {  	[sflag:s13] =	ssyncset.done @!p1 $0x0  }
0xda: {  	[sflag:s13] =	ssyncadd.s32 @!p1 $0xFFFFF400  }
0xdb: {  	v1 =	vld @!p1 [tilespmem:s14+$0x7940];
	_ =	sdelay $0x4  }
0xdc: {  	v2 =	vshrl.u32 @!p1 v1, $0xE  }
0xdd: {  	v1 =	vand.u32 @!p1 $0x3FFF, v1;
	[tilespmem:$0xA040] =	vst @!p1 v2  }
0xde: {  	[tilespmem:$0xA140] =	vst @!p1 v1  }
0xdf: {  	s30 =	simm.s32 $0x400;
	v1 =	vld @!p1 [tilespmem:s14+$0x7950]  }
.LBB2_4:
0xe0: {  	_ =	sdelay $0x3  }
0xe1: {  	v2 =	vshrl.u32 @!p1 v1, $0xE  }
0xe2: {  	v1 =	vand.u32 @!p1 $0x3FFF, v1;
	[tilespmem:$0xA050] =	vst @!p1 v2  }
0xe3: {  	[tilespmem:$0xA150] =	vst @!p1 v1  }
0xe4: {  	v1 =	vld @!p1 [tilespmem:s14+$0x7960];
	_ =	sdelay $0x4  }
0xe5: {  	v2 =	vshrl.u32 @!p1 v1, $0xE  }
0xe6: {  	v1 =	vand.u32 @!p1 $0x3FFF, v1;
	[tilespmem:$0xA060] =	vst @!p1 v2  }
0xe7: {  	[tilespmem:$0xA160] =	vst @!p1 v1  }
0xe8: {  	v1 =	vld @!p1 [tilespmem:s14+$0x7970];
	_ =	sdelay $0x4  }
0xe9: {  	v2 =	vshrl.u32 @!p1 v1, $0xE  }
0xea: {  	v1 =	vand.u32 @!p1 $0x3FFF, v1;
	[tilespmem:$0xA070] =	vst @!p1 v2  }
0xeb: {  	s18 =	simm.s32 @!p1 $0xA040;
	s19 =	simm.s32 @!p1 $0xAE00;
	[tilespmem:$0xA170] =	vst @!p1 v1  }
0xec: {  	[tilespmem:s19], [sflag:$0x2] =	stream.indirect.gather @!p1 [hbm4b:s15+s16], $0x30, s18, s16, $0xb8;
	[tilespmem:$0xD200] =	vst v63  }
0xed: {  	s13 =	smov.u32 s30;
	_ =	swait.ge [sflag:s9], $0xC00  }
0xee: {  	p2 =	seq.s32 s13, $0x0;
	[sflag:s9] =	ssyncset.done $0x0  }
0xef: {  	s17 =	simm.s32 @!p2 $0x7;
	[sflag:s9] =	ssyncadd.s32 $0xFFFFF400  }
0xf0: {  	[spmem:s2] =	stream.indirect.scatter.add.f32 [tilespmem:s7], [sflag:$0x8], $0x30, s10, s0, $0xb8;
	[tilespmem:$0xD200] =	vst v63  }
0xf1: {  	_ =	swait.ge @!p2 [sflag:s17], $0xC00  }
0xf2: {  	[sflag:s17] =	ssyncset.done @!p2 $0x0  }
0xf3: {  	s14 =	sshra.s32 s13, $0x2;
	[sflag:s17] =	ssyncadd.s32 @!p2 $0xFFFFF400  }
0xf4: {  	v1 =	vld [tilespmem:s14+$0x7880];
	_ =	sdelay $0x4  }
0xf5: {  	v2 =	vshrl.u32 v1, $0xE  }
0xf6: {  	v1 =	vand.u32 $0x3FFF, v1;
	[tilespmem:$0xA080] =	vst v2  }
0xf7: {  	[tilespmem:$0xA180] =	vst v1  }
0xf8: {  	v1 =	vld [tilespmem:s14+$0x7890];
	_ =	sdelay $0x4  }
0xf9: {  	v2 =	vshrl.u32 v1, $0xE  }
0xfa: {  	v1 =	vand.u32 $0x3FFF, v1;
	[tilespmem:$0xA090] =	vst v2  }
0xfb: {  	[tilespmem:$0xA190] =	vst v1  }
0xfc: {  	v1 =	vld [tilespmem:s14+$0x78A0];
	_ =	sdelay $0x4  }
0xfd: {  	v2 =	vshrl.u32 v1, $0xE  }
0xfe: {  	v1 =	vand.u32 $0x3FFF, v1;
	[tilespmem:$0xA0A0] =	vst v2  }
0xff: {  	[tilespmem:$0xA1A0] =	vst v1  }
0x100: {  	v1 =	vld [tilespmem:s14+$0x78B0];
	_ =	sdelay $0x4  }
0x101: {  	v2 =	vshrl.u32 v1, $0xE  }
0x102: {  	v1 =	vand.u32 $0x3FFF, v1;
	[tilespmem:$0xA0B0] =	vst v2  }
0x103: {  	s20 =	rddreg [dreg:$0x4];
	[tilespmem:$0xA1B0] =	vst v1  }
0x104: {  	[tilespmem:s20], [sflag:$0x3] =	stream.indirect.gather [hbm4b:s15+s0], $0x30, s29, s0, $0xb8;
	[tilespmem:$0xD200] =	vst v63  }
0x105: {  	_ =	swait.ge [sflag:s4], $0xC00  }
0x106: {  	[sflag:s4] =	ssyncset.done $0x0  }
0x107: {  	s16 =	simm.s32 @!p2 $0x8;
	[sflag:s4] =	ssyncadd.s32 $0xFFFFF400  }
0x108: {  	[spmem:s2] =	stream.indirect.scatter.add.f32 [tilespmem:s28], [sflag:$0x5], $0x30, s5, s0, $0xb8;
	[tilespmem:$0xD200] =	vst v63  }
0x109: {  	_ =	swait.ge @!p2 [sflag:s16], $0xC00  }
0x10a: {  	[sflag:s16] =	ssyncset.done @!p2 $0x0  }
0x10b: {  	[sflag:s16] =	ssyncadd.s32 @!p2 $0xFFFFF400  }
0x10c: {  	v1 =	vld [tilespmem:s14+$0x78C0];
	_ =	sdelay $0x4  }
0x10d: {  	v2 =	vshrl.u32 v1, $0xE  }
0x10e: {  	v1 =	vand.u32 $0x3FFF, v1;
	[tilespmem:$0xA0C0] =	vst v2  }
0x10f: {  	[tilespmem:$0xA1C0] =	vst v1  }
0x110: {  	v1 =	vld [tilespmem:s14+$0x78D0];
	_ =	sdelay $0x4  }
0x111: {  	v2 =	vshrl.u32 v1, $0xE  }
0x112: {  	v1 =	vand.u32 $0x3FFF, v1;
	[tilespmem:$0xA0D0] =	vst v2  }
0x113: {  	[tilespmem:$0xA1D0] =	vst v1  }
0x114: {  	v1 =	vld [tilespmem:s14+$0x78E0];
	_ =	sdelay $0x4  }
0x115: {  	v2 =	vshrl.u32 v1, $0xE  }
0x116: {  	v1 =	vand.u32 $0x3FFF, v1;
	[tilespmem:$0xA0E0] =	vst v2  }
0x117: {  	[tilespmem:$0xA1E0] =	vst v1  }
0x118: {  	v1 =	vld [tilespmem:s14+$0x78F0];
	_ =	sdelay $0x4  }
0x119: {  	v2 =	vshrl.u32 v1, $0xE  }
0x11a: {  	v1 =	vand.u32 $0x3FFF, v1;
	[tilespmem:$0xA0F0] =	vst v2  }
0x11b: {  	[tilespmem:$0xA1F0] =	vst v1  }
0x11c: {  	[tilespmem:s7], [sflag:$0x4] =	stream.indirect.gather [hbm4b:s15+s0], $0x30, s6, s0, $0xb8;
	[tilespmem:$0xD200] =	vst v63  }
0x11d: {  	_ =	swait.ge [sflag:s31], $0xC00  }
0x11e: {  	p1 =	seq.s32 s13, $0x9C00;
	[sflag:s31] =	ssyncset.done $0x0  }
0x11f: {  	s16 =	simm.s32 @p1 $0x3;
	[sflag:s31] =	ssyncadd.s32 $0xFFFFF400  }
0x120: {  	[spmem:s2] =	stream.indirect.scatter.add.f32 [tilespmem:s1], [sflag:$0x6], $0x30, s8, s0, $0xb8;
	[tilespmem:$0xD200] =	vst v63  }
0x121: {  	_ =	swait.ge @p1 [sflag:s16], $0xC00  }
0x122: {  	s18 =	simm.s32 @!p1 $0x5;
	s19 =	simm.s32 @p1 $0x40;
	[sflag:s16] =	ssyncset.done @p1 $0x0  }
0x123: {  	s17 =	simm.s32 @p1 $0xBA00;
	s20 =	simm.s32 @p1 $0xA180;
	[sflag:s16] =	ssyncadd.s32 @p1 $0xFFFFF400  }
0x124: {  	[spmem:s2] =	stream.indirect.scatter.add.f32 @p1 [tilespmem:s17], [sflag:$0x7], $0x30, s20, s19, $0xb8;
	[tilespmem:$0xD200] =	vst v63  }
0x125: {  	_ =	swait.ge @!p1 [sflag:s18], $0xC00  }
0x126: {  	[sflag:s18] =	ssyncset.done @!p1 $0x0  }
0x127: {  	s14 =	sshra.s32 @!p1 s13, $0x2;
	[sflag:s18] =	ssyncadd.s32 @!p1 $0xFFFFF400  }
0x128: {  	v1 =	vld @!p1 [tilespmem:s14+$0x7900];
	_ =	sdelay $0x4  }
0x129: {  	v2 =	vshrl.u32 @!p1 v1, $0xE  }
0x12a: {  	v1 =	vand.u32 @!p1 $0x3FFF, v1;
	[tilespmem:$0xA000] =	vst @!p1 v2  }
0x12b: {  	[tilespmem:$0xA100] =	vst @!p1 v1  }
0x12c: {  	v1 =	vld @!p1 [tilespmem:s14+$0x7910];
	_ =	sdelay $0x4  }
0x12d: {  	v2 =	vshrl.u32 @!p1 v1, $0xE  }
0x12e: {  	v1 =	vand.u32 @!p1 $0x3FFF, v1;
	[tilespmem:$0xA010] =	vst @!p1 v2  }
0x12f: {  	[tilespmem:$0xA110] =	vst @!p1 v1  }
0x130: {  	v1 =	vld @!p1 [tilespmem:s14+$0x7920];
	_ =	sdelay $0x4  }
0x131: {  	v2 =	vshrl.u32 @!p1 v1, $0xE  }
0x132: {  	v1 =	vand.u32 @!p1 $0x3FFF, v1;
	[tilespmem:$0xA020] =	vst @!p1 v2  }
0x133: {  	[tilespmem:$0xA120] =	vst @!p1 v1  }
0x134: {  	v1 =	vld @!p1 [tilespmem:s14+$0x7930];
	_ =	sdelay $0x4  }
0x135: {  	v2 =	vshrl.u32 @!p1 v1, $0xE  }
0x136: {  	s13 =	simm.s32 @!p1 $0x3;
	v1 =	vand.u32 @!p1 $0x3FFF, v1;
	[tilespmem:$0xA030] =	vst @!p1 v2  }
0x137: {  	s16 =	simm.s32 @!p1 $0x40;
	s17 =	simm.s32 @!p1 $0xA000;
	s18 =	simm.s32 @!p1 $0xA200;
	[tilespmem:$0xA130] =	vst @!p1 v1  }
0x138: {  	[tilespmem:s18], [sflag:$0x1] =	stream.indirect.gather @!p1 [hbm4b:s15+s16], $0x30, s17, s16, $0xb8;
	[tilespmem:$0xD200] =	vst v63  }
0x139: {  	_ =	swait.ge @!p1 [sflag:s13], $0xC00  }
0x13a: {  	s17 =	simm.s32 @!p1 $0x6;
	[sflag:s13] =	ssyncset.done @!p1 $0x0  }
0x13b: {  	s18 =	simm.s32 @!p1 $0xBA00;
	[sflag:s13] =	ssyncadd.s32 @!p1 $0xFFFFF400;
	s13 =	simm.s32 @!p1 $0xA180  }
0x13c: {  	[spmem:s2] =	stream.indirect.scatter.add.f32 @!p1 [tilespmem:s18], [sflag:$0x7], $0x30, s13, s16, $0xb8;
	[tilespmem:$0xD200] =	vst v63  }
0x13d: {  	_ =	swait.ge @!p1 [sflag:s17], $0xC00  }
0x13e: {  	[sflag:s17] =	ssyncset.done @!p1 $0x0  }
0x13f: {  	[sflag:s17] =	ssyncadd.s32 @!p1 $0xFFFFF400  }
0x140: {  	v1 =	vld @!p1 [tilespmem:s14+$0x7940];
	_ =	sdelay $0x1  }
0x141: {  	s30 =	sadd.s32 $0x400, s30  }
0x142: {  	p0 =	sne.s32 s30, $0xA000  }
.Ltmp1:
0x143: {  	_ = 	snop;
	(pc) =	sbr.rel @p0 .LBB2_4-.Ltmp1, $4  }
0x144: {  	v2 =	vshrl.u32 @!p1 v1, $0xE  }
0x145: {  	v1 =	vand.u32 @!p1 $0x3FFF, v1;
	[tilespmem:$0xA040] =	vst @!p1 v2  }
0x146: {  	[tilespmem:$0xA140] =	vst @!p1 v1  }
0x147: {  	v1 =	vld @!p1 [tilespmem:s14+$0x7950]  }
0x148: {  	_ =	sdelay $0x3  }
0x149: {  	v2 =	vshrl.u32 @!p1 v1, $0xE  }
0x14a: {  	v1 =	vand.u32 @!p1 $0x3FFF, v1;
	[tilespmem:$0xA050] =	vst @!p1 v2  }
0x14b: {  	[tilespmem:$0xA150] =	vst @!p1 v1  }
0x14c: {  	v1 =	vld @!p1 [tilespmem:s14+$0x7960];
	_ =	sdelay $0x4  }
0x14d: {  	v2 =	vshrl.u32 @!p1 v1, $0xE  }
0x14e: {  	v1 =	vand.u32 @!p1 $0x3FFF, v1;
	[tilespmem:$0xA060] =	vst @!p1 v2  }
0x14f: {  	[tilespmem:$0xA160] =	vst @!p1 v1  }
0x150: {  	v1 =	vld @!p1 [tilespmem:s14+$0x7970];
	_ =	sdelay $0x4  }
0x151: {  	v2 =	vshrl.u32 @!p1 v1, $0xE  }
0x152: {  	v1 =	vand.u32 @!p1 $0x3FFF, v1;
	[tilespmem:$0xA070] =	vst @!p1 v2  }
0x153: {  	s13 =	simm.s32 @!p1 $0xA040;
	s14 =	simm.s32 @!p1 $0xAE00;
	[tilespmem:$0xA170] =	vst @!p1 v1  }
0x154: {  	[tilespmem:s14], [sflag:$0x2] =	stream.indirect.gather @!p1 [hbm4b:s15+s16], $0x30, s13, s16, $0xb8;
	[tilespmem:$0xD200] =	vst v63  }
0x155: {  	_ =	swait.ge [sflag:s9], $0xC00  }
0x156: {  	[sflag:s9] =	ssyncset.done $0x0  }
0x157: {  	[sflag:s9] =	ssyncadd.s32 $0xFFFFF400  }
0x158: {  	[spmem:s2] =	stream.indirect.scatter.add.f32 [tilespmem:s7], [sflag:$0x8], $0x30, s10, s0, $0xb8;
	[tilespmem:$0xD200] =	vst v63  }
0x159: {  	_ =	swait.ge [sflag:s11], $0xC00  }
0x15a: {  	[sflag:s11] =	ssyncset.done $0x0  }
0x15b: {  	[sflag:s11] =	ssyncadd.s32 $0xFFFFF400  }
0x15c: {  	_ =	swait.ge [sflag:s12], $0xC00  }
0x15d: {  	[sflag:s12] =	ssyncset.done $0x0  }
0x15e: {  	s19 =	simm.s32 $0x7;
	[sflag:s12] =	ssyncadd.s32 $0xFFFFF400  }
0x15f: {  	_ =	swait.ge [sflag:s19], $0xC00  }
0x160: {  	[sflag:s19] =	ssyncset.done $0x0  }
0x161: {  	s20 =	simm.s32 $0x8;
	[sflag:s19] =	ssyncadd.s32 $0xFFFFF400  }
0x162: {  	_ =	swait.ge [sflag:s20], $0xC00  }
0x163: {  	[sflag:s20] =	ssyncset.done $0x0  }
0x164: {  	[sflag:s20] =	ssyncadd.s32 $0xFFFFF400  }
0x165: {  	[bflag:$0x0] =	sbarrier.arrive $0xFFFF  }
0x166: {  	[tilespmem:s28], [sflag:$0x1] =	stream.linear.gather [spmem:s21], $0xC00, $0x38;
	[tilespmem:$0xD200] =	vst v63  }
0x167: {  	_ =	swait.ge [sflag:s4], $0xC00  }
0x168: {  	[sflag:s4] =	ssyncset.done $0x0  }
0x169: {  	[sflag:s4] =	ssyncadd.s32 $0xFFFFF400  }
0x16a: {  	[tilespmem:s1], [sflag:$0x2] =	stream.linear.gather [spmem:s22], $0xC00, $0x38;
	[tilespmem:$0xD200] =	vst v63  }
0x16b: {  	s20 =	smov.u32 s22;
	s22 =	rddreg [dreg:$0x6]  }
0x16c: {  	[hbm4b:s22+s3] =	stream.linear.scatter [tilespmem:s28], [sflag:$0x5], $0xC00, $0x38;
	[tilespmem:$0xD200] =	vst v63  }
0x16d: {  	_ =	swait.ge [sflag:s31], $0xC00  }
0x16e: {  	[sflag:s31] =	ssyncset.done $0x0  }
0x16f: {  	[sflag:s31] =	ssyncadd.s32 $0xFFFFF400  }
0x170: {  	_ =	swait.ge [sflag:s11], $0xC00  }
0x171: {  	[sflag:s11] =	ssyncset.done $0x0  }
0x172: {  	s30 =	rddreg [dreg:$0x10];
	[sflag:s11] =	ssyncadd.s32 $0xFFFFF400  }
0x173: {  	[tilespmem:s28], [sflag:$0x1] =	stream.linear.gather [spmem:s30], $0xC00, $0x38;
	[tilespmem:$0xD200] =	vst v63  }
0x174: {  	s14 =	rddreg [dreg:$0x7]  }
0x175: {  	[hbm4b:s14+s3] =	stream.linear.scatter [tilespmem:s1], [sflag:$0x6], $0xC00, $0x38;
	[tilespmem:$0xD200] =	vst v63  }
0x176: {  	_ =	swait.ge [sflag:s4], $0xC00  }
0x177: {  	[sflag:s4] =	ssyncset.done $0x0  }
0x178: {  	[sflag:s4] =	ssyncadd.s32 $0xFFFFF400  }
0x179: {  	_ =	swait.ge [sflag:s12], $0xC00  }
0x17a: {  	[sflag:s12] =	ssyncset.done $0x0  }
0x17b: {  	s16 =	rddreg [dreg:$0x11];
	[sflag:s12] =	ssyncadd.s32 $0xFFFFF400  }
0x17c: {  	[tilespmem:s1], [sflag:$0x2] =	stream.linear.gather [spmem:s16], $0xC00, $0x38;
	[tilespmem:$0xD200] =	vst v63  }
0x17d: {  	s17 =	rddreg [dreg:$0x8]  }
0x17e: {  	[hbm4b:s17+s3] =	stream.linear.scatter [tilespmem:s28], [sflag:$0x5], $0xC00, $0x38;
	[tilespmem:$0xD200] =	vst v63  }
0x17f: {  	_ =	swait.ge [sflag:s31], $0xC00  }
0x180: {  	[sflag:s31] =	ssyncset.done $0x0  }
0x181: {  	[sflag:s31] =	ssyncadd.s32 $0xFFFFF400  }
0x182: {  	_ =	swait.ge [sflag:s11], $0xC00  }
0x183: {  	[sflag:s11] =	ssyncset.done $0x0  }
0x184: {  	s18 =	rddreg [dreg:$0x12];
	[sflag:s11] =	ssyncadd.s32 $0xFFFFF400  }
0x185: {  	[tilespmem:s28], [sflag:$0x1] =	stream.linear.gather [spmem:s18], $0xC00, $0x38;
	[tilespmem:$0xD200] =	vst v63  }
0x186: {  	s19 =	smov.u32 s21;
	s21 =	rddreg [dreg:$0x9]  }
0x187: {  	[hbm4b:s21+s3] =	stream.linear.scatter [tilespmem:s1], [sflag:$0x6], $0xC00, $0x38;
	[tilespmem:$0xD200] =	vst v63  }
0x188: {  	_ =	swait.ge [sflag:s4], $0xC00  }
0x189: {  	[sflag:s4] =	ssyncset.done $0x0  }
0x18a: {  	[sflag:s4] =	ssyncadd.s32 $0xFFFFF400  }
0x18b: {  	_ =	swait.ge [sflag:s12], $0xC00  }
0x18c: {  	[sflag:s12] =	ssyncset.done $0x0  }
0x18d: {  	s22 =	rddreg [dreg:$0x13];
	[sflag:s12] =	ssyncadd.s32 $0xFFFFF400  }
0x18e: {  	[tilespmem:s1], [sflag:$0x2] =	stream.linear.gather [spmem:s22], $0xC00, $0x38;
	[tilespmem:$0xD200] =	vst v63  }
0x18f: {  	s30 =	rddreg [dreg:$0xa]  }
0x190: {  	[hbm4b:s30+s3] =	stream.linear.scatter [tilespmem:s28], [sflag:$0x5], $0xC00, $0x38;
	[tilespmem:$0xD200] =	vst v63  }
0x191: {  	_ =	swait.ge [sflag:s31], $0xC00  }
0x192: {  	[sflag:s31] =	ssyncset.done $0x0  }
0x193: {  	[sflag:s31] =	ssyncadd.s32 $0xFFFFF400  }
0x194: {  	_ =	swait.ge [sflag:s11], $0xC00  }
0x195: {  	[sflag:s11] =	ssyncset.done $0x0  }
0x196: {  	s14 =	rddreg [dreg:$0x14];
	[sflag:s11] =	ssyncadd.s32 $0xFFFFF400  }
0x197: {  	[tilespmem:s28], [sflag:$0x1] =	stream.linear.gather [spmem:s14], $0xC00, $0x38;
	[tilespmem:$0xD200] =	vst v63  }
0x198: {  	s16 =	rddreg [dreg:$0xb]  }
0x199: {  	[hbm4b:s16+s3] =	stream.linear.scatter [tilespmem:s1], [sflag:$0x6], $0xC00, $0x38;
	[tilespmem:$0xD200] =	vst v63  }
0x19a: {  	_ =	swait.ge [sflag:s4], $0xC00  }
0x19b: {  	[sflag:s4] =	ssyncset.done $0x0  }
0x19c: {  	[sflag:s4] =	ssyncadd.s32 $0xFFFFF400  }
0x19d: {  	_ =	swait.ge [sflag:s12], $0xC00  }
0x19e: {  	[sflag:s12] =	ssyncset.done $0x0  }
0x19f: {  	[sflag:s12] =	ssyncadd.s32 $0xFFFFF400  }
0x1a0: {  	[tilespmem:s1], [sflag:$0x2] =	stream.linear.gather [spmem:s23], $0xC00, $0x38;
	[tilespmem:$0xD200] =	vst v63  }
0x1a1: {  	s17 =	rddreg [dreg:$0xc]  }
0x1a2: {  	[hbm4b:s17+s3] =	stream.linear.scatter [tilespmem:s28], [sflag:$0x5], $0xC00, $0x38;
	[tilespmem:$0xD200] =	vst v63  }
0x1a3: {  	_ =	swait.ge [sflag:s31], $0xC00  }
0x1a4: {  	[sflag:s31] =	ssyncset.done $0x0  }
0x1a5: {  	[sflag:s31] =	ssyncadd.s32 $0xFFFFF400  }
0x1a6: {  	_ =	swait.ge [sflag:s11], $0xC00  }
0x1a7: {  	[sflag:s11] =	ssyncset.done $0x0  }
0x1a8: {  	[sflag:s11] =	ssyncadd.s32 $0xFFFFF400  }
0x1a9: {  	[tilespmem:s28], [sflag:$0x1] =	stream.linear.gather [spmem:s24], $0xC00, $0x38;
	[tilespmem:$0xD200] =	vst v63  }
0x1aa: {  	s18 =	rddreg [dreg:$0xd]  }
0x1ab: {  	[hbm4b:s18+s3] =	stream.linear.scatter [tilespmem:s1], [sflag:$0x6], $0xC00, $0x38;
	[tilespmem:$0xD200] =	vst v63  }
0x1ac: {  	_ =	swait.ge [sflag:s4], $0xC00  }
0x1ad: {  	[sflag:s4] =	ssyncset.done $0x0  }
0x1ae: {  	[sflag:s4] =	ssyncadd.s32 $0xFFFFF400  }
0x1af: {  	_ =	swait.ge [sflag:s12], $0xC00  }
0x1b0: {  	[sflag:s12] =	ssyncset.done $0x0  }
0x1b1: {  	[sflag:s12] =	ssyncadd.s32 $0xFFFFF400  }
0x1b2: {  	[tilespmem:s1], [sflag:$0x2] =	stream.linear.gather [spmem:s25], $0xC00, $0x38;
	[tilespmem:$0xD200] =	vst v63  }
0x1b3: {  	s21 =	rddreg [dreg:$0xe]  }
0x1b4: {  	[hbm4b:s21+s3] =	stream.linear.scatter [tilespmem:s28], [sflag:$0x5], $0xC00, $0x38;
	[tilespmem:$0xD200] =	vst v63  }
0x1b5: {  	_ =	swait.ge [sflag:s31], $0xC00  }
0x1b6: {  	[sflag:s31] =	ssyncset.done $0x0  }
0x1b7: {  	s22 =	rddreg [dreg:$0xf];
	[sflag:s31] =	ssyncadd.s32 $0xFFFFF400  }
0x1b8: {  	[hbm4b:s22+s3] =	stream.linear.scatter [tilespmem:s1], [sflag:$0x6], $0xC00, $0x38;
	[tilespmem:$0xD200] =	vst v63  }
0x1b9: {  	_ =	swait.ge [sflag:s11], $0xC00  }
0x1ba: {  	[sflag:s11] =	ssyncset.done $0x0  }
0x1bb: {  	[sflag:s11] =	ssyncadd.s32 $0xFFFFF400  }
0x1bc: {  	_ =	swait.ge [sflag:s12], $0xC00  }
0x1bd: {  	s26 =	sadd.s32 $0x1, s26;
	s30 =	rddreg [dreg:$0x15]  }
0x1be: {  	p0 =	sne.s32 s26, s30  }
.Ltmp2:
0x1bf: {  	_ = 	snop;
	(pc) =	sbr.rel @p0 .LBB2_1-.Ltmp2, $3  }
0x1c0: {  	_ =	sdelay $0x1  }
0x1c1: {  	[sflag:s12] =	ssyncset.done $0x0  }
0x1c2: {  	[sflag:s12] =	ssyncadd.s32 $0xFFFFF400  }
0x1c3: {  	_ =	sfence.sel $0x180000  }
0x1c4: {  	[bflag:$0x0] =	sbarrier.arrive $0xFFFF  }
0x1c5: {  	_ =	strace $0x9000004D  }
0x1c6: {  	s0 =	stileid.u32;
	[bflag:$0x2] =	sbarrier.arrive $0xFFFF  }
0x1c7: {  	p0 =	sne.s32 s0, $0x0;
	s0 =	rddreg [dreg:$0x3]  }
0x1c8: {  	s0 =	sadd.s32 @!p0 $0x100000, s0  }
0x1c9: {  	[sflag:s0] =	ssyncadd.tile.s32 @!p0 $0x1;
	_ =	shalt  }
.Lfunc_end2:
_tile_overlayer_lowered:
.L_overlay_start_2:
0x1ca: {  	(tag) =	ssettag $0x2  }
0x1cb: {  	s0 =	rddreg [dreg:$0x0];
	s2 =	stileid.u32  }
0x1cc: {  	s1 =	rddreg [dreg:$0x1];
	p0 =	sne.s32 s2, $0x0  }
0x1cd: {  	s3 =	rddreg [dreg:$0x2];
	[bflag:$0x3] =	sbarrier.arrive $0xFFFF;
	s2 =	simm.s32 @!p0 $0x1C09  }
0x1ce: {  	[timem:s3], [sflag:s2] =	dma.local @!p0 [hbm:s0], s1  }
0x1cf: {  	s0 =	simm.s32 @!p0 $0x9  }
0x1d0: {  	_ =	swait.ge @!p0 [sflag:s0], s1  }
0x1d1: {  	s1 =	ssub.s32 @!p0 $0x0, s1;
	[sflag:s0] =	ssyncset.done @!p0 $0x0  }
0x1d2: {  	[sflag:s0] =	ssyncadd.s32 @!p0 s1  }
0x1d3: {  	[bflag:$0x3] =	sbarrier.arrive $0xFFFF  }
0x1d4: {  	_ =	shalt  }

// kernel: kernel.8.cloned.1.call-start
scs
__scs_entry_jumppad:
0x0: {  	(pc) =	sbr.rel $0x88, $3  }
0x1: {  	(tag) =	ssettag $0x0;
	lr =	simm.s32 $0x1  }
0x2: {  	[smem:$0x3F9B] =	sst lr;
	_ =	strace $0xD0000000  }
0x3: {  	_ = 	snop  }
0x4: {  	_ = 	snop  }
0x5: {  	_ = 	snop  }
0x6: {  	_ = 	snop  }
0x7: {  	_ = 	snop  }
__scs_overlays_trampoline_lowered:
0x8: {  	[smem:$0x3FAA] =	sst s0  }
0x9: {  	[smem:$0x3FAB] =	sst s1  }
0xa: {  	[smem:$0x3FAC] =	sst s2  }
0xb: {  	[smem:$0x3FAD] =	sst s3  }
0xc: {  	[smem:$0x3FAE] =	sst s4  }
0xd: {  	[smem:$0x3FAF] =	sst s5  }
0xe: {  	[smem:$0x3FB0] =	sst s6  }
0xf: {  	[smem:$0x3FB1] =	sst s7  }
0x10: {  	[smem:$0x3FB2] =	sst s8  }
0x11: {  	[smem:$0x3FB3] =	sst s9;
	s0 =	simm.s32 @!p0 $0x0  }
0x12: {  	s1 =	sld [smem:$0x3F99];
	s0 =	simm.s32 @p0 $0x1  }
0x13: {  	[smem:$0x3FB4] =	sst s0;
	s0 =	simm.s32 @!p1 $0x0  }
0x14: {  	s2 =	sld [smem:$0x3F98];
	s0 =	simm.s32 @p1 $0x1  }
0x15: {  	[smem:$0x3FB5] =	sst s0;
	s0 =	simm.s32 @!p2 $0x0  }
0x16: {  	s3 =	sld [smem:$0x3FDB];
	s0 =	simm.s32 @p2 $0x1  }
0x17: {  	s4 =	simm.s32 $0x1BF5;
	[smem:$0x3FB7] =	sst s0  }
0x18: {  	s0 =	sld [smem:$0x3F9A];
	_ =	swait.ge [sflag:s4], $0x0  }
0x19: {  	s7 =	sld [smem:$0x3F9B]  }
0x1a: {  	s8 =	sadd.s32 $0xFFFFE003, lr  }
0x1b: {  	s9 =	sadd.s32 $0xFFFFFEF7, lr;
	s5 =	simm.s32 $0xFFFFFFFF;
	p2 =	slt.u32 s8, $0xFFFFF086  }
0x1c: {  	p1 =	slt.u32 s9, $0xF7A;
	s5 =	simm.s32 @!p2 $0x0  }
0x1d: {  	s5 =	simm.s32 @p1 $0x1;
	p0 =	seq.s32 s7, s2  }
0x1e: {  	s7 =	smul.u32 @!p0 $0xF7A, s2;
	p2 =	seq.s32 @!p0 s5, $0x0  }
0x1f: {  	s9 =	smul.u32 $0xF7A, s1;
	s8 =	simm.s32 @!p0 $0x1BF5;
	p2 =	por !p2, p0  }
0x20: {  	[sflag:s8] =	ssyncset.s32 @!p0 $0xFFFFF086;
	s6 =	sadd.s32 @!p0 s3, s7;
	s7 =	simm.s32 @!p0 $0x108  }
0x21: {  	s3 =	sadd.s32 s3, s9;
	s6 =	sadd.s32 @!p0 $0x88, s6;
	s7 =	simm.s32 @p2 $0x1082  }
0x22: {  	[simem:s7], [sflag:s8] =	dma.local @!p0 [hbm:s6], $0xF7A  }
0x23: {  	s9 =	sor.u32 $0xD0000000, s2;
	s6 =	simm.s32 $0x108;
	_ =	swait.ge @!p0 [sflag:s8], $0x0  }
0x24: {  	s3 =	sadd.s32 $0x88, s3;
	s6 =	simm.s32 @!p1 $0x1082;
	[sflag:s4] =	ssyncset.s32 $0xFFFFF086  }
0x25: {  	[simem:s6], [sflag:s4] =	dma.local [hbm:s3], $0xF7A  }
0x26: {  	[smem:$0x3F9B] =	sst s1;
	(tag) =	ssettag s2;
	_ =	strace s9  }
0x27: {  	s1 =	sld [smem:$0x3FAB]  }
0x28: {  	s2 =	sld [smem:$0x3FAC]  }
0x29: {  	s4 =	sld [smem:$0x3FAE]  }
0x2a: {  	p0 =	seq.s32 s5, $0x0;
	s5 =	sld [smem:$0x3FAF]  }
0x2b: {  	s6 =	sld [smem:$0x3FB0]  }
0x2c: {  	s7 =	sld [smem:$0x3FB1]  }
0x2d: {  	s3 =	simm.s32 $0x108;
	s8 =	sld [smem:$0x3FB2]  }
0x2e: {  	s3 =	simm.s32 @!p0 $0x1082;
	s9 =	sld [smem:$0x3FB3]  }
0x2f: {  	lr =	sadd.s32 s0, s3;
	s0 =	sld [smem:$0x3FAA]  }
0x30: {  	s3 =	sld [smem:$0x3FAD]  }
0x31: {  	[smem:$0x3FB6] =	sst s10  }
0x32: {  	s10 =	sld [smem:$0x3FB4];
	_ =	sdelay $0x3  }
0x33: {  	p0 =	seq.s32 s10, $0x1;
	s10 =	sld [smem:$0x3FB6];
	_ =	sdelay $0x3  }
0x34: {  	[smem:$0x3FB6] =	sst s10  }
0x35: {  	s10 =	sld [smem:$0x3FB5];
	_ =	sdelay $0x3  }
0x36: {  	p1 =	seq.s32 s10, $0x1;
	s10 =	sld [smem:$0x3FB6];
	_ =	sdelay $0x3  }
0x37: {  	[smem:$0x3FB6] =	sst s10  }
0x38: {  	s10 =	sld [smem:$0x3FB7]  }
0x39: {  	_ = 	snop;
	(pc) =	sbr.ind lr, $3  }
0x3a: {  	_ = 	snop  }
0x3b: {  	_ = 	snop  }
0x3c: {  	p2 =	seq.s32 s10, $0x1;
	s10 =	sld [smem:$0x3FB6]  }
0x3d: {  	_ =	shalt  }
0x3e: {  	_ =	shalt  }
0x3f: {  	_ =	shalt  }
0x40: {  	_ =	shalt  }
0x41: {  	_ =	shalt  }
0x42: {  	_ =	shalt  }
0x43: {  	_ =	shalt  }
0x44: {  	_ =	shalt  }
0x45: {  	_ =	shalt  }
0x46: {  	_ =	shalt  }
0x47: {  	_ =	shalt  }
0x48: {  	_ =	shalt  }
0x49: {  	_ =	shalt  }
0x4a: {  	_ =	shalt  }
0x4b: {  	_ =	shalt  }
0x4c: {  	_ =	shalt  }
0x4d: {  	_ =	shalt  }
0x4e: {  	_ =	shalt  }
0x4f: {  	_ =	shalt  }
0x50: {  	_ =	shalt  }
0x51: {  	_ =	shalt  }
0x52: {  	_ =	shalt  }
0x53: {  	_ =	shalt  }
0x54: {  	_ =	shalt  }
0x55: {  	_ =	shalt  }
0x56: {  	_ =	shalt  }
0x57: {  	_ =	shalt  }
0x58: {  	_ =	shalt  }
0x59: {  	_ =	shalt  }
0x5a: {  	_ =	shalt  }
0x5b: {  	_ =	shalt  }
0x5c: {  	_ =	shalt  }
0x5d: {  	_ =	shalt  }
0x5e: {  	_ =	shalt  }
0x5f: {  	_ =	shalt  }
0x60: {  	_ =	shalt  }
0x61: {  	_ =	shalt  }
0x62: {  	_ =	shalt  }
0x63: {  	_ =	shalt  }
0x64: {  	_ =	shalt  }
0x65: {  	_ =	shalt  }
0x66: {  	_ =	shalt  }
0x67: {  	_ =	shalt  }
0x68: {  	_ =	shalt  }
0x69: {  	_ =	shalt  }
0x6a: {  	_ =	shalt  }
0x6b: {  	_ =	shalt  }
0x6c: {  	_ =	shalt  }
0x6d: {  	_ =	shalt  }
0x6e: {  	_ =	shalt  }
0x6f: {  	_ =	shalt  }
0x70: {  	_ =	shalt  }
0x71: {  	_ =	shalt  }
0x72: {  	_ =	shalt  }
0x73: {  	_ =	shalt  }
0x74: {  	_ =	shalt  }
0x75: {  	_ =	shalt  }
0x76: {  	_ =	shalt  }
0x77: {  	_ =	shalt  }
0x78: {  	_ =	shalt  }
0x79: {  	_ =	shalt  }
0x7a: {  	_ =	shalt  }
0x7b: {  	_ =	shalt  }
0x7c: {  	_ =	shalt  }
0x7d: {  	_ =	shalt  }
0x7e: {  	_ =	shalt  }
0x7f: {  	_ =	shalt  }
0x80: {  	_ =	shalt  }
0x81: {  	_ =	shalt  }
0x82: {  	_ =	shalt  }
0x83: {  	_ =	shalt  }
0x84: {  	_ =	shalt  }
0x85: {  	_ =	shalt  }
0x86: {  	_ =	shalt  }
0x87: {  	_ =	shalt  }
.Lfunc_end0:
.L_simem_size_0:
called_computation_lowered:
.L_overlay_start_0:
0x88: {  	s2 =	sld [smem:$0x3FD9]  }
0x89: {  	s3 =	sld [smem:$0x3FFE];
	_ =	sdelay $0x1  }
0x8a: {  	s1 =	srdreg.scid  }
0x8b: {  	s0 =	sand.u32 $0x1, s1  }
0x8c: {  	s14 =	sshll.u32 s0, $0xA;
	s2 =	sadd.s32 s3, s2  }
0x8d: {  	s2 =	sadd.s32 s2, s14  }
0x8e: {  	[smem:$0x3FC2] =	sst s2  }
0x8f: {  	_ = 	snop  }
0x90: {  	s2 =	sld [smem:$0x3FD0];
	_ =	sdelay $0x2  }
0x91: {  	s15 =	simm.s32 $0xA;
	s4 =	simm.s32 $0x10  }
0x92: {  	[smem:s4], [sflag:s15] =	dma.local [hbm:s2], $0x1  }
0x93: {  	_ =	swait.eq [sflag:s15], $0x1  }
0x94: {  	[sflag:s15] =	ssyncset.done $0x0  }
0x95: {  	s16 =	sld [smem:$0x10];
	[sflag:s15] =	ssyncadd.s32 $0xFFFFFFFF  }
0x96: {  	s17 =	sld [smem:$0x11];
	(tm) =	ssettm $0x1  }
0x97: {  	s18 =	sld [smem:$0x3FFB];
	_ =	sdelay $0x3  }
0x98: {  	_ =	strace s18  }
0x99: {  	s4 =	sld [smem:$0x3FFC];
	_ =	sdelay $0x3  }
0x9a: {  	_ =	strace s4  }
0x9b: {  	s4 =	sld [smem:$0x3FFD];
	_ =	sdelay $0x3  }
0x9c: {  	_ =	strace s4  }
0x9d: {  	_ =	strace $0x8FFFFFFF  }
0x9e: {  	s19 =	sld [smem:$0x3FDB];
	_ =	sdelay $0x1  }
0x9f: {  	s5 =	simm.s32 $_scs_section_size  }
0xa0: {  	s6 =	simm.s32 $_size__tile_overlayer_lowered;
	s7 =	simm.s32 $_tile_overlayer_lowered  }
0xa1: {  	s22 =	simm.s32 $0x1BFF;
	s21 =	sshll.u32 s7, $0x1;
	s4 =	sadd.s32 s5, s19  }
0xa2: {  	s8 =	simm.s32 $0x0;
	s20 =	sshll.u32 s6, $0x1;
	s6 =	sadd.s32 s21, s4  }
0xa3: {  	[timem:s8], [sflag:s22] =	dma.local [hbm:s6], s20  }
0xa4: {  	_ =	swait.ge [sflag:s22], s20  }
0xa5: {  	s5 =	ssub.s32 $0x0, s20;
	[sflag:s22] =	ssyncset.done $0x0  }
0xa6: {  	[sflag:s22] =	ssyncadd.s32 s5;
	_ =	sdelay $0x1  }
0xa7: {  	s23 =	simm.s32 $0x1B8B  }
0xa8: {  	_ =	swait.ge [sflag:s23], $0x1  }
0xa9: {  	[sflag:s23] =	ssyncset.done $0x0  }
0xaa: {  	s25 =	simm.s32 $0x1B8E;
	s24 =	sld [smem:$0x3FFE];
	[sflag:s23] =	ssyncadd.s32 $0xFFFFFFFF  }
0xab: {  	s26 =	simm.s32 $execute0_lowered;
	[smem:$0x3FD2] =	sst s25  }
0xac: {  	s6 =	sshll.u32 s26, $0x1;
	_ =	strace $0x80000046;
	[dreg:$0x1] =	wrdreg $0xFFFFFFFF  }
0xad: {  	s28 =	simm.s32 $_size_execute0_lowered;
	s4 =	sadd.s32 s4, s6;
	[dreg:$0x0] =	wrdreg $0x0  }
0xae: {  	s6 =	sshll.u32 s28, $0x1;
	[dreg:$0x2] =	wrdreg s4  }
0xaf: {  	[dreg:$0x3] =	wrdreg s6  }
0xb0: {  	[dreg:$0x4] =	wrdreg $0xC0  }
0xb1: {  	_ =	task [dreg:s8], $0x5FFFF  }
0xb2: {  	[dreg:$0x1] =	wrdreg $0xFFFFFFFF  }
0xb3: {  	[dreg:$0x0] =	wrdreg $0x60  }
0xb4: {  	[dreg:$0x2] =	wrdreg s24  }
0xb5: {  	[dreg:$0x3] =	wrdreg s16  }
0xb6: {  	[dreg:$0x4] =	wrdreg s17  }
0xb7: {  	[dreg:$0x5] =	wrdreg $0x0  }
0xb8: {  	[dreg:$0x6] =	wrdreg $0x9  }
0xb9: {  	_ =	task.clear_ibuf [dreg:s8], $0x7FFFF;
	_ =	strace $0x90000046  }
0xba: {  	s29 =	simm.s32 $0x9;
	_ =	strace $0x80000048  }
0xbb: {  	_ =	swait.ge [sflag:s29], $0x1  }
0xbc: {  	[sflag:s29] =	ssyncadd.s32 $0xFFFFFFFF  }
0xbd: {  	_ =	strace $0x90000048  }
0xbe: {  	_ =	sfence  }
0xbf: {  	s30 =	sld [smem:$0x0];
	_ =	sdelay $0x2  }
0xc0: {  	s31 =	sshll.u32 s1, $0xD;
	s1 =	sshrl.u32 s1, $0x2  }
0xc1: {  	s3 =	sand.u32 $0x4000, s31;
	s1 =	sadd.s32 s1, s30  }
0xc2: {  	s0 =	sor.u32 s3, s0;
	s1 =	sshll.u32 s1, $0x11  }
0xc3: {  	s0 =	sor.u32 s1, s0  }
0xc4: {  	s0 =	sadd.s32 $0x8F2B, s0  }
0xc5: {  	[sflag:s0] =	ssyncadd.remote.s32 $0x1  }
0xc6: {  	_ =	sfence.sel $0xFFFF  }
0xc7: {  	[dreg:$0x0] =	wrdreg $0xFFFFFFFF;
	(pc) =	sbr.abs _section_cstart, $3  }
0xc8: {  	[dreg:$0x1] =	wrdreg $0xFFFFFFFF  }
0xc9: {  	_ =	task.clear_ibuf [dreg:s8], $0x2FFFF;
	_ =	strace $0x9FFFFFFF  }
0xca: {  	(tm) =	ssettm $0x7FFFFFFF  }
0xcb: {  	_ =	shalt  }
tec
execute0_lowered:
.L_overlay_start_1:
0x0: {  	(tag) =	ssettag $0x1  }
0x1: {  	s4 =	rddreg [dreg:$0x0]  }
0x2: {  	s0 =	rddreg [dreg:$0x1]  }
0x3: {  	s7 =	rddreg [dreg:$0x2]  }
0x4: {  	s1 =	srdreg.scid;
	s2 =	rddreg [dreg:$0x3]  }
0x5: {  	s17 =	stileid.u32;
	s3 =	simm.s32 $0x0;
	s14 =	simm.s32 $0x40  }
0x6: {  	s15 =	simm.s32 $0xA0A0;
	s8 =	sand.u32 $0x1, s1;
	s1 =	rddreg [dreg:$0x4]  }
0x7: {  	s16 =	simm.s32 $0x1;
	[smem:$0x7FF] =	sst s3;
	s10 =	smul.u32 $0xA00, s17  }
0x8: {  	s11 =	sadd.s32 $0x17000, s4;
	s5 =	sshll.u32 s8, $0x4;
	_ =	strace $0x80000047  }
0x9: {  	s6 =	ssub.s32 $0x2, s8;
	p0 =	seq.s32 s8, $0x1;
	s9 =	sor.u32 s17, s5  }
0xa: {  	s29 =	sshrl.u32 s6, $0x1;
	s30 =	sshrl.u32 s10, $0x2;
	s0 =	smov.u32 @p0 s11  }
0xb: {  	s10 =	simm.s32 $0x2;
	s11 =	simm.s32 $0x2990;
	s5 =	smul.u32 $0x2710, s9  }
0xc: {  	p0 =	sne.s32 s17, $0x0;
	s17 =	simm.s32 $0x0;
	s31 =	smul.u32 $0x500, s9  }
0xd: {  	s12 =	ssub.s32 s6, s29;
	s6 =	sadd.s32 s30, s2;
	s13 =	smul.u32 $0xF0, s9  }
0xe: {  	s9 =	simm.s32 $0x280;
	s8 =	smax.u32 s12, $0x1;
	s5 =	sshrl.u32 s5, $0x3  }
0xf: {  	v3 =	vlaneseq.u32;
	v1 =	vimm.f32 $0.0e+00;
	s12 =	simm.s32 $0xC8E0;
	s7 =	sadd.s32 s7, s31;
	s5 =	sadd.s32 s5, s4  }
0x10: {  	v2 =	vimm.f32 $1.000000000e+00;
	v0 =	vor.u32 s13, v3;
	s13 =	simm.s32 $0x50A0;
	v3 =	vor.u32 $0x2710, v3;
	s4 =	sadd.s32 $0x3600, s5;
	s5 =	sadd.s32 $0xD240, s5  }
.LBB2_1:
0x11: {  	[tilespmem:$0xC8E0] =	vst v1  }
0x12: {  	[tilespmem:$0xC8F0] =	vst v1  }
0x13: {  	[tilespmem:$0xC900] =	vst v1  }
0x14: {  	[tilespmem:$0xC910] =	vst v1  }
0x15: {  	[tilespmem:$0xC920] =	vst v1  }
0x16: {  	[tilespmem:$0xC930] =	vst v1  }
0x17: {  	[tilespmem:$0xC940] =	vst v1  }
0x18: {  	[tilespmem:$0xC950] =	vst v1  }
0x19: {  	[tilespmem:$0xC960] =	vst v1  }
0x1a: {  	[tilespmem:$0xC970] =	vst v1  }
0x1b: {  	[tilespmem:$0xC980] =	vst v1  }
0x1c: {  	[tilespmem:$0xC990] =	vst v1  }
0x1d: {  	[tilespmem:$0xC9A0] =	vst v1  }
0x1e: {  	[tilespmem:$0xC9B0] =	vst v1  }
0x1f: {  	[tilespmem:$0xC9C0] =	vst v1  }
0x20: {  	[tilespmem:$0xC9D0] =	vst v1  }
0x21: {  	[tilespmem:$0xC9E0] =	vst v1  }
0x22: {  	[tilespmem:$0xC9F0] =	vst v1  }
0x23: {  	[tilespmem:$0xCA00] =	vst v1  }
0x24: {  	[tilespmem:$0xCA10] =	vst v1  }
0x25: {  	[tilespmem:$0xCA20] =	vst v1  }
0x26: {  	[tilespmem:$0xCA30] =	vst v1  }
0x27: {  	[tilespmem:$0xCA40] =	vst v1  }
0x28: {  	[tilespmem:$0xCA50] =	vst v1  }
0x29: {  	[tilespmem:$0xCA60] =	vst v1  }
0x2a: {  	[tilespmem:$0xCA70] =	vst v1  }
0x2b: {  	[tilespmem:$0xCA80] =	vst v1  }
0x2c: {  	[tilespmem:$0xCA90] =	vst v1  }
0x2d: {  	[tilespmem:$0xCAA0] =	vst v1  }
0x2e: {  	[tilespmem:$0xCAB0] =	vst v1  }
0x2f: {  	[tilespmem:$0xCAC0] =	vst v1  }
0x30: {  	[tilespmem:$0xCAD0] =	vst v1  }
0x31: {  	[tilespmem:$0xCAE0] =	vst v1  }
0x32: {  	[tilespmem:$0xCAF0] =	vst v1  }
0x33: {  	[tilespmem:$0xCB00] =	vst v1  }
0x34: {  	[tilespmem:$0xCB10] =	vst v1  }
0x35: {  	[tilespmem:$0xCB20] =	vst v1  }
0x36: {  	[tilespmem:$0xCB30] =	vst v1  }
0x37: {  	[tilespmem:$0xCB40] =	vst v1  }
0x38: {  	[tilespmem:$0xCB50] =	vst v1  }
0x39: {  	[tilespmem:$0xA0A0] =	vst v2  }
0x3a: {  	[tilespmem:$0xA0B0] =	vst v2  }
0x3b: {  	[tilespmem:$0xA0C0] =	vst v2  }
0x3c: {  	[tilespmem:$0xA0D0] =	vst v2  }
0x3d: {  	[tilespmem:s9], [sflag:$0x2] =	stream.linear.gather [hbm4b:s4+s3], $0x2710, $0x38;
	[tilespmem:$0xCB60] =	vst v63  }
0x3e: {  	_ =	swait.ge [sflag:s10], $0x2710  }
0x3f: {  	[sflag:s10] =	ssyncset.done $0x0  }
0x40: {  	[sflag:s10] =	ssyncadd.s32 $0xFFFFD8F0  }
0x41: {  	[tilespmem:s11], [sflag:$0x2] =	stream.linear.gather [hbm4b:s5+s3], $0x2710, $0x38;
	[tilespmem:$0xCB60] =	vst v63  }
0x42: {  	_ =	swait.ge [sflag:s10], $0x2710  }
0x43: {  	[sflag:s10] =	ssyncset.done $0x0  }
0x44: {  	[sflag:s10] =	ssyncadd.s32 $0xFFFFD8F0  }
0x45: {  	[spmem:s6] =	stream.linear.scatter [tilespmem:s12], [sflag:$0x2], $0x280, $0x38;
	[tilespmem:$0xCB60] =	vst v63  }
0x46: {  	_ =	swait.ge [sflag:s10], $0x280  }
0x47: {  	[sflag:s10] =	ssyncset.done $0x0  }
0x48: {  	s18 =	simm.s32 $0x0;
	[sflag:s10] =	ssyncadd.s32 $0xFFFFFD80  }
0x49: {  	v5 =	vld [tilespmem:s18+$0x280]  }
0x4a: {  	s19 =	simm.s32 $0x40;
	v4 =	vld [tilespmem:s18+$0x2990]  }
.LBB2_2:
0x4b: {  	p1 =	sne.s32 s19, $0x9C00  }
.Ltmp0:
0x4c: {  	_ = 	snop;
	(pc) =	sbr.rel @p1 .LBB2_2-.Ltmp0, $4  }
0x4d: {  	_ = 	snop  }
0x4e: {  	s20 =	sshra.s32 s19, $0x2;
	s19 =	sadd.s32 $0x40, s19;
	v6 =	vshll.u32 v5, $0xE  }
0x4f: {  	v5 =	vld [tilespmem:s20+$0x280];
	v6 =	vor.u32 v4, v6;
	[tilespmem:s18+$0x78A0] =	vst v4  }
0x50: {  	v4 =	vld [tilespmem:s20+$0x2990];
	[tilespmem:s18+$0x50A0] =	vst v6;
	s18 =	smov.u32 s20  }
0x51: {  	_ =	sdelay $0x1  }
0x52: {  	s19 =	simm.s32 $0x0  }
0x53: {  	v6 =	vadd.s32 s19, v0;
	v5 =	vshll.u32 v5, $0xE  }
0x54: {  	v6 =	vshll.u32 v6, $0xE;
	v5 =	vor.u32 v4, v5;
	[tilespmem:s18+$0x78A0] =	vst v4;
	v4 =	vadd.s32 s19, v3  }
0x55: {  	[tilespmem:s18+$0x50A0] =	vst v5;
	s18 =	simm.s32 $0x77B0;
	v5 =	vadd.s32 v4, v6  }
0x56: {  	s19 =	simm.s32 $0x9FB0;
	[tilespmem:s18+$0x0] =	vst v5  }
0x57: {  	s20 =	simm.s32 $0x10;
	[tilespmem:s19+$0x0] =	vst v4  }
.LBB2_4:
0x58: {  	p1 =	sne.s32 s20, $0xE0  }
.Ltmp1:
0x59: {  	v4 =	vadd.s32 s20, v0;
	(pc) =	sbr.rel @p1 .LBB2_4-.Ltmp1, $4  }
0x5a: {  	v5 =	vadd.s32 s20, v3;
	s20 =	sadd.s32 $0x10, s20;
	v4 =	vshll.u32 v4, $0xE  }
0x5b: {  	s18 =	sadd.s32 $0x10, s18;
	v4 =	vadd.s32 v5, v4  }
0x5c: {  	s19 =	sadd.s32 $0x10, s19;
	[tilespmem:s18+$0x0] =	vst v4  }
0x5d: {  	[tilespmem:s19+$0x0] =	vst v5  }
0x5e: {  	s18 =	simm.s32 $0x0  }
0x5f: {  	[hbm4b:s7+s18] =	stream.linear.scatter [tilespmem:s13], [sflag:$0x2], $0x2800, $0x38;
	[tilespmem:$0xCB60] =	vst v63  }
0x60: {  	_ =	swait.ge [sflag:s10], $0x2800  }
0x61: {  	[sflag:s10] =	ssyncset.done $0x0  }
0x62: {  	[sflag:s10] =	ssyncadd.s32 $0xFFFFD800  }
0x63: {  	[bflag:$0x0] =	sbarrier.arrive $0xFFFF  }
.LBB2_6:
0x64: {  	p1 =	sne.s32 s18, $0x9F00  }
.Ltmp2:
0x65: {  	_ = 	snop;
	(pc) =	sbr.rel @p1 .LBB2_6-.Ltmp2, $4  }
0x66: {  	_ = 	snop  }
0x67: {  	s19 =	sshra.s32 s18, $0x2  }
0x68: {  	s18 =	sadd.s32 $0x100, s18;
	s19 =	sadd.s32 $0x78A0, s19  }
0x69: {  	[spmem:s2] =	stream.indirect.scatter.add.f32 [tilespmem:s15], [sflag:$0x1], $0x1, s19, s14, $0xb8;
	[tilespmem:$0xCB60] =	vst v63  }
0x6a: {  	_ =	swait.ge [sflag:s16], $0x40  }
0x6b: {  	s18 =	simm.s32 $0x9F;
	[sflag:s16] =	ssyncset.done $0x0  }
.LBB2_8:
0x6c: {  	p1 =	sne.s32 s18, $0x1;
	s18 =	sadd.s32 $0xFFFFFFFF, s18;
	[sflag:s16] =	ssyncadd.s32 $0xFFFFFFC0  }
.Ltmp3:
0x6d: {  	(pc) =	sbr.rel @p1 .LBB2_8-.Ltmp3, $3  }
0x6e: {  	_ =	sdelay $0x1  }
0x6f: {  	_ =	swait.ge [sflag:s16], $0x40  }
0x70: {  	[sflag:s16] =	ssyncset.done $0x0  }
0x71: {  	[sflag:s16] =	ssyncadd.s32 $0xFFFFFFC0  }
0x72: {  	s18 =	simm.s32 @!p0 $0xA0E0;
	s19 =	simm.s32 @!p0 $0x2;
	[bflag:$0x0] =	sbarrier.arrive $0xFFFF  }
0x73: {  	[tilespmem:s18], [sflag:$0x2] =	stream.linear.gather @!p0 [spmem:s2], $0x2800, $0x38;
	[tilespmem:$0xCB60] =	vst v63  }
0x74: {  	s17 =	sadd.s32 $0x1, s17;
	_ =	swait.ge @!p0 [sflag:s19], $0x2800  }
0x75: {  	p1 =	sne.s32 s17, s8;
	[sflag:s19] =	ssyncset.done @!p0 $0x0  }
.Ltmp4:
0x76: {  	s20 =	simm.s32 @!p0 $0x0;
	[sflag:s19] =	ssyncadd.s32 @!p0 $0xFFFFD800;
	(pc) =	sbr.rel @p1 .LBB2_1-.Ltmp4, $4  }
0x77: {  	[hbm4b:s0+s20] =	stream.linear.scatter @!p0 [tilespmem:s18], [sflag:$0x2], $0x2800, $0x38;
	[tilespmem:$0xCB60] =	vst v63  }
0x78: {  	_ =	swait.ge @!p0 [sflag:s19], $0x2800  }
0x79: {  	[sflag:s19] =	ssyncset.done @!p0 $0x0  }
0x7a: {  	[sflag:s19] =	ssyncadd.s32 @!p0 $0xFFFFD800  }
0x7b: {  	_ =	sfence.sel $0x180000  }
0x7c: {  	[bflag:$0x0] =	sbarrier.arrive $0xFFFF  }
0x7d: {  	_ =	strace $0x90000047  }
0x7e: {  	s0 =	sadd.s32 @!p0 $0x100000, s1;
	[bflag:$0x2] =	sbarrier.arrive $0xFFFF  }
0x7f: {  	[sflag:s0] =	ssyncadd.tile.s32 @!p0 $0x1;
	_ =	shalt  }
.Lfunc_end2:
_tile_overlayer_lowered:
.L_overlay_start_2:
0x80: {  	(tag) =	ssettag $0x2  }
0x81: {  	s0 =	rddreg [dreg:$0x0];
	s2 =	stileid.u32  }
0x82: {  	s1 =	rddreg [dreg:$0x1];
	p0 =	sne.s32 s2, $0x0  }
0x83: {  	s3 =	rddreg [dreg:$0x2];
	[bflag:$0x3] =	sbarrier.arrive $0xFFFF;
	s2 =	simm.s32 @!p0 $0x1C02  }
0x84: {  	[timem:s3], [sflag:s2] =	dma.local @!p0 [hbm:s0], s1  }
0x85: {  	s0 =	simm.s32 @!p0 $0x2  }
0x86: {  	_ =	swait.ge @!p0 [sflag:s0], s1  }
0x87: {  	s1 =	ssub.s32 @!p0 $0x0, s1;
	[sflag:s0] =	ssyncset.done @!p0 $0x0  }
0x88: {  	[sflag:s0] =	ssyncadd.s32 @!p0 s1  }
0x89: {  	[bflag:$0x3] =	sbarrier.arrive $0xFFFF  }
0x8a: {  	_ =	shalt  }

</sc_bundles>
